<compile_context>
chip_gen: v7x
topology: tpu7x:2x2x1
jax: 0.10.2.dev20260603
libtpu: 0.0.44.dev20260713+nightly
codegen_flags: <defaults>
</compile_context>

<pallas_src>
import functools

import jax
import jax.numpy as jnp
from jax import lax
from jax.experimental import pallas as pl
from jax.experimental.pallas import tpu as pltpu
from jax.experimental.pallas import tpu_sc as plsc

NC = 2
NS = 16
NW = NC * NS
L = 16
C = 80


def _make_kernel(E, W):
  n_per_w = E // NW
  n_chunks = n_per_w // C
  groups = C // L
  mesh = plsc.VectorSubcoreMesh(core_axis_name="c", subcore_axis_name="s")

  @functools.partial(
      pl.kernel,
      out_type=jax.ShapeDtypeStruct((E,), jnp.float32),
      mesh=mesh,
      compiler_params=pltpu.CompilerParams(needs_layout_passes=False,
                                           use_tc_tiling_on_sc=False),
      scratch_types=[
          pltpu.VMEM((n_per_w,), jnp.int32),
          pltpu.VMEM((n_per_w,), jnp.int32),
          pltpu.VMEM((n_per_w,), jnp.int32),
          pltpu.VMEM((C, W), jnp.int32),
          pltpu.VMEM((C, W), jnp.int32),
          pltpu.VMEM((C, W), jnp.int32),
          pltpu.VMEM((C, W), jnp.int32),
          pltpu.VMEM((C, W), jnp.int32),
          pltpu.VMEM((C, W), jnp.int32),
          pltpu.VMEM((n_per_w + L,), jnp.float32),
          pltpu.SemaphoreType.DMA,
          pltpu.SemaphoreType.DMA,
          pltpu.SemaphoreType.DMA,
          pltpu.SemaphoreType.DMA,
          pltpu.SemaphoreType.DMA,
          pltpu.SemaphoreType.DMA,
      ],
  )
  def distmult(z_hbm, src_hbm, dst_hbm, et_hbm, rel_hbm, out_hbm,
               si, di, ti, sr0, dr0, rr0, sr1, dr1, rr1, ov,
               ss0, sd0, st0, ss1, sd1, st1):
    wid = lax.axis_index("s") * NC + lax.axis_index("c")
    wbase = wid * n_per_w
    mask_last = lax.iota(jnp.int32, L) == (L - 1)
    mask_hi = jnp.full((L,), jnp.int32(-65536))

    def widen(wv):
      hi = lax.bitcast_convert_type(wv & mask_hi, jnp.float32)
      lo = lax.bitcast_convert_type(lax.shift_left(wv, 16), jnp.float32)
      return lo, hi

    pltpu.sync_copy(src_hbm.at[pl.ds(wbase, n_per_w)], si)
    pltpu.sync_copy(dst_hbm.at[pl.ds(wbase, n_per_w)], di)
    pltpu.sync_copy(et_hbm.at[pl.ds(wbase, n_per_w)], ti)

    bufs = ((sr0, dr0, rr0, ss0, sd0, st0),
            (sr1, dr1, rr1, ss1, sd1, st1))

    def copies(c, b):
      sr, dr, rr, ss, sd, st = bufs[b]
      off = c * C
      return (
          pltpu.make_async_copy(z_hbm.at[si.at[pl.ds(off, C)]], sr, ss),
          pltpu.make_async_copy(z_hbm.at[di.at[pl.ds(off, C)]], dr, sd),
          pltpu.make_async_copy(rel_hbm.at[ti.at[pl.ds(off, C)]], rr, st),
      )

    def issue(c, b):
      @pl.when(c < n_chunks)
      def _():
        for cp in copies(c, b):
          cp.start()

    def compute(c, b):
      sr, dr, rr, _, _, _ = bufs[b]
      for cp in copies(c, b):
        cp.wait()

      def group(g, _):
        e0 = g * L
        for el in range(L):
          e = e0 + el
          alo = ahi = None
          for j in range(W // L):
            o = j * L
            sb = plsc.bitcast(sr[e, pl.ds(o, L)], jnp.bfloat16)
            db = plsc.bitcast(dr[e, pl.ds(o, L)], jnp.bfloat16)
            rb = plsc.bitcast(rr[e, pl.ds(o, L)], jnp.bfloat16)
            lo, hi = widen(plsc.bitcast((sb * db) * rb, jnp.int32))
            alo = lo if alo is None else alo + lo
            ahi = hi if ahi is None else ahi + hi
          acc = alo + ahi
          plsc.store_compressed(ov.at[pl.ds(c * C + e, L)], plsc.cumsum(acc),
                                mask=mask_last)
        return _

      lax.fori_loop(0, groups, group, None)

    issue(0, 0)

    def pair(j, _):
      c0 = 2 * j
      c1 = c0 + 1
      issue(c1, 1)
      compute(c0, 0)
      issue(c0 + 2, 0)

      @pl.when(c1 < n_chunks)
      def _():
        compute(c1, 1)

      return _

    lax.fori_loop(0, (n_chunks + 1) // 2, pair, None)
    pltpu.sync_copy(ov.at[pl.ds(0, n_per_w)], out_hbm.at[pl.ds(wbase, n_per_w)])

  return distmult


def _pack_rows(t):
  tb = t.astype(jnp.bfloat16)
  return lax.bitcast_convert_type(
      tb.reshape(t.shape[0], t.shape[1] // 2, 2), jnp.int32)


def kernel(z, edge_index, edge_type, rel_emb):
  E = edge_index.shape[1]
  H = z.shape[1]
  src = edge_index[0].astype(jnp.int32)
  dst = edge_index[1].astype(jnp.int32)
  et = edge_type.astype(jnp.int32)
  return _make_kernel(E, H // 2)(_pack_rows(z), src, dst, et,
                                 _pack_rows(rel_emb))

# --- scband reference (transcript-rebuilt; emitter-appended) ---
"""Pipeline reference for scband-dist-mult-decoder-6897717478008 (READ-ONLY COPY).

The authoritative reference and input builder live on the scoring server;
editing this copy changes nothing except your own understanding.
"""

import jax, jax.numpy as jnp
import numpy as np

NUM_NODES = 10000
HIDDEN = 128
NUM_RELATIONS = 1000
NUM_EDGES = 320000

def setup_inputs(seed: int = 0) -> dict:
    key = jax.random.key(seed)
    k1, k2, k3, k4 = jax.random.split(key, 4)
    z = jax.random.normal(k1, (NUM_NODES, HIDDEN), dtype=jnp.float32)
    edge_index = jax.random.randint(k2, (2, NUM_EDGES), 0, NUM_NODES, dtype=jnp.int64)
    edge_type = jax.random.randint(k3, (NUM_EDGES,), 0, NUM_RELATIONS, dtype=jnp.int64)
    # xavier_uniform for rel_emb: bound = sqrt(6/(fan_in+fan_out))
    bound = float(np.sqrt(6.0 / (NUM_RELATIONS + HIDDEN)))
    rel_emb = jax.random.uniform(k4, (NUM_RELATIONS, HIDDEN), dtype=jnp.float32, minval=-bound, maxval=bound)
    return {"z": z, "edge_index": edge_index, "edge_type": edge_type, "rel_emb": rel_emb}

def reference(z, edge_index, edge_type, rel_emb):
    z_src = jnp.take(z, edge_index[0], axis=0)
    z_dst = jnp.take(z, edge_index[1], axis=0)
    rel = jnp.take(rel_emb, edge_type, axis=0)
    return jnp.sum(z_src * rel * z_dst, axis=1)

if __name__ == "__main__":
    import jax
    _d = setup_inputs()
    print(jax.jit(kernel)(*tuple(_d.values())))

</pallas_src>

<mosaic_0001>
#map = affine_map<(d0, d1) -> (0, 0)>
#map1 = affine_map<(d0, d1) -> (0)>
module attributes {stable_mosaic.version = 14 : i64} {
  func.func @distmult(%arg0: i32, %arg1: i32, %arg2: memref<10000x64xi32, #tpu.memory_space<hbm>>, %arg3: memref<320000xi32, #tpu.memory_space<hbm>>, %arg4: memref<320000xi32, #tpu.memory_space<hbm>>, %arg5: memref<320000xi32, #tpu.memory_space<hbm>>, %arg6: memref<1000x64xi32, #tpu.memory_space<hbm>>, %arg7: memref<320000xf32, #tpu.memory_space<hbm>>, %arg8: memref<10000xi32, #tpu.memory_space<vmem>>, %arg9: memref<10000xi32, #tpu.memory_space<vmem>>, %arg10: memref<10000xi32, #tpu.memory_space<vmem>>, %arg11: memref<80x64xi32, #tpu.memory_space<vmem>>, %arg12: memref<80x64xi32, #tpu.memory_space<vmem>>, %arg13: memref<80x64xi32, #tpu.memory_space<vmem>>, %arg14: memref<80x64xi32, #tpu.memory_space<vmem>>, %arg15: memref<80x64xi32, #tpu.memory_space<vmem>>, %arg16: memref<80x64xi32, #tpu.memory_space<vmem>>, %arg17: memref<10016xf32, #tpu.memory_space<vmem>>, %arg18: memref<!tpu.dma_semaphore, #tpu.memory_space<semaphore_mem>>, %arg19: memref<!tpu.dma_semaphore, #tpu.memory_space<semaphore_mem>>, %arg20: memref<!tpu.dma_semaphore, #tpu.memory_space<semaphore_mem>>, %arg21: memref<!tpu.dma_semaphore, #tpu.memory_space<semaphore_mem>>, %arg22: memref<!tpu.dma_semaphore, #tpu.memory_space<semaphore_mem>>, %arg23: memref<!tpu.dma_semaphore, #tpu.memory_space<semaphore_mem>>) attributes {dimension_semantics = [#tpu.dimension_semantics<core_parallel>, #tpu.dimension_semantics<subcore_parallel>], iteration_bounds = array<i64: 2, 16>, scalar_prefetch = 0 : i64, scratch_operands = 16 : i64, tpu.core_type = #tpu.core_type<sc_vector_subcore>, window_params = [{transform_indices = #map}, {transform_indices = #map1}, {transform_indices = #map1}, {transform_indices = #map1}, {transform_indices = #map}, {transform_indices = #map1}]} {
    %mul3A = arith.constant 2 : i32
    %mul3A_0 = arith.muli %arg1, %mul3A : i32
    %add3A = arith.addi %mul3A_0, %arg0 : i32
    %mul3A_1 = arith.constant 10000 : i32
    %mul3A_2 = arith.muli %add3A, %mul3A_1 : i32
    %iota3A = tpu.iota {dimensions = array<i32: 0>} : vector<16xi32>
    %eq3A = arith.constant 15 : i32
    %eq3A_3 = vector.broadcast %eq3A : i32 to vector<16xi32>
    %eq3A_4 = arith.cmpi eq, %iota3A, %eq3A_3 : vector<16xi32>
    %broadcast_in_dim3A = arith.constant -65536 : i32
    %broadcast_in_dim3A_5 = vector.broadcast %broadcast_in_dim3A : i32 to vector<16xi32>
    "tpu.region"() ({
      %run_scoped3A = tpu.sem_alloc : memref<!tpu.dma_semaphore, #tpu.memory_space<semaphore_mem>>
      %dma_start3A_24 = tpu.memref_slice %arg3[%mul3A_2] : memref<320000xi32, #tpu.memory_space<hbm>> -> memref<10000xi32, #tpu.memory_space<hbm>>
      %dma_start3A_25 = tpu.memref_slice %arg3[%mul3A_2] : memref<320000xi32, #tpu.memory_space<hbm>> -> memref<10000xi32, #tpu.memory_space<hbm>>
      tpu.enqueue_dma source(%dma_start3A_25 : memref<10000xi32, #tpu.memory_space<hbm>>) target(%arg8 : memref<10000xi32, #tpu.memory_space<vmem>>) target_semaphore(%run_scoped3A : memref<!tpu.dma_semaphore, #tpu.memory_space<semaphore_mem>>)
      %dma_wait3A = tpu.memref_slice %arg3[%mul3A_2] : memref<320000xi32, #tpu.memory_space<hbm>> -> memref<10000xi32, #tpu.memory_space<hbm>>
      %dma_wait3A_26 = tpu.memref_slice %arg3[%mul3A_2] : memref<320000xi32, #tpu.memory_space<hbm>> -> memref<10000xi32, #tpu.memory_space<hbm>>
      tpu.wait_dma2 semaphore(%run_scoped3A : memref<!tpu.dma_semaphore, #tpu.memory_space<semaphore_mem>>) src(%dma_wait3A_26 : memref<10000xi32, #tpu.memory_space<hbm>>) dst(%arg8 : memref<10000xi32, #tpu.memory_space<vmem>>)
      tpu.yield
    }) : () -> ()
    "tpu.region"() ({
      %run_scoped3A = tpu.sem_alloc : memref<!tpu.dma_semaphore, #tpu.memory_space<semaphore_mem>>
      %dma_start3A_24 = tpu.memref_slice %arg4[%mul3A_2] : memref<320000xi32, #tpu.memory_space<hbm>> -> memref<10000xi32, #tpu.memory_space<hbm>>
      %dma_start3A_25 = tpu.memref_slice %arg4[%mul3A_2] : memref<320000xi32, #tpu.memory_space<hbm>> -> memref<10000xi32, #tpu.memory_space<hbm>>
      tpu.enqueue_dma source(%dma_start3A_25 : memref<10000xi32, #tpu.memory_space<hbm>>) target(%arg9 : memref<10000xi32, #tpu.memory_space<vmem>>) target_semaphore(%run_scoped3A : memref<!tpu.dma_semaphore, #tpu.memory_space<semaphore_mem>>)
      %dma_wait3A = tpu.memref_slice %arg4[%mul3A_2] : memref<320000xi32, #tpu.memory_space<hbm>> -> memref<10000xi32, #tpu.memory_space<hbm>>
      %dma_wait3A_26 = tpu.memref_slice %arg4[%mul3A_2] : memref<320000xi32, #tpu.memory_space<hbm>> -> memref<10000xi32, #tpu.memory_space<hbm>>
      tpu.wait_dma2 semaphore(%run_scoped3A : memref<!tpu.dma_semaphore, #tpu.memory_space<semaphore_mem>>) src(%dma_wait3A_26 : memref<10000xi32, #tpu.memory_space<hbm>>) dst(%arg9 : memref<10000xi32, #tpu.memory_space<vmem>>)
      tpu.yield
    }) : () -> ()
    "tpu.region"() ({
      %run_scoped3A = tpu.sem_alloc : memref<!tpu.dma_semaphore, #tpu.memory_space<semaphore_mem>>
      %dma_start3A_24 = tpu.memref_slice %arg5[%mul3A_2] : memref<320000xi32, #tpu.memory_space<hbm>> -> memref<10000xi32, #tpu.memory_space<hbm>>
      %dma_start3A_25 = tpu.memref_slice %arg5[%mul3A_2] : memref<320000xi32, #tpu.memory_space<hbm>> -> memref<10000xi32, #tpu.memory_space<hbm>>
      tpu.enqueue_dma source(%dma_start3A_25 : memref<10000xi32, #tpu.memory_space<hbm>>) target(%arg10 : memref<10000xi32, #tpu.memory_space<vmem>>) target_semaphore(%run_scoped3A : memref<!tpu.dma_semaphore, #tpu.memory_space<semaphore_mem>>)
      %dma_wait3A = tpu.memref_slice %arg5[%mul3A_2] : memref<320000xi32, #tpu.memory_space<hbm>> -> memref<10000xi32, #tpu.memory_space<hbm>>
      %dma_wait3A_26 = tpu.memref_slice %arg5[%mul3A_2] : memref<320000xi32, #tpu.memory_space<hbm>> -> memref<10000xi32, #tpu.memory_space<hbm>>
      tpu.wait_dma2 semaphore(%run_scoped3A : memref<!tpu.dma_semaphore, #tpu.memory_space<semaphore_mem>>) src(%dma_wait3A_26 : memref<10000xi32, #tpu.memory_space<hbm>>) dst(%arg10 : memref<10000xi32, #tpu.memory_space<vmem>>)
      tpu.yield
    }) : () -> ()
    %dma_start3A = arith.constant 0 : i32
    %dma_start3A_6 = tpu.memref_slice %arg8[%dma_start3A] : memref<10000xi32, #tpu.memory_space<vmem>> -> memref<80xi32, #tpu.memory_space<vmem>>
    %dma_start3A_7 = arith.constant 0 : i32
    %dma_start3A_8 = arith.constant 0 : i32
    %dma_start3A_9 = tpu.memref_slice %arg2[%dma_start3A_7, %dma_start3A_8] : memref<10000x64xi32, #tpu.memory_space<hbm>> -> memref<10000x64xi32, #tpu.memory_space<hbm>>
    tpu.enqueue_indirect_dma source(%dma_start3A_9 : memref<10000x64xi32, #tpu.memory_space<hbm>>) target(%arg11 : memref<80x64xi32, #tpu.memory_space<vmem>>) offsets(%dma_start3A_6 : memref<80xi32, #tpu.memory_space<vmem>>) semaphore(%arg18 : memref<!tpu.dma_semaphore, #tpu.memory_space<semaphore_mem>>)
    %dma_start3A_10 = arith.constant 0 : i32
    %dma_start3A_11 = tpu.memref_slice %arg9[%dma_start3A_10] : memref<10000xi32, #tpu.memory_space<vmem>> -> memref<80xi32, #tpu.memory_space<vmem>>
    %dma_start3A_12 = arith.constant 0 : i32
    %dma_start3A_13 = arith.constant 0 : i32
    %dma_start3A_14 = tpu.memref_slice %arg2[%dma_start3A_12, %dma_start3A_13] : memref<10000x64xi32, #tpu.memory_space<hbm>> -> memref<10000x64xi32, #tpu.memory_space<hbm>>
    tpu.enqueue_indirect_dma source(%dma_start3A_14 : memref<10000x64xi32, #tpu.memory_space<hbm>>) target(%arg12 : memref<80x64xi32, #tpu.memory_space<vmem>>) offsets(%dma_start3A_11 : memref<80xi32, #tpu.memory_space<vmem>>) semaphore(%arg19 : memref<!tpu.dma_semaphore, #tpu.memory_space<semaphore_mem>>)
    %dma_start3A_15 = arith.constant 0 : i32
    %dma_start3A_16 = tpu.memref_slice %arg10[%dma_start3A_15] : memref<10000xi32, #tpu.memory_space<vmem>> -> memref<80xi32, #tpu.memory_space<vmem>>
    %dma_start3A_17 = arith.constant 0 : i32
    %dma_start3A_18 = arith.constant 0 : i32
    %dma_start3A_19 = tpu.memref_slice %arg6[%dma_start3A_17, %dma_start3A_18] : memref<1000x64xi32, #tpu.memory_space<hbm>> -> memref<1000x64xi32, #tpu.memory_space<hbm>>
    tpu.enqueue_indirect_dma source(%dma_start3A_19 : memref<1000x64xi32, #tpu.memory_space<hbm>>) target(%arg13 : memref<80x64xi32, #tpu.memory_space<vmem>>) offsets(%dma_start3A_16 : memref<80xi32, #tpu.memory_space<vmem>>) semaphore(%arg20 : memref<!tpu.dma_semaphore, #tpu.memory_space<semaphore_mem>>)
    %scan3A = arith.constant 0 : i32
    %scan3A_20 = arith.constant 63 : i32
    %scan3A_21 = arith.addi %scan3A, %scan3A_20 : i32
    %scan3A_22 = arith.constant 1 : i32
    scf.for %scan3A_24 = %scan3A to %scan3A_21 step %scan3A_22  : i32 {
      %mul3A_25 = arith.constant 2 : i32
      %mul3A_26 = arith.muli %mul3A_25, %scan3A_24 : i32
      %add3A_27 = arith.constant 1 : i32
      %add3A_28 = arith.addi %mul3A_26, %add3A_27 : i32
      %lt3A = arith.constant 125 : i32
      %lt3A_29 = arith.cmpi slt, %add3A_28, %lt3A : i32
      %convert_element_type3A = arith.extui %lt3A_29 : i1 to i32
      %cond3A = arith.constant 0 : i32
      %cond3A_30 = arith.cmpi ne, %convert_element_type3A, %cond3A : i32
      scf.if %cond3A_30 {
        %mul3A_61 = arith.constant 80 : i32
        %mul3A_62 = arith.muli %add3A_28, %mul3A_61 : i32
        %dma_start3A_63 = tpu.memref_slice %arg8[%mul3A_62] : memref<10000xi32, #tpu.memory_space<vmem>> -> memref<80xi32, #tpu.memory_space<vmem>>
        %dma_start3A_64 = arith.constant 0 : i32
        %dma_start3A_65 = arith.constant 0 : i32
        %dma_start3A_66 = tpu.memref_slice %arg2[%dma_start3A_64, %dma_start3A_65] : memref<10000x64xi32, #tpu.memory_space<hbm>> -> memref<10000x64xi32, #tpu.memory_space<hbm>>
        tpu.enqueue_indirect_dma source(%dma_start3A_66 : memref<10000x64xi32, #tpu.memory_space<hbm>>) target(%arg14 : memref<80x64xi32, #tpu.memory_space<vmem>>) offsets(%dma_start3A_63 : memref<80xi32, #tpu.memory_space<vmem>>) semaphore(%arg21 : memref<!tpu.dma_semaphore, #tpu.memory_space<semaphore_mem>>)
        %dma_start3A_67 = tpu.memref_slice %arg9[%mul3A_62] : memref<10000xi32, #tpu.memory_space<vmem>> -> memref<80xi32, #tpu.memory_space<vmem>>
        %dma_start3A_68 = arith.constant 0 : i32
        %dma_start3A_69 = arith.constant 0 : i32
        %dma_start3A_70 = tpu.memref_slice %arg2[%dma_start3A_68, %dma_start3A_69] : memref<10000x64xi32, #tpu.memory_space<hbm>> -> memref<10000x64xi32, #tpu.memory_space<hbm>>
        tpu.enqueue_indirect_dma source(%dma_start3A_70 : memref<10000x64xi32, #tpu.memory_space<hbm>>) target(%arg15 : memref<80x64xi32, #tpu.memory_space<vmem>>) offsets(%dma_start3A_67 : memref<80xi32, #tpu.memory_space<vmem>>) semaphore(%arg22 : memref<!tpu.dma_semaphore, #tpu.memory_space<semaphore_mem>>)
        %dma_start3A_71 = tpu.memref_slice %arg10[%mul3A_62] : memref<10000xi32, #tpu.memory_space<vmem>> -> memref<80xi32, #tpu.memory_space<vmem>>
        %dma_start3A_72 = arith.constant 0 : i32
        %dma_start3A_73 = arith.constant 0 : i32
        %dma_start3A_74 = tpu.memref_slice %arg6[%dma_start3A_72, %dma_start3A_73] : memref<1000x64xi32, #tpu.memory_space<hbm>> -> memref<1000x64xi32, #tpu.memory_space<hbm>>
        tpu.enqueue_indirect_dma source(%dma_start3A_74 : memref<1000x64xi32, #tpu.memory_space<hbm>>) target(%arg16 : memref<80x64xi32, #tpu.memory_space<vmem>>) offsets(%dma_start3A_71 : memref<80xi32, #tpu.memory_space<vmem>>) semaphore(%arg23 : memref<!tpu.dma_semaphore, #tpu.memory_space<semaphore_mem>>)
      } else {
      }
      %mul3A_31 = arith.constant 80 : i32
      %mul3A_32 = arith.muli %mul3A_26, %mul3A_31 : i32
      %dma_wait3A = tpu.memref_slice %arg8[%mul3A_32] : memref<10000xi32, #tpu.memory_space<vmem>> -> memref<80xi32, #tpu.memory_space<vmem>>
      %dma_wait3A_33 = arith.constant 0 : i32
      %dma_wait3A_34 = arith.constant 0 : i32
      %dma_wait3A_35 = tpu.memref_slice %arg2[%dma_wait3A_33, %dma_wait3A_34] : memref<10000x64xi32, #tpu.memory_space<hbm>> -> memref<10000x64xi32, #tpu.memory_space<hbm>>
      tpu.wait_indirect_dma semaphore(%arg18 : memref<!tpu.dma_semaphore, #tpu.memory_space<semaphore_mem>>) src(%dma_wait3A_35 : memref<10000x64xi32, #tpu.memory_space<hbm>>) dst(%arg11 : memref<80x64xi32, #tpu.memory_space<vmem>>)
      %dma_wait3A_36 = tpu.memref_slice %arg9[%mul3A_32] : memref<10000xi32, #tpu.memory_space<vmem>> -> memref<80xi32, #tpu.memory_space<vmem>>
      %dma_wait3A_37 = arith.constant 0 : i32
      %dma_wait3A_38 = arith.constant 0 : i32
      %dma_wait3A_39 = tpu.memref_slice %arg2[%dma_wait3A_37, %dma_wait3A_38] : memref<10000x64xi32, #tpu.memory_space<hbm>> -> memref<10000x64xi32, #tpu.memory_space<hbm>>
      tpu.wait_indirect_dma semaphore(%arg19 : memref<!tpu.dma_semaphore, #tpu.memory_space<semaphore_mem>>) src(%dma_wait3A_39 : memref<10000x64xi32, #tpu.memory_space<hbm>>) dst(%arg12 : memref<80x64xi32, #tpu.memory_space<vmem>>)
      %dma_wait3A_40 = tpu.memref_slice %arg10[%mul3A_32] : memref<10000xi32, #tpu.memory_space<vmem>> -> memref<80xi32, #tpu.memory_space<vmem>>
      %dma_wait3A_41 = arith.constant 0 : i32
      %dma_wait3A_42 = arith.constant 0 : i32
      %dma_wait3A_43 = tpu.memref_slice %arg6[%dma_wait3A_41, %dma_wait3A_42] : memref<1000x64xi32, #tpu.memory_space<hbm>> -> memref<1000x64xi32, #tpu.memory_space<hbm>>
      tpu.wait_indirect_dma semaphore(%arg20 : memref<!tpu.dma_semaphore, #tpu.memory_space<semaphore_mem>>) src(%dma_wait3A_43 : memref<1000x64xi32, #tpu.memory_space<hbm>>) dst(%arg13 : memref<80x64xi32, #tpu.memory_space<vmem>>)
      %scan3A_44 = arith.constant 0 : i32
      %scan3A_45 = arith.constant 5 : i32
      %scan3A_46 = arith.addi %scan3A_44, %scan3A_45 : i32
      %scan3A_47 = arith.constant 1 : i32
      scf.for %scan3A_61 = %scan3A_44 to %scan3A_46 step %scan3A_47  : i32 {
        %mul3A_62 = arith.constant 16 : i32
        %mul3A_63 = arith.muli %scan3A_61, %mul3A_62 : i32
        %add3A_64 = arith.constant 0 : i32
        %add3A_65 = arith.addi %mul3A_63, %add3A_64 : i32
        %get3A = arith.index_cast %add3A_65 : i32 to index
        %get3A_66 = arith.constant 0 : index
        %get3A_67 = tpu.vector_load %arg11[%get3A, %get3A_66] {strides = array<i32>} : memref<80x64xi32, #tpu.memory_space<vmem>>, vector<16xi32>,
        %bitcast3A = vector.bitcast %get3A_67 : vector<16xi32> to vector<32xbf16>
        %get3A_68 = arith.index_cast %add3A_65 : i32 to index
        %get3A_69 = arith.constant 0 : index
        %get3A_70 = tpu.vector_load %arg12[%get3A_68, %get3A_69] {strides = array<i32>} : memref<80x64xi32, #tpu.memory_space<vmem>>, vector<16xi32>,
        %bitcast3A_71 = vector.bitcast %get3A_70 : vector<16xi32> to vector<32xbf16>
        %get3A_72 = arith.index_cast %add3A_65 : i32 to index
        %get3A_73 = arith.constant 0 : index
        %get3A_74 = tpu.vector_load %arg13[%get3A_72, %get3A_73] {strides = array<i32>} : memref<80x64xi32, #tpu.memory_space<vmem>>, vector<16xi32>,
        %bitcast3A_75 = vector.bitcast %get3A_74 : vector<16xi32> to vector<32xbf16>
        %mul3A_76 = arith.mulf %bitcast3A, %bitcast3A_71 : vector<32xbf16>
        %mul3A_77 = arith.mulf %mul3A_76, %bitcast3A_75 : vector<32xbf16>
        %bitcast3A_78 = vector.bitcast %mul3A_77 : vector<32xbf16> to vector<16xi32>
        %and3A = arith.andi %bitcast3A_78, %broadcast_in_dim3A_5 : vector<16xi32>
        %bitcast_convert_type3A = tpu.bitcast %and3A : vector<16xi32> -> vector<16xf32>
        %shift_left3A = arith.constant 16 : i32
        %shift_left3A_79 = vector.broadcast %shift_left3A : i32 to vector<16xi32>
        %shift_left3A_80 = arith.shli %bitcast3A_78, %shift_left3A_79 : vector<16xi32>
        %bitcast_convert_type3A_81 = tpu.bitcast %shift_left3A_80 : vector<16xi32> -> vector<16xf32>
        %get3A_82 = arith.index_cast %add3A_65 : i32 to index
        %get3A_83 = arith.constant 16 : index
        %get3A_84 = tpu.vector_load %arg11[%get3A_82, %get3A_83] {strides = array<i32>} : memref<80x64xi32, #tpu.memory_space<vmem>>, vector<16xi32>,
        %bitcast3A_85 = vector.bitcast %get3A_84 : vector<16xi32> to vector<32xbf16>
        %get3A_86 = arith.index_cast %add3A_65 : i32 to index
        %get3A_87 = arith.constant 16 : index
        %get3A_88 = tpu.vector_load %arg12[%get3A_86, %get3A_87] {strides = array<i32>} : memref<80x64xi32, #tpu.memory_space<vmem>>, vector<16xi32>,
        %bitcast3A_89 = vector.bitcast %get3A_88 : vector<16xi32> to vector<32xbf16>
        %get3A_90 = arith.index_cast %add3A_65 : i32 to index
        %get3A_91 = arith.constant 16 : index
        %get3A_92 = tpu.vector_load %arg13[%get3A_90, %get3A_91] {strides = array<i32>} : memref<80x64xi32, #tpu.memory_space<vmem>>, vector<16xi32>,
        %bitcast3A_93 = vector.bitcast %get3A_92 : vector<16xi32> to vector<32xbf16>
        %mul3A_94 = arith.mulf %bitcast3A_85, %bitcast3A_89 : vector<32xbf16>
        %mul3A_95 = arith.mulf %mul3A_94, %bitcast3A_93 : vector<32xbf16>
        %bitcast3A_96 = vector.bitcast %mul3A_95 : vector<32xbf16> to vector<16xi32>
        %and3A_97 = arith.andi %bitcast3A_96, %broadcast_in_dim3A_5 : vector<16xi32>
        %bitcast_convert_type3A_98 = tpu.bitcast %and3A_97 : vector<16xi32> -> vector<16xf32>
        %shift_left3A_99 = arith.constant 16 : i32
        %shift_left3A_100 = vector.broadcast %shift_left3A_99 : i32 to vector<16xi32>
        %shift_left3A_101 = arith.shli %bitcast3A_96, %shift_left3A_100 : vector<16xi32>
        %bitcast_convert_type3A_102 = tpu.bitcast %shift_left3A_101 : vector<16xi32> -> vector<16xf32>
        %add3A_103 = arith.addf %bitcast_convert_type3A_81, %bitcast_convert_type3A_102 : vector<16xf32>
        %add3A_104 = arith.addf %bitcast_convert_type3A, %bitcast_convert_type3A_98 : vector<16xf32>
        %get3A_105 = arith.index_cast %add3A_65 : i32 to index
        %get3A_106 = arith.constant 32 : index
        %get3A_107 = tpu.vector_load %arg11[%get3A_105, %get3A_106] {strides = array<i32>} : memref<80x64xi32, #tpu.memory_space<vmem>>, vector<16xi32>,
        %bitcast3A_108 = vector.bitcast %get3A_107 : vector<16xi32> to vector<32xbf16>
        %get3A_109 = arith.index_cast %add3A_65 : i32 to index
        %get3A_110 = arith.constant 32 : index
        %get3A_111 = tpu.vector_load %arg12[%get3A_109, %get3A_110] {strides = array<i32>} : memref<80x64xi32, #tpu.memory_space<vmem>>, vector<16xi32>,
        %bitcast3A_112 = vector.bitcast %get3A_111 : vector<16xi32> to vector<32xbf16>
        %get3A_113 = arith.index_cast %add3A_65 : i32 to index
        %get3A_114 = arith.constant 32 : index
        %get3A_115 = tpu.vector_load %arg13[%get3A_113, %get3A_114] {strides = array<i32>} : memref<80x64xi32, #tpu.memory_space<vmem>>, vector<16xi32>,
        %bitcast3A_116 = vector.bitcast %get3A_115 : vector<16xi32> to vector<32xbf16>
        %mul3A_117 = arith.mulf %bitcast3A_108, %bitcast3A_112 : vector<32xbf16>
        %mul3A_118 = arith.mulf %mul3A_117, %bitcast3A_116 : vector<32xbf16>
        %bitcast3A_119 = vector.bitcast %mul3A_118 : vector<32xbf16> to vector<16xi32>
        %and3A_120 = arith.andi %bitcast3A_119, %broadcast_in_dim3A_5 : vector<16xi32>
        %bitcast_convert_type3A_121 = tpu.bitcast %and3A_120 : vector<16xi32> -> vector<16xf32>
        %shift_left3A_122 = arith.constant 16 : i32
        %shift_left3A_123 = vector.broadcast %shift_left3A_122 : i32 to vector<16xi32>
        %shift_left3A_124 = arith.shli %bitcast3A_119, %shift_left3A_123 : vector<16xi32>
        %bitcast_convert_type3A_125 = tpu.bitcast %shift_left3A_124 : vector<16xi32> -> vector<16xf32>
        %add3A_126 = arith.addf %add3A_103, %bitcast_convert_type3A_125 : vector<16xf32>
        %add3A_127 = arith.addf %add3A_104, %bitcast_convert_type3A_121 : vector<16xf32>
        %get3A_128 = arith.index_cast %add3A_65 : i32 to index
        %get3A_129 = arith.constant 48 : index
        %get3A_130 = tpu.vector_load %arg11[%get3A_128, %get3A_129] {strides = array<i32>} : memref<80x64xi32, #tpu.memory_space<vmem>>, vector<16xi32>,
        %bitcast3A_131 = vector.bitcast %get3A_130 : vector<16xi32> to vector<32xbf16>
        %get3A_132 = arith.index_cast %add3A_65 : i32 to index
        %get3A_133 = arith.constant 48 : index
        %get3A_134 = tpu.vector_load %arg12[%get3A_132, %get3A_133] {strides = array<i32>} : memref<80x64xi32, #tpu.memory_space<vmem>>, vector<16xi32>,
        %bitcast3A_135 = vector.bitcast %get3A_134 : vector<16xi32> to vector<32xbf16>
        %get3A_136 = arith.index_cast %add3A_65 : i32 to index
        %get3A_137 = arith.constant 48 : index
        %get3A_138 = tpu.vector_load %arg13[%get3A_136, %get3A_137] {strides = array<i32>} : memref<80x64xi32, #tpu.memory_space<vmem>>, vector<16xi32>,
        %bitcast3A_139 = vector.bitcast %get3A_138 : vector<16xi32> to vector<32xbf16>
        %mul3A_140 = arith.mulf %bitcast3A_131, %bitcast3A_135 : vector<32xbf16>
        %mul3A_141 = arith.mulf %mul3A_140, %bitcast3A_139 : vector<32xbf16>
        %bitcast3A_142 = vector.bitcast %mul3A_141 : vector<32xbf16> to vector<16xi32>
        %and3A_143 = arith.andi %bitcast3A_142, %broadcast_in_dim3A_5 : vector<16xi32>
        %bitcast_convert_type3A_144 = tpu.bitcast %and3A_143 : vector<16xi32> -> vector<16xf32>
        %shift_left3A_145 = arith.constant 16 : i32
        %shift_left3A_146 = vector.broadcast %shift_left3A_145 : i32 to vector<16xi32>
        %shift_left3A_147 = arith.shli %bitcast3A_142, %shift_left3A_146 : vector<16xi32>
        %bitcast_convert_type3A_148 = tpu.bitcast %shift_left3A_147 : vector<16xi32> -> vector<16xf32>
        %add3A_149 = arith.addf %add3A_126, %bitcast_convert_type3A_148 : vector<16xf32>
        %add3A_150 = arith.addf %add3A_127, %bitcast_convert_type3A_144 : vector<16xf32>
        %add3A_151 = arith.addf %add3A_149, %add3A_150 : vector<16xf32>
        %mul3A_152 = arith.constant 80 : i32
        %mul3A_153 = arith.muli %mul3A_26, %mul3A_152 : i32
        %add3A_154 = arith.addi %mul3A_153, %add3A_65 : i32
        %broadcast_in_dim3A_155 = arith.constant true
        %broadcast_in_dim3A_156 = vector.broadcast %broadcast_in_dim3A_155 : i1 to vector<16xi1>
        %masked_cumsum3A = tpu.scan <sum>, %add3A_151 masked %broadcast_in_dim3A_156 : vector<16xf32>, vector<16xi1> -> vector<16xf32>
        %swap3A = arith.index_cast %add3A_154 : i32 to index
        %swap3A_157 = tpu.vector_load %arg17[%swap3A] masked %eq3A_4 {strides = array<i32>} : memref<10016xf32, #tpu.memory_space<vmem>>, vector<16xf32>, vector<16xi1>
        tpu.vector_store %arg17[%swap3A], %masked_cumsum3A masked %eq3A_4 {strides = array<i32>} : memref<10016xf32, #tpu.memory_space<vmem>>, vector<16xf32>, vector<16xi1>
        %add3A_158 = arith.constant 1 : i32
        %add3A_159 = arith.addi %mul3A_63, %add3A_158 : i32
        %get3A_160 = arith.index_cast %add3A_159 : i32 to index
        %get3A_161 = arith.constant 0 : index
        %get3A_162 = tpu.vector_load %arg11[%get3A_160, %get3A_161] {strides = array<i32>} : memref<80x64xi32, #tpu.memory_space<vmem>>, vector<16xi32>,
        %bitcast3A_163 = vector.bitcast %get3A_162 : vector<16xi32> to vector<32xbf16>
        %get3A_164 = arith.index_cast %add3A_159 : i32 to index
        %get3A_165 = arith.constant 0 : index
        %get3A_166 = tpu.vector_load %arg12[%get3A_164, %get3A_165] {strides = array<i32>} : memref<80x64xi32, #tpu.memory_space<vmem>>, vector<16xi32>,
        %bitcast3A_167 = vector.bitcast %get3A_166 : vector<16xi32> to vector<32xbf16>
        %get3A_168 = arith.index_cast %add3A_159 : i32 to index
        %get3A_169 = arith.constant 0 : index
        %get3A_170 = tpu.vector_load %arg13[%get3A_168, %get3A_169] {strides = array<i32>} : memref<80x64xi32, #tpu.memory_space<vmem>>, vector<16xi32>,
        %bitcast3A_171 = vector.bitcast %get3A_170 : vector<16xi32> to vector<32xbf16>
        %mul3A_172 = arith.mulf %bitcast3A_163, %bitcast3A_167 : vector<32xbf16>
        %mul3A_173 = arith.mulf %mul3A_172, %bitcast3A_171 : vector<32xbf16>
        %bitcast3A_174 = vector.bitcast %mul3A_173 : vector<32xbf16> to vector<16xi32>
        %and3A_175 = arith.andi %bitcast3A_174, %broadcast_in_dim3A_5 : vector<16xi32>
        %bitcast_convert_type3A_176 = tpu.bitcast %and3A_175 : vector<16xi32> -> vector<16xf32>
        %shift_left3A_177 = arith.constant 16 : i32
        %shift_left3A_178 = vector.broadcast %shift_left3A_177 : i32 to vector<16xi32>
        %shift_left3A_179 = arith.shli %bitcast3A_174, %shift_left3A_178 : vector<16xi32>
        %bitcast_convert_type3A_180 = tpu.bitcast %shift_left3A_179 : vector<16xi32> -> vector<16xf32>
        %get3A_181 = arith.index_cast %add3A_159 : i32 to index
        %get3A_182 = arith.constant 16 : index
        %get3A_183 = tpu.vector_load %arg11[%get3A_181, %get3A_182] {strides = array<i32>} : memref<80x64xi32, #tpu.memory_space<vmem>>, vector<16xi32>,
        %bitcast3A_184 = vector.bitcast %get3A_183 : vector<16xi32> to vector<32xbf16>
        %get3A_185 = arith.index_cast %add3A_159 : i32 to index
        %get3A_186 = arith.constant 16 : index
        %get3A_187 = tpu.vector_load %arg12[%get3A_185, %get3A_186] {strides = array<i32>} : memref<80x64xi32, #tpu.memory_space<vmem>>, vector<16xi32>,
        %bitcast3A_188 = vector.bitcast %get3A_187 : vector<16xi32> to vector<32xbf16>
        %get3A_189 = arith.index_cast %add3A_159 : i32 to index
        %get3A_190 = arith.constant 16 : index
        %get3A_191 = tpu.vector_load %arg13[%get3A_189, %get3A_190] {strides = array<i32>} : memref<80x64xi32, #tpu.memory_space<vmem>>, vector<16xi32>,
        %bitcast3A_192 = vector.bitcast %get3A_191 : vector<16xi32> to vector<32xbf16>
        %mul3A_193 = arith.mulf %bitcast3A_184, %bitcast3A_188 : vector<32xbf16>
        %mul3A_194 = arith.mulf %mul3A_193, %bitcast3A_192 : vector<32xbf16>
        %bitcast3A_195 = vector.bitcast %mul3A_194 : vector<32xbf16> to vector<16xi32>
        %and3A_196 = arith.andi %bitcast3A_195, %broadcast_in_dim3A_5 : vector<16xi32>
        %bitcast_convert_type3A_197 = tpu.bitcast %and3A_196 : vector<16xi32> -> vector<16xf32>
        %shift_left3A_198 = arith.constant 16 : i32
        %shift_left3A_199 = vector.broadcast %shift_left3A_198 : i32 to vector<16xi32>
        %shift_left3A_200 = arith.shli %bitcast3A_195, %shift_left3A_199 : vector<16xi32>
        %bitcast_convert_type3A_201 = tpu.bitcast %shift_left3A_200 : vector<16xi32> -> vector<16xf32>
        %add3A_202 = arith.addf %bitcast_convert_type3A_180, %bitcast_convert_type3A_201 : vector<16xf32>
        %add3A_203 = arith.addf %bitcast_convert_type3A_176, %bitcast_convert_type3A_197 : vector<16xf32>
        %get3A_204 = arith.index_cast %add3A_159 : i32 to index
        %get3A_205 = arith.constant 32 : index
        %get3A_206 = tpu.vector_load %arg11[%get3A_204, %get3A_205] {strides = array<i32>} : memref<80x64xi32, #tpu.memory_space<vmem>>, vector<16xi32>,
        %bitcast3A_207 = vector.bitcast %get3A_206 : vector<16xi32> to vector<32xbf16>
        %get3A_208 = arith.index_cast %add3A_159 : i32 to index
        %get3A_209 = arith.constant 32 : index
        %get3A_210 = tpu.vector_load %arg12[%get3A_208, %get3A_209] {strides = array<i32>} : memref<80x64xi32, #tpu.memory_space<vmem>>, vector<16xi32>,
        %bitcast3A_211 = vector.bitcast %get3A_210 : vector<16xi32> to vector<32xbf16>
        %get3A_212 = arith.index_cast %add3A_159 : i32 to index
        %get3A_213 = arith.constant 32 : index
        %get3A_214 = tpu.vector_load %arg13[%get3A_212, %get3A_213] {strides = array<i32>} : memref<80x64xi32, #tpu.memory_space<vmem>>, vector<16xi32>,
        %bitcast3A_215 = vector.bitcast %get3A_214 : vector<16xi32> to vector<32xbf16>
        %mul3A_216 = arith.mulf %bitcast3A_207, %bitcast3A_211 : vector<32xbf16>
        %mul3A_217 = arith.mulf %mul3A_216, %bitcast3A_215 : vector<32xbf16>
        %bitcast3A_218 = vector.bitcast %mul3A_217 : vector<32xbf16> to vector<16xi32>
        %and3A_219 = arith.andi %bitcast3A_218, %broadcast_in_dim3A_5 : vector<16xi32>
        %bitcast_convert_type3A_220 = tpu.bitcast %and3A_219 : vector<16xi32> -> vector<16xf32>
        %shift_left3A_221 = arith.constant 16 : i32
        %shift_left3A_222 = vector.broadcast %shift_left3A_221 : i32 to vector<16xi32>
        %shift_left3A_223 = arith.shli %bitcast3A_218, %shift_left3A_222 : vector<16xi32>
        %bitcast_convert_type3A_224 = tpu.bitcast %shift_left3A_223 : vector<16xi32> -> vector<16xf32>
        %add3A_225 = arith.addf %add3A_202, %bitcast_convert_type3A_224 : vector<16xf32>
        %add3A_226 = arith.addf %add3A_203, %bitcast_convert_type3A_220 : vector<16xf32>
        %get3A_227 = arith.index_cast %add3A_159 : i32 to index
        %get3A_228 = arith.constant 48 : index
        %get3A_229 = tpu.vector_load %arg11[%get3A_227, %get3A_228] {strides = array<i32>} : memref<80x64xi32, #tpu.memory_space<vmem>>, vector<16xi32>,
        %bitcast3A_230 = vector.bitcast %get3A_229 : vector<16xi32> to vector<32xbf16>
        %get3A_231 = arith.index_cast %add3A_159 : i32 to index
        %get3A_232 = arith.constant 48 : index
        %get3A_233 = tpu.vector_load %arg12[%get3A_231, %get3A_232] {strides = array<i32>} : memref<80x64xi32, #tpu.memory_space<vmem>>, vector<16xi32>,
        %bitcast3A_234 = vector.bitcast %get3A_233 : vector<16xi32> to vector<32xbf16>
        %get3A_235 = arith.index_cast %add3A_159 : i32 to index
        %get3A_236 = arith.constant 48 : index
        %get3A_237 = tpu.vector_load %arg13[%get3A_235, %get3A_236] {strides = array<i32>} : memref<80x64xi32, #tpu.memory_space<vmem>>, vector<16xi32>,
        %bitcast3A_238 = vector.bitcast %get3A_237 : vector<16xi32> to vector<32xbf16>
        %mul3A_239 = arith.mulf %bitcast3A_230, %bitcast3A_234 : vector<32xbf16>
        %mul3A_240 = arith.mulf %mul3A_239, %bitcast3A_238 : vector<32xbf16>
        %bitcast3A_241 = vector.bitcast %mul3A_240 : vector<32xbf16> to vector<16xi32>
        %and3A_242 = arith.andi %bitcast3A_241, %broadcast_in_dim3A_5 : vector<16xi32>
        %bitcast_convert_type3A_243 = tpu.bitcast %and3A_242 : vector<16xi32> -> vector<16xf32>
        %shift_left3A_244 = arith.constant 16 : i32
        %shift_left3A_245 = vector.broadcast %shift_left3A_244 : i32 to vector<16xi32>
        %shift_left3A_246 = arith.shli %bitcast3A_241, %shift_left3A_245 : vector<16xi32>
        %bitcast_convert_type3A_247 = tpu.bitcast %shift_left3A_246 : vector<16xi32> -> vector<16xf32>
        %add3A_248 = arith.addf %add3A_225, %bitcast_convert_type3A_247 : vector<16xf32>
        %add3A_249 = arith.addf %add3A_226, %bitcast_convert_type3A_243 : vector<16xf32>
        %add3A_250 = arith.addf %add3A_248, %add3A_249 : vector<16xf32>
        %mul3A_251 = arith.constant 80 : i32
        %mul3A_252 = arith.muli %mul3A_26, %mul3A_251 : i32
        %add3A_253 = arith.addi %mul3A_252, %add3A_159 : i32
        %broadcast_in_dim3A_254 = arith.constant true
        %broadcast_in_dim3A_255 = vector.broadcast %broadcast_in_dim3A_254 : i1 to vector<16xi1>
        %masked_cumsum3A_256 = tpu.scan <sum>, %add3A_250 masked %broadcast_in_dim3A_255 : vector<16xf32>, vector<16xi1> -> vector<16xf32>
        %swap3A_257 = arith.index_cast %add3A_253 : i32 to index
        %swap3A_258 = tpu.vector_load %arg17[%swap3A_257] masked %eq3A_4 {strides = array<i32>} : memref<10016xf32, #tpu.memory_space<vmem>>, vector<16xf32>, vector<16xi1>
        tpu.vector_store %arg17[%swap3A_257], %masked_cumsum3A_256 masked %eq3A_4 {strides = array<i32>} : memref<10016xf32, #tpu.memory_space<vmem>>, vector<16xf32>, vector<16xi1>
        %add3A_259 = arith.constant 2 : i32
        %add3A_260 = arith.addi %mul3A_63, %add3A_259 : i32
        %get3A_261 = arith.index_cast %add3A_260 : i32 to index
        %get3A_262 = arith.constant 0 : index
        %get3A_263 = tpu.vector_load %arg11[%get3A_261, %get3A_262] {strides = array<i32>} : memref<80x64xi32, #tpu.memory_space<vmem>>, vector<16xi32>,
        %bitcast3A_264 = vector.bitcast %get3A_263 : vector<16xi32> to vector<32xbf16>
        %get3A_265 = arith.index_cast %add3A_260 : i32 to index
        %get3A_266 = arith.constant 0 : index
        %get3A_267 = tpu.vector_load %arg12[%get3A_265, %get3A_266] {strides = array<i32>} : memref<80x64xi32, #tpu.memory_space<vmem>>, vector<16xi32>,
        %bitcast3A_268 = vector.bitcast %get3A_267 : vector<16xi32> to vector<32xbf16>
        %get3A_269 = arith.index_cast %add3A_260 : i32 to index
        %get3A_270 = arith.constant 0 : index
        %get3A_271 = tpu.vector_load %arg13[%get3A_269, %get3A_270] {strides = array<i32>} : memref<80x64xi32, #tpu.memory_space<vmem>>, vector<16xi32>,
        %bitcast3A_272 = vector.bitcast %get3A_271 : vector<16xi32> to vector<32xbf16>
        %mul3A_273 = arith.mulf %bitcast3A_264, %bitcast3A_268 : vector<32xbf16>
        %mul3A_274 = arith.mulf %mul3A_273, %bitcast3A_272 : vector<32xbf16>
        %bitcast3A_275 = vector.bitcast %mul3A_274 : vector<32xbf16> to vector<16xi32>
        %and3A_276 = arith.andi %bitcast3A_275, %broadcast_in_dim3A_5 : vector<16xi32>
        %bitcast_convert_type3A_277 = tpu.bitcast %and3A_276 : vector<16xi32> -> vector<16xf32>
        %shift_left3A_278 = arith.constant 16 : i32
        %shift_left3A_279 = vector.broadcast %shift_left3A_278 : i32 to vector<16xi32>
        %shift_left3A_280 = arith.shli %bitcast3A_275, %shift_left3A_279 : vector<16xi32>
        %bitcast_convert_type3A_281 = tpu.bitcast %shift_left3A_280 : vector<16xi32> -> vector<16xf32>
        %get3A_282 = arith.index_cast %add3A_260 : i32 to index
        %get3A_283 = arith.constant 16 : index
        %get3A_284 = tpu.vector_load %arg11[%get3A_282, %get3A_283] {strides = array<i32>} : memref<80x64xi32, #tpu.memory_space<vmem>>, vector<16xi32>,
        %bitcast3A_285 = vector.bitcast %get3A_284 : vector<16xi32> to vector<32xbf16>
        %get3A_286 = arith.index_cast %add3A_260 : i32 to index
        %get3A_287 = arith.constant 16 : index
        %get3A_288 = tpu.vector_load %arg12[%get3A_286, %get3A_287] {strides = array<i32>} : memref<80x64xi32, #tpu.memory_space<vmem>>, vector<16xi32>,
        %bitcast3A_289 = vector.bitcast %get3A_288 : vector<16xi32> to vector<32xbf16>
        %get3A_290 = arith.index_cast %add3A_260 : i32 to index
        %get3A_291 = arith.constant 16 : index
        %get3A_292 = tpu.vector_load %arg13[%get3A_290, %get3A_291] {strides = array<i32>} : memref<80x64xi32, #tpu.memory_space<vmem>>, vector<16xi32>,
        %bitcast3A_293 = vector.bitcast %get3A_292 : vector<16xi32> to vector<32xbf16>
        %mul3A_294 = arith.mulf %bitcast3A_285, %bitcast3A_289 : vector<32xbf16>
        %mul3A_295 = arith.mulf %mul3A_294, %bitcast3A_293 : vector<32xbf16>
        %bitcast3A_296 = vector.bitcast %mul3A_295 : vector<32xbf16> to vector<16xi32>
        %and3A_297 = arith.andi %bitcast3A_296, %broadcast_in_dim3A_5 : vector<16xi32>
        %bitcast_convert_type3A_298 = tpu.bitcast %and3A_297 : vector<16xi32> -> vector<16xf32>
        %shift_left3A_299 = arith.constant 16 : i32
        %shift_left3A_300 = vector.broadcast %shift_left3A_299 : i32 to vector<16xi32>
        %shift_left3A_301 = arith.shli %bitcast3A_296, %shift_left3A_300 : vector<16xi32>
        %bitcast_convert_type3A_302 = tpu.bitcast %shift_left3A_301 : vector<16xi32> -> vector<16xf32>
        %add3A_303 = arith.addf %bitcast_convert_type3A_281, %bitcast_convert_type3A_302 : vector<16xf32>
        %add3A_304 = arith.addf %bitcast_convert_type3A_277, %bitcast_convert_type3A_298 : vector<16xf32>
        %get3A_305 = arith.index_cast %add3A_260 : i32 to index
        %get3A_306 = arith.constant 32 : index
        %get3A_307 = tpu.vector_load %arg11[%get3A_305, %get3A_306] {strides = array<i32>} : memref<80x64xi32, #tpu.memory_space<vmem>>, vector<16xi32>,
        %bitcast3A_308 = vector.bitcast %get3A_307 : vector<16xi32> to vector<32xbf16>
        %get3A_309 = arith.index_cast %add3A_260 : i32 to index
        %get3A_310 = arith.constant 32 : index
        %get3A_311 = tpu.vector_load %arg12[%get3A_309, %get3A_310] {strides = array<i32>} : memref<80x64xi32, #tpu.memory_space<vmem>>, vector<16xi32>,
        %bitcast3A_312 = vector.bitcast %get3A_311 : vector<16xi32> to vector<32xbf16>
        %get3A_313 = arith.index_cast %add3A_260 : i32 to index
        %get3A_314 = arith.constant 32 : index
        %get3A_315 = tpu.vector_load %arg13[%get3A_313, %get3A_314] {strides = array<i32>} : memref<80x64xi32, #tpu.memory_space<vmem>>, vector<16xi32>,
        %bitcast3A_316 = vector.bitcast %get3A_315 : vector<16xi32> to vector<32xbf16>
        %mul3A_317 = arith.mulf %bitcast3A_308, %bitcast3A_312 : vector<32xbf16>
        %mul3A_318 = arith.mulf %mul3A_317, %bitcast3A_316 : vector<32xbf16>
        %bitcast3A_319 = vector.bitcast %mul3A_318 : vector<32xbf16> to vector<16xi32>
        %and3A_320 = arith.andi %bitcast3A_319, %broadcast_in_dim3A_5 : vector<16xi32>
        %bitcast_convert_type3A_321 = tpu.bitcast %and3A_320 : vector<16xi32> -> vector<16xf32>
        %shift_left3A_322 = arith.constant 16 : i32
        %shift_left3A_323 = vector.broadcast %shift_left3A_322 : i32 to vector<16xi32>
        %shift_left3A_324 = arith.shli %bitcast3A_319, %shift_left3A_323 : vector<16xi32>
        %bitcast_convert_type3A_325 = tpu.bitcast %shift_left3A_324 : vector<16xi32> -> vector<16xf32>
        %add3A_326 = arith.addf %add3A_303, %bitcast_convert_type3A_325 : vector<16xf32>
        %add3A_327 = arith.addf %add3A_304, %bitcast_convert_type3A_321 : vector<16xf32>
        %get3A_328 = arith.index_cast %add3A_260 : i32 to index
        %get3A_329 = arith.constant 48 : index
        %get3A_330 = tpu.vector_load %arg11[%get3A_328, %get3A_329] {strides = array<i32>} : memref<80x64xi32, #tpu.memory_space<vmem>>, vector<16xi32>,
        %bitcast3A_331 = vector.bitcast %get3A_330 : vector<16xi32> to vector<32xbf16>
        %get3A_332 = arith.index_cast %add3A_260 : i32 to index
        %get3A_333 = arith.constant 48 : index
        %get3A_334 = tpu.vector_load %arg12[%get3A_332, %get3A_333] {strides = array<i32>} : memref<80x64xi32, #tpu.memory_space<vmem>>, vector<16xi32>,
        %bitcast3A_335 = vector.bitcast %get3A_334 : vector<16xi32> to vector<32xbf16>
        %get3A_336 = arith.index_cast %add3A_260 : i32 to index
        %get3A_337 = arith.constant 48 : index
        %get3A_338 = tpu.vector_load %arg13[%get3A_336, %get3A_337] {strides = array<i32>} : memref<80x64xi32, #tpu.memory_space<vmem>>, vector<16xi32>,
        %bitcast3A_339 = vector.bitcast %get3A_338 : vector<16xi32> to vector<32xbf16>
        %mul3A_340 = arith.mulf %bitcast3A_331, %bitcast3A_335 : vector<32xbf16>
        %mul3A_341 = arith.mulf %mul3A_340, %bitcast3A_339 : vector<32xbf16>
        %bitcast3A_342 = vector.bitcast %mul3A_341 : vector<32xbf16> to vector<16xi32>
        %and3A_343 = arith.andi %bitcast3A_342, %broadcast_in_dim3A_5 : vector<16xi32>
        %bitcast_convert_type3A_344 = tpu.bitcast %and3A_343 : vector<16xi32> -> vector<16xf32>
        %shift_left3A_345 = arith.constant 16 : i32
        %shift_left3A_346 = vector.broadcast %shift_left3A_345 : i32 to vector<16xi32>
        %shift_left3A_347 = arith.shli %bitcast3A_342, %shift_left3A_346 : vector<16xi32>
        %bitcast_convert_type3A_348 = tpu.bitcast %shift_left3A_347 : vector<16xi32> -> vector<16xf32>
        %add3A_349 = arith.addf %add3A_326, %bitcast_convert_type3A_348 : vector<16xf32>
        %add3A_350 = arith.addf %add3A_327, %bitcast_convert_type3A_344 : vector<16xf32>
        %add3A_351 = arith.addf %add3A_349, %add3A_350 : vector<16xf32>
        %mul3A_352 = arith.constant 80 : i32
        %mul3A_353 = arith.muli %mul3A_26, %mul3A_352 : i32
        %add3A_354 = arith.addi %mul3A_353, %add3A_260 : i32
        %broadcast_in_dim3A_355 = arith.constant true
        %broadcast_in_dim3A_356 = vector.broadcast %broadcast_in_dim3A_355 : i1 to vector<16xi1>
        %masked_cumsum3A_357 = tpu.scan <sum>, %add3A_351 masked %broadcast_in_dim3A_356 : vector<16xf32>, vector<16xi1> -> vector<16xf32>
        %swap3A_358 = arith.index_cast %add3A_354 : i32 to index
        %swap3A_359 = tpu.vector_load %arg17[%swap3A_358] masked %eq3A_4 {strides = array<i32>} : memref<10016xf32, #tpu.memory_space<vmem>>, vector<16xf32>, vector<16xi1>
        tpu.vector_store %arg17[%swap3A_358], %masked_cumsum3A_357 masked %eq3A_4 {strides = array<i32>} : memref<10016xf32, #tpu.memory_space<vmem>>, vector<16xf32>, vector<16xi1>
        %add3A_360 = arith.constant 3 : i32
        %add3A_361 = arith.addi %mul3A_63, %add3A_360 : i32
        %get3A_362 = arith.index_cast %add3A_361 : i32 to index
        %get3A_363 = arith.constant 0 : index
        %get3A_364 = tpu.vector_load %arg11[%get3A_362, %get3A_363] {strides = array<i32>} : memref<80x64xi32, #tpu.memory_space<vmem>>, vector<16xi32>,
        %bitcast3A_365 = vector.bitcast %get3A_364 : vector<16xi32> to vector<32xbf16>
        %get3A_366 = arith.index_cast %add3A_361 : i32 to index
        %get3A_367 = arith.constant 0 : index
        %get3A_368 = tpu.vector_load %arg12[%get3A_366, %get3A_367] {strides = array<i32>} : memref<80x64xi32, #tpu.memory_space<vmem>>, vector<16xi32>,
        %bitcast3A_369 = vector.bitcast %get3A_368 : vector<16xi32> to vector<32xbf16>
        %get3A_370 = arith.index_cast %add3A_361 : i32 to index
        %get3A_371 = arith.constant 0 : index
        %get3A_372 = tpu.vector_load %arg13[%get3A_370, %get3A_371] {strides = array<i32>} : memref<80x64xi32, #tpu.memory_space<vmem>>, vector<16xi32>,
        %bitcast3A_373 = vector.bitcast %get3A_372 : vector<16xi32> to vector<32xbf16>
        %mul3A_374 = arith.mulf %bitcast3A_365, %bitcast3A_369 : vector<32xbf16>
        %mul3A_375 = arith.mulf %mul3A_374, %bitcast3A_373 : vector<32xbf16>
        %bitcast3A_376 = vector.bitcast %mul3A_375 : vector<32xbf16> to vector<16xi32>
        %and3A_377 = arith.andi %bitcast3A_376, %broadcast_in_dim3A_5 : vector<16xi32>
        %bitcast_convert_type3A_378 = tpu.bitcast %and3A_377 : vector<16xi32> -> vector<16xf32>
        %shift_left3A_379 = arith.constant 16 : i32
        %shift_left3A_380 = vector.broadcast %shift_left3A_379 : i32 to vector<16xi32>
        %shift_left3A_381 = arith.shli %bitcast3A_376, %shift_left3A_380 : vector<16xi32>
        %bitcast_convert_type3A_382 = tpu.bitcast %shift_left3A_381 : vector<16xi32> -> vector<16xf32>
        %get3A_383 = arith.index_cast %add3A_361 : i32 to index
        %get3A_384 = arith.constant 16 : index
        %get3A_385 = tpu.vector_load %arg11[%get3A_383, %get3A_384] {strides = array<i32>} : memref<80x64xi32, #tpu.memory_space<vmem>>, vector<16xi32>,
        %bitcast3A_386 = vector.bitcast %get3A_385 : vector<16xi32> to vector<32xbf16>
        %get3A_387 = arith.index_cast %add3A_361 : i32 to index
        %get3A_388 = arith.constant 16 : index
        %get3A_389 = tpu.vector_load %arg12[%get3A_387, %get3A_388] {strides = array<i32>} : memref<80x64xi32, #tpu.memory_space<vmem>>, vector<16xi32>,
        %bitcast3A_390 = vector.bitcast %get3A_389 : vector<16xi32> to vector<32xbf16>
        %get3A_391 = arith.index_cast %add3A_361 : i32 to index
        %get3A_392 = arith.constant 16 : index
        %get3A_393 = tpu.vector_load %arg13[%get3A_391, %get3A_392] {strides = array<i32>} : memref<80x64xi32, #tpu.memory_space<vmem>>, vector<16xi32>,
        %bitcast3A_394 = vector.bitcast %get3A_393 : vector<16xi32> to vector<32xbf16>
        %mul3A_395 = arith.mulf %bitcast3A_386, %bitcast3A_390 : vector<32xbf16>
        %mul3A_396 = arith.mulf %mul3A_395, %bitcast3A_394 : vector<32xbf16>
        %bitcast3A_397 = vector.bitcast %mul3A_396 : vector<32xbf16> to vector<16xi32>
        %and3A_398 = arith.andi %bitcast3A_397, %broadcast_in_dim3A_5 : vector<16xi32>
        %bitcast_convert_type3A_399 = tpu.bitcast %and3A_398 : vector<16xi32> -> vector<16xf32>
        %shift_left3A_400 = arith.constant 16 : i32
        %shift_left3A_401 = vector.broadcast %shift_left3A_400 : i32 to vector<16xi32>
        %shift_left3A_402 = arith.shli %bitcast3A_397, %shift_left3A_401 : vector<16xi32>
        %bitcast_convert_type3A_403 = tpu.bitcast %shift_left3A_402 : vector<16xi32> -> vector<16xf32>
        %add3A_404 = arith.addf %bitcast_convert_type3A_382, %bitcast_convert_type3A_403 : vector<16xf32>
        %add3A_405 = arith.addf %bitcast_convert_type3A_378, %bitcast_convert_type3A_399 : vector<16xf32>
        %get3A_406 = arith.index_cast %add3A_361 : i32 to index
        %get3A_407 = arith.constant 32 : index
        %get3A_408 = tpu.vector_load %arg11[%get3A_406, %get3A_407] {strides = array<i32>} : memref<80x64xi32, #tpu.memory_space<vmem>>, vector<16xi32>,
        %bitcast3A_409 = vector.bitcast %get3A_408 : vector<16xi32> to vector<32xbf16>
        %get3A_410 = arith.index_cast %add3A_361 : i32 to index
        %get3A_411 = arith.constant 32 : index
        %get3A_412 = tpu.vector_load %arg12[%get3A_410, %get3A_411] {strides = array<i32>} : memref<80x64xi32, #tpu.memory_space<vmem>>, vector<16xi32>,
        %bitcast3A_413 = vector.bitcast %get3A_412 : vector<16xi32> to vector<32xbf16>
        %get3A_414 = arith.index_cast %add3A_361 : i32 to index
        %get3A_415 = arith.constant 32 : index
        %get3A_416 = tpu.vector_load %arg13[%get3A_414, %get3A_415] {strides = array<i32>} : memref<80x64xi32, #tpu.memory_space<vmem>>, vector<16xi32>,
        %bitcast3A_417 = vector.bitcast %get3A_416 : vector<16xi32> to vector<32xbf16>
        %mul3A_418 = arith.mulf %bitcast3A_409, %bitcast3A_413 : vector<32xbf16>
        %mul3A_419 = arith.mulf %mul3A_418, %bitcast3A_417 : vector<32xbf16>
        %bitcast3A_420 = vector.bitcast %mul3A_419 : vector<32xbf16> to vector<16xi32>
        %and3A_421 = arith.andi %bitcast3A_420, %broadcast_in_dim3A_5 : vector<16xi32>
        %bitcast_convert_type3A_422 = tpu.bitcast %and3A_421 : vector<16xi32> -> vector<16xf32>
        %shift_left3A_423 = arith.constant 16 : i32
        %shift_left3A_424 = vector.broadcast %shift_left3A_423 : i32 to vector<16xi32>
        %shift_left3A_425 = arith.shli %bitcast3A_420, %shift_left3A_424 : vector<16xi32>
        %bitcast_convert_type3A_426 = tpu.bitcast %shift_left3A_425 : vector<16xi32> -> vector<16xf32>
        %add3A_427 = arith.addf %add3A_404, %bitcast_convert_type3A_426 : vector<16xf32>
        %add3A_428 = arith.addf %add3A_405, %bitcast_convert_type3A_422 : vector<16xf32>
        %get3A_429 = arith.index_cast %add3A_361 : i32 to index
        %get3A_430 = arith.constant 48 : index
        %get3A_431 = tpu.vector_load %arg11[%get3A_429, %get3A_430] {strides = array<i32>} : memref<80x64xi32, #tpu.memory_space<vmem>>, vector<16xi32>,
        %bitcast3A_432 = vector.bitcast %get3A_431 : vector<16xi32> to vector<32xbf16>
        %get3A_433 = arith.index_cast %add3A_361 : i32 to index
        %get3A_434 = arith.constant 48 : index
        %get3A_435 = tpu.vector_load %arg12[%get3A_433, %get3A_434] {strides = array<i32>} : memref<80x64xi32, #tpu.memory_space<vmem>>, vector<16xi32>,
        %bitcast3A_436 = vector.bitcast %get3A_435 : vector<16xi32> to vector<32xbf16>
        %get3A_437 = arith.index_cast %add3A_361 : i32 to index
        %get3A_438 = arith.constant 48 : index
        %get3A_439 = tpu.vector_load %arg13[%get3A_437, %get3A_438] {strides = array<i32>} : memref<80x64xi32, #tpu.memory_space<vmem>>, vector<16xi32>,
        %bitcast3A_440 = vector.bitcast %get3A_439 : vector<16xi32> to vector<32xbf16>
        %mul3A_441 = arith.mulf %bitcast3A_432, %bitcast3A_436 : vector<32xbf16>
        %mul3A_442 = arith.mulf %mul3A_441, %bitcast3A_440 : vector<32xbf16>
        %bitcast3A_443 = vector.bitcast %mul3A_442 : vector<32xbf16> to vector<16xi32>
        %and3A_444 = arith.andi %bitcast3A_443, %broadcast_in_dim3A_5 : vector<16xi32>
        %bitcast_convert_type3A_445 = tpu.bitcast %and3A_444 : vector<16xi32> -> vector<16xf32>
        %shift_left3A_446 = arith.constant 16 : i32
        %shift_left3A_447 = vector.broadcast %shift_left3A_446 : i32 to vector<16xi32>
        %shift_left3A_448 = arith.shli %bitcast3A_443, %shift_left3A_447 : vector<16xi32>
        %bitcast_convert_type3A_449 = tpu.bitcast %shift_left3A_448 : vector<16xi32> -> vector<16xf32>
        %add3A_450 = arith.addf %add3A_427, %bitcast_convert_type3A_449 : vector<16xf32>
        %add3A_451 = arith.addf %add3A_428, %bitcast_convert_type3A_445 : vector<16xf32>
        %add3A_452 = arith.addf %add3A_450, %add3A_451 : vector<16xf32>
        %mul3A_453 = arith.constant 80 : i32
        %mul3A_454 = arith.muli %mul3A_26, %mul3A_453 : i32
        %add3A_455 = arith.addi %mul3A_454, %add3A_361 : i32
        %broadcast_in_dim3A_456 = arith.constant true
        %broadcast_in_dim3A_457 = vector.broadcast %broadcast_in_dim3A_456 : i1 to vector<16xi1>
        %masked_cumsum3A_458 = tpu.scan <sum>, %add3A_452 masked %broadcast_in_dim3A_457 : vector<16xf32>, vector<16xi1> -> vector<16xf32>
        %swap3A_459 = arith.index_cast %add3A_455 : i32 to index
        %swap3A_460 = tpu.vector_load %arg17[%swap3A_459] masked %eq3A_4 {strides = array<i32>} : memref<10016xf32, #tpu.memory_space<vmem>>, vector<16xf32>, vector<16xi1>
        tpu.vector_store %arg17[%swap3A_459], %masked_cumsum3A_458 masked %eq3A_4 {strides = array<i32>} : memref<10016xf32, #tpu.memory_space<vmem>>, vector<16xf32>, vector<16xi1>
        %add3A_461 = arith.constant 4 : i32
        %add3A_462 = arith.addi %mul3A_63, %add3A_461 : i32
        %get3A_463 = arith.index_cast %add3A_462 : i32 to index
        %get3A_464 = arith.constant 0 : index
        %get3A_465 = tpu.vector_load %arg11[%get3A_463, %get3A_464] {strides = array<i32>} : memref<80x64xi32, #tpu.memory_space<vmem>>, vector<16xi32>,
        %bitcast3A_466 = vector.bitcast %get3A_465 : vector<16xi32> to vector<32xbf16>
        %get3A_467 = arith.index_cast %add3A_462 : i32 to index
        %get3A_468 = arith.constant 0 : index
        %get3A_469 = tpu.vector_load %arg12[%get3A_467, %get3A_468] {strides = array<i32>} : memref<80x64xi32, #tpu.memory_space<vmem>>, vector<16xi32>,
        %bitcast3A_470 = vector.bitcast %get3A_469 : vector<16xi32> to vector<32xbf16>
        %get3A_471 = arith.index_cast %add3A_462 : i32 to index
        %get3A_472 = arith.constant 0 : index
        %get3A_473 = tpu.vector_load %arg13[%get3A_471, %get3A_472] {strides = array<i32>} : memref<80x64xi32, #tpu.memory_space<vmem>>, vector<16xi32>,
        %bitcast3A_474 = vector.bitcast %get3A_473 : vector<16xi32> to vector<32xbf16>
        %mul3A_475 = arith.mulf %bitcast3A_466, %bitcast3A_470 : vector<32xbf16>
        %mul3A_476 = arith.mulf %mul3A_475, %bitcast3A_474 : vector<32xbf16>
        %bitcast3A_477 = vector.bitcast %mul3A_476 : vector<32xbf16> to vector<16xi32>
        %and3A_478 = arith.andi %bitcast3A_477, %broadcast_in_dim3A_5 : vector<16xi32>
        %bitcast_convert_type3A_479 = tpu.bitcast %and3A_478 : vector<16xi32> -> vector<16xf32>
        %shift_left3A_480 = arith.constant 16 : i32
        %shift_left3A_481 = vector.broadcast %shift_left3A_480 : i32 to vector<16xi32>
        %shift_left3A_482 = arith.shli %bitcast3A_477, %shift_left3A_481 : vector<16xi32>
        %bitcast_convert_type3A_483 = tpu.bitcast %shift_left3A_482 : vector<16xi32> -> vector<16xf32>
        %get3A_484 = arith.index_cast %add3A_462 : i32 to index
        %get3A_485 = arith.constant 16 : index
        %get3A_486 = tpu.vector_load %arg11[%get3A_484, %get3A_485] {strides = array<i32>} : memref<80x64xi32, #tpu.memory_space<vmem>>, vector<16xi32>,
        %bitcast3A_487 = vector.bitcast %get3A_486 : vector<16xi32> to vector<32xbf16>
        %get3A_488 = arith.index_cast %add3A_462 : i32 to index
        %get3A_489 = arith.constant 16 : index
        %get3A_490 = tpu.vector_load %arg12[%get3A_488, %get3A_489] {strides = array<i32>} : memref<80x64xi32, #tpu.memory_space<vmem>>, vector<16xi32>,
        %bitcast3A_491 = vector.bitcast %get3A_490 : vector<16xi32> to vector<32xbf16>
        %get3A_492 = arith.index_cast %add3A_462 : i32 to index
        %get3A_493 = arith.constant 16 : index
        %get3A_494 = tpu.vector_load %arg13[%get3A_492, %get3A_493] {strides = array<i32>} : memref<80x64xi32, #tpu.memory_space<vmem>>, vector<16xi32>,
        %bitcast3A_495 = vector.bitcast %get3A_494 : vector<16xi32> to vector<32xbf16>
        %mul3A_496 = arith.mulf %bitcast3A_487, %bitcast3A_491 : vector<32xbf16>
        %mul3A_497 = arith.mulf %mul3A_496, %bitcast3A_495 : vector<32xbf16>
        %bitcast3A_498 = vector.bitcast %mul3A_497 : vector<32xbf16> to vector<16xi32>
        %and3A_499 = arith.andi %bitcast3A_498, %broadcast_in_dim3A_5 : vector<16xi32>
        %bitcast_convert_type3A_500 = tpu.bitcast %and3A_499 : vector<16xi32> -> vector<16xf32>
        %shift_left3A_501 = arith.constant 16 : i32
        %shift_left3A_502 = vector.broadcast %shift_left3A_501 : i32 to vector<16xi32>
        %shift_left3A_503 = arith.shli %bitcast3A_498, %shift_left3A_502 : vector<16xi32>
        %bitcast_convert_type3A_504 = tpu.bitcast %shift_left3A_503 : vector<16xi32> -> vector<16xf32>
        %add3A_505 = arith.addf %bitcast_convert_type3A_483, %bitcast_convert_type3A_504 : vector<16xf32>
        %add3A_506 = arith.addf %bitcast_convert_type3A_479, %bitcast_convert_type3A_500 : vector<16xf32>
        %get3A_507 = arith.index_cast %add3A_462 : i32 to index
        %get3A_508 = arith.constant 32 : index
        %get3A_509 = tpu.vector_load %arg11[%get3A_507, %get3A_508] {strides = array<i32>} : memref<80x64xi32, #tpu.memory_space<vmem>>, vector<16xi32>,
        %bitcast3A_510 = vector.bitcast %get3A_509 : vector<16xi32> to vector<32xbf16>
        %get3A_511 = arith.index_cast %add3A_462 : i32 to index
        %get3A_512 = arith.constant 32 : index
        %get3A_513 = tpu.vector_load %arg12[%get3A_511, %get3A_512] {strides = array<i32>} : memref<80x64xi32, #tpu.memory_space<vmem>>, vector<16xi32>,
        %bitcast3A_514 = vector.bitcast %get3A_513 : vector<16xi32> to vector<32xbf16>
        %get3A_515 = arith.index_cast %add3A_462 : i32 to index
        %get3A_516 = arith.constant 32 : index
        %get3A_517 = tpu.vector_load %arg13[%get3A_515, %get3A_516] {strides = array<i32>} : memref<80x64xi32, #tpu.memory_space<vmem>>, vector<16xi32>,
        %bitcast3A_518 = vector.bitcast %get3A_517 : vector<16xi32> to vector<32xbf16>
        %mul3A_519 = arith.mulf %bitcast3A_510, %bitcast3A_514 : vector<32xbf16>
        %mul3A_520 = arith.mulf %mul3A_519, %bitcast3A_518 : vector<32xbf16>
        %bitcast3A_521 = vector.bitcast %mul3A_520 : vector<32xbf16> to vector<16xi32>
        %and3A_522 = arith.andi %bitcast3A_521, %broadcast_in_dim3A_5 : vector<16xi32>
        %bitcast_convert_type3A_523 = tpu.bitcast %and3A_522 : vector<16xi32> -> vector<16xf32>
        %shift_left3A_524 = arith.constant 16 : i32
        %shift_left3A_525 = vector.broadcast %shift_left3A_524 : i32 to vector<16xi32>
        %shift_left3A_526 = arith.shli %bitcast3A_521, %shift_left3A_525 : vector<16xi32>
        %bitcast_convert_type3A_527 = tpu.bitcast %shift_left3A_526 : vector<16xi32> -> vector<16xf32>
        %add3A_528 = arith.addf %add3A_505, %bitcast_convert_type3A_527 : vector<16xf32>
        %add3A_529 = arith.addf %add3A_506, %bitcast_convert_type3A_523 : vector<16xf32>
        %get3A_530 = arith.index_cast %add3A_462 : i32 to index
        %get3A_531 = arith.constant 48 : index
        %get3A_532 = tpu.vector_load %arg11[%get3A_530, %get3A_531] {strides = array<i32>} : memref<80x64xi32, #tpu.memory_space<vmem>>, vector<16xi32>,
        %bitcast3A_533 = vector.bitcast %get3A_532 : vector<16xi32> to vector<32xbf16>
        %get3A_534 = arith.index_cast %add3A_462 : i32 to index
        %get3A_535 = arith.constant 48 : index
        %get3A_536 = tpu.vector_load %arg12[%get3A_534, %get3A_535] {strides = array<i32>} : memref<80x64xi32, #tpu.memory_space<vmem>>, vector<16xi32>,
        %bitcast3A_537 = vector.bitcast %get3A_536 : vector<16xi32> to vector<32xbf16>
        %get3A_538 = arith.index_cast %add3A_462 : i32 to index
        %get3A_539 = arith.constant 48 : index
        %get3A_540 = tpu.vector_load %arg13[%get3A_538, %get3A_539] {strides = array<i32>} : memref<80x64xi32, #tpu.memory_space<vmem>>, vector<16xi32>,
        %bitcast3A_541 = vector.bitcast %get3A_540 : vector<16xi32> to vector<32xbf16>
        %mul3A_542 = arith.mulf %bitcast3A_533, %bitcast3A_537 : vector<32xbf16>
        %mul3A_543 = arith.mulf %mul3A_542, %bitcast3A_541 : vector<32xbf16>
        %bitcast3A_544 = vector.bitcast %mul3A_543 : vector<32xbf16> to vector<16xi32>
        %and3A_545 = arith.andi %bitcast3A_544, %broadcast_in_dim3A_5 : vector<16xi32>
        %bitcast_convert_type3A_546 = tpu.bitcast %and3A_545 : vector<16xi32> -> vector<16xf32>
        %shift_left3A_547 = arith.constant 16 : i32
        %shift_left3A_548 = vector.broadcast %shift_left3A_547 : i32 to vector<16xi32>
        %shift_left3A_549 = arith.shli %bitcast3A_544, %shift_left3A_548 : vector<16xi32>
        %bitcast_convert_type3A_550 = tpu.bitcast %shift_left3A_549 : vector<16xi32> -> vector<16xf32>
        %add3A_551 = arith.addf %add3A_528, %bitcast_convert_type3A_550 : vector<16xf32>
        %add3A_552 = arith.addf %add3A_529, %bitcast_convert_type3A_546 : vector<16xf32>
        %add3A_553 = arith.addf %add3A_551, %add3A_552 : vector<16xf32>
        %mul3A_554 = arith.constant 80 : i32
        %mul3A_555 = arith.muli %mul3A_26, %mul3A_554 : i32
        %add3A_556 = arith.addi %mul3A_555, %add3A_462 : i32
        %broadcast_in_dim3A_557 = arith.constant true
        %broadcast_in_dim3A_558 = vector.broadcast %broadcast_in_dim3A_557 : i1 to vector<16xi1>
        %masked_cumsum3A_559 = tpu.scan <sum>, %add3A_553 masked %broadcast_in_dim3A_558 : vector<16xf32>, vector<16xi1> -> vector<16xf32>
        %swap3A_560 = arith.index_cast %add3A_556 : i32 to index
        %swap3A_561 = tpu.vector_load %arg17[%swap3A_560] masked %eq3A_4 {strides = array<i32>} : memref<10016xf32, #tpu.memory_space<vmem>>, vector<16xf32>, vector<16xi1>
        tpu.vector_store %arg17[%swap3A_560], %masked_cumsum3A_559 masked %eq3A_4 {strides = array<i32>} : memref<10016xf32, #tpu.memory_space<vmem>>, vector<16xf32>, vector<16xi1>
        %add3A_562 = arith.constant 5 : i32
        %add3A_563 = arith.addi %mul3A_63, %add3A_562 : i32
        %get3A_564 = arith.index_cast %add3A_563 : i32 to index
        %get3A_565 = arith.constant 0 : index
        %get3A_566 = tpu.vector_load %arg11[%get3A_564, %get3A_565] {strides = array<i32>} : memref<80x64xi32, #tpu.memory_space<vmem>>, vector<16xi32>,
        %bitcast3A_567 = vector.bitcast %get3A_566 : vector<16xi32> to vector<32xbf16>
        %get3A_568 = arith.index_cast %add3A_563 : i32 to index
        %get3A_569 = arith.constant 0 : index
        %get3A_570 = tpu.vector_load %arg12[%get3A_568, %get3A_569] {strides = array<i32>} : memref<80x64xi32, #tpu.memory_space<vmem>>, vector<16xi32>,
        %bitcast3A_571 = vector.bitcast %get3A_570 : vector<16xi32> to vector<32xbf16>
        %get3A_572 = arith.index_cast %add3A_563 : i32 to index
        %get3A_573 = arith.constant 0 : index
        %get3A_574 = tpu.vector_load %arg13[%get3A_572, %get3A_573] {strides = array<i32>} : memref<80x64xi32, #tpu.memory_space<vmem>>, vector<16xi32>,
        %bitcast3A_575 = vector.bitcast %get3A_574 : vector<16xi32> to vector<32xbf16>
        %mul3A_576 = arith.mulf %bitcast3A_567, %bitcast3A_571 : vector<32xbf16>
        %mul3A_577 = arith.mulf %mul3A_576, %bitcast3A_575 : vector<32xbf16>
        %bitcast3A_578 = vector.bitcast %mul3A_577 : vector<32xbf16> to vector<16xi32>
        %and3A_579 = arith.andi %bitcast3A_578, %broadcast_in_dim3A_5 : vector<16xi32>
        %bitcast_convert_type3A_580 = tpu.bitcast %and3A_579 : vector<16xi32> -> vector<16xf32>
        %shift_left3A_581 = arith.constant 16 : i32
        %shift_left3A_582 = vector.broadcast %shift_left3A_581 : i32 to vector<16xi32>
        %shift_left3A_583 = arith.shli %bitcast3A_578, %shift_left3A_582 : vector<16xi32>
        %bitcast_convert_type3A_584 = tpu.bitcast %shift_left3A_583 : vector<16xi32> -> vector<16xf32>
        %get3A_585 = arith.index_cast %add3A_563 : i32 to index
        %get3A_586 = arith.constant 16 : index
        %get3A_587 = tpu.vector_load %arg11[%get3A_585, %get3A_586] {strides = array<i32>} : memref<80x64xi32, #tpu.memory_space<vmem>>, vector<16xi32>,
        %bitcast3A_588 = vector.bitcast %get3A_587 : vector<16xi32> to vector<32xbf16>
        %get3A_589 = arith.index_cast %add3A_563 : i32 to index
        %get3A_590 = arith.constant 16 : index
        %get3A_591 = tpu.vector_load %arg12[%get3A_589, %get3A_590] {strides = array<i32>} : memref<80x64xi32, #tpu.memory_space<vmem>>, vector<16xi32>,
        %bitcast3A_592 = vector.bitcast %get3A_591 : vector<16xi32> to vector<32xbf16>
        %get3A_593 = arith.index_cast %add3A_563 : i32 to index
        %get3A_594 = arith.constant 16 : index
        %get3A_595 = tpu.vector_load %arg13[%get3A_593, %get3A_594] {strides = array<i32>} : memref<80x64xi32, #tpu.memory_space<vmem>>, vector<16xi32>,
        %bitcast3A_596 = vector.bitcast %get3A_595 : vector<16xi32> to vector<32xbf16>
        %mul3A_597 = arith.mulf %bitcast3A_588, %bitcast3A_592 : vector<32xbf16>
        %mul3A_598 = arith.mulf %mul3A_597, %bitcast3A_596 : vector<32xbf16>
        %bitcast3A_599 = vector.bitcast %mul3A_598 : vector<32xbf16> to vector<16xi32>
        %and3A_600 = arith.andi %bitcast3A_599, %broadcast_in_dim3A_5 : vector<16xi32>
        %bitcast_convert_type3A_601 = tpu.bitcast %and3A_600 : vector<16xi32> -> vector<16xf32>
        %shift_left3A_602 = arith.constant 16 : i32
        %shift_left3A_603 = vector.broadcast %shift_left3A_602 : i32 to vector<16xi32>
        %shift_left3A_604 = arith.shli %bitcast3A_599, %shift_left3A_603 : vector<16xi32>
        %bitcast_convert_type3A_605 = tpu.bitcast %shift_left3A_604 : vector<16xi32> -> vector<16xf32>
        %add3A_606 = arith.addf %bitcast_convert_type3A_584, %bitcast_convert_type3A_605 : vector<16xf32>
        %add3A_607 = arith.addf %bitcast_convert_type3A_580, %bitcast_convert_type3A_601 : vector<16xf32>
        %get3A_608 = arith.index_cast %add3A_563 : i32 to index
        %get3A_609 = arith.constant 32 : index
        %get3A_610 = tpu.vector_load %arg11[%get3A_608, %get3A_609] {strides = array<i32>} : memref<80x64xi32, #tpu.memory_space<vmem>>, vector<16xi32>,
        %bitcast3A_611 = vector.bitcast %get3A_610 : vector<16xi32> to vector<32xbf16>
        %get3A_612 = arith.index_cast %add3A_563 : i32 to index
        %get3A_613 = arith.constant 32 : index
        %get3A_614 = tpu.vector_load %arg12[%get3A_612, %get3A_613] {strides = array<i32>} : memref<80x64xi32, #tpu.memory_space<vmem>>, vector<16xi32>,
        %bitcast3A_615 = vector.bitcast %get3A_614 : vector<16xi32> to vector<32xbf16>
        %get3A_616 = arith.index_cast %add3A_563 : i32 to index
        %get3A_617 = arith.constant 32 : index
        %get3A_618 = tpu.vector_load %arg13[%get3A_616, %get3A_617] {strides = array<i32>} : memref<80x64xi32, #tpu.memory_space<vmem>>, vector<16xi32>,
        %bitcast3A_619 = vector.bitcast %get3A_618 : vector<16xi32> to vector<32xbf16>
        %mul3A_620 = arith.mulf %bitcast3A_611, %bitcast3A_615 : vector<32xbf16>
        %mul3A_621 = arith.mulf %mul3A_620, %bitcast3A_619 : vector<32xbf16>
        %bitcast3A_622 = vector.bitcast %mul3A_621 : vector<32xbf16> to vector<16xi32>
        %and3A_623 = arith.andi %bitcast3A_622, %broadcast_in_dim3A_5 : vector<16xi32>
        %bitcast_convert_type3A_624 = tpu.bitcast %and3A_623 : vector<16xi32> -> vector<16xf32>
        %shift_left3A_625 = arith.constant 16 : i32
        %shift_left3A_626 = vector.broadcast %shift_left3A_625 : i32 to vector<16xi32>
        %shift_left3A_627 = arith.shli %bitcast3A_622, %shift_left3A_626 : vector<16xi32>
        %bitcast_convert_type3A_628 = tpu.bitcast %shift_left3A_627 : vector<16xi32> -> vector<16xf32>
        %add3A_629 = arith.addf %add3A_606, %bitcast_convert_type3A_628 : vector<16xf32>
        %add3A_630 = arith.addf %add3A_607, %bitcast_convert_type3A_624 : vector<16xf32>
        %get3A_631 = arith.index_cast %add3A_563 : i32 to index
        %get3A_632 = arith.constant 48 : index
        %get3A_633 = tpu.vector_load %arg11[%get3A_631, %get3A_632] {strides = array<i32>} : memref<80x64xi32, #tpu.memory_space<vmem>>, vector<16xi32>,
        %bitcast3A_634 = vector.bitcast %get3A_633 : vector<16xi32> to vector<32xbf16>
        %get3A_635 = arith.index_cast %add3A_563 : i32 to index
        %get3A_636 = arith.constant 48 : index
        %get3A_637 = tpu.vector_load %arg12[%get3A_635, %get3A_636] {strides = array<i32>} : memref<80x64xi32, #tpu.memory_space<vmem>>, vector<16xi32>,
        %bitcast3A_638 = vector.bitcast %get3A_637 : vector<16xi32> to vector<32xbf16>
        %get3A_639 = arith.index_cast %add3A_563 : i32 to index
        %get3A_640 = arith.constant 48 : index
        %get3A_641 = tpu.vector_load %arg13[%get3A_639, %get3A_640] {strides = array<i32>} : memref<80x64xi32, #tpu.memory_space<vmem>>, vector<16xi32>,
        %bitcast3A_642 = vector.bitcast %get3A_641 : vector<16xi32> to vector<32xbf16>
        %mul3A_643 = arith.mulf %bitcast3A_634, %bitcast3A_638 : vector<32xbf16>
        %mul3A_644 = arith.mulf %mul3A_643, %bitcast3A_642 : vector<32xbf16>
        %bitcast3A_645 = vector.bitcast %mul3A_644 : vector<32xbf16> to vector<16xi32>
        %and3A_646 = arith.andi %bitcast3A_645, %broadcast_in_dim3A_5 : vector<16xi32>
        %bitcast_convert_type3A_647 = tpu.bitcast %and3A_646 : vector<16xi32> -> vector<16xf32>
        %shift_left3A_648 = arith.constant 16 : i32
        %shift_left3A_649 = vector.broadcast %shift_left3A_648 : i32 to vector<16xi32>
        %shift_left3A_650 = arith.shli %bitcast3A_645, %shift_left3A_649 : vector<16xi32>
        %bitcast_convert_type3A_651 = tpu.bitcast %shift_left3A_650 : vector<16xi32> -> vector<16xf32>
        %add3A_652 = arith.addf %add3A_629, %bitcast_convert_type3A_651 : vector<16xf32>
        %add3A_653 = arith.addf %add3A_630, %bitcast_convert_type3A_647 : vector<16xf32>
        %add3A_654 = arith.addf %add3A_652, %add3A_653 : vector<16xf32>
        %mul3A_655 = arith.constant 80 : i32
        %mul3A_656 = arith.muli %mul3A_26, %mul3A_655 : i32
        %add3A_657 = arith.addi %mul3A_656, %add3A_563 : i32
        %broadcast_in_dim3A_658 = arith.constant true
        %broadcast_in_dim3A_659 = vector.broadcast %broadcast_in_dim3A_658 : i1 to vector<16xi1>
        %masked_cumsum3A_660 = tpu.scan <sum>, %add3A_654 masked %broadcast_in_dim3A_659 : vector<16xf32>, vector<16xi1> -> vector<16xf32>
        %swap3A_661 = arith.index_cast %add3A_657 : i32 to index
        %swap3A_662 = tpu.vector_load %arg17[%swap3A_661] masked %eq3A_4 {strides = array<i32>} : memref<10016xf32, #tpu.memory_space<vmem>>, vector<16xf32>, vector<16xi1>
        tpu.vector_store %arg17[%swap3A_661], %masked_cumsum3A_660 masked %eq3A_4 {strides = array<i32>} : memref<10016xf32, #tpu.memory_space<vmem>>, vector<16xf32>, vector<16xi1>
        %add3A_663 = arith.constant 6 : i32
        %add3A_664 = arith.addi %mul3A_63, %add3A_663 : i32
        %get3A_665 = arith.index_cast %add3A_664 : i32 to index
        %get3A_666 = arith.constant 0 : index
        %get3A_667 = tpu.vector_load %arg11[%get3A_665, %get3A_666] {strides = array<i32>} : memref<80x64xi32, #tpu.memory_space<vmem>>, vector<16xi32>,
        %bitcast3A_668 = vector.bitcast %get3A_667 : vector<16xi32> to vector<32xbf16>
        %get3A_669 = arith.index_cast %add3A_664 : i32 to index
        %get3A_670 = arith.constant 0 : index
        %get3A_671 = tpu.vector_load %arg12[%get3A_669, %get3A_670] {strides = array<i32>} : memref<80x64xi32, #tpu.memory_space<vmem>>, vector<16xi32>,
        %bitcast3A_672 = vector.bitcast %get3A_671 : vector<16xi32> to vector<32xbf16>
        %get3A_673 = arith.index_cast %add3A_664 : i32 to index
        %get3A_674 = arith.constant 0 : index
        %get3A_675 = tpu.vector_load %arg13[%get3A_673, %get3A_674] {strides = array<i32>} : memref<80x64xi32, #tpu.memory_space<vmem>>, vector<16xi32>,
        %bitcast3A_676 = vector.bitcast %get3A_675 : vector<16xi32> to vector<32xbf16>
        %mul3A_677 = arith.mulf %bitcast3A_668, %bitcast3A_672 : vector<32xbf16>
        %mul3A_678 = arith.mulf %mul3A_677, %bitcast3A_676 : vector<32xbf16>
        %bitcast3A_679 = vector.bitcast %mul3A_678 : vector<32xbf16> to vector<16xi32>
        %and3A_680 = arith.andi %bitcast3A_679, %broadcast_in_dim3A_5 : vector<16xi32>
        %bitcast_convert_type3A_681 = tpu.bitcast %and3A_680 : vector<16xi32> -> vector<16xf32>
        %shift_left3A_682 = arith.constant 16 : i32
        %shift_left3A_683 = vector.broadcast %shift_left3A_682 : i32 to vector<16xi32>
        %shift_left3A_684 = arith.shli %bitcast3A_679, %shift_left3A_683 : vector<16xi32>
        %bitcast_convert_type3A_685 = tpu.bitcast %shift_left3A_684 : vector<16xi32> -> vector<16xf32>
        %get3A_686 = arith.index_cast %add3A_664 : i32 to index
        %get3A_687 = arith.constant 16 : index
        %get3A_688 = tpu.vector_load %arg11[%get3A_686, %get3A_687] {strides = array<i32>} : memref<80x64xi32, #tpu.memory_space<vmem>>, vector<16xi32>,
        %bitcast3A_689 = vector.bitcast %get3A_688 : vector<16xi32> to vector<32xbf16>
        %get3A_690 = arith.index_cast %add3A_664 : i32 to index
        %get3A_691 = arith.constant 16 : index
        %get3A_692 = tpu.vector_load %arg12[%get3A_690, %get3A_691] {strides = array<i32>} : memref<80x64xi32, #tpu.memory_space<vmem>>, vector<16xi32>,
        %bitcast3A_693 = vector.bitcast %get3A_692 : vector<16xi32> to vector<32xbf16>
        %get3A_694 = arith.index_cast %add3A_664 : i32 to index
        %get3A_695 = arith.constant 16 : index
        %get3A_696 = tpu.vector_load %arg13[%get3A_694, %get3A_695] {strides = array<i32>} : memref<80x64xi32, #tpu.memory_space<vmem>>, vector<16xi32>,
        %bitcast3A_697 = vector.bitcast %get3A_696 : vector<16xi32> to vector<32xbf16>
        %mul3A_698 = arith.mulf %bitcast3A_689, %bitcast3A_693 : vector<32xbf16>
        %mul3A_699 = arith.mulf %mul3A_698, %bitcast3A_697 : vector<32xbf16>
        %bitcast3A_700 = vector.bitcast %mul3A_699 : vector<32xbf16> to vector<16xi32>
        %and3A_701 = arith.andi %bitcast3A_700, %broadcast_in_dim3A_5 : vector<16xi32>
        %bitcast_convert_type3A_702 = tpu.bitcast %and3A_701 : vector<16xi32> -> vector<16xf32>
        %shift_left3A_703 = arith.constant 16 : i32
        %shift_left3A_704 = vector.broadcast %shift_left3A_703 : i32 to vector<16xi32>
        %shift_left3A_705 = arith.shli %bitcast3A_700, %shift_left3A_704 : vector<16xi32>
        %bitcast_convert_type3A_706 = tpu.bitcast %shift_left3A_705 : vector<16xi32> -> vector<16xf32>
        %add3A_707 = arith.addf %bitcast_convert_type3A_685, %bitcast_convert_type3A_706 : vector<16xf32>
        %add3A_708 = arith.addf %bitcast_convert_type3A_681, %bitcast_convert_type3A_702 : vector<16xf32>
        %get3A_709 = arith.index_cast %add3A_664 : i32 to index
        %get3A_710 = arith.constant 32 : index
        %get3A_711 = tpu.vector_load %arg11[%get3A_709, %get3A_710] {strides = array<i32>} : memref<80x64xi32, #tpu.memory_space<vmem>>, vector<16xi32>,
        %bitcast3A_712 = vector.bitcast %get3A_711 : vector<16xi32> to vector<32xbf16>
        %get3A_713 = arith.index_cast %add3A_664 : i32 to index
        %get3A_714 = arith.constant 32 : index
        %get3A_715 = tpu.vector_load %arg12[%get3A_713, %get3A_714] {strides = array<i32>} : memref<80x64xi32, #tpu.memory_space<vmem>>, vector<16xi32>,
        %bitcast3A_716 = vector.bitcast %get3A_715 : vector<16xi32> to vector<32xbf16>
        %get3A_717 = arith.index_cast %add3A_664 : i32 to index
        %get3A_718 = arith.constant 32 : index
        %get3A_719 = tpu.vector_load %arg13[%get3A_717, %get3A_718] {strides = array<i32>} : memref<80x64xi32, #tpu.memory_space<vmem>>, vector<16xi32>,
        %bitcast3A_720 = vector.bitcast %get3A_719 : vector<16xi32> to vector<32xbf16>
        %mul3A_721 = arith.mulf %bitcast3A_712, %bitcast3A_716 : vector<32xbf16>
        %mul3A_722 = arith.mulf %mul3A_721, %bitcast3A_720 : vector<32xbf16>
        %bitcast3A_723 = vector.bitcast %mul3A_722 : vector<32xbf16> to vector<16xi32>
        %and3A_724 = arith.andi %bitcast3A_723, %broadcast_in_dim3A_5 : vector<16xi32>
        %bitcast_convert_type3A_725 = tpu.bitcast %and3A_724 : vector<16xi32> -> vector<16xf32>
        %shift_left3A_726 = arith.constant 16 : i32
        %shift_left3A_727 = vector.broadcast %shift_left3A_726 : i32 to vector<16xi32>
        %shift_left3A_728 = arith.shli %bitcast3A_723, %shift_left3A_727 : vector<16xi32>
        %bitcast_convert_type3A_729 = tpu.bitcast %shift_left3A_728 : vector<16xi32> -> vector<16xf32>
        %add3A_730 = arith.addf %add3A_707, %bitcast_convert_type3A_729 : vector<16xf32>
        %add3A_731 = arith.addf %add3A_708, %bitcast_convert_type3A_725 : vector<16xf32>
        %get3A_732 = arith.index_cast %add3A_664 : i32 to index
        %get3A_733 = arith.constant 48 : index
        %get3A_734 = tpu.vector_load %arg11[%get3A_732, %get3A_733] {strides = array<i32>} : memref<80x64xi32, #tpu.memory_space<vmem>>, vector<16xi32>,
        %bitcast3A_735 = vector.bitcast %get3A_734 : vector<16xi32> to vector<32xbf16>
        %get3A_736 = arith.index_cast %add3A_664 : i32 to index
        %get3A_737 = arith.constant 48 : index
        %get3A_738 = tpu.vector_load %arg12[%get3A_736, %get3A_737] {strides = array<i32>} : memref<80x64xi32, #tpu.memory_space<vmem>>, vector<16xi32>,
        %bitcast3A_739 = vector.bitcast %get3A_738 : vector<16xi32> to vector<32xbf16>
        %get3A_740 = arith.index_cast %add3A_664 : i32 to index
        %get3A_741 = arith.constant 48 : index
        %get3A_742 = tpu.vector_load %arg13[%get3A_740, %get3A_741] {strides = array<i32>} : memref<80x64xi32, #tpu.memory_space<vmem>>, vector<16xi32>,
        %bitcast3A_743 = vector.bitcast %get3A_742 : vector<16xi32> to vector<32xbf16>
        %mul3A_744 = arith.mulf %bitcast3A_735, %bitcast3A_739 : vector<32xbf16>
        %mul3A_745 = arith.mulf %mul3A_744, %bitcast3A_743 : vector<32xbf16>
        %bitcast3A_746 = vector.bitcast %mul3A_745 : vector<32xbf16> to vector<16xi32>
        %and3A_747 = arith.andi %bitcast3A_746, %broadcast_in_dim3A_5 : vector<16xi32>
        %bitcast_convert_type3A_748 = tpu.bitcast %and3A_747 : vector<16xi32> -> vector<16xf32>
        %shift_left3A_749 = arith.constant 16 : i32
        %shift_left3A_750 = vector.broadcast %shift_left3A_749 : i32 to vector<16xi32>
        %shift_left3A_751 = arith.shli %bitcast3A_746, %shift_left3A_750 : vector<16xi32>
        %bitcast_convert_type3A_752 = tpu.bitcast %shift_left3A_751 : vector<16xi32> -> vector<16xf32>
        %add3A_753 = arith.addf %add3A_730, %bitcast_convert_type3A_752 : vector<16xf32>
        %add3A_754 = arith.addf %add3A_731, %bitcast_convert_type3A_748 : vector<16xf32>
        %add3A_755 = arith.addf %add3A_753, %add3A_754 : vector<16xf32>
        %mul3A_756 = arith.constant 80 : i32
        %mul3A_757 = arith.muli %mul3A_26, %mul3A_756 : i32
        %add3A_758 = arith.addi %mul3A_757, %add3A_664 : i32
        %broadcast_in_dim3A_759 = arith.constant true
        %broadcast_in_dim3A_760 = vector.broadcast %broadcast_in_dim3A_759 : i1 to vector<16xi1>
        %masked_cumsum3A_761 = tpu.scan <sum>, %add3A_755 masked %broadcast_in_dim3A_760 : vector<16xf32>, vector<16xi1> -> vector<16xf32>
        %swap3A_762 = arith.index_cast %add3A_758 : i32 to index
        %swap3A_763 = tpu.vector_load %arg17[%swap3A_762] masked %eq3A_4 {strides = array<i32>} : memref<10016xf32, #tpu.memory_space<vmem>>, vector<16xf32>, vector<16xi1>
        tpu.vector_store %arg17[%swap3A_762], %masked_cumsum3A_761 masked %eq3A_4 {strides = array<i32>} : memref<10016xf32, #tpu.memory_space<vmem>>, vector<16xf32>, vector<16xi1>
        %add3A_764 = arith.constant 7 : i32
        %add3A_765 = arith.addi %mul3A_63, %add3A_764 : i32
        %get3A_766 = arith.index_cast %add3A_765 : i32 to index
        %get3A_767 = arith.constant 0 : index
        %get3A_768 = tpu.vector_load %arg11[%get3A_766, %get3A_767] {strides = array<i32>} : memref<80x64xi32, #tpu.memory_space<vmem>>, vector<16xi32>,
        %bitcast3A_769 = vector.bitcast %get3A_768 : vector<16xi32> to vector<32xbf16>
        %get3A_770 = arith.index_cast %add3A_765 : i32 to index
        %get3A_771 = arith.constant 0 : index
        %get3A_772 = tpu.vector_load %arg12[%get3A_770, %get3A_771] {strides = array<i32>} : memref<80x64xi32, #tpu.memory_space<vmem>>, vector<16xi32>,
        %bitcast3A_773 = vector.bitcast %get3A_772 : vector<16xi32> to vector<32xbf16>
        %get3A_774 = arith.index_cast %add3A_765 : i32 to index
        %get3A_775 = arith.constant 0 : index
        %get3A_776 = tpu.vector_load %arg13[%get3A_774, %get3A_775] {strides = array<i32>} : memref<80x64xi32, #tpu.memory_space<vmem>>, vector<16xi32>,
        %bitcast3A_777 = vector.bitcast %get3A_776 : vector<16xi32> to vector<32xbf16>
        %mul3A_778 = arith.mulf %bitcast3A_769, %bitcast3A_773 : vector<32xbf16>
        %mul3A_779 = arith.mulf %mul3A_778, %bitcast3A_777 : vector<32xbf16>
        %bitcast3A_780 = vector.bitcast %mul3A_779 : vector<32xbf16> to vector<16xi32>
        %and3A_781 = arith.andi %bitcast3A_780, %broadcast_in_dim3A_5 : vector<16xi32>
        %bitcast_convert_type3A_782 = tpu.bitcast %and3A_781 : vector<16xi32> -> vector<16xf32>
        %shift_left3A_783 = arith.constant 16 : i32
        %shift_left3A_784 = vector.broadcast %shift_left3A_783 : i32 to vector<16xi32>
        %shift_left3A_785 = arith.shli %bitcast3A_780, %shift_left3A_784 : vector<16xi32>
        %bitcast_convert_type3A_786 = tpu.bitcast %shift_left3A_785 : vector<16xi32> -> vector<16xf32>
        %get3A_787 = arith.index_cast %add3A_765 : i32 to index
        %get3A_788 = arith.constant 16 : index
        %get3A_789 = tpu.vector_load %arg11[%get3A_787, %get3A_788] {strides = array<i32>} : memref<80x64xi32, #tpu.memory_space<vmem>>, vector<16xi32>,
        %bitcast3A_790 = vector.bitcast %get3A_789 : vector<16xi32> to vector<32xbf16>
        %get3A_791 = arith.index_cast %add3A_765 : i32 to index
        %get3A_792 = arith.constant 16 : index
        %get3A_793 = tpu.vector_load %arg12[%get3A_791, %get3A_792] {strides = array<i32>} : memref<80x64xi32, #tpu.memory_space<vmem>>, vector<16xi32>,
        %bitcast3A_794 = vector.bitcast %get3A_793 : vector<16xi32> to vector<32xbf16>
        %get3A_795 = arith.index_cast %add3A_765 : i32 to index
        %get3A_796 = arith.constant 16 : index
        %get3A_797 = tpu.vector_load %arg13[%get3A_795, %get3A_796] {strides = array<i32>} : memref<80x64xi32, #tpu.memory_space<vmem>>, vector<16xi32>,
        %bitcast3A_798 = vector.bitcast %get3A_797 : vector<16xi32> to vector<32xbf16>
        %mul3A_799 = arith.mulf %bitcast3A_790, %bitcast3A_794 : vector<32xbf16>
        %mul3A_800 = arith.mulf %mul3A_799, %bitcast3A_798 : vector<32xbf16>
        %bitcast3A_801 = vector.bitcast %mul3A_800 : vector<32xbf16> to vector<16xi32>
        %and3A_802 = arith.andi %bitcast3A_801, %broadcast_in_dim3A_5 : vector<16xi32>
        %bitcast_convert_type3A_803 = tpu.bitcast %and3A_802 : vector<16xi32> -> vector<16xf32>
        %shift_left3A_804 = arith.constant 16 : i32
        %shift_left3A_805 = vector.broadcast %shift_left3A_804 : i32 to vector<16xi32>
        %shift_left3A_806 = arith.shli %bitcast3A_801, %shift_left3A_805 : vector<16xi32>
        %bitcast_convert_type3A_807 = tpu.bitcast %shift_left3A_806 : vector<16xi32> -> vector<16xf32>
        %add3A_808 = arith.addf %bitcast_convert_type3A_786, %bitcast_convert_type3A_807 : vector<16xf32>
        %add3A_809 = arith.addf %bitcast_convert_type3A_782, %bitcast_convert_type3A_803 : vector<16xf32>
        %get3A_810 = arith.index_cast %add3A_765 : i32 to index
        %get3A_811 = arith.constant 32 : index
        %get3A_812 = tpu.vector_load %arg11[%get3A_810, %get3A_811] {strides = array<i32>} : memref<80x64xi32, #tpu.memory_space<vmem>>, vector<16xi32>,
        %bitcast3A_813 = vector.bitcast %get3A_812 : vector<16xi32> to vector<32xbf16>
        %get3A_814 = arith.index_cast %add3A_765 : i32 to index
        %get3A_815 = arith.constant 32 : index
        %get3A_816 = tpu.vector_load %arg12[%get3A_814, %get3A_815] {strides = array<i32>} : memref<80x64xi32, #tpu.memory_space<vmem>>, vector<16xi32>,
        %bitcast3A_817 = vector.bitcast %get3A_816 : vector<16xi32> to vector<32xbf16>
        %get3A_818 = arith.index_cast %add3A_765 : i32 to index
        %get3A_819 = arith.constant 32 : index
        %get3A_820 = tpu.vector_load %arg13[%get3A_818, %get3A_819] {strides = array<i32>} : memref<80x64xi32, #tpu.memory_space<vmem>>, vector<16xi32>,
        %bitcast3A_821 = vector.bitcast %get3A_820 : vector<16xi32> to vector<32xbf16>
        %mul3A_822 = arith.mulf %bitcast3A_813, %bitcast3A_817 : vector<32xbf16>
        %mul3A_823 = arith.mulf %mul3A_822, %bitcast3A_821 : vector<32xbf16>
        %bitcast3A_824 = vector.bitcast %mul3A_823 : vector<32xbf16> to vector<16xi32>
        %and3A_825 = arith.andi %bitcast3A_824, %broadcast_in_dim3A_5 : vector<16xi32>
        %bitcast_convert_type3A_826 = tpu.bitcast %and3A_825 : vector<16xi32> -> vector<16xf32>
        %shift_left3A_827 = arith.constant 16 : i32
        %shift_left3A_828 = vector.broadcast %shift_left3A_827 : i32 to vector<16xi32>
        %shift_left3A_829 = arith.shli %bitcast3A_824, %shift_left3A_828 : vector<16xi32>
        %bitcast_convert_type3A_830 = tpu.bitcast %shift_left3A_829 : vector<16xi32> -> vector<16xf32>
        %add3A_831 = arith.addf %add3A_808, %bitcast_convert_type3A_830 : vector<16xf32>
        %add3A_832 = arith.addf %add3A_809, %bitcast_convert_type3A_826 : vector<16xf32>
        %get3A_833 = arith.index_cast %add3A_765 : i32 to index
        %get3A_834 = arith.constant 48 : index
        %get3A_835 = tpu.vector_load %arg11[%get3A_833, %get3A_834] {strides = array<i32>} : memref<80x64xi32, #tpu.memory_space<vmem>>, vector<16xi32>,
        %bitcast3A_836 = vector.bitcast %get3A_835 : vector<16xi32> to vector<32xbf16>
        %get3A_837 = arith.index_cast %add3A_765 : i32 to index
        %get3A_838 = arith.constant 48 : index
        %get3A_839 = tpu.vector_load %arg12[%get3A_837, %get3A_838] {strides = array<i32>} : memref<80x64xi32, #tpu.memory_space<vmem>>, vector<16xi32>,
        %bitcast3A_840 = vector.bitcast %get3A_839 : vector<16xi32> to vector<32xbf16>
        %get3A_841 = arith.index_cast %add3A_765 : i32 to index
        %get3A_842 = arith.constant 48 : index
        %get3A_843 = tpu.vector_load %arg13[%get3A_841, %get3A_842] {strides = array<i32>} : memref<80x64xi32, #tpu.memory_space<vmem>>, vector<16xi32>,
        %bitcast3A_844 = vector.bitcast %get3A_843 : vector<16xi32> to vector<32xbf16>
        %mul3A_845 = arith.mulf %bitcast3A_836, %bitcast3A_840 : vector<32xbf16>
        %mul3A_846 = arith.mulf %mul3A_845, %bitcast3A_844 : vector<32xbf16>
        %bitcast3A_847 = vector.bitcast %mul3A_846 : vector<32xbf16> to vector<16xi32>
        %and3A_848 = arith.andi %bitcast3A_847, %broadcast_in_dim3A_5 : vector<16xi32>
        %bitcast_convert_type3A_849 = tpu.bitcast %and3A_848 : vector<16xi32> -> vector<16xf32>
        %shift_left3A_850 = arith.constant 16 : i32
        %shift_left3A_851 = vector.broadcast %shift_left3A_850 : i32 to vector<16xi32>
        %shift_left3A_852 = arith.shli %bitcast3A_847, %shift_left3A_851 : vector<16xi32>
        %bitcast_convert_type3A_853 = tpu.bitcast %shift_left3A_852 : vector<16xi32> -> vector<16xf32>
        %add3A_854 = arith.addf %add3A_831, %bitcast_convert_type3A_853 : vector<16xf32>
        %add3A_855 = arith.addf %add3A_832, %bitcast_convert_type3A_849 : vector<16xf32>
        %add3A_856 = arith.addf %add3A_854, %add3A_855 : vector<16xf32>
        %mul3A_857 = arith.constant 80 : i32
        %mul3A_858 = arith.muli %mul3A_26, %mul3A_857 : i32
        %add3A_859 = arith.addi %mul3A_858, %add3A_765 : i32
        %broadcast_in_dim3A_860 = arith.constant true
        %broadcast_in_dim3A_861 = vector.broadcast %broadcast_in_dim3A_860 : i1 to vector<16xi1>
        %masked_cumsum3A_862 = tpu.scan <sum>, %add3A_856 masked %broadcast_in_dim3A_861 : vector<16xf32>, vector<16xi1> -> vector<16xf32>
        %swap3A_863 = arith.index_cast %add3A_859 : i32 to index
        %swap3A_864 = tpu.vector_load %arg17[%swap3A_863] masked %eq3A_4 {strides = array<i32>} : memref<10016xf32, #tpu.memory_space<vmem>>, vector<16xf32>, vector<16xi1>
        tpu.vector_store %arg17[%swap3A_863], %masked_cumsum3A_862 masked %eq3A_4 {strides = array<i32>} : memref<10016xf32, #tpu.memory_space<vmem>>, vector<16xf32>, vector<16xi1>
        %add3A_865 = arith.constant 8 : i32
        %add3A_866 = arith.addi %mul3A_63, %add3A_865 : i32
        %get3A_867 = arith.index_cast %add3A_866 : i32 to index
        %get3A_868 = arith.constant 0 : index
        %get3A_869 = tpu.vector_load %arg11[%get3A_867, %get3A_868] {strides = array<i32>} : memref<80x64xi32, #tpu.memory_space<vmem>>, vector<16xi32>,
        %bitcast3A_870 = vector.bitcast %get3A_869 : vector<16xi32> to vector<32xbf16>
        %get3A_871 = arith.index_cast %add3A_866 : i32 to index
        %get3A_872 = arith.constant 0 : index
        %get3A_873 = tpu.vector_load %arg12[%get3A_871, %get3A_872] {strides = array<i32>} : memref<80x64xi32, #tpu.memory_space<vmem>>, vector<16xi32>,
        %bitcast3A_874 = vector.bitcast %get3A_873 : vector<16xi32> to vector<32xbf16>
        %get3A_875 = arith.index_cast %add3A_866 : i32 to index
        %get3A_876 = arith.constant 0 : index
        %get3A_877 = tpu.vector_load %arg13[%get3A_875, %get3A_876] {strides = array<i32>} : memref<80x64xi32, #tpu.memory_space<vmem>>, vector<16xi32>,
        %bitcast3A_878 = vector.bitcast %get3A_877 : vector<16xi32> to vector<32xbf16>
        %mul3A_879 = arith.mulf %bitcast3A_870, %bitcast3A_874 : vector<32xbf16>
        %mul3A_880 = arith.mulf %mul3A_879, %bitcast3A_878 : vector<32xbf16>
        %bitcast3A_881 = vector.bitcast %mul3A_880 : vector<32xbf16> to vector<16xi32>
        %and3A_882 = arith.andi %bitcast3A_881, %broadcast_in_dim3A_5 : vector<16xi32>
        %bitcast_convert_type3A_883 = tpu.bitcast %and3A_882 : vector<16xi32> -> vector<16xf32>
        %shift_left3A_884 = arith.constant 16 : i32
        %shift_left3A_885 = vector.broadcast %shift_left3A_884 : i32 to vector<16xi32>
        %shift_left3A_886 = arith.shli %bitcast3A_881, %shift_left3A_885 : vector<16xi32>
        %bitcast_convert_type3A_887 = tpu.bitcast %shift_left3A_886 : vector<16xi32> -> vector<16xf32>
        %get3A_888 = arith.index_cast %add3A_866 : i32 to index
        %get3A_889 = arith.constant 16 : index
        %get3A_890 = tpu.vector_load %arg11[%get3A_888, %get3A_889] {strides = array<i32>} : memref<80x64xi32, #tpu.memory_space<vmem>>, vector<16xi32>,
        %bitcast3A_891 = vector.bitcast %get3A_890 : vector<16xi32> to vector<32xbf16>
        %get3A_892 = arith.index_cast %add3A_866 : i32 to index
        %get3A_893 = arith.constant 16 : index
        %get3A_894 = tpu.vector_load %arg12[%get3A_892, %get3A_893] {strides = array<i32>} : memref<80x64xi32, #tpu.memory_space<vmem>>, vector<16xi32>,
        %bitcast3A_895 = vector.bitcast %get3A_894 : vector<16xi32> to vector<32xbf16>
        %get3A_896 = arith.index_cast %add3A_866 : i32 to index
        %get3A_897 = arith.constant 16 : index
        %get3A_898 = tpu.vector_load %arg13[%get3A_896, %get3A_897] {strides = array<i32>} : memref<80x64xi32, #tpu.memory_space<vmem>>, vector<16xi32>,
        %bitcast3A_899 = vector.bitcast %get3A_898 : vector<16xi32> to vector<32xbf16>
        %mul3A_900 = arith.mulf %bitcast3A_891, %bitcast3A_895 : vector<32xbf16>
        %mul3A_901 = arith.mulf %mul3A_900, %bitcast3A_899 : vector<32xbf16>
        %bitcast3A_902 = vector.bitcast %mul3A_901 : vector<32xbf16> to vector<16xi32>
        %and3A_903 = arith.andi %bitcast3A_902, %broadcast_in_dim3A_5 : vector<16xi32>
        %bitcast_convert_type3A_904 = tpu.bitcast %and3A_903 : vector<16xi32> -> vector<16xf32>
        %shift_left3A_905 = arith.constant 16 : i32
        %shift_left3A_906 = vector.broadcast %shift_left3A_905 : i32 to vector<16xi32>
        %shift_left3A_907 = arith.shli %bitcast3A_902, %shift_left3A_906 : vector<16xi32>
        %bitcast_convert_type3A_908 = tpu.bitcast %shift_left3A_907 : vector<16xi32> -> vector<16xf32>
        %add3A_909 = arith.addf %bitcast_convert_type3A_887, %bitcast_convert_type3A_908 : vector<16xf32>
        %add3A_910 = arith.addf %bitcast_convert_type3A_883, %bitcast_convert_type3A_904 : vector<16xf32>
        %get3A_911 = arith.index_cast %add3A_866 : i32 to index
        %get3A_912 = arith.constant 32 : index
        %get3A_913 = tpu.vector_load %arg11[%get3A_911, %get3A_912] {strides = array<i32>} : memref<80x64xi32, #tpu.memory_space<vmem>>, vector<16xi32>,
        %bitcast3A_914 = vector.bitcast %get3A_913 : vector<16xi32> to vector<32xbf16>
        %get3A_915 = arith.index_cast %add3A_866 : i32 to index
        %get3A_916 = arith.constant 32 : index
        %get3A_917 = tpu.vector_load %arg12[%get3A_915, %get3A_916] {strides = array<i32>} : memref<80x64xi32, #tpu.memory_space<vmem>>, vector<16xi32>,
        %bitcast3A_918 = vector.bitcast %get3A_917 : vector<16xi32> to vector<32xbf16>
        %get3A_919 = arith.index_cast %add3A_866 : i32 to index
        %get3A_920 = arith.constant 32 : index
        %get3A_921 = tpu.vector_load %arg13[%get3A_919, %get3A_920] {strides = array<i32>} : memref<80x64xi32, #tpu.memory_space<vmem>>, vector<16xi32>,
        %bitcast3A_922 = vector.bitcast %get3A_921 : vector<16xi32> to vector<32xbf16>
        %mul3A_923 = arith.mulf %bitcast3A_914, %bitcast3A_918 : vector<32xbf16>
        %mul3A_924 = arith.mulf %mul3A_923, %bitcast3A_922 : vector<32xbf16>
        %bitcast3A_925 = vector.bitcast %mul3A_924 : vector<32xbf16> to vector<16xi32>
        %and3A_926 = arith.andi %bitcast3A_925, %broadcast_in_dim3A_5 : vector<16xi32>
        %bitcast_convert_type3A_927 = tpu.bitcast %and3A_926 : vector<16xi32> -> vector<16xf32>
        %shift_left3A_928 = arith.constant 16 : i32
        %shift_left3A_929 = vector.broadcast %shift_left3A_928 : i32 to vector<16xi32>
        %shift_left3A_930 = arith.shli %bitcast3A_925, %shift_left3A_929 : vector<16xi32>
        %bitcast_convert_type3A_931 = tpu.bitcast %shift_left3A_930 : vector<16xi32> -> vector<16xf32>
        %add3A_932 = arith.addf %add3A_909, %bitcast_convert_type3A_931 : vector<16xf32>
        %add3A_933 = arith.addf %add3A_910, %bitcast_convert_type3A_927 : vector<16xf32>
        %get3A_934 = arith.index_cast %add3A_866 : i32 to index
        %get3A_935 = arith.constant 48 : index
        %get3A_936 = tpu.vector_load %arg11[%get3A_934, %get3A_935] {strides = array<i32>} : memref<80x64xi32, #tpu.memory_space<vmem>>, vector<16xi32>,
        %bitcast3A_937 = vector.bitcast %get3A_936 : vector<16xi32> to vector<32xbf16>
        %get3A_938 = arith.index_cast %add3A_866 : i32 to index
        %get3A_939 = arith.constant 48 : index
        %get3A_940 = tpu.vector_load %arg12[%get3A_938, %get3A_939] {strides = array<i32>} : memref<80x64xi32, #tpu.memory_space<vmem>>, vector<16xi32>,
        %bitcast3A_941 = vector.bitcast %get3A_940 : vector<16xi32> to vector<32xbf16>
        %get3A_942 = arith.index_cast %add3A_866 : i32 to index
        %get3A_943 = arith.constant 48 : index
        %get3A_944 = tpu.vector_load %arg13[%get3A_942, %get3A_943] {strides = array<i32>} : memref<80x64xi32, #tpu.memory_space<vmem>>, vector<16xi32>,
        %bitcast3A_945 = vector.bitcast %get3A_944 : vector<16xi32> to vector<32xbf16>
        %mul3A_946 = arith.mulf %bitcast3A_937, %bitcast3A_941 : vector<32xbf16>
        %mul3A_947 = arith.mulf %mul3A_946, %bitcast3A_945 : vector<32xbf16>
        %bitcast3A_948 = vector.bitcast %mul3A_947 : vector<32xbf16> to vector<16xi32>
        %and3A_949 = arith.andi %bitcast3A_948, %broadcast_in_dim3A_5 : vector<16xi32>
        %bitcast_convert_type3A_950 = tpu.bitcast %and3A_949 : vector<16xi32> -> vector<16xf32>
        %shift_left3A_951 = arith.constant 16 : i32
        %shift_left3A_952 = vector.broadcast %shift_left3A_951 : i32 to vector<16xi32>
        %shift_left3A_953 = arith.shli %bitcast3A_948, %shift_left3A_952 : vector<16xi32>
        %bitcast_convert_type3A_954 = tpu.bitcast %shift_left3A_953 : vector<16xi32> -> vector<16xf32>
        %add3A_955 = arith.addf %add3A_932, %bitcast_convert_type3A_954 : vector<16xf32>
        %add3A_956 = arith.addf %add3A_933, %bitcast_convert_type3A_950 : vector<16xf32>
        %add3A_957 = arith.addf %add3A_955, %add3A_956 : vector<16xf32>
        %mul3A_958 = arith.constant 80 : i32
        %mul3A_959 = arith.muli %mul3A_26, %mul3A_958 : i32
        %add3A_960 = arith.addi %mul3A_959, %add3A_866 : i32
        %broadcast_in_dim3A_961 = arith.constant true
        %broadcast_in_dim3A_962 = vector.broadcast %broadcast_in_dim3A_961 : i1 to vector<16xi1>
        %masked_cumsum3A_963 = tpu.scan <sum>, %add3A_957 masked %broadcast_in_dim3A_962 : vector<16xf32>, vector<16xi1> -> vector<16xf32>
        %swap3A_964 = arith.index_cast %add3A_960 : i32 to index
        %swap3A_965 = tpu.vector_load %arg17[%swap3A_964] masked %eq3A_4 {strides = array<i32>} : memref<10016xf32, #tpu.memory_space<vmem>>, vector<16xf32>, vector<16xi1>
        tpu.vector_store %arg17[%swap3A_964], %masked_cumsum3A_963 masked %eq3A_4 {strides = array<i32>} : memref<10016xf32, #tpu.memory_space<vmem>>, vector<16xf32>, vector<16xi1>
        %add3A_966 = arith.constant 9 : i32
        %add3A_967 = arith.addi %mul3A_63, %add3A_966 : i32
        %get3A_968 = arith.index_cast %add3A_967 : i32 to index
        %get3A_969 = arith.constant 0 : index
        %get3A_970 = tpu.vector_load %arg11[%get3A_968, %get3A_969] {strides = array<i32>} : memref<80x64xi32, #tpu.memory_space<vmem>>, vector<16xi32>,
        %bitcast3A_971 = vector.bitcast %get3A_970 : vector<16xi32> to vector<32xbf16>
        %get3A_972 = arith.index_cast %add3A_967 : i32 to index
        %get3A_973 = arith.constant 0 : index
        %get3A_974 = tpu.vector_load %arg12[%get3A_972, %get3A_973] {strides = array<i32>} : memref<80x64xi32, #tpu.memory_space<vmem>>, vector<16xi32>,
        %bitcast3A_975 = vector.bitcast %get3A_974 : vector<16xi32> to vector<32xbf16>
        %get3A_976 = arith.index_cast %add3A_967 : i32 to index
        %get3A_977 = arith.constant 0 : index
        %get3A_978 = tpu.vector_load %arg13[%get3A_976, %get3A_977] {strides = array<i32>} : memref<80x64xi32, #tpu.memory_space<vmem>>, vector<16xi32>,
        %bitcast3A_979 = vector.bitcast %get3A_978 : vector<16xi32> to vector<32xbf16>
        %mul3A_980 = arith.mulf %bitcast3A_971, %bitcast3A_975 : vector<32xbf16>
        %mul3A_981 = arith.mulf %mul3A_980, %bitcast3A_979 : vector<32xbf16>
        %bitcast3A_982 = vector.bitcast %mul3A_981 : vector<32xbf16> to vector<16xi32>
        %and3A_983 = arith.andi %bitcast3A_982, %broadcast_in_dim3A_5 : vector<16xi32>
        %bitcast_convert_type3A_984 = tpu.bitcast %and3A_983 : vector<16xi32> -> vector<16xf32>
        %shift_left3A_985 = arith.constant 16 : i32
        %shift_left3A_986 = vector.broadcast %shift_left3A_985 : i32 to vector<16xi32>
        %shift_left3A_987 = arith.shli %bitcast3A_982, %shift_left3A_986 : vector<16xi32>
        %bitcast_convert_type3A_988 = tpu.bitcast %shift_left3A_987 : vector<16xi32> -> vector<16xf32>
        %get3A_989 = arith.index_cast %add3A_967 : i32 to index
        %get3A_990 = arith.constant 16 : index
        %get3A_991 = tpu.vector_load %arg11[%get3A_989, %get3A_990] {strides = array<i32>} : memref<80x64xi32, #tpu.memory_space<vmem>>, vector<16xi32>,
        %bitcast3A_992 = vector.bitcast %get3A_991 : vector<16xi32> to vector<32xbf16>
        %get3A_993 = arith.index_cast %add3A_967 : i32 to index
        %get3A_994 = arith.constant 16 : index
        %get3A_995 = tpu.vector_load %arg12[%get3A_993, %get3A_994] {strides = array<i32>} : memref<80x64xi32, #tpu.memory_space<vmem>>, vector<16xi32>,
        %bitcast3A_996 = vector.bitcast %get3A_995 : vector<16xi32> to vector<32xbf16>
        %get3A_997 = arith.index_cast %add3A_967 : i32 to index
        %get3A_998 = arith.constant 16 : index
        %get3A_999 = tpu.vector_load %arg13[%get3A_997, %get3A_998] {strides = array<i32>} : memref<80x64xi32, #tpu.memory_space<vmem>>, vector<16xi32>,
        %bitcast3A_1000 = vector.bitcast %get3A_999 : vector<16xi32> to vector<32xbf16>
        %mul3A_1001 = arith.mulf %bitcast3A_992, %bitcast3A_996 : vector<32xbf16>
        %mul3A_1002 = arith.mulf %mul3A_1001, %bitcast3A_1000 : vector<32xbf16>
        %bitcast3A_1003 = vector.bitcast %mul3A_1002 : vector<32xbf16> to vector<16xi32>
        %and3A_1004 = arith.andi %bitcast3A_1003, %broadcast_in_dim3A_5 : vector<16xi32>
        %bitcast_convert_type3A_1005 = tpu.bitcast %and3A_1004 : vector<16xi32> -> vector<16xf32>
        %shift_left3A_1006 = arith.constant 16 : i32
        %shift_left3A_1007 = vector.broadcast %shift_left3A_1006 : i32 to vector<16xi32>
        %shift_left3A_1008 = arith.shli %bitcast3A_1003, %shift_left3A_1007 : vector<16xi32>
        %bitcast_convert_type3A_1009 = tpu.bitcast %shift_left3A_1008 : vector<16xi32> -> vector<16xf32>
        %add3A_1010 = arith.addf %bitcast_convert_type3A_988, %bitcast_convert_type3A_1009 : vector<16xf32>
        %add3A_1011 = arith.addf %bitcast_convert_type3A_984, %bitcast_convert_type3A_1005 : vector<16xf32>
        %get3A_1012 = arith.index_cast %add3A_967 : i32 to index
        %get3A_1013 = arith.constant 32 : index
        %get3A_1014 = tpu.vector_load %arg11[%get3A_1012, %get3A_1013] {strides = array<i32>} : memref<80x64xi32, #tpu.memory_space<vmem>>, vector<16xi32>,
        %bitcast3A_1015 = vector.bitcast %get3A_1014 : vector<16xi32> to vector<32xbf16>
        %get3A_1016 = arith.index_cast %add3A_967 : i32 to index
        %get3A_1017 = arith.constant 32 : index
        %get3A_1018 = tpu.vector_load %arg12[%get3A_1016, %get3A_1017] {strides = array<i32>} : memref<80x64xi32, #tpu.memory_space<vmem>>, vector<16xi32>,
        %bitcast3A_1019 = vector.bitcast %get3A_1018 : vector<16xi32> to vector<32xbf16>
        %get3A_1020 = arith.index_cast %add3A_967 : i32 to index
        %get3A_1021 = arith.constant 32 : index
        %get3A_1022 = tpu.vector_load %arg13[%get3A_1020, %get3A_1021] {strides = array<i32>} : memref<80x64xi32, #tpu.memory_space<vmem>>, vector<16xi32>,
        %bitcast3A_1023 = vector.bitcast %get3A_1022 : vector<16xi32> to vector<32xbf16>
        %mul3A_1024 = arith.mulf %bitcast3A_1015, %bitcast3A_1019 : vector<32xbf16>
        %mul3A_1025 = arith.mulf %mul3A_1024, %bitcast3A_1023 : vector<32xbf16>
        %bitcast3A_1026 = vector.bitcast %mul3A_1025 : vector<32xbf16> to vector<16xi32>
        %and3A_1027 = arith.andi %bitcast3A_1026, %broadcast_in_dim3A_5 : vector<16xi32>
        %bitcast_convert_type3A_1028 = tpu.bitcast %and3A_1027 : vector<16xi32> -> vector<16xf32>
        %shift_left3A_1029 = arith.constant 16 : i32
        %shift_left3A_1030 = vector.broadcast %shift_left3A_1029 : i32 to vector<16xi32>
        %shift_left3A_1031 = arith.shli %bitcast3A_1026, %shift_left3A_1030 : vector<16xi32>
        %bitcast_convert_type3A_1032 = tpu.bitcast %shift_left3A_1031 : vector<16xi32> -> vector<16xf32>
        %add3A_1033 = arith.addf %add3A_1010, %bitcast_convert_type3A_1032 : vector<16xf32>
        %add3A_1034 = arith.addf %add3A_1011, %bitcast_convert_type3A_1028 : vector<16xf32>
        %get3A_1035 = arith.index_cast %add3A_967 : i32 to index
        %get3A_1036 = arith.constant 48 : index
        %get3A_1037 = tpu.vector_load %arg11[%get3A_1035, %get3A_1036] {strides = array<i32>} : memref<80x64xi32, #tpu.memory_space<vmem>>, vector<16xi32>,
        %bitcast3A_1038 = vector.bitcast %get3A_1037 : vector<16xi32> to vector<32xbf16>
        %get3A_1039 = arith.index_cast %add3A_967 : i32 to index
        %get3A_1040 = arith.constant 48 : index
        %get3A_1041 = tpu.vector_load %arg12[%get3A_1039, %get3A_1040] {strides = array<i32>} : memref<80x64xi32, #tpu.memory_space<vmem>>, vector<16xi32>,
        %bitcast3A_1042 = vector.bitcast %get3A_1041 : vector<16xi32> to vector<32xbf16>
        %get3A_1043 = arith.index_cast %add3A_967 : i32 to index
        %get3A_1044 = arith.constant 48 : index
        %get3A_1045 = tpu.vector_load %arg13[%get3A_1043, %get3A_1044] {strides = array<i32>} : memref<80x64xi32, #tpu.memory_space<vmem>>, vector<16xi32>,
        %bitcast3A_1046 = vector.bitcast %get3A_1045 : vector<16xi32> to vector<32xbf16>
        %mul3A_1047 = arith.mulf %bitcast3A_1038, %bitcast3A_1042 : vector<32xbf16>
        %mul3A_1048 = arith.mulf %mul3A_1047, %bitcast3A_1046 : vector<32xbf16>
        %bitcast3A_1049 = vector.bitcast %mul3A_1048 : vector<32xbf16> to vector<16xi32>
        %and3A_1050 = arith.andi %bitcast3A_1049, %broadcast_in_dim3A_5 : vector<16xi32>
        %bitcast_convert_type3A_1051 = tpu.bitcast %and3A_1050 : vector<16xi32> -> vector<16xf32>
        %shift_left3A_1052 = arith.constant 16 : i32
        %shift_left3A_1053 = vector.broadcast %shift_left3A_1052 : i32 to vector<16xi32>
        %shift_left3A_1054 = arith.shli %bitcast3A_1049, %shift_left3A_1053 : vector<16xi32>
        %bitcast_convert_type3A_1055 = tpu.bitcast %shift_left3A_1054 : vector<16xi32> -> vector<16xf32>
        %add3A_1056 = arith.addf %add3A_1033, %bitcast_convert_type3A_1055 : vector<16xf32>
        %add3A_1057 = arith.addf %add3A_1034, %bitcast_convert_type3A_1051 : vector<16xf32>
        %add3A_1058 = arith.addf %add3A_1056, %add3A_1057 : vector<16xf32>
        %mul3A_1059 = arith.constant 80 : i32
        %mul3A_1060 = arith.muli %mul3A_26, %mul3A_1059 : i32
        %add3A_1061 = arith.addi %mul3A_1060, %add3A_967 : i32
        %broadcast_in_dim3A_1062 = arith.constant true
        %broadcast_in_dim3A_1063 = vector.broadcast %broadcast_in_dim3A_1062 : i1 to vector<16xi1>
        %masked_cumsum3A_1064 = tpu.scan <sum>, %add3A_1058 masked %broadcast_in_dim3A_1063 : vector<16xf32>, vector<16xi1> -> vector<16xf32>
        %swap3A_1065 = arith.index_cast %add3A_1061 : i32 to index
        %swap3A_1066 = tpu.vector_load %arg17[%swap3A_1065] masked %eq3A_4 {strides = array<i32>} : memref<10016xf32, #tpu.memory_space<vmem>>, vector<16xf32>, vector<16xi1>
        tpu.vector_store %arg17[%swap3A_1065], %masked_cumsum3A_1064 masked %eq3A_4 {strides = array<i32>} : memref<10016xf32, #tpu.memory_space<vmem>>, vector<16xf32>, vector<16xi1>
        %add3A_1067 = arith.constant 10 : i32
        %add3A_1068 = arith.addi %mul3A_63, %add3A_1067 : i32
        %get3A_1069 = arith.index_cast %add3A_1068 : i32 to index
        %get3A_1070 = arith.constant 0 : index
        %get3A_1071 = tpu.vector_load %arg11[%get3A_1069, %get3A_1070] {strides = array<i32>} : memref<80x64xi32, #tpu.memory_space<vmem>>, vector<16xi32>,
        %bitcast3A_1072 = vector.bitcast %get3A_1071 : vector<16xi32> to vector<32xbf16>
        %get3A_1073 = arith.index_cast %add3A_1068 : i32 to index
        %get3A_1074 = arith.constant 0 : index
        %get3A_1075 = tpu.vector_load %arg12[%get3A_1073, %get3A_1074] {strides = array<i32>} : memref<80x64xi32, #tpu.memory_space<vmem>>, vector<16xi32>,
        %bitcast3A_1076 = vector.bitcast %get3A_1075 : vector<16xi32> to vector<32xbf16>
        %get3A_1077 = arith.index_cast %add3A_1068 : i32 to index
        %get3A_1078 = arith.constant 0 : index
        %get3A_1079 = tpu.vector_load %arg13[%get3A_1077, %get3A_1078] {strides = array<i32>} : memref<80x64xi32, #tpu.memory_space<vmem>>, vector<16xi32>,
        %bitcast3A_1080 = vector.bitcast %get3A_1079 : vector<16xi32> to vector<32xbf16>
        %mul3A_1081 = arith.mulf %bitcast3A_1072, %bitcast3A_1076 : vector<32xbf16>
        %mul3A_1082 = arith.mulf %mul3A_1081, %bitcast3A_1080 : vector<32xbf16>
        %bitcast3A_1083 = vector.bitcast %mul3A_1082 : vector<32xbf16> to vector<16xi32>
        %and3A_1084 = arith.andi %bitcast3A_1083, %broadcast_in_dim3A_5 : vector<16xi32>
        %bitcast_convert_type3A_1085 = tpu.bitcast %and3A_1084 : vector<16xi32> -> vector<16xf32>
        %shift_left3A_1086 = arith.constant 16 : i32
        %shift_left3A_1087 = vector.broadcast %shift_left3A_1086 : i32 to vector<16xi32>
        %shift_left3A_1088 = arith.shli %bitcast3A_1083, %shift_left3A_1087 : vector<16xi32>
        %bitcast_convert_type3A_1089 = tpu.bitcast %shift_left3A_1088 : vector<16xi32> -> vector<16xf32>
        %get3A_1090 = arith.index_cast %add3A_1068 : i32 to index
        %get3A_1091 = arith.constant 16 : index
        %get3A_1092 = tpu.vector_load %arg11[%get3A_1090, %get3A_1091] {strides = array<i32>} : memref<80x64xi32, #tpu.memory_space<vmem>>, vector<16xi32>,
        %bitcast3A_1093 = vector.bitcast %get3A_1092 : vector<16xi32> to vector<32xbf16>
        %get3A_1094 = arith.index_cast %add3A_1068 : i32 to index
        %get3A_1095 = arith.constant 16 : index
        %get3A_1096 = tpu.vector_load %arg12[%get3A_1094, %get3A_1095] {strides = array<i32>} : memref<80x64xi32, #tpu.memory_space<vmem>>, vector<16xi32>,
        %bitcast3A_1097 = vector.bitcast %get3A_1096 : vector<16xi32> to vector<32xbf16>
        %get3A_1098 = arith.index_cast %add3A_1068 : i32 to index
        %get3A_1099 = arith.constant 16 : index
        %get3A_1100 = tpu.vector_load %arg13[%get3A_1098, %get3A_1099] {strides = array<i32>} : memref<80x64xi32, #tpu.memory_space<vmem>>, vector<16xi32>,
        %bitcast3A_1101 = vector.bitcast %get3A_1100 : vector<16xi32> to vector<32xbf16>
        %mul3A_1102 = arith.mulf %bitcast3A_1093, %bitcast3A_1097 : vector<32xbf16>
        %mul3A_1103 = arith.mulf %mul3A_1102, %bitcast3A_1101 : vector<32xbf16>
        %bitcast3A_1104 = vector.bitcast %mul3A_1103 : vector<32xbf16> to vector<16xi32>
        %and3A_1105 = arith.andi %bitcast3A_1104, %broadcast_in_dim3A_5 : vector<16xi32>
        %bitcast_convert_type3A_1106 = tpu.bitcast %and3A_1105 : vector<16xi32> -> vector<16xf32>
        %shift_left3A_1107 = arith.constant 16 : i32
        %shift_left3A_1108 = vector.broadcast %shift_left3A_1107 : i32 to vector<16xi32>
        %shift_left3A_1109 = arith.shli %bitcast3A_1104, %shift_left3A_1108 : vector<16xi32>
        %bitcast_convert_type3A_1110 = tpu.bitcast %shift_left3A_1109 : vector<16xi32> -> vector<16xf32>
        %add3A_1111 = arith.addf %bitcast_convert_type3A_1089, %bitcast_convert_type3A_1110 : vector<16xf32>
        %add3A_1112 = arith.addf %bitcast_convert_type3A_1085, %bitcast_convert_type3A_1106 : vector<16xf32>
        %get3A_1113 = arith.index_cast %add3A_1068 : i32 to index
        %get3A_1114 = arith.constant 32 : index
        %get3A_1115 = tpu.vector_load %arg11[%get3A_1113, %get3A_1114] {strides = array<i32>} : memref<80x64xi32, #tpu.memory_space<vmem>>, vector<16xi32>,
        %bitcast3A_1116 = vector.bitcast %get3A_1115 : vector<16xi32> to vector<32xbf16>
        %get3A_1117 = arith.index_cast %add3A_1068 : i32 to index
        %get3A_1118 = arith.constant 32 : index
        %get3A_1119 = tpu.vector_load %arg12[%get3A_1117, %get3A_1118] {strides = array<i32>} : memref<80x64xi32, #tpu.memory_space<vmem>>, vector<16xi32>,
        %bitcast3A_1120 = vector.bitcast %get3A_1119 : vector<16xi32> to vector<32xbf16>
        %get3A_1121 = arith.index_cast %add3A_1068 : i32 to index
        %get3A_1122 = arith.constant 32 : index
        %get3A_1123 = tpu.vector_load %arg13[%get3A_1121, %get3A_1122] {strides = array<i32>} : memref<80x64xi32, #tpu.memory_space<vmem>>, vector<16xi32>,
        %bitcast3A_1124 = vector.bitcast %get3A_1123 : vector<16xi32> to vector<32xbf16>
        %mul3A_1125 = arith.mulf %bitcast3A_1116, %bitcast3A_1120 : vector<32xbf16>
        %mul3A_1126 = arith.mulf %mul3A_1125, %bitcast3A_1124 : vector<32xbf16>
        %bitcast3A_1127 = vector.bitcast %mul3A_1126 : vector<32xbf16> to vector<16xi32>
        %and3A_1128 = arith.andi %bitcast3A_1127, %broadcast_in_dim3A_5 : vector<16xi32>
        %bitcast_convert_type3A_1129 = tpu.bitcast %and3A_1128 : vector<16xi32> -> vector<16xf32>
        %shift_left3A_1130 = arith.constant 16 : i32
        %shift_left3A_1131 = vector.broadcast %shift_left3A_1130 : i32 to vector<16xi32>
        %shift_left3A_1132 = arith.shli %bitcast3A_1127, %shift_left3A_1131 : vector<16xi32>
        %bitcast_convert_type3A_1133 = tpu.bitcast %shift_left3A_1132 : vector<16xi32> -> vector<16xf32>
        %add3A_1134 = arith.addf %add3A_1111, %bitcast_convert_type3A_1133 : vector<16xf32>
        %add3A_1135 = arith.addf %add3A_1112, %bitcast_convert_type3A_1129 : vector<16xf32>
        %get3A_1136 = arith.index_cast %add3A_1068 : i32 to index
        %get3A_1137 = arith.constant 48 : index
        %get3A_1138 = tpu.vector_load %arg11[%get3A_1136, %get3A_1137] {strides = array<i32>} : memref<80x64xi32, #tpu.memory_space<vmem>>, vector<16xi32>,
        %bitcast3A_1139 = vector.bitcast %get3A_1138 : vector<16xi32> to vector<32xbf16>
        %get3A_1140 = arith.index_cast %add3A_1068 : i32 to index
        %get3A_1141 = arith.constant 48 : index
        %get3A_1142 = tpu.vector_load %arg12[%get3A_1140, %get3A_1141] {strides = array<i32>} : memref<80x64xi32, #tpu.memory_space<vmem>>, vector<16xi32>,
        %bitcast3A_1143 = vector.bitcast %get3A_1142 : vector<16xi32> to vector<32xbf16>
        %get3A_1144 = arith.index_cast %add3A_1068 : i32 to index
        %get3A_1145 = arith.constant 48 : index
        %get3A_1146 = tpu.vector_load %arg13[%get3A_1144, %get3A_1145] {strides = array<i32>} : memref<80x64xi32, #tpu.memory_space<vmem>>, vector<16xi32>,
        %bitcast3A_1147 = vector.bitcast %get3A_1146 : vector<16xi32> to vector<32xbf16>
        %mul3A_1148 = arith.mulf %bitcast3A_1139, %bitcast3A_1143 : vector<32xbf16>
        %mul3A_1149 = arith.mulf %mul3A_1148, %bitcast3A_1147 : vector<32xbf16>
        %bitcast3A_1150 = vector.bitcast %mul3A_1149 : vector<32xbf16> to vector<16xi32>
        %and3A_1151 = arith.andi %bitcast3A_1150, %broadcast_in_dim3A_5 : vector<16xi32>
        %bitcast_convert_type3A_1152 = tpu.bitcast %and3A_1151 : vector<16xi32> -> vector<16xf32>
        %shift_left3A_1153 = arith.constant 16 : i32
        %shift_left3A_1154 = vector.broadcast %shift_left3A_1153 : i32 to vector<16xi32>
        %shift_left3A_1155 = arith.shli %bitcast3A_1150, %shift_left3A_1154 : vector<16xi32>
        %bitcast_convert_type3A_1156 = tpu.bitcast %shift_left3A_1155 : vector<16xi32> -> vector<16xf32>
        %add3A_1157 = arith.addf %add3A_1134, %bitcast_convert_type3A_1156 : vector<16xf32>
        %add3A_1158 = arith.addf %add3A_1135, %bitcast_convert_type3A_1152 : vector<16xf32>
        %add3A_1159 = arith.addf %add3A_1157, %add3A_1158 : vector<16xf32>
        %mul3A_1160 = arith.constant 80 : i32
        %mul3A_1161 = arith.muli %mul3A_26, %mul3A_1160 : i32
        %add3A_1162 = arith.addi %mul3A_1161, %add3A_1068 : i32
        %broadcast_in_dim3A_1163 = arith.constant true
        %broadcast_in_dim3A_1164 = vector.broadcast %broadcast_in_dim3A_1163 : i1 to vector<16xi1>
        %masked_cumsum3A_1165 = tpu.scan <sum>, %add3A_1159 masked %broadcast_in_dim3A_1164 : vector<16xf32>, vector<16xi1> -> vector<16xf32>
        %swap3A_1166 = arith.index_cast %add3A_1162 : i32 to index
        %swap3A_1167 = tpu.vector_load %arg17[%swap3A_1166] masked %eq3A_4 {strides = array<i32>} : memref<10016xf32, #tpu.memory_space<vmem>>, vector<16xf32>, vector<16xi1>
        tpu.vector_store %arg17[%swap3A_1166], %masked_cumsum3A_1165 masked %eq3A_4 {strides = array<i32>} : memref<10016xf32, #tpu.memory_space<vmem>>, vector<16xf32>, vector<16xi1>
        %add3A_1168 = arith.constant 11 : i32
        %add3A_1169 = arith.addi %mul3A_63, %add3A_1168 : i32
        %get3A_1170 = arith.index_cast %add3A_1169 : i32 to index
        %get3A_1171 = arith.constant 0 : index
        %get3A_1172 = tpu.vector_load %arg11[%get3A_1170, %get3A_1171] {strides = array<i32>} : memref<80x64xi32, #tpu.memory_space<vmem>>, vector<16xi32>,
        %bitcast3A_1173 = vector.bitcast %get3A_1172 : vector<16xi32> to vector<32xbf16>
        %get3A_1174 = arith.index_cast %add3A_1169 : i32 to index
        %get3A_1175 = arith.constant 0 : index
        %get3A_1176 = tpu.vector_load %arg12[%get3A_1174, %get3A_1175] {strides = array<i32>} : memref<80x64xi32, #tpu.memory_space<vmem>>, vector<16xi32>,
        %bitcast3A_1177 = vector.bitcast %get3A_1176 : vector<16xi32> to vector<32xbf16>
        %get3A_1178 = arith.index_cast %add3A_1169 : i32 to index
        %get3A_1179 = arith.constant 0 : index
        %get3A_1180 = tpu.vector_load %arg13[%get3A_1178, %get3A_1179] {strides = array<i32>} : memref<80x64xi32, #tpu.memory_space<vmem>>, vector<16xi32>,
        %bitcast3A_1181 = vector.bitcast %get3A_1180 : vector<16xi32> to vector<32xbf16>
        %mul3A_1182 = arith.mulf %bitcast3A_1173, %bitcast3A_1177 : vector<32xbf16>
        %mul3A_1183 = arith.mulf %mul3A_1182, %bitcast3A_1181 : vector<32xbf16>
        %bitcast3A_1184 = vector.bitcast %mul3A_1183 : vector<32xbf16> to vector<16xi32>
        %and3A_1185 = arith.andi %bitcast3A_1184, %broadcast_in_dim3A_5 : vector<16xi32>
        %bitcast_convert_type3A_1186 = tpu.bitcast %and3A_1185 : vector<16xi32> -> vector<16xf32>
        %shift_left3A_1187 = arith.constant 16 : i32
        %shift_left3A_1188 = vector.broadcast %shift_left3A_1187 : i32 to vector<16xi32>
        %shift_left3A_1189 = arith.shli %bitcast3A_1184, %shift_left3A_1188 : vector<16xi32>
        %bitcast_convert_type3A_1190 = tpu.bitcast %shift_left3A_1189 : vector<16xi32> -> vector<16xf32>
        %get3A_1191 = arith.index_cast %add3A_1169 : i32 to index
        %get3A_1192 = arith.constant 16 : index
        %get3A_1193 = tpu.vector_load %arg11[%get3A_1191, %get3A_1192] {strides = array<i32>} : memref<80x64xi32, #tpu.memory_space<vmem>>, vector<16xi32>,
        %bitcast3A_1194 = vector.bitcast %get3A_1193 : vector<16xi32> to vector<32xbf16>
        %get3A_1195 = arith.index_cast %add3A_1169 : i32 to index
        %get3A_1196 = arith.constant 16 : index
        %get3A_1197 = tpu.vector_load %arg12[%get3A_1195, %get3A_1196] {strides = array<i32>} : memref<80x64xi32, #tpu.memory_space<vmem>>, vector<16xi32>,
        %bitcast3A_1198 = vector.bitcast %get3A_1197 : vector<16xi32> to vector<32xbf16>
        %get3A_1199 = arith.index_cast %add3A_1169 : i32 to index
        %get3A_1200 = arith.constant 16 : index
        %get3A_1201 = tpu.vector_load %arg13[%get3A_1199, %get3A_1200] {strides = array<i32>} : memref<80x64xi32, #tpu.memory_space<vmem>>, vector<16xi32>,
        %bitcast3A_1202 = vector.bitcast %get3A_1201 : vector<16xi32> to vector<32xbf16>
        %mul3A_1203 = arith.mulf %bitcast3A_1194, %bitcast3A_1198 : vector<32xbf16>
        %mul3A_1204 = arith.mulf %mul3A_1203, %bitcast3A_1202 : vector<32xbf16>
        %bitcast3A_1205 = vector.bitcast %mul3A_1204 : vector<32xbf16> to vector<16xi32>
        %and3A_1206 = arith.andi %bitcast3A_1205, %broadcast_in_dim3A_5 : vector<16xi32>
        %bitcast_convert_type3A_1207 = tpu.bitcast %and3A_1206 : vector<16xi32> -> vector<16xf32>
        %shift_left3A_1208 = arith.constant 16 : i32
        %shift_left3A_1209 = vector.broadcast %shift_left3A_1208 : i32 to vector<16xi32>
        %shift_left3A_1210 = arith.shli %bitcast3A_1205, %shift_left3A_1209 : vector<16xi32>
        %bitcast_convert_type3A_1211 = tpu.bitcast %shift_left3A_1210 : vector<16xi32> -> vector<16xf32>
        %add3A_1212 = arith.addf %bitcast_convert_type3A_1190, %bitcast_convert_type3A_1211 : vector<16xf32>
        %add3A_1213 = arith.addf %bitcast_convert_type3A_1186, %bitcast_convert_type3A_1207 : vector<16xf32>
        %get3A_1214 = arith.index_cast %add3A_1169 : i32 to index
        %get3A_1215 = arith.constant 32 : index
        %get3A_1216 = tpu.vector_load %arg11[%get3A_1214, %get3A_1215] {strides = array<i32>} : memref<80x64xi32, #tpu.memory_space<vmem>>, vector<16xi32>,
        %bitcast3A_1217 = vector.bitcast %get3A_1216 : vector<16xi32> to vector<32xbf16>
        %get3A_1218 = arith.index_cast %add3A_1169 : i32 to index
        %get3A_1219 = arith.constant 32 : index
        %get3A_1220 = tpu.vector_load %arg12[%get3A_1218, %get3A_1219] {strides = array<i32>} : memref<80x64xi32, #tpu.memory_space<vmem>>, vector<16xi32>,
        %bitcast3A_1221 = vector.bitcast %get3A_1220 : vector<16xi32> to vector<32xbf16>
        %get3A_1222 = arith.index_cast %add3A_1169 : i32 to index
        %get3A_1223 = arith.constant 32 : index
        %get3A_1224 = tpu.vector_load %arg13[%get3A_1222, %get3A_1223] {strides = array<i32>} : memref<80x64xi32, #tpu.memory_space<vmem>>, vector<16xi32>,
        %bitcast3A_1225 = vector.bitcast %get3A_1224 : vector<16xi32> to vector<32xbf16>
        %mul3A_1226 = arith.mulf %bitcast3A_1217, %bitcast3A_1221 : vector<32xbf16>
        %mul3A_1227 = arith.mulf %mul3A_1226, %bitcast3A_1225 : vector<32xbf16>
        %bitcast3A_1228 = vector.bitcast %mul3A_1227 : vector<32xbf16> to vector<16xi32>
        %and3A_1229 = arith.andi %bitcast3A_1228, %broadcast_in_dim3A_5 : vector<16xi32>
        %bitcast_convert_type3A_1230 = tpu.bitcast %and3A_1229 : vector<16xi32> -> vector<16xf32>
        %shift_left3A_1231 = arith.constant 16 : i32
        %shift_left3A_1232 = vector.broadcast %shift_left3A_1231 : i32 to vector<16xi32>
        %shift_left3A_1233 = arith.shli %bitcast3A_1228, %shift_left3A_1232 : vector<16xi32>
        %bitcast_convert_type3A_1234 = tpu.bitcast %shift_left3A_1233 : vector<16xi32> -> vector<16xf32>
        %add3A_1235 = arith.addf %add3A_1212, %bitcast_convert_type3A_1234 : vector<16xf32>
        %add3A_1236 = arith.addf %add3A_1213, %bitcast_convert_type3A_1230 : vector<16xf32>
        %get3A_1237 = arith.index_cast %add3A_1169 : i32 to index
        %get3A_1238 = arith.constant 48 : index
        %get3A_1239 = tpu.vector_load %arg11[%get3A_1237, %get3A_1238] {strides = array<i32>} : memref<80x64xi32, #tpu.memory_space<vmem>>, vector<16xi32>,
        %bitcast3A_1240 = vector.bitcast %get3A_1239 : vector<16xi32> to vector<32xbf16>
        %get3A_1241 = arith.index_cast %add3A_1169 : i32 to index
        %get3A_1242 = arith.constant 48 : index
        %get3A_1243 = tpu.vector_load %arg12[%get3A_1241, %get3A_1242] {strides = array<i32>} : memref<80x64xi32, #tpu.memory_space<vmem>>, vector<16xi32>,
        %bitcast3A_1244 = vector.bitcast %get3A_1243 : vector<16xi32> to vector<32xbf16>
        %get3A_1245 = arith.index_cast %add3A_1169 : i32 to index
        %get3A_1246 = arith.constant 48 : index
        %get3A_1247 = tpu.vector_load %arg13[%get3A_1245, %get3A_1246] {strides = array<i32>} : memref<80x64xi32, #tpu.memory_space<vmem>>, vector<16xi32>,
        %bitcast3A_1248 = vector.bitcast %get3A_1247 : vector<16xi32> to vector<32xbf16>
        %mul3A_1249 = arith.mulf %bitcast3A_1240, %bitcast3A_1244 : vector<32xbf16>
        %mul3A_1250 = arith.mulf %mul3A_1249, %bitcast3A_1248 : vector<32xbf16>
        %bitcast3A_1251 = vector.bitcast %mul3A_1250 : vector<32xbf16> to vector<16xi32>
        %and3A_1252 = arith.andi %bitcast3A_1251, %broadcast_in_dim3A_5 : vector<16xi32>
        %bitcast_convert_type3A_1253 = tpu.bitcast %and3A_1252 : vector<16xi32> -> vector<16xf32>
        %shift_left3A_1254 = arith.constant 16 : i32
        %shift_left3A_1255 = vector.broadcast %shift_left3A_1254 : i32 to vector<16xi32>
        %shift_left3A_1256 = arith.shli %bitcast3A_1251, %shift_left3A_1255 : vector<16xi32>
        %bitcast_convert_type3A_1257 = tpu.bitcast %shift_left3A_1256 : vector<16xi32> -> vector<16xf32>
        %add3A_1258 = arith.addf %add3A_1235, %bitcast_convert_type3A_1257 : vector<16xf32>
        %add3A_1259 = arith.addf %add3A_1236, %bitcast_convert_type3A_1253 : vector<16xf32>
        %add3A_1260 = arith.addf %add3A_1258, %add3A_1259 : vector<16xf32>
        %mul3A_1261 = arith.constant 80 : i32
        %mul3A_1262 = arith.muli %mul3A_26, %mul3A_1261 : i32
        %add3A_1263 = arith.addi %mul3A_1262, %add3A_1169 : i32
        %broadcast_in_dim3A_1264 = arith.constant true
        %broadcast_in_dim3A_1265 = vector.broadcast %broadcast_in_dim3A_1264 : i1 to vector<16xi1>
        %masked_cumsum3A_1266 = tpu.scan <sum>, %add3A_1260 masked %broadcast_in_dim3A_1265 : vector<16xf32>, vector<16xi1> -> vector<16xf32>
        %swap3A_1267 = arith.index_cast %add3A_1263 : i32 to index
        %swap3A_1268 = tpu.vector_load %arg17[%swap3A_1267] masked %eq3A_4 {strides = array<i32>} : memref<10016xf32, #tpu.memory_space<vmem>>, vector<16xf32>, vector<16xi1>
        tpu.vector_store %arg17[%swap3A_1267], %masked_cumsum3A_1266 masked %eq3A_4 {strides = array<i32>} : memref<10016xf32, #tpu.memory_space<vmem>>, vector<16xf32>, vector<16xi1>
        %add3A_1269 = arith.constant 12 : i32
        %add3A_1270 = arith.addi %mul3A_63, %add3A_1269 : i32
        %get3A_1271 = arith.index_cast %add3A_1270 : i32 to index
        %get3A_1272 = arith.constant 0 : index
        %get3A_1273 = tpu.vector_load %arg11[%get3A_1271, %get3A_1272] {strides = array<i32>} : memref<80x64xi32, #tpu.memory_space<vmem>>, vector<16xi32>,
        %bitcast3A_1274 = vector.bitcast %get3A_1273 : vector<16xi32> to vector<32xbf16>
        %get3A_1275 = arith.index_cast %add3A_1270 : i32 to index
        %get3A_1276 = arith.constant 0 : index
        %get3A_1277 = tpu.vector_load %arg12[%get3A_1275, %get3A_1276] {strides = array<i32>} : memref<80x64xi32, #tpu.memory_space<vmem>>, vector<16xi32>,
        %bitcast3A_1278 = vector.bitcast %get3A_1277 : vector<16xi32> to vector<32xbf16>
        %get3A_1279 = arith.index_cast %add3A_1270 : i32 to index
        %get3A_1280 = arith.constant 0 : index
        %get3A_1281 = tpu.vector_load %arg13[%get3A_1279, %get3A_1280] {strides = array<i32>} : memref<80x64xi32, #tpu.memory_space<vmem>>, vector<16xi32>,
        %bitcast3A_1282 = vector.bitcast %get3A_1281 : vector<16xi32> to vector<32xbf16>
        %mul3A_1283 = arith.mulf %bitcast3A_1274, %bitcast3A_1278 : vector<32xbf16>
        %mul3A_1284 = arith.mulf %mul3A_1283, %bitcast3A_1282 : vector<32xbf16>
        %bitcast3A_1285 = vector.bitcast %mul3A_1284 : vector<32xbf16> to vector<16xi32>
        %and3A_1286 = arith.andi %bitcast3A_1285, %broadcast_in_dim3A_5 : vector<16xi32>
        %bitcast_convert_type3A_1287 = tpu.bitcast %and3A_1286 : vector<16xi32> -> vector<16xf32>
        %shift_left3A_1288 = arith.constant 16 : i32
        %shift_left3A_1289 = vector.broadcast %shift_left3A_1288 : i32 to vector<16xi32>
        %shift_left3A_1290 = arith.shli %bitcast3A_1285, %shift_left3A_1289 : vector<16xi32>
        %bitcast_convert_type3A_1291 = tpu.bitcast %shift_left3A_1290 : vector<16xi32> -> vector<16xf32>
        %get3A_1292 = arith.index_cast %add3A_1270 : i32 to index
        %get3A_1293 = arith.constant 16 : index
        %get3A_1294 = tpu.vector_load %arg11[%get3A_1292, %get3A_1293] {strides = array<i32>} : memref<80x64xi32, #tpu.memory_space<vmem>>, vector<16xi32>,
        %bitcast3A_1295 = vector.bitcast %get3A_1294 : vector<16xi32> to vector<32xbf16>
        %get3A_1296 = arith.index_cast %add3A_1270 : i32 to index
        %get3A_1297 = arith.constant 16 : index
        %get3A_1298 = tpu.vector_load %arg12[%get3A_1296, %get3A_1297] {strides = array<i32>} : memref<80x64xi32, #tpu.memory_space<vmem>>, vector<16xi32>,
        %bitcast3A_1299 = vector.bitcast %get3A_1298 : vector<16xi32> to vector<32xbf16>
        %get3A_1300 = arith.index_cast %add3A_1270 : i32 to index
        %get3A_1301 = arith.constant 16 : index
        %get3A_1302 = tpu.vector_load %arg13[%get3A_1300, %get3A_1301] {strides = array<i32>} : memref<80x64xi32, #tpu.memory_space<vmem>>, vector<16xi32>,
        %bitcast3A_1303 = vector.bitcast %get3A_1302 : vector<16xi32> to vector<32xbf16>
        %mul3A_1304 = arith.mulf %bitcast3A_1295, %bitcast3A_1299 : vector<32xbf16>
        %mul3A_1305 = arith.mulf %mul3A_1304, %bitcast3A_1303 : vector<32xbf16>
        %bitcast3A_1306 = vector.bitcast %mul3A_1305 : vector<32xbf16> to vector<16xi32>
        %and3A_1307 = arith.andi %bitcast3A_1306, %broadcast_in_dim3A_5 : vector<16xi32>
        %bitcast_convert_type3A_1308 = tpu.bitcast %and3A_1307 : vector<16xi32> -> vector<16xf32>
        %shift_left3A_1309 = arith.constant 16 : i32
        %shift_left3A_1310 = vector.broadcast %shift_left3A_1309 : i32 to vector<16xi32>
        %shift_left3A_1311 = arith.shli %bitcast3A_1306, %shift_left3A_1310 : vector<16xi32>
        %bitcast_convert_type3A_1312 = tpu.bitcast %shift_left3A_1311 : vector<16xi32> -> vector<16xf32>
        %add3A_1313 = arith.addf %bitcast_convert_type3A_1291, %bitcast_convert_type3A_1312 : vector<16xf32>
        %add3A_1314 = arith.addf %bitcast_convert_type3A_1287, %bitcast_convert_type3A_1308 : vector<16xf32>
        %get3A_1315 = arith.index_cast %add3A_1270 : i32 to index
        %get3A_1316 = arith.constant 32 : index
        %get3A_1317 = tpu.vector_load %arg11[%get3A_1315, %get3A_1316] {strides = array<i32>} : memref<80x64xi32, #tpu.memory_space<vmem>>, vector<16xi32>,
        %bitcast3A_1318 = vector.bitcast %get3A_1317 : vector<16xi32> to vector<32xbf16>
        %get3A_1319 = arith.index_cast %add3A_1270 : i32 to index
        %get3A_1320 = arith.constant 32 : index
        %get3A_1321 = tpu.vector_load %arg12[%get3A_1319, %get3A_1320] {strides = array<i32>} : memref<80x64xi32, #tpu.memory_space<vmem>>, vector<16xi32>,
        %bitcast3A_1322 = vector.bitcast %get3A_1321 : vector<16xi32> to vector<32xbf16>
        %get3A_1323 = arith.index_cast %add3A_1270 : i32 to index
        %get3A_1324 = arith.constant 32 : index
        %get3A_1325 = tpu.vector_load %arg13[%get3A_1323, %get3A_1324] {strides = array<i32>} : memref<80x64xi32, #tpu.memory_space<vmem>>, vector<16xi32>,
        %bitcast3A_1326 = vector.bitcast %get3A_1325 : vector<16xi32> to vector<32xbf16>
        %mul3A_1327 = arith.mulf %bitcast3A_1318, %bitcast3A_1322 : vector<32xbf16>
        %mul3A_1328 = arith.mulf %mul3A_1327, %bitcast3A_1326 : vector<32xbf16>
        %bitcast3A_1329 = vector.bitcast %mul3A_1328 : vector<32xbf16> to vector<16xi32>
        %and3A_1330 = arith.andi %bitcast3A_1329, %broadcast_in_dim3A_5 : vector<16xi32>
        %bitcast_convert_type3A_1331 = tpu.bitcast %and3A_1330 : vector<16xi32> -> vector<16xf32>
        %shift_left3A_1332 = arith.constant 16 : i32
        %shift_left3A_1333 = vector.broadcast %shift_left3A_1332 : i32 to vector<16xi32>
        %shift_left3A_1334 = arith.shli %bitcast3A_1329, %shift_left3A_1333 : vector<16xi32>
        %bitcast_convert_type3A_1335 = tpu.bitcast %shift_left3A_1334 : vector<16xi32> -> vector<16xf32>
        %add3A_1336 = arith.addf %add3A_1313, %bitcast_convert_type3A_1335 : vector<16xf32>
        %add3A_1337 = arith.addf %add3A_1314, %bitcast_convert_type3A_1331 : vector<16xf32>
        %get3A_1338 = arith.index_cast %add3A_1270 : i32 to index
        %get3A_1339 = arith.constant 48 : index
        %get3A_1340 = tpu.vector_load %arg11[%get3A_1338, %get3A_1339] {strides = array<i32>} : memref<80x64xi32, #tpu.memory_space<vmem>>, vector<16xi32>,
        %bitcast3A_1341 = vector.bitcast %get3A_1340 : vector<16xi32> to vector<32xbf16>
        %get3A_1342 = arith.index_cast %add3A_1270 : i32 to index
        %get3A_1343 = arith.constant 48 : index
        %get3A_1344 = tpu.vector_load %arg12[%get3A_1342, %get3A_1343] {strides = array<i32>} : memref<80x64xi32, #tpu.memory_space<vmem>>, vector<16xi32>,
        %bitcast3A_1345 = vector.bitcast %get3A_1344 : vector<16xi32> to vector<32xbf16>
        %get3A_1346 = arith.index_cast %add3A_1270 : i32 to index
        %get3A_1347 = arith.constant 48 : index
        %get3A_1348 = tpu.vector_load %arg13[%get3A_1346, %get3A_1347] {strides = array<i32>} : memref<80x64xi32, #tpu.memory_space<vmem>>, vector<16xi32>,
        %bitcast3A_1349 = vector.bitcast %get3A_1348 : vector<16xi32> to vector<32xbf16>
        %mul3A_1350 = arith.mulf %bitcast3A_1341, %bitcast3A_1345 : vector<32xbf16>
        %mul3A_1351 = arith.mulf %mul3A_1350, %bitcast3A_1349 : vector<32xbf16>
        %bitcast3A_1352 = vector.bitcast %mul3A_1351 : vector<32xbf16> to vector<16xi32>
        %and3A_1353 = arith.andi %bitcast3A_1352, %broadcast_in_dim3A_5 : vector<16xi32>
        %bitcast_convert_type3A_1354 = tpu.bitcast %and3A_1353 : vector<16xi32> -> vector<16xf32>
        %shift_left3A_1355 = arith.constant 16 : i32
        %shift_left3A_1356 = vector.broadcast %shift_left3A_1355 : i32 to vector<16xi32>
        %shift_left3A_1357 = arith.shli %bitcast3A_1352, %shift_left3A_1356 : vector<16xi32>
        %bitcast_convert_type3A_1358 = tpu.bitcast %shift_left3A_1357 : vector<16xi32> -> vector<16xf32>
        %add3A_1359 = arith.addf %add3A_1336, %bitcast_convert_type3A_1358 : vector<16xf32>
        %add3A_1360 = arith.addf %add3A_1337, %bitcast_convert_type3A_1354 : vector<16xf32>
        %add3A_1361 = arith.addf %add3A_1359, %add3A_1360 : vector<16xf32>
        %mul3A_1362 = arith.constant 80 : i32
        %mul3A_1363 = arith.muli %mul3A_26, %mul3A_1362 : i32
        %add3A_1364 = arith.addi %mul3A_1363, %add3A_1270 : i32
        %broadcast_in_dim3A_1365 = arith.constant true
        %broadcast_in_dim3A_1366 = vector.broadcast %broadcast_in_dim3A_1365 : i1 to vector<16xi1>
        %masked_cumsum3A_1367 = tpu.scan <sum>, %add3A_1361 masked %broadcast_in_dim3A_1366 : vector<16xf32>, vector<16xi1> -> vector<16xf32>
        %swap3A_1368 = arith.index_cast %add3A_1364 : i32 to index
        %swap3A_1369 = tpu.vector_load %arg17[%swap3A_1368] masked %eq3A_4 {strides = array<i32>} : memref<10016xf32, #tpu.memory_space<vmem>>, vector<16xf32>, vector<16xi1>
        tpu.vector_store %arg17[%swap3A_1368], %masked_cumsum3A_1367 masked %eq3A_4 {strides = array<i32>} : memref<10016xf32, #tpu.memory_space<vmem>>, vector<16xf32>, vector<16xi1>
        %add3A_1370 = arith.constant 13 : i32
        %add3A_1371 = arith.addi %mul3A_63, %add3A_1370 : i32
        %get3A_1372 = arith.index_cast %add3A_1371 : i32 to index
        %get3A_1373 = arith.constant 0 : index
        %get3A_1374 = tpu.vector_load %arg11[%get3A_1372, %get3A_1373] {strides = array<i32>} : memref<80x64xi32, #tpu.memory_space<vmem>>, vector<16xi32>,
        %bitcast3A_1375 = vector.bitcast %get3A_1374 : vector<16xi32> to vector<32xbf16>
        %get3A_1376 = arith.index_cast %add3A_1371 : i32 to index
        %get3A_1377 = arith.constant 0 : index
        %get3A_1378 = tpu.vector_load %arg12[%get3A_1376, %get3A_1377] {strides = array<i32>} : memref<80x64xi32, #tpu.memory_space<vmem>>, vector<16xi32>,
        %bitcast3A_1379 = vector.bitcast %get3A_1378 : vector<16xi32> to vector<32xbf16>
        %get3A_1380 = arith.index_cast %add3A_1371 : i32 to index
        %get3A_1381 = arith.constant 0 : index
        %get3A_1382 = tpu.vector_load %arg13[%get3A_1380, %get3A_1381] {strides = array<i32>} : memref<80x64xi32, #tpu.memory_space<vmem>>, vector<16xi32>,
        %bitcast3A_1383 = vector.bitcast %get3A_1382 : vector<16xi32> to vector<32xbf16>
        %mul3A_1384 = arith.mulf %bitcast3A_1375, %bitcast3A_1379 : vector<32xbf16>
        %mul3A_1385 = arith.mulf %mul3A_1384, %bitcast3A_1383 : vector<32xbf16>
        %bitcast3A_1386 = vector.bitcast %mul3A_1385 : vector<32xbf16> to vector<16xi32>
        %and3A_1387 = arith.andi %bitcast3A_1386, %broadcast_in_dim3A_5 : vector<16xi32>
        %bitcast_convert_type3A_1388 = tpu.bitcast %and3A_1387 : vector<16xi32> -> vector<16xf32>
        %shift_left3A_1389 = arith.constant 16 : i32
        %shift_left3A_1390 = vector.broadcast %shift_left3A_1389 : i32 to vector<16xi32>
        %shift_left3A_1391 = arith.shli %bitcast3A_1386, %shift_left3A_1390 : vector<16xi32>
        %bitcast_convert_type3A_1392 = tpu.bitcast %shift_left3A_1391 : vector<16xi32> -> vector<16xf32>
        %get3A_1393 = arith.index_cast %add3A_1371 : i32 to index
        %get3A_1394 = arith.constant 16 : index
        %get3A_1395 = tpu.vector_load %arg11[%get3A_1393, %get3A_1394] {strides = array<i32>} : memref<80x64xi32, #tpu.memory_space<vmem>>, vector<16xi32>,
        %bitcast3A_1396 = vector.bitcast %get3A_1395 : vector<16xi32> to vector<32xbf16>
        %get3A_1397 = arith.index_cast %add3A_1371 : i32 to index
        %get3A_1398 = arith.constant 16 : index
        %get3A_1399 = tpu.vector_load %arg12[%get3A_1397, %get3A_1398] {strides = array<i32>} : memref<80x64xi32, #tpu.memory_space<vmem>>, vector<16xi32>,
        %bitcast3A_1400 = vector.bitcast %get3A_1399 : vector<16xi32> to vector<32xbf16>
        %get3A_1401 = arith.index_cast %add3A_1371 : i32 to index
        %get3A_1402 = arith.constant 16 : index
        %get3A_1403 = tpu.vector_load %arg13[%get3A_1401, %get3A_1402] {strides = array<i32>} : memref<80x64xi32, #tpu.memory_space<vmem>>, vector<16xi32>,
        %bitcast3A_1404 = vector.bitcast %get3A_1403 : vector<16xi32> to vector<32xbf16>
        %mul3A_1405 = arith.mulf %bitcast3A_1396, %bitcast3A_1400 : vector<32xbf16>
        %mul3A_1406 = arith.mulf %mul3A_1405, %bitcast3A_1404 : vector<32xbf16>
        %bitcast3A_1407 = vector.bitcast %mul3A_1406 : vector<32xbf16> to vector<16xi32>
        %and3A_1408 = arith.andi %bitcast3A_1407, %broadcast_in_dim3A_5 : vector<16xi32>
        %bitcast_convert_type3A_1409 = tpu.bitcast %and3A_1408 : vector<16xi32> -> vector<16xf32>
        %shift_left3A_1410 = arith.constant 16 : i32
        %shift_left3A_1411 = vector.broadcast %shift_left3A_1410 : i32 to vector<16xi32>
        %shift_left3A_1412 = arith.shli %bitcast3A_1407, %shift_left3A_1411 : vector<16xi32>
        %bitcast_convert_type3A_1413 = tpu.bitcast %shift_left3A_1412 : vector<16xi32> -> vector<16xf32>
        %add3A_1414 = arith.addf %bitcast_convert_type3A_1392, %bitcast_convert_type3A_1413 : vector<16xf32>
        %add3A_1415 = arith.addf %bitcast_convert_type3A_1388, %bitcast_convert_type3A_1409 : vector<16xf32>
        %get3A_1416 = arith.index_cast %add3A_1371 : i32 to index
        %get3A_1417 = arith.constant 32 : index
        %get3A_1418 = tpu.vector_load %arg11[%get3A_1416, %get3A_1417] {strides = array<i32>} : memref<80x64xi32, #tpu.memory_space<vmem>>, vector<16xi32>,
        %bitcast3A_1419 = vector.bitcast %get3A_1418 : vector<16xi32> to vector<32xbf16>
        %get3A_1420 = arith.index_cast %add3A_1371 : i32 to index
        %get3A_1421 = arith.constant 32 : index
        %get3A_1422 = tpu.vector_load %arg12[%get3A_1420, %get3A_1421] {strides = array<i32>} : memref<80x64xi32, #tpu.memory_space<vmem>>, vector<16xi32>,
        %bitcast3A_1423 = vector.bitcast %get3A_1422 : vector<16xi32> to vector<32xbf16>
        %get3A_1424 = arith.index_cast %add3A_1371 : i32 to index
        %get3A_1425 = arith.constant 32 : index
        %get3A_1426 = tpu.vector_load %arg13[%get3A_1424, %get3A_1425] {strides = array<i32>} : memref<80x64xi32, #tpu.memory_space<vmem>>, vector<16xi32>,
        %bitcast3A_1427 = vector.bitcast %get3A_1426 : vector<16xi32> to vector<32xbf16>
        %mul3A_1428 = arith.mulf %bitcast3A_1419, %bitcast3A_1423 : vector<32xbf16>
        %mul3A_1429 = arith.mulf %mul3A_1428, %bitcast3A_1427 : vector<32xbf16>
        %bitcast3A_1430 = vector.bitcast %mul3A_1429 : vector<32xbf16> to vector<16xi32>
        %and3A_1431 = arith.andi %bitcast3A_1430, %broadcast_in_dim3A_5 : vector<16xi32>
        %bitcast_convert_type3A_1432 = tpu.bitcast %and3A_1431 : vector<16xi32> -> vector<16xf32>
        %shift_left3A_1433 = arith.constant 16 : i32
        %shift_left3A_1434 = vector.broadcast %shift_left3A_1433 : i32 to vector<16xi32>
        %shift_left3A_1435 = arith.shli %bitcast3A_1430, %shift_left3A_1434 : vector<16xi32>
        %bitcast_convert_type3A_1436 = tpu.bitcast %shift_left3A_1435 : vector<16xi32> -> vector<16xf32>
        %add3A_1437 = arith.addf %add3A_1414, %bitcast_convert_type3A_1436 : vector<16xf32>
        %add3A_1438 = arith.addf %add3A_1415, %bitcast_convert_type3A_1432 : vector<16xf32>
        %get3A_1439 = arith.index_cast %add3A_1371 : i32 to index
        %get3A_1440 = arith.constant 48 : index
        %get3A_1441 = tpu.vector_load %arg11[%get3A_1439, %get3A_1440] {strides = array<i32>} : memref<80x64xi32, #tpu.memory_space<vmem>>, vector<16xi32>,
        %bitcast3A_1442 = vector.bitcast %get3A_1441 : vector<16xi32> to vector<32xbf16>
        %get3A_1443 = arith.index_cast %add3A_1371 : i32 to index
        %get3A_1444 = arith.constant 48 : index
        %get3A_1445 = tpu.vector_load %arg12[%get3A_1443, %get3A_1444] {strides = array<i32>} : memref<80x64xi32, #tpu.memory_space<vmem>>, vector<16xi32>,
        %bitcast3A_1446 = vector.bitcast %get3A_1445 : vector<16xi32> to vector<32xbf16>
        %get3A_1447 = arith.index_cast %add3A_1371 : i32 to index
        %get3A_1448 = arith.constant 48 : index
        %get3A_1449 = tpu.vector_load %arg13[%get3A_1447, %get3A_1448] {strides = array<i32>} : memref<80x64xi32, #tpu.memory_space<vmem>>, vector<16xi32>,
        %bitcast3A_1450 = vector.bitcast %get3A_1449 : vector<16xi32> to vector<32xbf16>
        %mul3A_1451 = arith.mulf %bitcast3A_1442, %bitcast3A_1446 : vector<32xbf16>
        %mul3A_1452 = arith.mulf %mul3A_1451, %bitcast3A_1450 : vector<32xbf16>
        %bitcast3A_1453 = vector.bitcast %mul3A_1452 : vector<32xbf16> to vector<16xi32>
        %and3A_1454 = arith.andi %bitcast3A_1453, %broadcast_in_dim3A_5 : vector<16xi32>
        %bitcast_convert_type3A_1455 = tpu.bitcast %and3A_1454 : vector<16xi32> -> vector<16xf32>
        %shift_left3A_1456 = arith.constant 16 : i32
        %shift_left3A_1457 = vector.broadcast %shift_left3A_1456 : i32 to vector<16xi32>
        %shift_left3A_1458 = arith.shli %bitcast3A_1453, %shift_left3A_1457 : vector<16xi32>
        %bitcast_convert_type3A_1459 = tpu.bitcast %shift_left3A_1458 : vector<16xi32> -> vector<16xf32>
        %add3A_1460 = arith.addf %add3A_1437, %bitcast_convert_type3A_1459 : vector<16xf32>
        %add3A_1461 = arith.addf %add3A_1438, %bitcast_convert_type3A_1455 : vector<16xf32>
        %add3A_1462 = arith.addf %add3A_1460, %add3A_1461 : vector<16xf32>
        %mul3A_1463 = arith.constant 80 : i32
        %mul3A_1464 = arith.muli %mul3A_26, %mul3A_1463 : i32
        %add3A_1465 = arith.addi %mul3A_1464, %add3A_1371 : i32
        %broadcast_in_dim3A_1466 = arith.constant true
        %broadcast_in_dim3A_1467 = vector.broadcast %broadcast_in_dim3A_1466 : i1 to vector<16xi1>
        %masked_cumsum3A_1468 = tpu.scan <sum>, %add3A_1462 masked %broadcast_in_dim3A_1467 : vector<16xf32>, vector<16xi1> -> vector<16xf32>
        %swap3A_1469 = arith.index_cast %add3A_1465 : i32 to index
        %swap3A_1470 = tpu.vector_load %arg17[%swap3A_1469] masked %eq3A_4 {strides = array<i32>} : memref<10016xf32, #tpu.memory_space<vmem>>, vector<16xf32>, vector<16xi1>
        tpu.vector_store %arg17[%swap3A_1469], %masked_cumsum3A_1468 masked %eq3A_4 {strides = array<i32>} : memref<10016xf32, #tpu.memory_space<vmem>>, vector<16xf32>, vector<16xi1>
        %add3A_1471 = arith.constant 14 : i32
        %add3A_1472 = arith.addi %mul3A_63, %add3A_1471 : i32
        %get3A_1473 = arith.index_cast %add3A_1472 : i32 to index
        %get3A_1474 = arith.constant 0 : index
        %get3A_1475 = tpu.vector_load %arg11[%get3A_1473, %get3A_1474] {strides = array<i32>} : memref<80x64xi32, #tpu.memory_space<vmem>>, vector<16xi32>,
        %bitcast3A_1476 = vector.bitcast %get3A_1475 : vector<16xi32> to vector<32xbf16>
        %get3A_1477 = arith.index_cast %add3A_1472 : i32 to index
        %get3A_1478 = arith.constant 0 : index
        %get3A_1479 = tpu.vector_load %arg12[%get3A_1477, %get3A_1478] {strides = array<i32>} : memref<80x64xi32, #tpu.memory_space<vmem>>, vector<16xi32>,
        %bitcast3A_1480 = vector.bitcast %get3A_1479 : vector<16xi32> to vector<32xbf16>
        %get3A_1481 = arith.index_cast %add3A_1472 : i32 to index
        %get3A_1482 = arith.constant 0 : index
        %get3A_1483 = tpu.vector_load %arg13[%get3A_1481, %get3A_1482] {strides = array<i32>} : memref<80x64xi32, #tpu.memory_space<vmem>>, vector<16xi32>,
        %bitcast3A_1484 = vector.bitcast %get3A_1483 : vector<16xi32> to vector<32xbf16>
        %mul3A_1485 = arith.mulf %bitcast3A_1476, %bitcast3A_1480 : vector<32xbf16>
        %mul3A_1486 = arith.mulf %mul3A_1485, %bitcast3A_1484 : vector<32xbf16>
        %bitcast3A_1487 = vector.bitcast %mul3A_1486 : vector<32xbf16> to vector<16xi32>
        %and3A_1488 = arith.andi %bitcast3A_1487, %broadcast_in_dim3A_5 : vector<16xi32>
        %bitcast_convert_type3A_1489 = tpu.bitcast %and3A_1488 : vector<16xi32> -> vector<16xf32>
        %shift_left3A_1490 = arith.constant 16 : i32
        %shift_left3A_1491 = vector.broadcast %shift_left3A_1490 : i32 to vector<16xi32>
        %shift_left3A_1492 = arith.shli %bitcast3A_1487, %shift_left3A_1491 : vector<16xi32>
        %bitcast_convert_type3A_1493 = tpu.bitcast %shift_left3A_1492 : vector<16xi32> -> vector<16xf32>
        %get3A_1494 = arith.index_cast %add3A_1472 : i32 to index
        %get3A_1495 = arith.constant 16 : index
        %get3A_1496 = tpu.vector_load %arg11[%get3A_1494, %get3A_1495] {strides = array<i32>} : memref<80x64xi32, #tpu.memory_space<vmem>>, vector<16xi32>,
        %bitcast3A_1497 = vector.bitcast %get3A_1496 : vector<16xi32> to vector<32xbf16>
        %get3A_1498 = arith.index_cast %add3A_1472 : i32 to index
        %get3A_1499 = arith.constant 16 : index
        %get3A_1500 = tpu.vector_load %arg12[%get3A_1498, %get3A_1499] {strides = array<i32>} : memref<80x64xi32, #tpu.memory_space<vmem>>, vector<16xi32>,
        %bitcast3A_1501 = vector.bitcast %get3A_1500 : vector<16xi32> to vector<32xbf16>
        %get3A_1502 = arith.index_cast %add3A_1472 : i32 to index
        %get3A_1503 = arith.constant 16 : index
        %get3A_1504 = tpu.vector_load %arg13[%get3A_1502, %get3A_1503] {strides = array<i32>} : memref<80x64xi32, #tpu.memory_space<vmem>>, vector<16xi32>,
        %bitcast3A_1505 = vector.bitcast %get3A_1504 : vector<16xi32> to vector<32xbf16>
        %mul3A_1506 = arith.mulf %bitcast3A_1497, %bitcast3A_1501 : vector<32xbf16>
        %mul3A_1507 = arith.mulf %mul3A_1506, %bitcast3A_1505 : vector<32xbf16>
        %bitcast3A_1508 = vector.bitcast %mul3A_1507 : vector<32xbf16> to vector<16xi32>
        %and3A_1509 = arith.andi %bitcast3A_1508, %broadcast_in_dim3A_5 : vector<16xi32>
        %bitcast_convert_type3A_1510 = tpu.bitcast %and3A_1509 : vector<16xi32> -> vector<16xf32>
        %shift_left3A_1511 = arith.constant 16 : i32
        %shift_left3A_1512 = vector.broadcast %shift_left3A_1511 : i32 to vector<16xi32>
        %shift_left3A_1513 = arith.shli %bitcast3A_1508, %shift_left3A_1512 : vector<16xi32>
        %bitcast_convert_type3A_1514 = tpu.bitcast %shift_left3A_1513 : vector<16xi32> -> vector<16xf32>
        %add3A_1515 = arith.addf %bitcast_convert_type3A_1493, %bitcast_convert_type3A_1514 : vector<16xf32>
        %add3A_1516 = arith.addf %bitcast_convert_type3A_1489, %bitcast_convert_type3A_1510 : vector<16xf32>
        %get3A_1517 = arith.index_cast %add3A_1472 : i32 to index
        %get3A_1518 = arith.constant 32 : index
        %get3A_1519 = tpu.vector_load %arg11[%get3A_1517, %get3A_1518] {strides = array<i32>} : memref<80x64xi32, #tpu.memory_space<vmem>>, vector<16xi32>,
        %bitcast3A_1520 = vector.bitcast %get3A_1519 : vector<16xi32> to vector<32xbf16>
        %get3A_1521 = arith.index_cast %add3A_1472 : i32 to index
        %get3A_1522 = arith.constant 32 : index
        %get3A_1523 = tpu.vector_load %arg12[%get3A_1521, %get3A_1522] {strides = array<i32>} : memref<80x64xi32, #tpu.memory_space<vmem>>, vector<16xi32>,
        %bitcast3A_1524 = vector.bitcast %get3A_1523 : vector<16xi32> to vector<32xbf16>
        %get3A_1525 = arith.index_cast %add3A_1472 : i32 to index
        %get3A_1526 = arith.constant 32 : index
        %get3A_1527 = tpu.vector_load %arg13[%get3A_1525, %get3A_1526] {strides = array<i32>} : memref<80x64xi32, #tpu.memory_space<vmem>>, vector<16xi32>,
        %bitcast3A_1528 = vector.bitcast %get3A_1527 : vector<16xi32> to vector<32xbf16>
        %mul3A_1529 = arith.mulf %bitcast3A_1520, %bitcast3A_1524 : vector<32xbf16>
        %mul3A_1530 = arith.mulf %mul3A_1529, %bitcast3A_1528 : vector<32xbf16>
        %bitcast3A_1531 = vector.bitcast %mul3A_1530 : vector<32xbf16> to vector<16xi32>
        %and3A_1532 = arith.andi %bitcast3A_1531, %broadcast_in_dim3A_5 : vector<16xi32>
        %bitcast_convert_type3A_1533 = tpu.bitcast %and3A_1532 : vector<16xi32> -> vector<16xf32>
        %shift_left3A_1534 = arith.constant 16 : i32
        %shift_left3A_1535 = vector.broadcast %shift_left3A_1534 : i32 to vector<16xi32>
        %shift_left3A_1536 = arith.shli %bitcast3A_1531, %shift_left3A_1535 : vector<16xi32>
        %bitcast_convert_type3A_1537 = tpu.bitcast %shift_left3A_1536 : vector<16xi32> -> vector<16xf32>
        %add3A_1538 = arith.addf %add3A_1515, %bitcast_convert_type3A_1537 : vector<16xf32>
        %add3A_1539 = arith.addf %add3A_1516, %bitcast_convert_type3A_1533 : vector<16xf32>
        %get3A_1540 = arith.index_cast %add3A_1472 : i32 to index
        %get3A_1541 = arith.constant 48 : index
        %get3A_1542 = tpu.vector_load %arg11[%get3A_1540, %get3A_1541] {strides = array<i32>} : memref<80x64xi32, #tpu.memory_space<vmem>>, vector<16xi32>,
        %bitcast3A_1543 = vector.bitcast %get3A_1542 : vector<16xi32> to vector<32xbf16>
        %get3A_1544 = arith.index_cast %add3A_1472 : i32 to index
        %get3A_1545 = arith.constant 48 : index
        %get3A_1546 = tpu.vector_load %arg12[%get3A_1544, %get3A_1545] {strides = array<i32>} : memref<80x64xi32, #tpu.memory_space<vmem>>, vector<16xi32>,
        %bitcast3A_1547 = vector.bitcast %get3A_1546 : vector<16xi32> to vector<32xbf16>
        %get3A_1548 = arith.index_cast %add3A_1472 : i32 to index
        %get3A_1549 = arith.constant 48 : index
        %get3A_1550 = tpu.vector_load %arg13[%get3A_1548, %get3A_1549] {strides = array<i32>} : memref<80x64xi32, #tpu.memory_space<vmem>>, vector<16xi32>,
        %bitcast3A_1551 = vector.bitcast %get3A_1550 : vector<16xi32> to vector<32xbf16>
        %mul3A_1552 = arith.mulf %bitcast3A_1543, %bitcast3A_1547 : vector<32xbf16>
        %mul3A_1553 = arith.mulf %mul3A_1552, %bitcast3A_1551 : vector<32xbf16>
        %bitcast3A_1554 = vector.bitcast %mul3A_1553 : vector<32xbf16> to vector<16xi32>
        %and3A_1555 = arith.andi %bitcast3A_1554, %broadcast_in_dim3A_5 : vector<16xi32>
        %bitcast_convert_type3A_1556 = tpu.bitcast %and3A_1555 : vector<16xi32> -> vector<16xf32>
        %shift_left3A_1557 = arith.constant 16 : i32
        %shift_left3A_1558 = vector.broadcast %shift_left3A_1557 : i32 to vector<16xi32>
        %shift_left3A_1559 = arith.shli %bitcast3A_1554, %shift_left3A_1558 : vector<16xi32>
        %bitcast_convert_type3A_1560 = tpu.bitcast %shift_left3A_1559 : vector<16xi32> -> vector<16xf32>
        %add3A_1561 = arith.addf %add3A_1538, %bitcast_convert_type3A_1560 : vector<16xf32>
        %add3A_1562 = arith.addf %add3A_1539, %bitcast_convert_type3A_1556 : vector<16xf32>
        %add3A_1563 = arith.addf %add3A_1561, %add3A_1562 : vector<16xf32>
        %mul3A_1564 = arith.constant 80 : i32
        %mul3A_1565 = arith.muli %mul3A_26, %mul3A_1564 : i32
        %add3A_1566 = arith.addi %mul3A_1565, %add3A_1472 : i32
        %broadcast_in_dim3A_1567 = arith.constant true
        %broadcast_in_dim3A_1568 = vector.broadcast %broadcast_in_dim3A_1567 : i1 to vector<16xi1>
        %masked_cumsum3A_1569 = tpu.scan <sum>, %add3A_1563 masked %broadcast_in_dim3A_1568 : vector<16xf32>, vector<16xi1> -> vector<16xf32>
        %swap3A_1570 = arith.index_cast %add3A_1566 : i32 to index
        %swap3A_1571 = tpu.vector_load %arg17[%swap3A_1570] masked %eq3A_4 {strides = array<i32>} : memref<10016xf32, #tpu.memory_space<vmem>>, vector<16xf32>, vector<16xi1>
        tpu.vector_store %arg17[%swap3A_1570], %masked_cumsum3A_1569 masked %eq3A_4 {strides = array<i32>} : memref<10016xf32, #tpu.memory_space<vmem>>, vector<16xf32>, vector<16xi1>
        %add3A_1572 = arith.constant 15 : i32
        %add3A_1573 = arith.addi %mul3A_63, %add3A_1572 : i32
        %get3A_1574 = arith.index_cast %add3A_1573 : i32 to index
        %get3A_1575 = arith.constant 0 : index
        %get3A_1576 = tpu.vector_load %arg11[%get3A_1574, %get3A_1575] {strides = array<i32>} : memref<80x64xi32, #tpu.memory_space<vmem>>, vector<16xi32>,
        %bitcast3A_1577 = vector.bitcast %get3A_1576 : vector<16xi32> to vector<32xbf16>
        %get3A_1578 = arith.index_cast %add3A_1573 : i32 to index
        %get3A_1579 = arith.constant 0 : index
        %get3A_1580 = tpu.vector_load %arg12[%get3A_1578, %get3A_1579] {strides = array<i32>} : memref<80x64xi32, #tpu.memory_space<vmem>>, vector<16xi32>,
        %bitcast3A_1581 = vector.bitcast %get3A_1580 : vector<16xi32> to vector<32xbf16>
        %get3A_1582 = arith.index_cast %add3A_1573 : i32 to index
        %get3A_1583 = arith.constant 0 : index
        %get3A_1584 = tpu.vector_load %arg13[%get3A_1582, %get3A_1583] {strides = array<i32>} : memref<80x64xi32, #tpu.memory_space<vmem>>, vector<16xi32>,
        %bitcast3A_1585 = vector.bitcast %get3A_1584 : vector<16xi32> to vector<32xbf16>
        %mul3A_1586 = arith.mulf %bitcast3A_1577, %bitcast3A_1581 : vector<32xbf16>
        %mul3A_1587 = arith.mulf %mul3A_1586, %bitcast3A_1585 : vector<32xbf16>
        %bitcast3A_1588 = vector.bitcast %mul3A_1587 : vector<32xbf16> to vector<16xi32>
        %and3A_1589 = arith.andi %bitcast3A_1588, %broadcast_in_dim3A_5 : vector<16xi32>
        %bitcast_convert_type3A_1590 = tpu.bitcast %and3A_1589 : vector<16xi32> -> vector<16xf32>
        %shift_left3A_1591 = arith.constant 16 : i32
        %shift_left3A_1592 = vector.broadcast %shift_left3A_1591 : i32 to vector<16xi32>
        %shift_left3A_1593 = arith.shli %bitcast3A_1588, %shift_left3A_1592 : vector<16xi32>
        %bitcast_convert_type3A_1594 = tpu.bitcast %shift_left3A_1593 : vector<16xi32> -> vector<16xf32>
        %get3A_1595 = arith.index_cast %add3A_1573 : i32 to index
        %get3A_1596 = arith.constant 16 : index
        %get3A_1597 = tpu.vector_load %arg11[%get3A_1595, %get3A_1596] {strides = array<i32>} : memref<80x64xi32, #tpu.memory_space<vmem>>, vector<16xi32>,
        %bitcast3A_1598 = vector.bitcast %get3A_1597 : vector<16xi32> to vector<32xbf16>
        %get3A_1599 = arith.index_cast %add3A_1573 : i32 to index
        %get3A_1600 = arith.constant 16 : index
        %get3A_1601 = tpu.vector_load %arg12[%get3A_1599, %get3A_1600] {strides = array<i32>} : memref<80x64xi32, #tpu.memory_space<vmem>>, vector<16xi32>,
        %bitcast3A_1602 = vector.bitcast %get3A_1601 : vector<16xi32> to vector<32xbf16>
        %get3A_1603 = arith.index_cast %add3A_1573 : i32 to index
        %get3A_1604 = arith.constant 16 : index
        %get3A_1605 = tpu.vector_load %arg13[%get3A_1603, %get3A_1604] {strides = array<i32>} : memref<80x64xi32, #tpu.memory_space<vmem>>, vector<16xi32>,
        %bitcast3A_1606 = vector.bitcast %get3A_1605 : vector<16xi32> to vector<32xbf16>
        %mul3A_1607 = arith.mulf %bitcast3A_1598, %bitcast3A_1602 : vector<32xbf16>
        %mul3A_1608 = arith.mulf %mul3A_1607, %bitcast3A_1606 : vector<32xbf16>
        %bitcast3A_1609 = vector.bitcast %mul3A_1608 : vector<32xbf16> to vector<16xi32>
        %and3A_1610 = arith.andi %bitcast3A_1609, %broadcast_in_dim3A_5 : vector<16xi32>
        %bitcast_convert_type3A_1611 = tpu.bitcast %and3A_1610 : vector<16xi32> -> vector<16xf32>
        %shift_left3A_1612 = arith.constant 16 : i32
        %shift_left3A_1613 = vector.broadcast %shift_left3A_1612 : i32 to vector<16xi32>
        %shift_left3A_1614 = arith.shli %bitcast3A_1609, %shift_left3A_1613 : vector<16xi32>
        %bitcast_convert_type3A_1615 = tpu.bitcast %shift_left3A_1614 : vector<16xi32> -> vector<16xf32>
        %add3A_1616 = arith.addf %bitcast_convert_type3A_1594, %bitcast_convert_type3A_1615 : vector<16xf32>
        %add3A_1617 = arith.addf %bitcast_convert_type3A_1590, %bitcast_convert_type3A_1611 : vector<16xf32>
        %get3A_1618 = arith.index_cast %add3A_1573 : i32 to index
        %get3A_1619 = arith.constant 32 : index
        %get3A_1620 = tpu.vector_load %arg11[%get3A_1618, %get3A_1619] {strides = array<i32>} : memref<80x64xi32, #tpu.memory_space<vmem>>, vector<16xi32>,
        %bitcast3A_1621 = vector.bitcast %get3A_1620 : vector<16xi32> to vector<32xbf16>
        %get3A_1622 = arith.index_cast %add3A_1573 : i32 to index
        %get3A_1623 = arith.constant 32 : index
        %get3A_1624 = tpu.vector_load %arg12[%get3A_1622, %get3A_1623] {strides = array<i32>} : memref<80x64xi32, #tpu.memory_space<vmem>>, vector<16xi32>,
        %bitcast3A_1625 = vector.bitcast %get3A_1624 : vector<16xi32> to vector<32xbf16>
        %get3A_1626 = arith.index_cast %add3A_1573 : i32 to index
        %get3A_1627 = arith.constant 32 : index
        %get3A_1628 = tpu.vector_load %arg13[%get3A_1626, %get3A_1627] {strides = array<i32>} : memref<80x64xi32, #tpu.memory_space<vmem>>, vector<16xi32>,
        %bitcast3A_1629 = vector.bitcast %get3A_1628 : vector<16xi32> to vector<32xbf16>
        %mul3A_1630 = arith.mulf %bitcast3A_1621, %bitcast3A_1625 : vector<32xbf16>
        %mul3A_1631 = arith.mulf %mul3A_1630, %bitcast3A_1629 : vector<32xbf16>
        %bitcast3A_1632 = vector.bitcast %mul3A_1631 : vector<32xbf16> to vector<16xi32>
        %and3A_1633 = arith.andi %bitcast3A_1632, %broadcast_in_dim3A_5 : vector<16xi32>
        %bitcast_convert_type3A_1634 = tpu.bitcast %and3A_1633 : vector<16xi32> -> vector<16xf32>
        %shift_left3A_1635 = arith.constant 16 : i32
        %shift_left3A_1636 = vector.broadcast %shift_left3A_1635 : i32 to vector<16xi32>
        %shift_left3A_1637 = arith.shli %bitcast3A_1632, %shift_left3A_1636 : vector<16xi32>
        %bitcast_convert_type3A_1638 = tpu.bitcast %shift_left3A_1637 : vector<16xi32> -> vector<16xf32>
        %add3A_1639 = arith.addf %add3A_1616, %bitcast_convert_type3A_1638 : vector<16xf32>
        %add3A_1640 = arith.addf %add3A_1617, %bitcast_convert_type3A_1634 : vector<16xf32>
        %get3A_1641 = arith.index_cast %add3A_1573 : i32 to index
        %get3A_1642 = arith.constant 48 : index
        %get3A_1643 = tpu.vector_load %arg11[%get3A_1641, %get3A_1642] {strides = array<i32>} : memref<80x64xi32, #tpu.memory_space<vmem>>, vector<16xi32>,
        %bitcast3A_1644 = vector.bitcast %get3A_1643 : vector<16xi32> to vector<32xbf16>
        %get3A_1645 = arith.index_cast %add3A_1573 : i32 to index
        %get3A_1646 = arith.constant 48 : index
        %get3A_1647 = tpu.vector_load %arg12[%get3A_1645, %get3A_1646] {strides = array<i32>} : memref<80x64xi32, #tpu.memory_space<vmem>>, vector<16xi32>,
        %bitcast3A_1648 = vector.bitcast %get3A_1647 : vector<16xi32> to vector<32xbf16>
        %get3A_1649 = arith.index_cast %add3A_1573 : i32 to index
        %get3A_1650 = arith.constant 48 : index
        %get3A_1651 = tpu.vector_load %arg13[%get3A_1649, %get3A_1650] {strides = array<i32>} : memref<80x64xi32, #tpu.memory_space<vmem>>, vector<16xi32>,
        %bitcast3A_1652 = vector.bitcast %get3A_1651 : vector<16xi32> to vector<32xbf16>
        %mul3A_1653 = arith.mulf %bitcast3A_1644, %bitcast3A_1648 : vector<32xbf16>
        %mul3A_1654 = arith.mulf %mul3A_1653, %bitcast3A_1652 : vector<32xbf16>
        %bitcast3A_1655 = vector.bitcast %mul3A_1654 : vector<32xbf16> to vector<16xi32>
        %and3A_1656 = arith.andi %bitcast3A_1655, %broadcast_in_dim3A_5 : vector<16xi32>
        %bitcast_convert_type3A_1657 = tpu.bitcast %and3A_1656 : vector<16xi32> -> vector<16xf32>
        %shift_left3A_1658 = arith.constant 16 : i32
        %shift_left3A_1659 = vector.broadcast %shift_left3A_1658 : i32 to vector<16xi32>
        %shift_left3A_1660 = arith.shli %bitcast3A_1655, %shift_left3A_1659 : vector<16xi32>
        %bitcast_convert_type3A_1661 = tpu.bitcast %shift_left3A_1660 : vector<16xi32> -> vector<16xf32>
        %add3A_1662 = arith.addf %add3A_1639, %bitcast_convert_type3A_1661 : vector<16xf32>
        %add3A_1663 = arith.addf %add3A_1640, %bitcast_convert_type3A_1657 : vector<16xf32>
        %add3A_1664 = arith.addf %add3A_1662, %add3A_1663 : vector<16xf32>
        %mul3A_1665 = arith.constant 80 : i32
        %mul3A_1666 = arith.muli %mul3A_26, %mul3A_1665 : i32
        %add3A_1667 = arith.addi %mul3A_1666, %add3A_1573 : i32
        %broadcast_in_dim3A_1668 = arith.constant true
        %broadcast_in_dim3A_1669 = vector.broadcast %broadcast_in_dim3A_1668 : i1 to vector<16xi1>
        %masked_cumsum3A_1670 = tpu.scan <sum>, %add3A_1664 masked %broadcast_in_dim3A_1669 : vector<16xf32>, vector<16xi1> -> vector<16xf32>
        %swap3A_1671 = arith.index_cast %add3A_1667 : i32 to index
        %swap3A_1672 = tpu.vector_load %arg17[%swap3A_1671] masked %eq3A_4 {strides = array<i32>} : memref<10016xf32, #tpu.memory_space<vmem>>, vector<16xf32>, vector<16xi1>
        tpu.vector_store %arg17[%swap3A_1671], %masked_cumsum3A_1670 masked %eq3A_4 {strides = array<i32>} : memref<10016xf32, #tpu.memory_space<vmem>>, vector<16xf32>, vector<16xi1>
      }
      %scan3A_48 = arith.constant 5 : i32
      %add3A_49 = arith.constant 2 : i32
      %add3A_50 = arith.addi %mul3A_26, %add3A_49 : i32
      %lt3A_51 = arith.constant 125 : i32
      %lt3A_52 = arith.cmpi slt, %add3A_50, %lt3A_51 : i32
      %convert_element_type3A_53 = arith.extui %lt3A_52 : i1 to i32
      %cond3A_54 = arith.constant 0 : i32
      %cond3A_55 = arith.cmpi ne, %convert_element_type3A_53, %cond3A_54 : i32
      scf.if %cond3A_55 {
        %mul3A_61 = arith.constant 80 : i32
        %mul3A_62 = arith.muli %add3A_50, %mul3A_61 : i32
        %dma_start3A_63 = tpu.memref_slice %arg8[%mul3A_62] : memref<10000xi32, #tpu.memory_space<vmem>> -> memref<80xi32, #tpu.memory_space<vmem>>
        %dma_start3A_64 = arith.constant 0 : i32
        %dma_start3A_65 = arith.constant 0 : i32
        %dma_start3A_66 = tpu.memref_slice %arg2[%dma_start3A_64, %dma_start3A_65] : memref<10000x64xi32, #tpu.memory_space<hbm>> -> memref<10000x64xi32, #tpu.memory_space<hbm>>
        tpu.enqueue_indirect_dma source(%dma_start3A_66 : memref<10000x64xi32, #tpu.memory_space<hbm>>) target(%arg11 : memref<80x64xi32, #tpu.memory_space<vmem>>) offsets(%dma_start3A_63 : memref<80xi32, #tpu.memory_space<vmem>>) semaphore(%arg18 : memref<!tpu.dma_semaphore, #tpu.memory_space<semaphore_mem>>)
        %dma_start3A_67 = tpu.memref_slice %arg9[%mul3A_62] : memref<10000xi32, #tpu.memory_space<vmem>> -> memref<80xi32, #tpu.memory_space<vmem>>
        %dma_start3A_68 = arith.constant 0 : i32
        %dma_start3A_69 = arith.constant 0 : i32
        %dma_start3A_70 = tpu.memref_slice %arg2[%dma_start3A_68, %dma_start3A_69] : memref<10000x64xi32, #tpu.memory_space<hbm>> -> memref<10000x64xi32, #tpu.memory_space<hbm>>
        tpu.enqueue_indirect_dma source(%dma_start3A_70 : memref<10000x64xi32, #tpu.memory_space<hbm>>) target(%arg12 : memref<80x64xi32, #tpu.memory_space<vmem>>) offsets(%dma_start3A_67 : memref<80xi32, #tpu.memory_space<vmem>>) semaphore(%arg19 : memref<!tpu.dma_semaphore, #tpu.memory_space<semaphore_mem>>)
        %dma_start3A_71 = tpu.memref_slice %arg10[%mul3A_62] : memref<10000xi32, #tpu.memory_space<vmem>> -> memref<80xi32, #tpu.memory_space<vmem>>
        %dma_start3A_72 = arith.constant 0 : i32
        %dma_start3A_73 = arith.constant 0 : i32
        %dma_start3A_74 = tpu.memref_slice %arg6[%dma_start3A_72, %dma_start3A_73] : memref<1000x64xi32, #tpu.memory_space<hbm>> -> memref<1000x64xi32, #tpu.memory_space<hbm>>
        tpu.enqueue_indirect_dma source(%dma_start3A_74 : memref<1000x64xi32, #tpu.memory_space<hbm>>) target(%arg13 : memref<80x64xi32, #tpu.memory_space<vmem>>) offsets(%dma_start3A_71 : memref<80xi32, #tpu.memory_space<vmem>>) semaphore(%arg20 : memref<!tpu.dma_semaphore, #tpu.memory_space<semaphore_mem>>)
      } else {
      }
      %lt3A_56 = arith.constant 125 : i32
      %lt3A_57 = arith.cmpi slt, %add3A_28, %lt3A_56 : i32
      %convert_element_type3A_58 = arith.extui %lt3A_57 : i1 to i32
      %cond3A_59 = arith.constant 0 : i32
      %cond3A_60 = arith.cmpi ne, %convert_element_type3A_58, %cond3A_59 : i32
      scf.if %cond3A_60 {
        %mul3A_61 = arith.constant 80 : i32
        %mul3A_62 = arith.muli %add3A_28, %mul3A_61 : i32
        %dma_wait3A_63 = tpu.memref_slice %arg8[%mul3A_62] : memref<10000xi32, #tpu.memory_space<vmem>> -> memref<80xi32, #tpu.memory_space<vmem>>
        %dma_wait3A_64 = arith.constant 0 : i32
        %dma_wait3A_65 = arith.constant 0 : i32
        %dma_wait3A_66 = tpu.memref_slice %arg2[%dma_wait3A_64, %dma_wait3A_65] : memref<10000x64xi32, #tpu.memory_space<hbm>> -> memref<10000x64xi32, #tpu.memory_space<hbm>>
        tpu.wait_indirect_dma semaphore(%arg21 : memref<!tpu.dma_semaphore, #tpu.memory_space<semaphore_mem>>) src(%dma_wait3A_66 : memref<10000x64xi32, #tpu.memory_space<hbm>>) dst(%arg14 : memref<80x64xi32, #tpu.memory_space<vmem>>)
        %dma_wait3A_67 = tpu.memref_slice %arg9[%mul3A_62] : memref<10000xi32, #tpu.memory_space<vmem>> -> memref<80xi32, #tpu.memory_space<vmem>>
        %dma_wait3A_68 = arith.constant 0 : i32
        %dma_wait3A_69 = arith.constant 0 : i32
        %dma_wait3A_70 = tpu.memref_slice %arg2[%dma_wait3A_68, %dma_wait3A_69] : memref<10000x64xi32, #tpu.memory_space<hbm>> -> memref<10000x64xi32, #tpu.memory_space<hbm>>
        tpu.wait_indirect_dma semaphore(%arg22 : memref<!tpu.dma_semaphore, #tpu.memory_space<semaphore_mem>>) src(%dma_wait3A_70 : memref<10000x64xi32, #tpu.memory_space<hbm>>) dst(%arg15 : memref<80x64xi32, #tpu.memory_space<vmem>>)
        %dma_wait3A_71 = tpu.memref_slice %arg10[%mul3A_62] : memref<10000xi32, #tpu.memory_space<vmem>> -> memref<80xi32, #tpu.memory_space<vmem>>
        %dma_wait3A_72 = arith.constant 0 : i32
        %dma_wait3A_73 = arith.constant 0 : i32
        %dma_wait3A_74 = tpu.memref_slice %arg6[%dma_wait3A_72, %dma_wait3A_73] : memref<1000x64xi32, #tpu.memory_space<hbm>> -> memref<1000x64xi32, #tpu.memory_space<hbm>>
        tpu.wait_indirect_dma semaphore(%arg23 : memref<!tpu.dma_semaphore, #tpu.memory_space<semaphore_mem>>) src(%dma_wait3A_74 : memref<1000x64xi32, #tpu.memory_space<hbm>>) dst(%arg16 : memref<80x64xi32, #tpu.memory_space<vmem>>)
        %scan3A_75 = arith.constant 0 : i32
        %scan3A_76 = arith.constant 5 : i32
        %scan3A_77 = arith.addi %scan3A_75, %scan3A_76 : i32
        %scan3A_78 = arith.constant 1 : i32
        scf.for %scan3A_80 = %scan3A_75 to %scan3A_77 step %scan3A_78  : i32 {
          %mul3A_81 = arith.constant 16 : i32
          %mul3A_82 = arith.muli %scan3A_80, %mul3A_81 : i32
          %add3A_83 = arith.constant 0 : i32
          %add3A_84 = arith.addi %mul3A_82, %add3A_83 : i32
          %get3A = arith.index_cast %add3A_84 : i32 to index
          %get3A_85 = arith.constant 0 : index
          %get3A_86 = tpu.vector_load %arg14[%get3A, %get3A_85] {strides = array<i32>} : memref<80x64xi32, #tpu.memory_space<vmem>>, vector<16xi32>,
          %bitcast3A = vector.bitcast %get3A_86 : vector<16xi32> to vector<32xbf16>
          %get3A_87 = arith.index_cast %add3A_84 : i32 to index
          %get3A_88 = arith.constant 0 : index
          %get3A_89 = tpu.vector_load %arg15[%get3A_87, %get3A_88] {strides = array<i32>} : memref<80x64xi32, #tpu.memory_space<vmem>>, vector<16xi32>,
          %bitcast3A_90 = vector.bitcast %get3A_89 : vector<16xi32> to vector<32xbf16>
          %get3A_91 = arith.index_cast %add3A_84 : i32 to index
          %get3A_92 = arith.constant 0 : index
          %get3A_93 = tpu.vector_load %arg16[%get3A_91, %get3A_92] {strides = array<i32>} : memref<80x64xi32, #tpu.memory_space<vmem>>, vector<16xi32>,
          %bitcast3A_94 = vector.bitcast %get3A_93 : vector<16xi32> to vector<32xbf16>
          %mul3A_95 = arith.mulf %bitcast3A, %bitcast3A_90 : vector<32xbf16>
          %mul3A_96 = arith.mulf %mul3A_95, %bitcast3A_94 : vector<32xbf16>
          %bitcast3A_97 = vector.bitcast %mul3A_96 : vector<32xbf16> to vector<16xi32>
          %and3A = arith.andi %bitcast3A_97, %broadcast_in_dim3A_5 : vector<16xi32>
          %bitcast_convert_type3A = tpu.bitcast %and3A : vector<16xi32> -> vector<16xf32>
          %shift_left3A = arith.constant 16 : i32
          %shift_left3A_98 = vector.broadcast %shift_left3A : i32 to vector<16xi32>
          %shift_left3A_99 = arith.shli %bitcast3A_97, %shift_left3A_98 : vector<16xi32>
          %bitcast_convert_type3A_100 = tpu.bitcast %shift_left3A_99 : vector<16xi32> -> vector<16xf32>
          %get3A_101 = arith.index_cast %add3A_84 : i32 to index
          %get3A_102 = arith.constant 16 : index
          %get3A_103 = tpu.vector_load %arg14[%get3A_101, %get3A_102] {strides = array<i32>} : memref<80x64xi32, #tpu.memory_space<vmem>>, vector<16xi32>,
          %bitcast3A_104 = vector.bitcast %get3A_103 : vector<16xi32> to vector<32xbf16>
          %get3A_105 = arith.index_cast %add3A_84 : i32 to index
          %get3A_106 = arith.constant 16 : index
          %get3A_107 = tpu.vector_load %arg15[%get3A_105, %get3A_106] {strides = array<i32>} : memref<80x64xi32, #tpu.memory_space<vmem>>, vector<16xi32>,
          %bitcast3A_108 = vector.bitcast %get3A_107 : vector<16xi32> to vector<32xbf16>
          %get3A_109 = arith.index_cast %add3A_84 : i32 to index
          %get3A_110 = arith.constant 16 : index
          %get3A_111 = tpu.vector_load %arg16[%get3A_109, %get3A_110] {strides = array<i32>} : memref<80x64xi32, #tpu.memory_space<vmem>>, vector<16xi32>,
          %bitcast3A_112 = vector.bitcast %get3A_111 : vector<16xi32> to vector<32xbf16>
          %mul3A_113 = arith.mulf %bitcast3A_104, %bitcast3A_108 : vector<32xbf16>
          %mul3A_114 = arith.mulf %mul3A_113, %bitcast3A_112 : vector<32xbf16>
          %bitcast3A_115 = vector.bitcast %mul3A_114 : vector<32xbf16> to vector<16xi32>
          %and3A_116 = arith.andi %bitcast3A_115, %broadcast_in_dim3A_5 : vector<16xi32>
          %bitcast_convert_type3A_117 = tpu.bitcast %and3A_116 : vector<16xi32> -> vector<16xf32>
          %shift_left3A_118 = arith.constant 16 : i32
          %shift_left3A_119 = vector.broadcast %shift_left3A_118 : i32 to vector<16xi32>
          %shift_left3A_120 = arith.shli %bitcast3A_115, %shift_left3A_119 : vector<16xi32>
          %bitcast_convert_type3A_121 = tpu.bitcast %shift_left3A_120 : vector<16xi32> -> vector<16xf32>
          %add3A_122 = arith.addf %bitcast_convert_type3A_100, %bitcast_convert_type3A_121 : vector<16xf32>
          %add3A_123 = arith.addf %bitcast_convert_type3A, %bitcast_convert_type3A_117 : vector<16xf32>
          %get3A_124 = arith.index_cast %add3A_84 : i32 to index
          %get3A_125 = arith.constant 32 : index
          %get3A_126 = tpu.vector_load %arg14[%get3A_124, %get3A_125] {strides = array<i32>} : memref<80x64xi32, #tpu.memory_space<vmem>>, vector<16xi32>,
          %bitcast3A_127 = vector.bitcast %get3A_126 : vector<16xi32> to vector<32xbf16>
          %get3A_128 = arith.index_cast %add3A_84 : i32 to index
          %get3A_129 = arith.constant 32 : index
          %get3A_130 = tpu.vector_load %arg15[%get3A_128, %get3A_129] {strides = array<i32>} : memref<80x64xi32, #tpu.memory_space<vmem>>, vector<16xi32>,
          %bitcast3A_131 = vector.bitcast %get3A_130 : vector<16xi32> to vector<32xbf16>
          %get3A_132 = arith.index_cast %add3A_84 : i32 to index
          %get3A_133 = arith.constant 32 : index
          %get3A_134 = tpu.vector_load %arg16[%get3A_132, %get3A_133] {strides = array<i32>} : memref<80x64xi32, #tpu.memory_space<vmem>>, vector<16xi32>,
          %bitcast3A_135 = vector.bitcast %get3A_134 : vector<16xi32> to vector<32xbf16>
          %mul3A_136 = arith.mulf %bitcast3A_127, %bitcast3A_131 : vector<32xbf16>
          %mul3A_137 = arith.mulf %mul3A_136, %bitcast3A_135 : vector<32xbf16>
          %bitcast3A_138 = vector.bitcast %mul3A_137 : vector<32xbf16> to vector<16xi32>
          %and3A_139 = arith.andi %bitcast3A_138, %broadcast_in_dim3A_5 : vector<16xi32>
          %bitcast_convert_type3A_140 = tpu.bitcast %and3A_139 : vector<16xi32> -> vector<16xf32>
          %shift_left3A_141 = arith.constant 16 : i32
          %shift_left3A_142 = vector.broadcast %shift_left3A_141 : i32 to vector<16xi32>
          %shift_left3A_143 = arith.shli %bitcast3A_138, %shift_left3A_142 : vector<16xi32>
          %bitcast_convert_type3A_144 = tpu.bitcast %shift_left3A_143 : vector<16xi32> -> vector<16xf32>
          %add3A_145 = arith.addf %add3A_122, %bitcast_convert_type3A_144 : vector<16xf32>
          %add3A_146 = arith.addf %add3A_123, %bitcast_convert_type3A_140 : vector<16xf32>
          %get3A_147 = arith.index_cast %add3A_84 : i32 to index
          %get3A_148 = arith.constant 48 : index
          %get3A_149 = tpu.vector_load %arg14[%get3A_147, %get3A_148] {strides = array<i32>} : memref<80x64xi32, #tpu.memory_space<vmem>>, vector<16xi32>,
          %bitcast3A_150 = vector.bitcast %get3A_149 : vector<16xi32> to vector<32xbf16>
          %get3A_151 = arith.index_cast %add3A_84 : i32 to index
          %get3A_152 = arith.constant 48 : index
          %get3A_153 = tpu.vector_load %arg15[%get3A_151, %get3A_152] {strides = array<i32>} : memref<80x64xi32, #tpu.memory_space<vmem>>, vector<16xi32>,
          %bitcast3A_154 = vector.bitcast %get3A_153 : vector<16xi32> to vector<32xbf16>
          %get3A_155 = arith.index_cast %add3A_84 : i32 to index
          %get3A_156 = arith.constant 48 : index
          %get3A_157 = tpu.vector_load %arg16[%get3A_155, %get3A_156] {strides = array<i32>} : memref<80x64xi32, #tpu.memory_space<vmem>>, vector<16xi32>,
          %bitcast3A_158 = vector.bitcast %get3A_157 : vector<16xi32> to vector<32xbf16>
          %mul3A_159 = arith.mulf %bitcast3A_150, %bitcast3A_154 : vector<32xbf16>
          %mul3A_160 = arith.mulf %mul3A_159, %bitcast3A_158 : vector<32xbf16>
          %bitcast3A_161 = vector.bitcast %mul3A_160 : vector<32xbf16> to vector<16xi32>
          %and3A_162 = arith.andi %bitcast3A_161, %broadcast_in_dim3A_5 : vector<16xi32>
          %bitcast_convert_type3A_163 = tpu.bitcast %and3A_162 : vector<16xi32> -> vector<16xf32>
          %shift_left3A_164 = arith.constant 16 : i32
          %shift_left3A_165 = vector.broadcast %shift_left3A_164 : i32 to vector<16xi32>
          %shift_left3A_166 = arith.shli %bitcast3A_161, %shift_left3A_165 : vector<16xi32>
          %bitcast_convert_type3A_167 = tpu.bitcast %shift_left3A_166 : vector<16xi32> -> vector<16xf32>
          %add3A_168 = arith.addf %add3A_145, %bitcast_convert_type3A_167 : vector<16xf32>
          %add3A_169 = arith.addf %add3A_146, %bitcast_convert_type3A_163 : vector<16xf32>
          %add3A_170 = arith.addf %add3A_168, %add3A_169 : vector<16xf32>
          %mul3A_171 = arith.constant 80 : i32
          %mul3A_172 = arith.muli %add3A_28, %mul3A_171 : i32
          %add3A_173 = arith.addi %mul3A_172, %add3A_84 : i32
          %broadcast_in_dim3A_174 = arith.constant true
          %broadcast_in_dim3A_175 = vector.broadcast %broadcast_in_dim3A_174 : i1 to vector<16xi1>
          %masked_cumsum3A = tpu.scan <sum>, %add3A_170 masked %broadcast_in_dim3A_175 : vector<16xf32>, vector<16xi1> -> vector<16xf32>
          %swap3A = arith.index_cast %add3A_173 : i32 to index
          %swap3A_176 = tpu.vector_load %arg17[%swap3A] masked %eq3A_4 {strides = array<i32>} : memref<10016xf32, #tpu.memory_space<vmem>>, vector<16xf32>, vector<16xi1>
          tpu.vector_store %arg17[%swap3A], %masked_cumsum3A masked %eq3A_4 {strides = array<i32>} : memref<10016xf32, #tpu.memory_space<vmem>>, vector<16xf32>, vector<16xi1>
          %add3A_177 = arith.constant 1 : i32
          %add3A_178 = arith.addi %mul3A_82, %add3A_177 : i32
          %get3A_179 = arith.index_cast %add3A_178 : i32 to index
          %get3A_180 = arith.constant 0 : index
          %get3A_181 = tpu.vector_load %arg14[%get3A_179, %get3A_180] {strides = array<i32>} : memref<80x64xi32, #tpu.memory_space<vmem>>, vector<16xi32>,
          %bitcast3A_182 = vector.bitcast %get3A_181 : vector<16xi32> to vector<32xbf16>
          %get3A_183 = arith.index_cast %add3A_178 : i32 to index
          %get3A_184 = arith.constant 0 : index
          %get3A_185 = tpu.vector_load %arg15[%get3A_183, %get3A_184] {strides = array<i32>} : memref<80x64xi32, #tpu.memory_space<vmem>>, vector<16xi32>,
          %bitcast3A_186 = vector.bitcast %get3A_185 : vector<16xi32> to vector<32xbf16>
          %get3A_187 = arith.index_cast %add3A_178 : i32 to index
          %get3A_188 = arith.constant 0 : index
          %get3A_189 = tpu.vector_load %arg16[%get3A_187, %get3A_188] {strides = array<i32>} : memref<80x64xi32, #tpu.memory_space<vmem>>, vector<16xi32>,
          %bitcast3A_190 = vector.bitcast %get3A_189 : vector<16xi32> to vector<32xbf16>
          %mul3A_191 = arith.mulf %bitcast3A_182, %bitcast3A_186 : vector<32xbf16>
          %mul3A_192 = arith.mulf %mul3A_191, %bitcast3A_190 : vector<32xbf16>
          %bitcast3A_193 = vector.bitcast %mul3A_192 : vector<32xbf16> to vector<16xi32>
          %and3A_194 = arith.andi %bitcast3A_193, %broadcast_in_dim3A_5 : vector<16xi32>
          %bitcast_convert_type3A_195 = tpu.bitcast %and3A_194 : vector<16xi32> -> vector<16xf32>
          %shift_left3A_196 = arith.constant 16 : i32
          %shift_left3A_197 = vector.broadcast %shift_left3A_196 : i32 to vector<16xi32>
          %shift_left3A_198 = arith.shli %bitcast3A_193, %shift_left3A_197 : vector<16xi32>
          %bitcast_convert_type3A_199 = tpu.bitcast %shift_left3A_198 : vector<16xi32> -> vector<16xf32>
          %get3A_200 = arith.index_cast %add3A_178 : i32 to index
          %get3A_201 = arith.constant 16 : index
          %get3A_202 = tpu.vector_load %arg14[%get3A_200, %get3A_201] {strides = array<i32>} : memref<80x64xi32, #tpu.memory_space<vmem>>, vector<16xi32>,
          %bitcast3A_203 = vector.bitcast %get3A_202 : vector<16xi32> to vector<32xbf16>
          %get3A_204 = arith.index_cast %add3A_178 : i32 to index
          %get3A_205 = arith.constant 16 : index
          %get3A_206 = tpu.vector_load %arg15[%get3A_204, %get3A_205] {strides = array<i32>} : memref<80x64xi32, #tpu.memory_space<vmem>>, vector<16xi32>,
          %bitcast3A_207 = vector.bitcast %get3A_206 : vector<16xi32> to vector<32xbf16>
          %get3A_208 = arith.index_cast %add3A_178 : i32 to index
          %get3A_209 = arith.constant 16 : index
          %get3A_210 = tpu.vector_load %arg16[%get3A_208, %get3A_209] {strides = array<i32>} : memref<80x64xi32, #tpu.memory_space<vmem>>, vector<16xi32>,
          %bitcast3A_211 = vector.bitcast %get3A_210 : vector<16xi32> to vector<32xbf16>
          %mul3A_212 = arith.mulf %bitcast3A_203, %bitcast3A_207 : vector<32xbf16>
          %mul3A_213 = arith.mulf %mul3A_212, %bitcast3A_211 : vector<32xbf16>
          %bitcast3A_214 = vector.bitcast %mul3A_213 : vector<32xbf16> to vector<16xi32>
          %and3A_215 = arith.andi %bitcast3A_214, %broadcast_in_dim3A_5 : vector<16xi32>
          %bitcast_convert_type3A_216 = tpu.bitcast %and3A_215 : vector<16xi32> -> vector<16xf32>
          %shift_left3A_217 = arith.constant 16 : i32
          %shift_left3A_218 = vector.broadcast %shift_left3A_217 : i32 to vector<16xi32>
          %shift_left3A_219 = arith.shli %bitcast3A_214, %shift_left3A_218 : vector<16xi32>
          %bitcast_convert_type3A_220 = tpu.bitcast %shift_left3A_219 : vector<16xi32> -> vector<16xf32>
          %add3A_221 = arith.addf %bitcast_convert_type3A_199, %bitcast_convert_type3A_220 : vector<16xf32>
          %add3A_222 = arith.addf %bitcast_convert_type3A_195, %bitcast_convert_type3A_216 : vector<16xf32>
          %get3A_223 = arith.index_cast %add3A_178 : i32 to index
          %get3A_224 = arith.constant 32 : index
          %get3A_225 = tpu.vector_load %arg14[%get3A_223, %get3A_224] {strides = array<i32>} : memref<80x64xi32, #tpu.memory_space<vmem>>, vector<16xi32>,
          %bitcast3A_226 = vector.bitcast %get3A_225 : vector<16xi32> to vector<32xbf16>
          %get3A_227 = arith.index_cast %add3A_178 : i32 to index
          %get3A_228 = arith.constant 32 : index
          %get3A_229 = tpu.vector_load %arg15[%get3A_227, %get3A_228] {strides = array<i32>} : memref<80x64xi32, #tpu.memory_space<vmem>>, vector<16xi32>,
          %bitcast3A_230 = vector.bitcast %get3A_229 : vector<16xi32> to vector<32xbf16>
          %get3A_231 = arith.index_cast %add3A_178 : i32 to index
          %get3A_232 = arith.constant 32 : index
          %get3A_233 = tpu.vector_load %arg16[%get3A_231, %get3A_232] {strides = array<i32>} : memref<80x64xi32, #tpu.memory_space<vmem>>, vector<16xi32>,
          %bitcast3A_234 = vector.bitcast %get3A_233 : vector<16xi32> to vector<32xbf16>
          %mul3A_235 = arith.mulf %bitcast3A_226, %bitcast3A_230 : vector<32xbf16>
          %mul3A_236 = arith.mulf %mul3A_235, %bitcast3A_234 : vector<32xbf16>
          %bitcast3A_237 = vector.bitcast %mul3A_236 : vector<32xbf16> to vector<16xi32>
          %and3A_238 = arith.andi %bitcast3A_237, %broadcast_in_dim3A_5 : vector<16xi32>
          %bitcast_convert_type3A_239 = tpu.bitcast %and3A_238 : vector<16xi32> -> vector<16xf32>
          %shift_left3A_240 = arith.constant 16 : i32
          %shift_left3A_241 = vector.broadcast %shift_left3A_240 : i32 to vector<16xi32>
          %shift_left3A_242 = arith.shli %bitcast3A_237, %shift_left3A_241 : vector<16xi32>
          %bitcast_convert_type3A_243 = tpu.bitcast %shift_left3A_242 : vector<16xi32> -> vector<16xf32>
          %add3A_244 = arith.addf %add3A_221, %bitcast_convert_type3A_243 : vector<16xf32>
          %add3A_245 = arith.addf %add3A_222, %bitcast_convert_type3A_239 : vector<16xf32>
          %get3A_246 = arith.index_cast %add3A_178 : i32 to index
          %get3A_247 = arith.constant 48 : index
          %get3A_248 = tpu.vector_load %arg14[%get3A_246, %get3A_247] {strides = array<i32>} : memref<80x64xi32, #tpu.memory_space<vmem>>, vector<16xi32>,
          %bitcast3A_249 = vector.bitcast %get3A_248 : vector<16xi32> to vector<32xbf16>
          %get3A_250 = arith.index_cast %add3A_178 : i32 to index
          %get3A_251 = arith.constant 48 : index
          %get3A_252 = tpu.vector_load %arg15[%get3A_250, %get3A_251] {strides = array<i32>} : memref<80x64xi32, #tpu.memory_space<vmem>>, vector<16xi32>,
          %bitcast3A_253 = vector.bitcast %get3A_252 : vector<16xi32> to vector<32xbf16>
          %get3A_254 = arith.index_cast %add3A_178 : i32 to index
          %get3A_255 = arith.constant 48 : index
          %get3A_256 = tpu.vector_load %arg16[%get3A_254, %get3A_255] {strides = array<i32>} : memref<80x64xi32, #tpu.memory_space<vmem>>, vector<16xi32>,
          %bitcast3A_257 = vector.bitcast %get3A_256 : vector<16xi32> to vector<32xbf16>
          %mul3A_258 = arith.mulf %bitcast3A_249, %bitcast3A_253 : vector<32xbf16>
          %mul3A_259 = arith.mulf %mul3A_258, %bitcast3A_257 : vector<32xbf16>
          %bitcast3A_260 = vector.bitcast %mul3A_259 : vector<32xbf16> to vector<16xi32>
          %and3A_261 = arith.andi %bitcast3A_260, %broadcast_in_dim3A_5 : vector<16xi32>
          %bitcast_convert_type3A_262 = tpu.bitcast %and3A_261 : vector<16xi32> -> vector<16xf32>
          %shift_left3A_263 = arith.constant 16 : i32
          %shift_left3A_264 = vector.broadcast %shift_left3A_263 : i32 to vector<16xi32>
          %shift_left3A_265 = arith.shli %bitcast3A_260, %shift_left3A_264 : vector<16xi32>
          %bitcast_convert_type3A_266 = tpu.bitcast %shift_left3A_265 : vector<16xi32> -> vector<16xf32>
          %add3A_267 = arith.addf %add3A_244, %bitcast_convert_type3A_266 : vector<16xf32>
          %add3A_268 = arith.addf %add3A_245, %bitcast_convert_type3A_262 : vector<16xf32>
          %add3A_269 = arith.addf %add3A_267, %add3A_268 : vector<16xf32>
          %mul3A_270 = arith.constant 80 : i32
          %mul3A_271 = arith.muli %add3A_28, %mul3A_270 : i32
          %add3A_272 = arith.addi %mul3A_271, %add3A_178 : i32
          %broadcast_in_dim3A_273 = arith.constant true
          %broadcast_in_dim3A_274 = vector.broadcast %broadcast_in_dim3A_273 : i1 to vector<16xi1>
          %masked_cumsum3A_275 = tpu.scan <sum>, %add3A_269 masked %broadcast_in_dim3A_274 : vector<16xf32>, vector<16xi1> -> vector<16xf32>
          %swap3A_276 = arith.index_cast %add3A_272 : i32 to index
          %swap3A_277 = tpu.vector_load %arg17[%swap3A_276] masked %eq3A_4 {strides = array<i32>} : memref<10016xf32, #tpu.memory_space<vmem>>, vector<16xf32>, vector<16xi1>
          tpu.vector_store %arg17[%swap3A_276], %masked_cumsum3A_275 masked %eq3A_4 {strides = array<i32>} : memref<10016xf32, #tpu.memory_space<vmem>>, vector<16xf32>, vector<16xi1>
          %add3A_278 = arith.constant 2 : i32
          %add3A_279 = arith.addi %mul3A_82, %add3A_278 : i32
          %get3A_280 = arith.index_cast %add3A_279 : i32 to index
          %get3A_281 = arith.constant 0 : index
          %get3A_282 = tpu.vector_load %arg14[%get3A_280, %get3A_281] {strides = array<i32>} : memref<80x64xi32, #tpu.memory_space<vmem>>, vector<16xi32>,
          %bitcast3A_283 = vector.bitcast %get3A_282 : vector<16xi32> to vector<32xbf16>
          %get3A_284 = arith.index_cast %add3A_279 : i32 to index
          %get3A_285 = arith.constant 0 : index
          %get3A_286 = tpu.vector_load %arg15[%get3A_284, %get3A_285] {strides = array<i32>} : memref<80x64xi32, #tpu.memory_space<vmem>>, vector<16xi32>,
          %bitcast3A_287 = vector.bitcast %get3A_286 : vector<16xi32> to vector<32xbf16>
          %get3A_288 = arith.index_cast %add3A_279 : i32 to index
          %get3A_289 = arith.constant 0 : index
          %get3A_290 = tpu.vector_load %arg16[%get3A_288, %get3A_289] {strides = array<i32>} : memref<80x64xi32, #tpu.memory_space<vmem>>, vector<16xi32>,
          %bitcast3A_291 = vector.bitcast %get3A_290 : vector<16xi32> to vector<32xbf16>
          %mul3A_292 = arith.mulf %bitcast3A_283, %bitcast3A_287 : vector<32xbf16>
          %mul3A_293 = arith.mulf %mul3A_292, %bitcast3A_291 : vector<32xbf16>
          %bitcast3A_294 = vector.bitcast %mul3A_293 : vector<32xbf16> to vector<16xi32>
          %and3A_295 = arith.andi %bitcast3A_294, %broadcast_in_dim3A_5 : vector<16xi32>
          %bitcast_convert_type3A_296 = tpu.bitcast %and3A_295 : vector<16xi32> -> vector<16xf32>
          %shift_left3A_297 = arith.constant 16 : i32
          %shift_left3A_298 = vector.broadcast %shift_left3A_297 : i32 to vector<16xi32>
          %shift_left3A_299 = arith.shli %bitcast3A_294, %shift_left3A_298 : vector<16xi32>
          %bitcast_convert_type3A_300 = tpu.bitcast %shift_left3A_299 : vector<16xi32> -> vector<16xf32>
          %get3A_301 = arith.index_cast %add3A_279 : i32 to index
          %get3A_302 = arith.constant 16 : index
          %get3A_303 = tpu.vector_load %arg14[%get3A_301, %get3A_302] {strides = array<i32>} : memref<80x64xi32, #tpu.memory_space<vmem>>, vector<16xi32>,
          %bitcast3A_304 = vector.bitcast %get3A_303 : vector<16xi32> to vector<32xbf16>
          %get3A_305 = arith.index_cast %add3A_279 : i32 to index
          %get3A_306 = arith.constant 16 : index
          %get3A_307 = tpu.vector_load %arg15[%get3A_305, %get3A_306] {strides = array<i32>} : memref<80x64xi32, #tpu.memory_space<vmem>>, vector<16xi32>,
          %bitcast3A_308 = vector.bitcast %get3A_307 : vector<16xi32> to vector<32xbf16>
          %get3A_309 = arith.index_cast %add3A_279 : i32 to index
          %get3A_310 = arith.constant 16 : index
          %get3A_311 = tpu.vector_load %arg16[%get3A_309, %get3A_310] {strides = array<i32>} : memref<80x64xi32, #tpu.memory_space<vmem>>, vector<16xi32>,
          %bitcast3A_312 = vector.bitcast %get3A_311 : vector<16xi32> to vector<32xbf16>
          %mul3A_313 = arith.mulf %bitcast3A_304, %bitcast3A_308 : vector<32xbf16>
          %mul3A_314 = arith.mulf %mul3A_313, %bitcast3A_312 : vector<32xbf16>
          %bitcast3A_315 = vector.bitcast %mul3A_314 : vector<32xbf16> to vector<16xi32>
          %and3A_316 = arith.andi %bitcast3A_315, %broadcast_in_dim3A_5 : vector<16xi32>
          %bitcast_convert_type3A_317 = tpu.bitcast %and3A_316 : vector<16xi32> -> vector<16xf32>
          %shift_left3A_318 = arith.constant 16 : i32
          %shift_left3A_319 = vector.broadcast %shift_left3A_318 : i32 to vector<16xi32>
          %shift_left3A_320 = arith.shli %bitcast3A_315, %shift_left3A_319 : vector<16xi32>
          %bitcast_convert_type3A_321 = tpu.bitcast %shift_left3A_320 : vector<16xi32> -> vector<16xf32>
          %add3A_322 = arith.addf %bitcast_convert_type3A_300, %bitcast_convert_type3A_321 : vector<16xf32>
          %add3A_323 = arith.addf %bitcast_convert_type3A_296, %bitcast_convert_type3A_317 : vector<16xf32>
          %get3A_324 = arith.index_cast %add3A_279 : i32 to index
          %get3A_325 = arith.constant 32 : index
          %get3A_326 = tpu.vector_load %arg14[%get3A_324, %get3A_325] {strides = array<i32>} : memref<80x64xi32, #tpu.memory_space<vmem>>, vector<16xi32>,
          %bitcast3A_327 = vector.bitcast %get3A_326 : vector<16xi32> to vector<32xbf16>
          %get3A_328 = arith.index_cast %add3A_279 : i32 to index
          %get3A_329 = arith.constant 32 : index
          %get3A_330 = tpu.vector_load %arg15[%get3A_328, %get3A_329] {strides = array<i32>} : memref<80x64xi32, #tpu.memory_space<vmem>>, vector<16xi32>,
          %bitcast3A_331 = vector.bitcast %get3A_330 : vector<16xi32> to vector<32xbf16>
          %get3A_332 = arith.index_cast %add3A_279 : i32 to index
          %get3A_333 = arith.constant 32 : index
          %get3A_334 = tpu.vector_load %arg16[%get3A_332, %get3A_333] {strides = array<i32>} : memref<80x64xi32, #tpu.memory_space<vmem>>, vector<16xi32>,
          %bitcast3A_335 = vector.bitcast %get3A_334 : vector<16xi32> to vector<32xbf16>
          %mul3A_336 = arith.mulf %bitcast3A_327, %bitcast3A_331 : vector<32xbf16>
          %mul3A_337 = arith.mulf %mul3A_336, %bitcast3A_335 : vector<32xbf16>
          %bitcast3A_338 = vector.bitcast %mul3A_337 : vector<32xbf16> to vector<16xi32>
          %and3A_339 = arith.andi %bitcast3A_338, %broadcast_in_dim3A_5 : vector<16xi32>
          %bitcast_convert_type3A_340 = tpu.bitcast %and3A_339 : vector<16xi32> -> vector<16xf32>
          %shift_left3A_341 = arith.constant 16 : i32
          %shift_left3A_342 = vector.broadcast %shift_left3A_341 : i32 to vector<16xi32>
          %shift_left3A_343 = arith.shli %bitcast3A_338, %shift_left3A_342 : vector<16xi32>
          %bitcast_convert_type3A_344 = tpu.bitcast %shift_left3A_343 : vector<16xi32> -> vector<16xf32>
          %add3A_345 = arith.addf %add3A_322, %bitcast_convert_type3A_344 : vector<16xf32>
          %add3A_346 = arith.addf %add3A_323, %bitcast_convert_type3A_340 : vector<16xf32>
          %get3A_347 = arith.index_cast %add3A_279 : i32 to index
          %get3A_348 = arith.constant 48 : index
          %get3A_349 = tpu.vector_load %arg14[%get3A_347, %get3A_348] {strides = array<i32>} : memref<80x64xi32, #tpu.memory_space<vmem>>, vector<16xi32>,
          %bitcast3A_350 = vector.bitcast %get3A_349 : vector<16xi32> to vector<32xbf16>
          %get3A_351 = arith.index_cast %add3A_279 : i32 to index
          %get3A_352 = arith.constant 48 : index
          %get3A_353 = tpu.vector_load %arg15[%get3A_351, %get3A_352] {strides = array<i32>} : memref<80x64xi32, #tpu.memory_space<vmem>>, vector<16xi32>,
          %bitcast3A_354 = vector.bitcast %get3A_353 : vector<16xi32> to vector<32xbf16>
          %get3A_355 = arith.index_cast %add3A_279 : i32 to index
          %get3A_356 = arith.constant 48 : index
          %get3A_357 = tpu.vector_load %arg16[%get3A_355, %get3A_356] {strides = array<i32>} : memref<80x64xi32, #tpu.memory_space<vmem>>, vector<16xi32>,
          %bitcast3A_358 = vector.bitcast %get3A_357 : vector<16xi32> to vector<32xbf16>
          %mul3A_359 = arith.mulf %bitcast3A_350, %bitcast3A_354 : vector<32xbf16>
          %mul3A_360 = arith.mulf %mul3A_359, %bitcast3A_358 : vector<32xbf16>
          %bitcast3A_361 = vector.bitcast %mul3A_360 : vector<32xbf16> to vector<16xi32>
          %and3A_362 = arith.andi %bitcast3A_361, %broadcast_in_dim3A_5 : vector<16xi32>
          %bitcast_convert_type3A_363 = tpu.bitcast %and3A_362 : vector<16xi32> -> vector<16xf32>
          %shift_left3A_364 = arith.constant 16 : i32
          %shift_left3A_365 = vector.broadcast %shift_left3A_364 : i32 to vector<16xi32>
          %shift_left3A_366 = arith.shli %bitcast3A_361, %shift_left3A_365 : vector<16xi32>
          %bitcast_convert_type3A_367 = tpu.bitcast %shift_left3A_366 : vector<16xi32> -> vector<16xf32>
          %add3A_368 = arith.addf %add3A_345, %bitcast_convert_type3A_367 : vector<16xf32>
          %add3A_369 = arith.addf %add3A_346, %bitcast_convert_type3A_363 : vector<16xf32>
          %add3A_370 = arith.addf %add3A_368, %add3A_369 : vector<16xf32>
          %mul3A_371 = arith.constant 80 : i32
          %mul3A_372 = arith.muli %add3A_28, %mul3A_371 : i32
          %add3A_373 = arith.addi %mul3A_372, %add3A_279 : i32
          %broadcast_in_dim3A_374 = arith.constant true
          %broadcast_in_dim3A_375 = vector.broadcast %broadcast_in_dim3A_374 : i1 to vector<16xi1>
          %masked_cumsum3A_376 = tpu.scan <sum>, %add3A_370 masked %broadcast_in_dim3A_375 : vector<16xf32>, vector<16xi1> -> vector<16xf32>
          %swap3A_377 = arith.index_cast %add3A_373 : i32 to index
          %swap3A_378 = tpu.vector_load %arg17[%swap3A_377] masked %eq3A_4 {strides = array<i32>} : memref<10016xf32, #tpu.memory_space<vmem>>, vector<16xf32>, vector<16xi1>
          tpu.vector_store %arg17[%swap3A_377], %masked_cumsum3A_376 masked %eq3A_4 {strides = array<i32>} : memref<10016xf32, #tpu.memory_space<vmem>>, vector<16xf32>, vector<16xi1>
          %add3A_379 = arith.constant 3 : i32
          %add3A_380 = arith.addi %mul3A_82, %add3A_379 : i32
          %get3A_381 = arith.index_cast %add3A_380 : i32 to index
          %get3A_382 = arith.constant 0 : index
          %get3A_383 = tpu.vector_load %arg14[%get3A_381, %get3A_382] {strides = array<i32>} : memref<80x64xi32, #tpu.memory_space<vmem>>, vector<16xi32>,
          %bitcast3A_384 = vector.bitcast %get3A_383 : vector<16xi32> to vector<32xbf16>
          %get3A_385 = arith.index_cast %add3A_380 : i32 to index
          %get3A_386 = arith.constant 0 : index
          %get3A_387 = tpu.vector_load %arg15[%get3A_385, %get3A_386] {strides = array<i32>} : memref<80x64xi32, #tpu.memory_space<vmem>>, vector<16xi32>,
          %bitcast3A_388 = vector.bitcast %get3A_387 : vector<16xi32> to vector<32xbf16>
          %get3A_389 = arith.index_cast %add3A_380 : i32 to index
          %get3A_390 = arith.constant 0 : index
          %get3A_391 = tpu.vector_load %arg16[%get3A_389, %get3A_390] {strides = array<i32>} : memref<80x64xi32, #tpu.memory_space<vmem>>, vector<16xi32>,
          %bitcast3A_392 = vector.bitcast %get3A_391 : vector<16xi32> to vector<32xbf16>
          %mul3A_393 = arith.mulf %bitcast3A_384, %bitcast3A_388 : vector<32xbf16>
          %mul3A_394 = arith.mulf %mul3A_393, %bitcast3A_392 : vector<32xbf16>
          %bitcast3A_395 = vector.bitcast %mul3A_394 : vector<32xbf16> to vector<16xi32>
          %and3A_396 = arith.andi %bitcast3A_395, %broadcast_in_dim3A_5 : vector<16xi32>
          %bitcast_convert_type3A_397 = tpu.bitcast %and3A_396 : vector<16xi32> -> vector<16xf32>
          %shift_left3A_398 = arith.constant 16 : i32
          %shift_left3A_399 = vector.broadcast %shift_left3A_398 : i32 to vector<16xi32>
          %shift_left3A_400 = arith.shli %bitcast3A_395, %shift_left3A_399 : vector<16xi32>
          %bitcast_convert_type3A_401 = tpu.bitcast %shift_left3A_400 : vector<16xi32> -> vector<16xf32>
          %get3A_402 = arith.index_cast %add3A_380 : i32 to index
          %get3A_403 = arith.constant 16 : index
          %get3A_404 = tpu.vector_load %arg14[%get3A_402, %get3A_403] {strides = array<i32>} : memref<80x64xi32, #tpu.memory_space<vmem>>, vector<16xi32>,
          %bitcast3A_405 = vector.bitcast %get3A_404 : vector<16xi32> to vector<32xbf16>
          %get3A_406 = arith.index_cast %add3A_380 : i32 to index
          %get3A_407 = arith.constant 16 : index
          %get3A_408 = tpu.vector_load %arg15[%get3A_406, %get3A_407] {strides = array<i32>} : memref<80x64xi32, #tpu.memory_space<vmem>>, vector<16xi32>,
          %bitcast3A_409 = vector.bitcast %get3A_408 : vector<16xi32> to vector<32xbf16>
          %get3A_410 = arith.index_cast %add3A_380 : i32 to index
          %get3A_411 = arith.constant 16 : index
          %get3A_412 = tpu.vector_load %arg16[%get3A_410, %get3A_411] {strides = array<i32>} : memref<80x64xi32, #tpu.memory_space<vmem>>, vector<16xi32>,
          %bitcast3A_413 = vector.bitcast %get3A_412 : vector<16xi32> to vector<32xbf16>
          %mul3A_414 = arith.mulf %bitcast3A_405, %bitcast3A_409 : vector<32xbf16>
          %mul3A_415 = arith.mulf %mul3A_414, %bitcast3A_413 : vector<32xbf16>
          %bitcast3A_416 = vector.bitcast %mul3A_415 : vector<32xbf16> to vector<16xi32>
          %and3A_417 = arith.andi %bitcast3A_416, %broadcast_in_dim3A_5 : vector<16xi32>
          %bitcast_convert_type3A_418 = tpu.bitcast %and3A_417 : vector<16xi32> -> vector<16xf32>
          %shift_left3A_419 = arith.constant 16 : i32
          %shift_left3A_420 = vector.broadcast %shift_left3A_419 : i32 to vector<16xi32>
          %shift_left3A_421 = arith.shli %bitcast3A_416, %shift_left3A_420 : vector<16xi32>
          %bitcast_convert_type3A_422 = tpu.bitcast %shift_left3A_421 : vector<16xi32> -> vector<16xf32>
          %add3A_423 = arith.addf %bitcast_convert_type3A_401, %bitcast_convert_type3A_422 : vector<16xf32>
          %add3A_424 = arith.addf %bitcast_convert_type3A_397, %bitcast_convert_type3A_418 : vector<16xf32>
          %get3A_425 = arith.index_cast %add3A_380 : i32 to index
          %get3A_426 = arith.constant 32 : index
          %get3A_427 = tpu.vector_load %arg14[%get3A_425, %get3A_426] {strides = array<i32>} : memref<80x64xi32, #tpu.memory_space<vmem>>, vector<16xi32>,
          %bitcast3A_428 = vector.bitcast %get3A_427 : vector<16xi32> to vector<32xbf16>
          %get3A_429 = arith.index_cast %add3A_380 : i32 to index
          %get3A_430 = arith.constant 32 : index
          %get3A_431 = tpu.vector_load %arg15[%get3A_429, %get3A_430] {strides = array<i32>} : memref<80x64xi32, #tpu.memory_space<vmem>>, vector<16xi32>,
          %bitcast3A_432 = vector.bitcast %get3A_431 : vector<16xi32> to vector<32xbf16>
          %get3A_433 = arith.index_cast %add3A_380 : i32 to index
          %get3A_434 = arith.constant 32 : index
          %get3A_435 = tpu.vector_load %arg16[%get3A_433, %get3A_434] {strides = array<i32>} : memref<80x64xi32, #tpu.memory_space<vmem>>, vector<16xi32>,
          %bitcast3A_436 = vector.bitcast %get3A_435 : vector<16xi32> to vector<32xbf16>
          %mul3A_437 = arith.mulf %bitcast3A_428, %bitcast3A_432 : vector<32xbf16>
          %mul3A_438 = arith.mulf %mul3A_437, %bitcast3A_436 : vector<32xbf16>
          %bitcast3A_439 = vector.bitcast %mul3A_438 : vector<32xbf16> to vector<16xi32>
          %and3A_440 = arith.andi %bitcast3A_439, %broadcast_in_dim3A_5 : vector<16xi32>
          %bitcast_convert_type3A_441 = tpu.bitcast %and3A_440 : vector<16xi32> -> vector<16xf32>
          %shift_left3A_442 = arith.constant 16 : i32
          %shift_left3A_443 = vector.broadcast %shift_left3A_442 : i32 to vector<16xi32>
          %shift_left3A_444 = arith.shli %bitcast3A_439, %shift_left3A_443 : vector<16xi32>
          %bitcast_convert_type3A_445 = tpu.bitcast %shift_left3A_444 : vector<16xi32> -> vector<16xf32>
          %add3A_446 = arith.addf %add3A_423, %bitcast_convert_type3A_445 : vector<16xf32>
          %add3A_447 = arith.addf %add3A_424, %bitcast_convert_type3A_441 : vector<16xf32>
          %get3A_448 = arith.index_cast %add3A_380 : i32 to index
          %get3A_449 = arith.constant 48 : index
          %get3A_450 = tpu.vector_load %arg14[%get3A_448, %get3A_449] {strides = array<i32>} : memref<80x64xi32, #tpu.memory_space<vmem>>, vector<16xi32>,
          %bitcast3A_451 = vector.bitcast %get3A_450 : vector<16xi32> to vector<32xbf16>
          %get3A_452 = arith.index_cast %add3A_380 : i32 to index
          %get3A_453 = arith.constant 48 : index
          %get3A_454 = tpu.vector_load %arg15[%get3A_452, %get3A_453] {strides = array<i32>} : memref<80x64xi32, #tpu.memory_space<vmem>>, vector<16xi32>,
          %bitcast3A_455 = vector.bitcast %get3A_454 : vector<16xi32> to vector<32xbf16>
          %get3A_456 = arith.index_cast %add3A_380 : i32 to index
          %get3A_457 = arith.constant 48 : index
          %get3A_458 = tpu.vector_load %arg16[%get3A_456, %get3A_457] {strides = array<i32>} : memref<80x64xi32, #tpu.memory_space<vmem>>, vector<16xi32>,
          %bitcast3A_459 = vector.bitcast %get3A_458 : vector<16xi32> to vector<32xbf16>
          %mul3A_460 = arith.mulf %bitcast3A_451, %bitcast3A_455 : vector<32xbf16>
          %mul3A_461 = arith.mulf %mul3A_460, %bitcast3A_459 : vector<32xbf16>
          %bitcast3A_462 = vector.bitcast %mul3A_461 : vector<32xbf16> to vector<16xi32>
          %and3A_463 = arith.andi %bitcast3A_462, %broadcast_in_dim3A_5 : vector<16xi32>
          %bitcast_convert_type3A_464 = tpu.bitcast %and3A_463 : vector<16xi32> -> vector<16xf32>
          %shift_left3A_465 = arith.constant 16 : i32
          %shift_left3A_466 = vector.broadcast %shift_left3A_465 : i32 to vector<16xi32>
          %shift_left3A_467 = arith.shli %bitcast3A_462, %shift_left3A_466 : vector<16xi32>
          %bitcast_convert_type3A_468 = tpu.bitcast %shift_left3A_467 : vector<16xi32> -> vector<16xf32>
          %add3A_469 = arith.addf %add3A_446, %bitcast_convert_type3A_468 : vector<16xf32>
          %add3A_470 = arith.addf %add3A_447, %bitcast_convert_type3A_464 : vector<16xf32>
          %add3A_471 = arith.addf %add3A_469, %add3A_470 : vector<16xf32>
          %mul3A_472 = arith.constant 80 : i32
          %mul3A_473 = arith.muli %add3A_28, %mul3A_472 : i32
          %add3A_474 = arith.addi %mul3A_473, %add3A_380 : i32
          %broadcast_in_dim3A_475 = arith.constant true
          %broadcast_in_dim3A_476 = vector.broadcast %broadcast_in_dim3A_475 : i1 to vector<16xi1>
          %masked_cumsum3A_477 = tpu.scan <sum>, %add3A_471 masked %broadcast_in_dim3A_476 : vector<16xf32>, vector<16xi1> -> vector<16xf32>
          %swap3A_478 = arith.index_cast %add3A_474 : i32 to index
          %swap3A_479 = tpu.vector_load %arg17[%swap3A_478] masked %eq3A_4 {strides = array<i32>} : memref<10016xf32, #tpu.memory_space<vmem>>, vector<16xf32>, vector<16xi1>
          tpu.vector_store %arg17[%swap3A_478], %masked_cumsum3A_477 masked %eq3A_4 {strides = array<i32>} : memref<10016xf32, #tpu.memory_space<vmem>>, vector<16xf32>, vector<16xi1>
          %add3A_480 = arith.constant 4 : i32
          %add3A_481 = arith.addi %mul3A_82, %add3A_480 : i32
          %get3A_482 = arith.index_cast %add3A_481 : i32 to index
          %get3A_483 = arith.constant 0 : index
          %get3A_484 = tpu.vector_load %arg14[%get3A_482, %get3A_483] {strides = array<i32>} : memref<80x64xi32, #tpu.memory_space<vmem>>, vector<16xi32>,
          %bitcast3A_485 = vector.bitcast %get3A_484 : vector<16xi32> to vector<32xbf16>
          %get3A_486 = arith.index_cast %add3A_481 : i32 to index
          %get3A_487 = arith.constant 0 : index
          %get3A_488 = tpu.vector_load %arg15[%get3A_486, %get3A_487] {strides = array<i32>} : memref<80x64xi32, #tpu.memory_space<vmem>>, vector<16xi32>,
          %bitcast3A_489 = vector.bitcast %get3A_488 : vector<16xi32> to vector<32xbf16>
          %get3A_490 = arith.index_cast %add3A_481 : i32 to index
          %get3A_491 = arith.constant 0 : index
          %get3A_492 = tpu.vector_load %arg16[%get3A_490, %get3A_491] {strides = array<i32>} : memref<80x64xi32, #tpu.memory_space<vmem>>, vector<16xi32>,
          %bitcast3A_493 = vector.bitcast %get3A_492 : vector<16xi32> to vector<32xbf16>
          %mul3A_494 = arith.mulf %bitcast3A_485, %bitcast3A_489 : vector<32xbf16>
          %mul3A_495 = arith.mulf %mul3A_494, %bitcast3A_493 : vector<32xbf16>
          %bitcast3A_496 = vector.bitcast %mul3A_495 : vector<32xbf16> to vector<16xi32>
          %and3A_497 = arith.andi %bitcast3A_496, %broadcast_in_dim3A_5 : vector<16xi32>
          %bitcast_convert_type3A_498 = tpu.bitcast %and3A_497 : vector<16xi32> -> vector<16xf32>
          %shift_left3A_499 = arith.constant 16 : i32
          %shift_left3A_500 = vector.broadcast %shift_left3A_499 : i32 to vector<16xi32>
          %shift_left3A_501 = arith.shli %bitcast3A_496, %shift_left3A_500 : vector<16xi32>
          %bitcast_convert_type3A_502 = tpu.bitcast %shift_left3A_501 : vector<16xi32> -> vector<16xf32>
          %get3A_503 = arith.index_cast %add3A_481 : i32 to index
          %get3A_504 = arith.constant 16 : index
          %get3A_505 = tpu.vector_load %arg14[%get3A_503, %get3A_504] {strides = array<i32>} : memref<80x64xi32, #tpu.memory_space<vmem>>, vector<16xi32>,
          %bitcast3A_506 = vector.bitcast %get3A_505 : vector<16xi32> to vector<32xbf16>
          %get3A_507 = arith.index_cast %add3A_481 : i32 to index
          %get3A_508 = arith.constant 16 : index
          %get3A_509 = tpu.vector_load %arg15[%get3A_507, %get3A_508] {strides = array<i32>} : memref<80x64xi32, #tpu.memory_space<vmem>>, vector<16xi32>,
          %bitcast3A_510 = vector.bitcast %get3A_509 : vector<16xi32> to vector<32xbf16>
          %get3A_511 = arith.index_cast %add3A_481 : i32 to index
          %get3A_512 = arith.constant 16 : index
          %get3A_513 = tpu.vector_load %arg16[%get3A_511, %get3A_512] {strides = array<i32>} : memref<80x64xi32, #tpu.memory_space<vmem>>, vector<16xi32>,
          %bitcast3A_514 = vector.bitcast %get3A_513 : vector<16xi32> to vector<32xbf16>
          %mul3A_515 = arith.mulf %bitcast3A_506, %bitcast3A_510 : vector<32xbf16>
          %mul3A_516 = arith.mulf %mul3A_515, %bitcast3A_514 : vector<32xbf16>
          %bitcast3A_517 = vector.bitcast %mul3A_516 : vector<32xbf16> to vector<16xi32>
          %and3A_518 = arith.andi %bitcast3A_517, %broadcast_in_dim3A_5 : vector<16xi32>
          %bitcast_convert_type3A_519 = tpu.bitcast %and3A_518 : vector<16xi32> -> vector<16xf32>
          %shift_left3A_520 = arith.constant 16 : i32
          %shift_left3A_521 = vector.broadcast %shift_left3A_520 : i32 to vector<16xi32>
          %shift_left3A_522 = arith.shli %bitcast3A_517, %shift_left3A_521 : vector<16xi32>
          %bitcast_convert_type3A_523 = tpu.bitcast %shift_left3A_522 : vector<16xi32> -> vector<16xf32>
          %add3A_524 = arith.addf %bitcast_convert_type3A_502, %bitcast_convert_type3A_523 : vector<16xf32>
          %add3A_525 = arith.addf %bitcast_convert_type3A_498, %bitcast_convert_type3A_519 : vector<16xf32>
          %get3A_526 = arith.index_cast %add3A_481 : i32 to index
          %get3A_527 = arith.constant 32 : index
          %get3A_528 = tpu.vector_load %arg14[%get3A_526, %get3A_527] {strides = array<i32>} : memref<80x64xi32, #tpu.memory_space<vmem>>, vector<16xi32>,
          %bitcast3A_529 = vector.bitcast %get3A_528 : vector<16xi32> to vector<32xbf16>
          %get3A_530 = arith.index_cast %add3A_481 : i32 to index
          %get3A_531 = arith.constant 32 : index
          %get3A_532 = tpu.vector_load %arg15[%get3A_530, %get3A_531] {strides = array<i32>} : memref<80x64xi32, #tpu.memory_space<vmem>>, vector<16xi32>,
          %bitcast3A_533 = vector.bitcast %get3A_532 : vector<16xi32> to vector<32xbf16>
          %get3A_534 = arith.index_cast %add3A_481 : i32 to index
          %get3A_535 = arith.constant 32 : index
          %get3A_536 = tpu.vector_load %arg16[%get3A_534, %get3A_535] {strides = array<i32>} : memref<80x64xi32, #tpu.memory_space<vmem>>, vector<16xi32>,
          %bitcast3A_537 = vector.bitcast %get3A_536 : vector<16xi32> to vector<32xbf16>
          %mul3A_538 = arith.mulf %bitcast3A_529, %bitcast3A_533 : vector<32xbf16>
          %mul3A_539 = arith.mulf %mul3A_538, %bitcast3A_537 : vector<32xbf16>
          %bitcast3A_540 = vector.bitcast %mul3A_539 : vector<32xbf16> to vector<16xi32>
          %and3A_541 = arith.andi %bitcast3A_540, %broadcast_in_dim3A_5 : vector<16xi32>
          %bitcast_convert_type3A_542 = tpu.bitcast %and3A_541 : vector<16xi32> -> vector<16xf32>
          %shift_left3A_543 = arith.constant 16 : i32
          %shift_left3A_544 = vector.broadcast %shift_left3A_543 : i32 to vector<16xi32>
          %shift_left3A_545 = arith.shli %bitcast3A_540, %shift_left3A_544 : vector<16xi32>
          %bitcast_convert_type3A_546 = tpu.bitcast %shift_left3A_545 : vector<16xi32> -> vector<16xf32>
          %add3A_547 = arith.addf %add3A_524, %bitcast_convert_type3A_546 : vector<16xf32>
          %add3A_548 = arith.addf %add3A_525, %bitcast_convert_type3A_542 : vector<16xf32>
          %get3A_549 = arith.index_cast %add3A_481 : i32 to index
          %get3A_550 = arith.constant 48 : index
          %get3A_551 = tpu.vector_load %arg14[%get3A_549, %get3A_550] {strides = array<i32>} : memref<80x64xi32, #tpu.memory_space<vmem>>, vector<16xi32>,
          %bitcast3A_552 = vector.bitcast %get3A_551 : vector<16xi32> to vector<32xbf16>
          %get3A_553 = arith.index_cast %add3A_481 : i32 to index
          %get3A_554 = arith.constant 48 : index
          %get3A_555 = tpu.vector_load %arg15[%get3A_553, %get3A_554] {strides = array<i32>} : memref<80x64xi32, #tpu.memory_space<vmem>>, vector<16xi32>,
          %bitcast3A_556 = vector.bitcast %get3A_555 : vector<16xi32> to vector<32xbf16>
          %get3A_557 = arith.index_cast %add3A_481 : i32 to index
          %get3A_558 = arith.constant 48 : index
          %get3A_559 = tpu.vector_load %arg16[%get3A_557, %get3A_558] {strides = array<i32>} : memref<80x64xi32, #tpu.memory_space<vmem>>, vector<16xi32>,
          %bitcast3A_560 = vector.bitcast %get3A_559 : vector<16xi32> to vector<32xbf16>
          %mul3A_561 = arith.mulf %bitcast3A_552, %bitcast3A_556 : vector<32xbf16>
          %mul3A_562 = arith.mulf %mul3A_561, %bitcast3A_560 : vector<32xbf16>
          %bitcast3A_563 = vector.bitcast %mul3A_562 : vector<32xbf16> to vector<16xi32>
          %and3A_564 = arith.andi %bitcast3A_563, %broadcast_in_dim3A_5 : vector<16xi32>
          %bitcast_convert_type3A_565 = tpu.bitcast %and3A_564 : vector<16xi32> -> vector<16xf32>
          %shift_left3A_566 = arith.constant 16 : i32
          %shift_left3A_567 = vector.broadcast %shift_left3A_566 : i32 to vector<16xi32>
          %shift_left3A_568 = arith.shli %bitcast3A_563, %shift_left3A_567 : vector<16xi32>
          %bitcast_convert_type3A_569 = tpu.bitcast %shift_left3A_568 : vector<16xi32> -> vector<16xf32>
          %add3A_570 = arith.addf %add3A_547, %bitcast_convert_type3A_569 : vector<16xf32>
          %add3A_571 = arith.addf %add3A_548, %bitcast_convert_type3A_565 : vector<16xf32>
          %add3A_572 = arith.addf %add3A_570, %add3A_571 : vector<16xf32>
          %mul3A_573 = arith.constant 80 : i32
          %mul3A_574 = arith.muli %add3A_28, %mul3A_573 : i32
          %add3A_575 = arith.addi %mul3A_574, %add3A_481 : i32
          %broadcast_in_dim3A_576 = arith.constant true
          %broadcast_in_dim3A_577 = vector.broadcast %broadcast_in_dim3A_576 : i1 to vector<16xi1>
          %masked_cumsum3A_578 = tpu.scan <sum>, %add3A_572 masked %broadcast_in_dim3A_577 : vector<16xf32>, vector<16xi1> -> vector<16xf32>
          %swap3A_579 = arith.index_cast %add3A_575 : i32 to index
          %swap3A_580 = tpu.vector_load %arg17[%swap3A_579] masked %eq3A_4 {strides = array<i32>} : memref<10016xf32, #tpu.memory_space<vmem>>, vector<16xf32>, vector<16xi1>
          tpu.vector_store %arg17[%swap3A_579], %masked_cumsum3A_578 masked %eq3A_4 {strides = array<i32>} : memref<10016xf32, #tpu.memory_space<vmem>>, vector<16xf32>, vector<16xi1>
          %add3A_581 = arith.constant 5 : i32
          %add3A_582 = arith.addi %mul3A_82, %add3A_581 : i32
          %get3A_583 = arith.index_cast %add3A_582 : i32 to index
          %get3A_584 = arith.constant 0 : index
          %get3A_585 = tpu.vector_load %arg14[%get3A_583, %get3A_584] {strides = array<i32>} : memref<80x64xi32, #tpu.memory_space<vmem>>, vector<16xi32>,
          %bitcast3A_586 = vector.bitcast %get3A_585 : vector<16xi32> to vector<32xbf16>
          %get3A_587 = arith.index_cast %add3A_582 : i32 to index
          %get3A_588 = arith.constant 0 : index
          %get3A_589 = tpu.vector_load %arg15[%get3A_587, %get3A_588] {strides = array<i32>} : memref<80x64xi32, #tpu.memory_space<vmem>>, vector<16xi32>,
          %bitcast3A_590 = vector.bitcast %get3A_589 : vector<16xi32> to vector<32xbf16>
          %get3A_591 = arith.index_cast %add3A_582 : i32 to index
          %get3A_592 = arith.constant 0 : index
          %get3A_593 = tpu.vector_load %arg16[%get3A_591, %get3A_592] {strides = array<i32>} : memref<80x64xi32, #tpu.memory_space<vmem>>, vector<16xi32>,
          %bitcast3A_594 = vector.bitcast %get3A_593 : vector<16xi32> to vector<32xbf16>
          %mul3A_595 = arith.mulf %bitcast3A_586, %bitcast3A_590 : vector<32xbf16>
          %mul3A_596 = arith.mulf %mul3A_595, %bitcast3A_594 : vector<32xbf16>
          %bitcast3A_597 = vector.bitcast %mul3A_596 : vector<32xbf16> to vector<16xi32>
          %and3A_598 = arith.andi %bitcast3A_597, %broadcast_in_dim3A_5 : vector<16xi32>
          %bitcast_convert_type3A_599 = tpu.bitcast %and3A_598 : vector<16xi32> -> vector<16xf32>
          %shift_left3A_600 = arith.constant 16 : i32
          %shift_left3A_601 = vector.broadcast %shift_left3A_600 : i32 to vector<16xi32>
          %shift_left3A_602 = arith.shli %bitcast3A_597, %shift_left3A_601 : vector<16xi32>
          %bitcast_convert_type3A_603 = tpu.bitcast %shift_left3A_602 : vector<16xi32> -> vector<16xf32>
          %get3A_604 = arith.index_cast %add3A_582 : i32 to index
          %get3A_605 = arith.constant 16 : index
          %get3A_606 = tpu.vector_load %arg14[%get3A_604, %get3A_605] {strides = array<i32>} : memref<80x64xi32, #tpu.memory_space<vmem>>, vector<16xi32>,
          %bitcast3A_607 = vector.bitcast %get3A_606 : vector<16xi32> to vector<32xbf16>
          %get3A_608 = arith.index_cast %add3A_582 : i32 to index
          %get3A_609 = arith.constant 16 : index
          %get3A_610 = tpu.vector_load %arg15[%get3A_608, %get3A_609] {strides = array<i32>} : memref<80x64xi32, #tpu.memory_space<vmem>>, vector<16xi32>,
          %bitcast3A_611 = vector.bitcast %get3A_610 : vector<16xi32> to vector<32xbf16>
          %get3A_612 = arith.index_cast %add3A_582 : i32 to index
          %get3A_613 = arith.constant 16 : index
          %get3A_614 = tpu.vector_load %arg16[%get3A_612, %get3A_613] {strides = array<i32>} : memref<80x64xi32, #tpu.memory_space<vmem>>, vector<16xi32>,
          %bitcast3A_615 = vector.bitcast %get3A_614 : vector<16xi32> to vector<32xbf16>
          %mul3A_616 = arith.mulf %bitcast3A_607, %bitcast3A_611 : vector<32xbf16>
          %mul3A_617 = arith.mulf %mul3A_616, %bitcast3A_615 : vector<32xbf16>
          %bitcast3A_618 = vector.bitcast %mul3A_617 : vector<32xbf16> to vector<16xi32>
          %and3A_619 = arith.andi %bitcast3A_618, %broadcast_in_dim3A_5 : vector<16xi32>
          %bitcast_convert_type3A_620 = tpu.bitcast %and3A_619 : vector<16xi32> -> vector<16xf32>
          %shift_left3A_621 = arith.constant 16 : i32
          %shift_left3A_622 = vector.broadcast %shift_left3A_621 : i32 to vector<16xi32>
          %shift_left3A_623 = arith.shli %bitcast3A_618, %shift_left3A_622 : vector<16xi32>
          %bitcast_convert_type3A_624 = tpu.bitcast %shift_left3A_623 : vector<16xi32> -> vector<16xf32>
          %add3A_625 = arith.addf %bitcast_convert_type3A_603, %bitcast_convert_type3A_624 : vector<16xf32>
          %add3A_626 = arith.addf %bitcast_convert_type3A_599, %bitcast_convert_type3A_620 : vector<16xf32>
          %get3A_627 = arith.index_cast %add3A_582 : i32 to index
          %get3A_628 = arith.constant 32 : index
          %get3A_629 = tpu.vector_load %arg14[%get3A_627, %get3A_628] {strides = array<i32>} : memref<80x64xi32, #tpu.memory_space<vmem>>, vector<16xi32>,
          %bitcast3A_630 = vector.bitcast %get3A_629 : vector<16xi32> to vector<32xbf16>
          %get3A_631 = arith.index_cast %add3A_582 : i32 to index
          %get3A_632 = arith.constant 32 : index
          %get3A_633 = tpu.vector_load %arg15[%get3A_631, %get3A_632] {strides = array<i32>} : memref<80x64xi32, #tpu.memory_space<vmem>>, vector<16xi32>,
          %bitcast3A_634 = vector.bitcast %get3A_633 : vector<16xi32> to vector<32xbf16>
          %get3A_635 = arith.index_cast %add3A_582 : i32 to index
          %get3A_636 = arith.constant 32 : index
          %get3A_637 = tpu.vector_load %arg16[%get3A_635, %get3A_636] {strides = array<i32>} : memref<80x64xi32, #tpu.memory_space<vmem>>, vector<16xi32>,
          %bitcast3A_638 = vector.bitcast %get3A_637 : vector<16xi32> to vector<32xbf16>
          %mul3A_639 = arith.mulf %bitcast3A_630, %bitcast3A_634 : vector<32xbf16>
          %mul3A_640 = arith.mulf %mul3A_639, %bitcast3A_638 : vector<32xbf16>
          %bitcast3A_641 = vector.bitcast %mul3A_640 : vector<32xbf16> to vector<16xi32>
          %and3A_642 = arith.andi %bitcast3A_641, %broadcast_in_dim3A_5 : vector<16xi32>
          %bitcast_convert_type3A_643 = tpu.bitcast %and3A_642 : vector<16xi32> -> vector<16xf32>
          %shift_left3A_644 = arith.constant 16 : i32
          %shift_left3A_645 = vector.broadcast %shift_left3A_644 : i32 to vector<16xi32>
          %shift_left3A_646 = arith.shli %bitcast3A_641, %shift_left3A_645 : vector<16xi32>
          %bitcast_convert_type3A_647 = tpu.bitcast %shift_left3A_646 : vector<16xi32> -> vector<16xf32>
          %add3A_648 = arith.addf %add3A_625, %bitcast_convert_type3A_647 : vector<16xf32>
          %add3A_649 = arith.addf %add3A_626, %bitcast_convert_type3A_643 : vector<16xf32>
          %get3A_650 = arith.index_cast %add3A_582 : i32 to index
          %get3A_651 = arith.constant 48 : index
          %get3A_652 = tpu.vector_load %arg14[%get3A_650, %get3A_651] {strides = array<i32>} : memref<80x64xi32, #tpu.memory_space<vmem>>, vector<16xi32>,
          %bitcast3A_653 = vector.bitcast %get3A_652 : vector<16xi32> to vector<32xbf16>
          %get3A_654 = arith.index_cast %add3A_582 : i32 to index
          %get3A_655 = arith.constant 48 : index
          %get3A_656 = tpu.vector_load %arg15[%get3A_654, %get3A_655] {strides = array<i32>} : memref<80x64xi32, #tpu.memory_space<vmem>>, vector<16xi32>,
          %bitcast3A_657 = vector.bitcast %get3A_656 : vector<16xi32> to vector<32xbf16>
          %get3A_658 = arith.index_cast %add3A_582 : i32 to index
          %get3A_659 = arith.constant 48 : index
          %get3A_660 = tpu.vector_load %arg16[%get3A_658, %get3A_659] {strides = array<i32>} : memref<80x64xi32, #tpu.memory_space<vmem>>, vector<16xi32>,
          %bitcast3A_661 = vector.bitcast %get3A_660 : vector<16xi32> to vector<32xbf16>
          %mul3A_662 = arith.mulf %bitcast3A_653, %bitcast3A_657 : vector<32xbf16>
          %mul3A_663 = arith.mulf %mul3A_662, %bitcast3A_661 : vector<32xbf16>
          %bitcast3A_664 = vector.bitcast %mul3A_663 : vector<32xbf16> to vector<16xi32>
          %and3A_665 = arith.andi %bitcast3A_664, %broadcast_in_dim3A_5 : vector<16xi32>
          %bitcast_convert_type3A_666 = tpu.bitcast %and3A_665 : vector<16xi32> -> vector<16xf32>
          %shift_left3A_667 = arith.constant 16 : i32
          %shift_left3A_668 = vector.broadcast %shift_left3A_667 : i32 to vector<16xi32>
          %shift_left3A_669 = arith.shli %bitcast3A_664, %shift_left3A_668 : vector<16xi32>
          %bitcast_convert_type3A_670 = tpu.bitcast %shift_left3A_669 : vector<16xi32> -> vector<16xf32>
          %add3A_671 = arith.addf %add3A_648, %bitcast_convert_type3A_670 : vector<16xf32>
          %add3A_672 = arith.addf %add3A_649, %bitcast_convert_type3A_666 : vector<16xf32>
          %add3A_673 = arith.addf %add3A_671, %add3A_672 : vector<16xf32>
          %mul3A_674 = arith.constant 80 : i32
          %mul3A_675 = arith.muli %add3A_28, %mul3A_674 : i32
          %add3A_676 = arith.addi %mul3A_675, %add3A_582 : i32
          %broadcast_in_dim3A_677 = arith.constant true
          %broadcast_in_dim3A_678 = vector.broadcast %broadcast_in_dim3A_677 : i1 to vector<16xi1>
          %masked_cumsum3A_679 = tpu.scan <sum>, %add3A_673 masked %broadcast_in_dim3A_678 : vector<16xf32>, vector<16xi1> -> vector<16xf32>
          %swap3A_680 = arith.index_cast %add3A_676 : i32 to index
          %swap3A_681 = tpu.vector_load %arg17[%swap3A_680] masked %eq3A_4 {strides = array<i32>} : memref<10016xf32, #tpu.memory_space<vmem>>, vector<16xf32>, vector<16xi1>
          tpu.vector_store %arg17[%swap3A_680], %masked_cumsum3A_679 masked %eq3A_4 {strides = array<i32>} : memref<10016xf32, #tpu.memory_space<vmem>>, vector<16xf32>, vector<16xi1>
          %add3A_682 = arith.constant 6 : i32
          %add3A_683 = arith.addi %mul3A_82, %add3A_682 : i32
          %get3A_684 = arith.index_cast %add3A_683 : i32 to index
          %get3A_685 = arith.constant 0 : index
          %get3A_686 = tpu.vector_load %arg14[%get3A_684, %get3A_685] {strides = array<i32>} : memref<80x64xi32, #tpu.memory_space<vmem>>, vector<16xi32>,
          %bitcast3A_687 = vector.bitcast %get3A_686 : vector<16xi32> to vector<32xbf16>
          %get3A_688 = arith.index_cast %add3A_683 : i32 to index
          %get3A_689 = arith.constant 0 : index
          %get3A_690 = tpu.vector_load %arg15[%get3A_688, %get3A_689] {strides = array<i32>} : memref<80x64xi32, #tpu.memory_space<vmem>>, vector<16xi32>,
          %bitcast3A_691 = vector.bitcast %get3A_690 : vector<16xi32> to vector<32xbf16>
          %get3A_692 = arith.index_cast %add3A_683 : i32 to index
          %get3A_693 = arith.constant 0 : index
          %get3A_694 = tpu.vector_load %arg16[%get3A_692, %get3A_693] {strides = array<i32>} : memref<80x64xi32, #tpu.memory_space<vmem>>, vector<16xi32>,
          %bitcast3A_695 = vector.bitcast %get3A_694 : vector<16xi32> to vector<32xbf16>
          %mul3A_696 = arith.mulf %bitcast3A_687, %bitcast3A_691 : vector<32xbf16>
          %mul3A_697 = arith.mulf %mul3A_696, %bitcast3A_695 : vector<32xbf16>
          %bitcast3A_698 = vector.bitcast %mul3A_697 : vector<32xbf16> to vector<16xi32>
          %and3A_699 = arith.andi %bitcast3A_698, %broadcast_in_dim3A_5 : vector<16xi32>
          %bitcast_convert_type3A_700 = tpu.bitcast %and3A_699 : vector<16xi32> -> vector<16xf32>
          %shift_left3A_701 = arith.constant 16 : i32
          %shift_left3A_702 = vector.broadcast %shift_left3A_701 : i32 to vector<16xi32>
          %shift_left3A_703 = arith.shli %bitcast3A_698, %shift_left3A_702 : vector<16xi32>
          %bitcast_convert_type3A_704 = tpu.bitcast %shift_left3A_703 : vector<16xi32> -> vector<16xf32>
          %get3A_705 = arith.index_cast %add3A_683 : i32 to index
          %get3A_706 = arith.constant 16 : index
          %get3A_707 = tpu.vector_load %arg14[%get3A_705, %get3A_706] {strides = array<i32>} : memref<80x64xi32, #tpu.memory_space<vmem>>, vector<16xi32>,
          %bitcast3A_708 = vector.bitcast %get3A_707 : vector<16xi32> to vector<32xbf16>
          %get3A_709 = arith.index_cast %add3A_683 : i32 to index
          %get3A_710 = arith.constant 16 : index
          %get3A_711 = tpu.vector_load %arg15[%get3A_709, %get3A_710] {strides = array<i32>} : memref<80x64xi32, #tpu.memory_space<vmem>>, vector<16xi32>,
          %bitcast3A_712 = vector.bitcast %get3A_711 : vector<16xi32> to vector<32xbf16>
          %get3A_713 = arith.index_cast %add3A_683 : i32 to index
          %get3A_714 = arith.constant 16 : index
          %get3A_715 = tpu.vector_load %arg16[%get3A_713, %get3A_714] {strides = array<i32>} : memref<80x64xi32, #tpu.memory_space<vmem>>, vector<16xi32>,
          %bitcast3A_716 = vector.bitcast %get3A_715 : vector<16xi32> to vector<32xbf16>
          %mul3A_717 = arith.mulf %bitcast3A_708, %bitcast3A_712 : vector<32xbf16>
          %mul3A_718 = arith.mulf %mul3A_717, %bitcast3A_716 : vector<32xbf16>
          %bitcast3A_719 = vector.bitcast %mul3A_718 : vector<32xbf16> to vector<16xi32>
          %and3A_720 = arith.andi %bitcast3A_719, %broadcast_in_dim3A_5 : vector<16xi32>
          %bitcast_convert_type3A_721 = tpu.bitcast %and3A_720 : vector<16xi32> -> vector<16xf32>
          %shift_left3A_722 = arith.constant 16 : i32
          %shift_left3A_723 = vector.broadcast %shift_left3A_722 : i32 to vector<16xi32>
          %shift_left3A_724 = arith.shli %bitcast3A_719, %shift_left3A_723 : vector<16xi32>
          %bitcast_convert_type3A_725 = tpu.bitcast %shift_left3A_724 : vector<16xi32> -> vector<16xf32>
          %add3A_726 = arith.addf %bitcast_convert_type3A_704, %bitcast_convert_type3A_725 : vector<16xf32>
          %add3A_727 = arith.addf %bitcast_convert_type3A_700, %bitcast_convert_type3A_721 : vector<16xf32>
          %get3A_728 = arith.index_cast %add3A_683 : i32 to index
          %get3A_729 = arith.constant 32 : index
          %get3A_730 = tpu.vector_load %arg14[%get3A_728, %get3A_729] {strides = array<i32>} : memref<80x64xi32, #tpu.memory_space<vmem>>, vector<16xi32>,
          %bitcast3A_731 = vector.bitcast %get3A_730 : vector<16xi32> to vector<32xbf16>
          %get3A_732 = arith.index_cast %add3A_683 : i32 to index
          %get3A_733 = arith.constant 32 : index
          %get3A_734 = tpu.vector_load %arg15[%get3A_732, %get3A_733] {strides = array<i32>} : memref<80x64xi32, #tpu.memory_space<vmem>>, vector<16xi32>,
          %bitcast3A_735 = vector.bitcast %get3A_734 : vector<16xi32> to vector<32xbf16>
          %get3A_736 = arith.index_cast %add3A_683 : i32 to index
          %get3A_737 = arith.constant 32 : index
          %get3A_738 = tpu.vector_load %arg16[%get3A_736, %get3A_737] {strides = array<i32>} : memref<80x64xi32, #tpu.memory_space<vmem>>, vector<16xi32>,
          %bitcast3A_739 = vector.bitcast %get3A_738 : vector<16xi32> to vector<32xbf16>
          %mul3A_740 = arith.mulf %bitcast3A_731, %bitcast3A_735 : vector<32xbf16>
          %mul3A_741 = arith.mulf %mul3A_740, %bitcast3A_739 : vector<32xbf16>
          %bitcast3A_742 = vector.bitcast %mul3A_741 : vector<32xbf16> to vector<16xi32>
          %and3A_743 = arith.andi %bitcast3A_742, %broadcast_in_dim3A_5 : vector<16xi32>
          %bitcast_convert_type3A_744 = tpu.bitcast %and3A_743 : vector<16xi32> -> vector<16xf32>
          %shift_left3A_745 = arith.constant 16 : i32
          %shift_left3A_746 = vector.broadcast %shift_left3A_745 : i32 to vector<16xi32>
          %shift_left3A_747 = arith.shli %bitcast3A_742, %shift_left3A_746 : vector<16xi32>
          %bitcast_convert_type3A_748 = tpu.bitcast %shift_left3A_747 : vector<16xi32> -> vector<16xf32>
          %add3A_749 = arith.addf %add3A_726, %bitcast_convert_type3A_748 : vector<16xf32>
          %add3A_750 = arith.addf %add3A_727, %bitcast_convert_type3A_744 : vector<16xf32>
          %get3A_751 = arith.index_cast %add3A_683 : i32 to index
          %get3A_752 = arith.constant 48 : index
          %get3A_753 = tpu.vector_load %arg14[%get3A_751, %get3A_752] {strides = array<i32>} : memref<80x64xi32, #tpu.memory_space<vmem>>, vector<16xi32>,
          %bitcast3A_754 = vector.bitcast %get3A_753 : vector<16xi32> to vector<32xbf16>
          %get3A_755 = arith.index_cast %add3A_683 : i32 to index
          %get3A_756 = arith.constant 48 : index
          %get3A_757 = tpu.vector_load %arg15[%get3A_755, %get3A_756] {strides = array<i32>} : memref<80x64xi32, #tpu.memory_space<vmem>>, vector<16xi32>,
          %bitcast3A_758 = vector.bitcast %get3A_757 : vector<16xi32> to vector<32xbf16>
          %get3A_759 = arith.index_cast %add3A_683 : i32 to index
          %get3A_760 = arith.constant 48 : index
          %get3A_761 = tpu.vector_load %arg16[%get3A_759, %get3A_760] {strides = array<i32>} : memref<80x64xi32, #tpu.memory_space<vmem>>, vector<16xi32>,
          %bitcast3A_762 = vector.bitcast %get3A_761 : vector<16xi32> to vector<32xbf16>
          %mul3A_763 = arith.mulf %bitcast3A_754, %bitcast3A_758 : vector<32xbf16>
          %mul3A_764 = arith.mulf %mul3A_763, %bitcast3A_762 : vector<32xbf16>
          %bitcast3A_765 = vector.bitcast %mul3A_764 : vector<32xbf16> to vector<16xi32>
          %and3A_766 = arith.andi %bitcast3A_765, %broadcast_in_dim3A_5 : vector<16xi32>
          %bitcast_convert_type3A_767 = tpu.bitcast %and3A_766 : vector<16xi32> -> vector<16xf32>
          %shift_left3A_768 = arith.constant 16 : i32
          %shift_left3A_769 = vector.broadcast %shift_left3A_768 : i32 to vector<16xi32>
          %shift_left3A_770 = arith.shli %bitcast3A_765, %shift_left3A_769 : vector<16xi32>
          %bitcast_convert_type3A_771 = tpu.bitcast %shift_left3A_770 : vector<16xi32> -> vector<16xf32>
          %add3A_772 = arith.addf %add3A_749, %bitcast_convert_type3A_771 : vector<16xf32>
          %add3A_773 = arith.addf %add3A_750, %bitcast_convert_type3A_767 : vector<16xf32>
          %add3A_774 = arith.addf %add3A_772, %add3A_773 : vector<16xf32>
          %mul3A_775 = arith.constant 80 : i32
          %mul3A_776 = arith.muli %add3A_28, %mul3A_775 : i32
          %add3A_777 = arith.addi %mul3A_776, %add3A_683 : i32
          %broadcast_in_dim3A_778 = arith.constant true
          %broadcast_in_dim3A_779 = vector.broadcast %broadcast_in_dim3A_778 : i1 to vector<16xi1>
          %masked_cumsum3A_780 = tpu.scan <sum>, %add3A_774 masked %broadcast_in_dim3A_779 : vector<16xf32>, vector<16xi1> -> vector<16xf32>
          %swap3A_781 = arith.index_cast %add3A_777 : i32 to index
          %swap3A_782 = tpu.vector_load %arg17[%swap3A_781] masked %eq3A_4 {strides = array<i32>} : memref<10016xf32, #tpu.memory_space<vmem>>, vector<16xf32>, vector<16xi1>
          tpu.vector_store %arg17[%swap3A_781], %masked_cumsum3A_780 masked %eq3A_4 {strides = array<i32>} : memref<10016xf32, #tpu.memory_space<vmem>>, vector<16xf32>, vector<16xi1>
          %add3A_783 = arith.constant 7 : i32
          %add3A_784 = arith.addi %mul3A_82, %add3A_783 : i32
          %get3A_785 = arith.index_cast %add3A_784 : i32 to index
          %get3A_786 = arith.constant 0 : index
          %get3A_787 = tpu.vector_load %arg14[%get3A_785, %get3A_786] {strides = array<i32>} : memref<80x64xi32, #tpu.memory_space<vmem>>, vector<16xi32>,
          %bitcast3A_788 = vector.bitcast %get3A_787 : vector<16xi32> to vector<32xbf16>
          %get3A_789 = arith.index_cast %add3A_784 : i32 to index
          %get3A_790 = arith.constant 0 : index
          %get3A_791 = tpu.vector_load %arg15[%get3A_789, %get3A_790] {strides = array<i32>} : memref<80x64xi32, #tpu.memory_space<vmem>>, vector<16xi32>,
          %bitcast3A_792 = vector.bitcast %get3A_791 : vector<16xi32> to vector<32xbf16>
          %get3A_793 = arith.index_cast %add3A_784 : i32 to index
          %get3A_794 = arith.constant 0 : index
          %get3A_795 = tpu.vector_load %arg16[%get3A_793, %get3A_794] {strides = array<i32>} : memref<80x64xi32, #tpu.memory_space<vmem>>, vector<16xi32>,
          %bitcast3A_796 = vector.bitcast %get3A_795 : vector<16xi32> to vector<32xbf16>
          %mul3A_797 = arith.mulf %bitcast3A_788, %bitcast3A_792 : vector<32xbf16>
          %mul3A_798 = arith.mulf %mul3A_797, %bitcast3A_796 : vector<32xbf16>
          %bitcast3A_799 = vector.bitcast %mul3A_798 : vector<32xbf16> to vector<16xi32>
          %and3A_800 = arith.andi %bitcast3A_799, %broadcast_in_dim3A_5 : vector<16xi32>
          %bitcast_convert_type3A_801 = tpu.bitcast %and3A_800 : vector<16xi32> -> vector<16xf32>
          %shift_left3A_802 = arith.constant 16 : i32
          %shift_left3A_803 = vector.broadcast %shift_left3A_802 : i32 to vector<16xi32>
          %shift_left3A_804 = arith.shli %bitcast3A_799, %shift_left3A_803 : vector<16xi32>
          %bitcast_convert_type3A_805 = tpu.bitcast %shift_left3A_804 : vector<16xi32> -> vector<16xf32>
          %get3A_806 = arith.index_cast %add3A_784 : i32 to index
          %get3A_807 = arith.constant 16 : index
          %get3A_808 = tpu.vector_load %arg14[%get3A_806, %get3A_807] {strides = array<i32>} : memref<80x64xi32, #tpu.memory_space<vmem>>, vector<16xi32>,
          %bitcast3A_809 = vector.bitcast %get3A_808 : vector<16xi32> to vector<32xbf16>
          %get3A_810 = arith.index_cast %add3A_784 : i32 to index
          %get3A_811 = arith.constant 16 : index
          %get3A_812 = tpu.vector_load %arg15[%get3A_810, %get3A_811] {strides = array<i32>} : memref<80x64xi32, #tpu.memory_space<vmem>>, vector<16xi32>,
          %bitcast3A_813 = vector.bitcast %get3A_812 : vector<16xi32> to vector<32xbf16>
          %get3A_814 = arith.index_cast %add3A_784 : i32 to index
          %get3A_815 = arith.constant 16 : index
          %get3A_816 = tpu.vector_load %arg16[%get3A_814, %get3A_815] {strides = array<i32>} : memref<80x64xi32, #tpu.memory_space<vmem>>, vector<16xi32>,
          %bitcast3A_817 = vector.bitcast %get3A_816 : vector<16xi32> to vector<32xbf16>
          %mul3A_818 = arith.mulf %bitcast3A_809, %bitcast3A_813 : vector<32xbf16>
          %mul3A_819 = arith.mulf %mul3A_818, %bitcast3A_817 : vector<32xbf16>
          %bitcast3A_820 = vector.bitcast %mul3A_819 : vector<32xbf16> to vector<16xi32>
          %and3A_821 = arith.andi %bitcast3A_820, %broadcast_in_dim3A_5 : vector<16xi32>
          %bitcast_convert_type3A_822 = tpu.bitcast %and3A_821 : vector<16xi32> -> vector<16xf32>
          %shift_left3A_823 = arith.constant 16 : i32
          %shift_left3A_824 = vector.broadcast %shift_left3A_823 : i32 to vector<16xi32>
          %shift_left3A_825 = arith.shli %bitcast3A_820, %shift_left3A_824 : vector<16xi32>
          %bitcast_convert_type3A_826 = tpu.bitcast %shift_left3A_825 : vector<16xi32> -> vector<16xf32>
          %add3A_827 = arith.addf %bitcast_convert_type3A_805, %bitcast_convert_type3A_826 : vector<16xf32>
          %add3A_828 = arith.addf %bitcast_convert_type3A_801, %bitcast_convert_type3A_822 : vector<16xf32>
          %get3A_829 = arith.index_cast %add3A_784 : i32 to index
          %get3A_830 = arith.constant 32 : index
          %get3A_831 = tpu.vector_load %arg14[%get3A_829, %get3A_830] {strides = array<i32>} : memref<80x64xi32, #tpu.memory_space<vmem>>, vector<16xi32>,
          %bitcast3A_832 = vector.bitcast %get3A_831 : vector<16xi32> to vector<32xbf16>
          %get3A_833 = arith.index_cast %add3A_784 : i32 to index
          %get3A_834 = arith.constant 32 : index
          %get3A_835 = tpu.vector_load %arg15[%get3A_833, %get3A_834] {strides = array<i32>} : memref<80x64xi32, #tpu.memory_space<vmem>>, vector<16xi32>,
          %bitcast3A_836 = vector.bitcast %get3A_835 : vector<16xi32> to vector<32xbf16>
          %get3A_837 = arith.index_cast %add3A_784 : i32 to index
          %get3A_838 = arith.constant 32 : index
          %get3A_839 = tpu.vector_load %arg16[%get3A_837, %get3A_838] {strides = array<i32>} : memref<80x64xi32, #tpu.memory_space<vmem>>, vector<16xi32>,
          %bitcast3A_840 = vector.bitcast %get3A_839 : vector<16xi32> to vector<32xbf16>
          %mul3A_841 = arith.mulf %bitcast3A_832, %bitcast3A_836 : vector<32xbf16>
          %mul3A_842 = arith.mulf %mul3A_841, %bitcast3A_840 : vector<32xbf16>
          %bitcast3A_843 = vector.bitcast %mul3A_842 : vector<32xbf16> to vector<16xi32>
          %and3A_844 = arith.andi %bitcast3A_843, %broadcast_in_dim3A_5 : vector<16xi32>
          %bitcast_convert_type3A_845 = tpu.bitcast %and3A_844 : vector<16xi32> -> vector<16xf32>
          %shift_left3A_846 = arith.constant 16 : i32
          %shift_left3A_847 = vector.broadcast %shift_left3A_846 : i32 to vector<16xi32>
          %shift_left3A_848 = arith.shli %bitcast3A_843, %shift_left3A_847 : vector<16xi32>
          %bitcast_convert_type3A_849 = tpu.bitcast %shift_left3A_848 : vector<16xi32> -> vector<16xf32>
          %add3A_850 = arith.addf %add3A_827, %bitcast_convert_type3A_849 : vector<16xf32>
          %add3A_851 = arith.addf %add3A_828, %bitcast_convert_type3A_845 : vector<16xf32>
          %get3A_852 = arith.index_cast %add3A_784 : i32 to index
          %get3A_853 = arith.constant 48 : index
          %get3A_854 = tpu.vector_load %arg14[%get3A_852, %get3A_853] {strides = array<i32>} : memref<80x64xi32, #tpu.memory_space<vmem>>, vector<16xi32>,
          %bitcast3A_855 = vector.bitcast %get3A_854 : vector<16xi32> to vector<32xbf16>
          %get3A_856 = arith.index_cast %add3A_784 : i32 to index
          %get3A_857 = arith.constant 48 : index
          %get3A_858 = tpu.vector_load %arg15[%get3A_856, %get3A_857] {strides = array<i32>} : memref<80x64xi32, #tpu.memory_space<vmem>>, vector<16xi32>,
          %bitcast3A_859 = vector.bitcast %get3A_858 : vector<16xi32> to vector<32xbf16>
          %get3A_860 = arith.index_cast %add3A_784 : i32 to index
          %get3A_861 = arith.constant 48 : index
          %get3A_862 = tpu.vector_load %arg16[%get3A_860, %get3A_861] {strides = array<i32>} : memref<80x64xi32, #tpu.memory_space<vmem>>, vector<16xi32>,
          %bitcast3A_863 = vector.bitcast %get3A_862 : vector<16xi32> to vector<32xbf16>
          %mul3A_864 = arith.mulf %bitcast3A_855, %bitcast3A_859 : vector<32xbf16>
          %mul3A_865 = arith.mulf %mul3A_864, %bitcast3A_863 : vector<32xbf16>
          %bitcast3A_866 = vector.bitcast %mul3A_865 : vector<32xbf16> to vector<16xi32>
          %and3A_867 = arith.andi %bitcast3A_866, %broadcast_in_dim3A_5 : vector<16xi32>
          %bitcast_convert_type3A_868 = tpu.bitcast %and3A_867 : vector<16xi32> -> vector<16xf32>
          %shift_left3A_869 = arith.constant 16 : i32
          %shift_left3A_870 = vector.broadcast %shift_left3A_869 : i32 to vector<16xi32>
          %shift_left3A_871 = arith.shli %bitcast3A_866, %shift_left3A_870 : vector<16xi32>
          %bitcast_convert_type3A_872 = tpu.bitcast %shift_left3A_871 : vector<16xi32> -> vector<16xf32>
          %add3A_873 = arith.addf %add3A_850, %bitcast_convert_type3A_872 : vector<16xf32>
          %add3A_874 = arith.addf %add3A_851, %bitcast_convert_type3A_868 : vector<16xf32>
          %add3A_875 = arith.addf %add3A_873, %add3A_874 : vector<16xf32>
          %mul3A_876 = arith.constant 80 : i32
          %mul3A_877 = arith.muli %add3A_28, %mul3A_876 : i32
          %add3A_878 = arith.addi %mul3A_877, %add3A_784 : i32
          %broadcast_in_dim3A_879 = arith.constant true
          %broadcast_in_dim3A_880 = vector.broadcast %broadcast_in_dim3A_879 : i1 to vector<16xi1>
          %masked_cumsum3A_881 = tpu.scan <sum>, %add3A_875 masked %broadcast_in_dim3A_880 : vector<16xf32>, vector<16xi1> -> vector<16xf32>
          %swap3A_882 = arith.index_cast %add3A_878 : i32 to index
          %swap3A_883 = tpu.vector_load %arg17[%swap3A_882] masked %eq3A_4 {strides = array<i32>} : memref<10016xf32, #tpu.memory_space<vmem>>, vector<16xf32>, vector<16xi1>
          tpu.vector_store %arg17[%swap3A_882], %masked_cumsum3A_881 masked %eq3A_4 {strides = array<i32>} : memref<10016xf32, #tpu.memory_space<vmem>>, vector<16xf32>, vector<16xi1>
          %add3A_884 = arith.constant 8 : i32
          %add3A_885 = arith.addi %mul3A_82, %add3A_884 : i32
          %get3A_886 = arith.index_cast %add3A_885 : i32 to index
          %get3A_887 = arith.constant 0 : index
          %get3A_888 = tpu.vector_load %arg14[%get3A_886, %get3A_887] {strides = array<i32>} : memref<80x64xi32, #tpu.memory_space<vmem>>, vector<16xi32>,
          %bitcast3A_889 = vector.bitcast %get3A_888 : vector<16xi32> to vector<32xbf16>
          %get3A_890 = arith.index_cast %add3A_885 : i32 to index
          %get3A_891 = arith.constant 0 : index
          %get3A_892 = tpu.vector_load %arg15[%get3A_890, %get3A_891] {strides = array<i32>} : memref<80x64xi32, #tpu.memory_space<vmem>>, vector<16xi32>,
          %bitcast3A_893 = vector.bitcast %get3A_892 : vector<16xi32> to vector<32xbf16>
          %get3A_894 = arith.index_cast %add3A_885 : i32 to index
          %get3A_895 = arith.constant 0 : index
          %get3A_896 = tpu.vector_load %arg16[%get3A_894, %get3A_895] {strides = array<i32>} : memref<80x64xi32, #tpu.memory_space<vmem>>, vector<16xi32>,
          %bitcast3A_897 = vector.bitcast %get3A_896 : vector<16xi32> to vector<32xbf16>
          %mul3A_898 = arith.mulf %bitcast3A_889, %bitcast3A_893 : vector<32xbf16>
          %mul3A_899 = arith.mulf %mul3A_898, %bitcast3A_897 : vector<32xbf16>
          %bitcast3A_900 = vector.bitcast %mul3A_899 : vector<32xbf16> to vector<16xi32>
          %and3A_901 = arith.andi %bitcast3A_900, %broadcast_in_dim3A_5 : vector<16xi32>
          %bitcast_convert_type3A_902 = tpu.bitcast %and3A_901 : vector<16xi32> -> vector<16xf32>
          %shift_left3A_903 = arith.constant 16 : i32
          %shift_left3A_904 = vector.broadcast %shift_left3A_903 : i32 to vector<16xi32>
          %shift_left3A_905 = arith.shli %bitcast3A_900, %shift_left3A_904 : vector<16xi32>
          %bitcast_convert_type3A_906 = tpu.bitcast %shift_left3A_905 : vector<16xi32> -> vector<16xf32>
          %get3A_907 = arith.index_cast %add3A_885 : i32 to index
          %get3A_908 = arith.constant 16 : index
          %get3A_909 = tpu.vector_load %arg14[%get3A_907, %get3A_908] {strides = array<i32>} : memref<80x64xi32, #tpu.memory_space<vmem>>, vector<16xi32>,
          %bitcast3A_910 = vector.bitcast %get3A_909 : vector<16xi32> to vector<32xbf16>
          %get3A_911 = arith.index_cast %add3A_885 : i32 to index
          %get3A_912 = arith.constant 16 : index
          %get3A_913 = tpu.vector_load %arg15[%get3A_911, %get3A_912] {strides = array<i32>} : memref<80x64xi32, #tpu.memory_space<vmem>>, vector<16xi32>,
          %bitcast3A_914 = vector.bitcast %get3A_913 : vector<16xi32> to vector<32xbf16>
          %get3A_915 = arith.index_cast %add3A_885 : i32 to index
          %get3A_916 = arith.constant 16 : index
          %get3A_917 = tpu.vector_load %arg16[%get3A_915, %get3A_916] {strides = array<i32>} : memref<80x64xi32, #tpu.memory_space<vmem>>, vector<16xi32>,
          %bitcast3A_918 = vector.bitcast %get3A_917 : vector<16xi32> to vector<32xbf16>
          %mul3A_919 = arith.mulf %bitcast3A_910, %bitcast3A_914 : vector<32xbf16>
          %mul3A_920 = arith.mulf %mul3A_919, %bitcast3A_918 : vector<32xbf16>
          %bitcast3A_921 = vector.bitcast %mul3A_920 : vector<32xbf16> to vector<16xi32>
          %and3A_922 = arith.andi %bitcast3A_921, %broadcast_in_dim3A_5 : vector<16xi32>
          %bitcast_convert_type3A_923 = tpu.bitcast %and3A_922 : vector<16xi32> -> vector<16xf32>
          %shift_left3A_924 = arith.constant 16 : i32
          %shift_left3A_925 = vector.broadcast %shift_left3A_924 : i32 to vector<16xi32>
          %shift_left3A_926 = arith.shli %bitcast3A_921, %shift_left3A_925 : vector<16xi32>
          %bitcast_convert_type3A_927 = tpu.bitcast %shift_left3A_926 : vector<16xi32> -> vector<16xf32>
          %add3A_928 = arith.addf %bitcast_convert_type3A_906, %bitcast_convert_type3A_927 : vector<16xf32>
          %add3A_929 = arith.addf %bitcast_convert_type3A_902, %bitcast_convert_type3A_923 : vector<16xf32>
          %get3A_930 = arith.index_cast %add3A_885 : i32 to index
          %get3A_931 = arith.constant 32 : index
          %get3A_932 = tpu.vector_load %arg14[%get3A_930, %get3A_931] {strides = array<i32>} : memref<80x64xi32, #tpu.memory_space<vmem>>, vector<16xi32>,
          %bitcast3A_933 = vector.bitcast %get3A_932 : vector<16xi32> to vector<32xbf16>
          %get3A_934 = arith.index_cast %add3A_885 : i32 to index
          %get3A_935 = arith.constant 32 : index
          %get3A_936 = tpu.vector_load %arg15[%get3A_934, %get3A_935] {strides = array<i32>} : memref<80x64xi32, #tpu.memory_space<vmem>>, vector<16xi32>,
          %bitcast3A_937 = vector.bitcast %get3A_936 : vector<16xi32> to vector<32xbf16>
          %get3A_938 = arith.index_cast %add3A_885 : i32 to index
          %get3A_939 = arith.constant 32 : index
          %get3A_940 = tpu.vector_load %arg16[%get3A_938, %get3A_939] {strides = array<i32>} : memref<80x64xi32, #tpu.memory_space<vmem>>, vector<16xi32>,
          %bitcast3A_941 = vector.bitcast %get3A_940 : vector<16xi32> to vector<32xbf16>
          %mul3A_942 = arith.mulf %bitcast3A_933, %bitcast3A_937 : vector<32xbf16>
          %mul3A_943 = arith.mulf %mul3A_942, %bitcast3A_941 : vector<32xbf16>
          %bitcast3A_944 = vector.bitcast %mul3A_943 : vector<32xbf16> to vector<16xi32>
          %and3A_945 = arith.andi %bitcast3A_944, %broadcast_in_dim3A_5 : vector<16xi32>
          %bitcast_convert_type3A_946 = tpu.bitcast %and3A_945 : vector<16xi32> -> vector<16xf32>
          %shift_left3A_947 = arith.constant 16 : i32
          %shift_left3A_948 = vector.broadcast %shift_left3A_947 : i32 to vector<16xi32>
          %shift_left3A_949 = arith.shli %bitcast3A_944, %shift_left3A_948 : vector<16xi32>
          %bitcast_convert_type3A_950 = tpu.bitcast %shift_left3A_949 : vector<16xi32> -> vector<16xf32>
          %add3A_951 = arith.addf %add3A_928, %bitcast_convert_type3A_950 : vector<16xf32>
          %add3A_952 = arith.addf %add3A_929, %bitcast_convert_type3A_946 : vector<16xf32>
          %get3A_953 = arith.index_cast %add3A_885 : i32 to index
          %get3A_954 = arith.constant 48 : index
          %get3A_955 = tpu.vector_load %arg14[%get3A_953, %get3A_954] {strides = array<i32>} : memref<80x64xi32, #tpu.memory_space<vmem>>, vector<16xi32>,
          %bitcast3A_956 = vector.bitcast %get3A_955 : vector<16xi32> to vector<32xbf16>
          %get3A_957 = arith.index_cast %add3A_885 : i32 to index
          %get3A_958 = arith.constant 48 : index
          %get3A_959 = tpu.vector_load %arg15[%get3A_957, %get3A_958] {strides = array<i32>} : memref<80x64xi32, #tpu.memory_space<vmem>>, vector<16xi32>,
          %bitcast3A_960 = vector.bitcast %get3A_959 : vector<16xi32> to vector<32xbf16>
          %get3A_961 = arith.index_cast %add3A_885 : i32 to index
          %get3A_962 = arith.constant 48 : index
          %get3A_963 = tpu.vector_load %arg16[%get3A_961, %get3A_962] {strides = array<i32>} : memref<80x64xi32, #tpu.memory_space<vmem>>, vector<16xi32>,
          %bitcast3A_964 = vector.bitcast %get3A_963 : vector<16xi32> to vector<32xbf16>
          %mul3A_965 = arith.mulf %bitcast3A_956, %bitcast3A_960 : vector<32xbf16>
          %mul3A_966 = arith.mulf %mul3A_965, %bitcast3A_964 : vector<32xbf16>
          %bitcast3A_967 = vector.bitcast %mul3A_966 : vector<32xbf16> to vector<16xi32>
          %and3A_968 = arith.andi %bitcast3A_967, %broadcast_in_dim3A_5 : vector<16xi32>
          %bitcast_convert_type3A_969 = tpu.bitcast %and3A_968 : vector<16xi32> -> vector<16xf32>
          %shift_left3A_970 = arith.constant 16 : i32
          %shift_left3A_971 = vector.broadcast %shift_left3A_970 : i32 to vector<16xi32>
          %shift_left3A_972 = arith.shli %bitcast3A_967, %shift_left3A_971 : vector<16xi32>
          %bitcast_convert_type3A_973 = tpu.bitcast %shift_left3A_972 : vector<16xi32> -> vector<16xf32>
          %add3A_974 = arith.addf %add3A_951, %bitcast_convert_type3A_973 : vector<16xf32>
          %add3A_975 = arith.addf %add3A_952, %bitcast_convert_type3A_969 : vector<16xf32>
          %add3A_976 = arith.addf %add3A_974, %add3A_975 : vector<16xf32>
          %mul3A_977 = arith.constant 80 : i32
          %mul3A_978 = arith.muli %add3A_28, %mul3A_977 : i32
          %add3A_979 = arith.addi %mul3A_978, %add3A_885 : i32
          %broadcast_in_dim3A_980 = arith.constant true
          %broadcast_in_dim3A_981 = vector.broadcast %broadcast_in_dim3A_980 : i1 to vector<16xi1>
          %masked_cumsum3A_982 = tpu.scan <sum>, %add3A_976 masked %broadcast_in_dim3A_981 : vector<16xf32>, vector<16xi1> -> vector<16xf32>
          %swap3A_983 = arith.index_cast %add3A_979 : i32 to index
          %swap3A_984 = tpu.vector_load %arg17[%swap3A_983] masked %eq3A_4 {strides = array<i32>} : memref<10016xf32, #tpu.memory_space<vmem>>, vector<16xf32>, vector<16xi1>
          tpu.vector_store %arg17[%swap3A_983], %masked_cumsum3A_982 masked %eq3A_4 {strides = array<i32>} : memref<10016xf32, #tpu.memory_space<vmem>>, vector<16xf32>, vector<16xi1>
          %add3A_985 = arith.constant 9 : i32
          %add3A_986 = arith.addi %mul3A_82, %add3A_985 : i32
          %get3A_987 = arith.index_cast %add3A_986 : i32 to index
          %get3A_988 = arith.constant 0 : index
          %get3A_989 = tpu.vector_load %arg14[%get3A_987, %get3A_988] {strides = array<i32>} : memref<80x64xi32, #tpu.memory_space<vmem>>, vector<16xi32>,
          %bitcast3A_990 = vector.bitcast %get3A_989 : vector<16xi32> to vector<32xbf16>
          %get3A_991 = arith.index_cast %add3A_986 : i32 to index
          %get3A_992 = arith.constant 0 : index
          %get3A_993 = tpu.vector_load %arg15[%get3A_991, %get3A_992] {strides = array<i32>} : memref<80x64xi32, #tpu.memory_space<vmem>>, vector<16xi32>,
          %bitcast3A_994 = vector.bitcast %get3A_993 : vector<16xi32> to vector<32xbf16>
          %get3A_995 = arith.index_cast %add3A_986 : i32 to index
          %get3A_996 = arith.constant 0 : index
          %get3A_997 = tpu.vector_load %arg16[%get3A_995, %get3A_996] {strides = array<i32>} : memref<80x64xi32, #tpu.memory_space<vmem>>, vector<16xi32>,
          %bitcast3A_998 = vector.bitcast %get3A_997 : vector<16xi32> to vector<32xbf16>
          %mul3A_999 = arith.mulf %bitcast3A_990, %bitcast3A_994 : vector<32xbf16>
          %mul3A_1000 = arith.mulf %mul3A_999, %bitcast3A_998 : vector<32xbf16>
          %bitcast3A_1001 = vector.bitcast %mul3A_1000 : vector<32xbf16> to vector<16xi32>
          %and3A_1002 = arith.andi %bitcast3A_1001, %broadcast_in_dim3A_5 : vector<16xi32>
          %bitcast_convert_type3A_1003 = tpu.bitcast %and3A_1002 : vector<16xi32> -> vector<16xf32>
          %shift_left3A_1004 = arith.constant 16 : i32
          %shift_left3A_1005 = vector.broadcast %shift_left3A_1004 : i32 to vector<16xi32>
          %shift_left3A_1006 = arith.shli %bitcast3A_1001, %shift_left3A_1005 : vector<16xi32>
          %bitcast_convert_type3A_1007 = tpu.bitcast %shift_left3A_1006 : vector<16xi32> -> vector<16xf32>
          %get3A_1008 = arith.index_cast %add3A_986 : i32 to index
          %get3A_1009 = arith.constant 16 : index
          %get3A_1010 = tpu.vector_load %arg14[%get3A_1008, %get3A_1009] {strides = array<i32>} : memref<80x64xi32, #tpu.memory_space<vmem>>, vector<16xi32>,
          %bitcast3A_1011 = vector.bitcast %get3A_1010 : vector<16xi32> to vector<32xbf16>
          %get3A_1012 = arith.index_cast %add3A_986 : i32 to index
          %get3A_1013 = arith.constant 16 : index
          %get3A_1014 = tpu.vector_load %arg15[%get3A_1012, %get3A_1013] {strides = array<i32>} : memref<80x64xi32, #tpu.memory_space<vmem>>, vector<16xi32>,
          %bitcast3A_1015 = vector.bitcast %get3A_1014 : vector<16xi32> to vector<32xbf16>
          %get3A_1016 = arith.index_cast %add3A_986 : i32 to index
          %get3A_1017 = arith.constant 16 : index
          %get3A_1018 = tpu.vector_load %arg16[%get3A_1016, %get3A_1017] {strides = array<i32>} : memref<80x64xi32, #tpu.memory_space<vmem>>, vector<16xi32>,
          %bitcast3A_1019 = vector.bitcast %get3A_1018 : vector<16xi32> to vector<32xbf16>
          %mul3A_1020 = arith.mulf %bitcast3A_1011, %bitcast3A_1015 : vector<32xbf16>
          %mul3A_1021 = arith.mulf %mul3A_1020, %bitcast3A_1019 : vector<32xbf16>
          %bitcast3A_1022 = vector.bitcast %mul3A_1021 : vector<32xbf16> to vector<16xi32>
          %and3A_1023 = arith.andi %bitcast3A_1022, %broadcast_in_dim3A_5 : vector<16xi32>
          %bitcast_convert_type3A_1024 = tpu.bitcast %and3A_1023 : vector<16xi32> -> vector<16xf32>
          %shift_left3A_1025 = arith.constant 16 : i32
          %shift_left3A_1026 = vector.broadcast %shift_left3A_1025 : i32 to vector<16xi32>
          %shift_left3A_1027 = arith.shli %bitcast3A_1022, %shift_left3A_1026 : vector<16xi32>
          %bitcast_convert_type3A_1028 = tpu.bitcast %shift_left3A_1027 : vector<16xi32> -> vector<16xf32>
          %add3A_1029 = arith.addf %bitcast_convert_type3A_1007, %bitcast_convert_type3A_1028 : vector<16xf32>
          %add3A_1030 = arith.addf %bitcast_convert_type3A_1003, %bitcast_convert_type3A_1024 : vector<16xf32>
          %get3A_1031 = arith.index_cast %add3A_986 : i32 to index
          %get3A_1032 = arith.constant 32 : index
          %get3A_1033 = tpu.vector_load %arg14[%get3A_1031, %get3A_1032] {strides = array<i32>} : memref<80x64xi32, #tpu.memory_space<vmem>>, vector<16xi32>,
          %bitcast3A_1034 = vector.bitcast %get3A_1033 : vector<16xi32> to vector<32xbf16>
          %get3A_1035 = arith.index_cast %add3A_986 : i32 to index
          %get3A_1036 = arith.constant 32 : index
          %get3A_1037 = tpu.vector_load %arg15[%get3A_1035, %get3A_1036] {strides = array<i32>} : memref<80x64xi32, #tpu.memory_space<vmem>>, vector<16xi32>,
          %bitcast3A_1038 = vector.bitcast %get3A_1037 : vector<16xi32> to vector<32xbf16>
          %get3A_1039 = arith.index_cast %add3A_986 : i32 to index
          %get3A_1040 = arith.constant 32 : index
          %get3A_1041 = tpu.vector_load %arg16[%get3A_1039, %get3A_1040] {strides = array<i32>} : memref<80x64xi32, #tpu.memory_space<vmem>>, vector<16xi32>,
          %bitcast3A_1042 = vector.bitcast %get3A_1041 : vector<16xi32> to vector<32xbf16>
          %mul3A_1043 = arith.mulf %bitcast3A_1034, %bitcast3A_1038 : vector<32xbf16>
          %mul3A_1044 = arith.mulf %mul3A_1043, %bitcast3A_1042 : vector<32xbf16>
          %bitcast3A_1045 = vector.bitcast %mul3A_1044 : vector<32xbf16> to vector<16xi32>
          %and3A_1046 = arith.andi %bitcast3A_1045, %broadcast_in_dim3A_5 : vector<16xi32>
          %bitcast_convert_type3A_1047 = tpu.bitcast %and3A_1046 : vector<16xi32> -> vector<16xf32>
          %shift_left3A_1048 = arith.constant 16 : i32
          %shift_left3A_1049 = vector.broadcast %shift_left3A_1048 : i32 to vector<16xi32>
          %shift_left3A_1050 = arith.shli %bitcast3A_1045, %shift_left3A_1049 : vector<16xi32>
          %bitcast_convert_type3A_1051 = tpu.bitcast %shift_left3A_1050 : vector<16xi32> -> vector<16xf32>
          %add3A_1052 = arith.addf %add3A_1029, %bitcast_convert_type3A_1051 : vector<16xf32>
          %add3A_1053 = arith.addf %add3A_1030, %bitcast_convert_type3A_1047 : vector<16xf32>
          %get3A_1054 = arith.index_cast %add3A_986 : i32 to index
          %get3A_1055 = arith.constant 48 : index
          %get3A_1056 = tpu.vector_load %arg14[%get3A_1054, %get3A_1055] {strides = array<i32>} : memref<80x64xi32, #tpu.memory_space<vmem>>, vector<16xi32>,
          %bitcast3A_1057 = vector.bitcast %get3A_1056 : vector<16xi32> to vector<32xbf16>
          %get3A_1058 = arith.index_cast %add3A_986 : i32 to index
          %get3A_1059 = arith.constant 48 : index
          %get3A_1060 = tpu.vector_load %arg15[%get3A_1058, %get3A_1059] {strides = array<i32>} : memref<80x64xi32, #tpu.memory_space<vmem>>, vector<16xi32>,
          %bitcast3A_1061 = vector.bitcast %get3A_1060 : vector<16xi32> to vector<32xbf16>
          %get3A_1062 = arith.index_cast %add3A_986 : i32 to index
          %get3A_1063 = arith.constant 48 : index
          %get3A_1064 = tpu.vector_load %arg16[%get3A_1062, %get3A_1063] {strides = array<i32>} : memref<80x64xi32, #tpu.memory_space<vmem>>, vector<16xi32>,
          %bitcast3A_1065 = vector.bitcast %get3A_1064 : vector<16xi32> to vector<32xbf16>
          %mul3A_1066 = arith.mulf %bitcast3A_1057, %bitcast3A_1061 : vector<32xbf16>
          %mul3A_1067 = arith.mulf %mul3A_1066, %bitcast3A_1065 : vector<32xbf16>
          %bitcast3A_1068 = vector.bitcast %mul3A_1067 : vector<32xbf16> to vector<16xi32>
          %and3A_1069 = arith.andi %bitcast3A_1068, %broadcast_in_dim3A_5 : vector<16xi32>
          %bitcast_convert_type3A_1070 = tpu.bitcast %and3A_1069 : vector<16xi32> -> vector<16xf32>
          %shift_left3A_1071 = arith.constant 16 : i32
          %shift_left3A_1072 = vector.broadcast %shift_left3A_1071 : i32 to vector<16xi32>
          %shift_left3A_1073 = arith.shli %bitcast3A_1068, %shift_left3A_1072 : vector<16xi32>
          %bitcast_convert_type3A_1074 = tpu.bitcast %shift_left3A_1073 : vector<16xi32> -> vector<16xf32>
          %add3A_1075 = arith.addf %add3A_1052, %bitcast_convert_type3A_1074 : vector<16xf32>
          %add3A_1076 = arith.addf %add3A_1053, %bitcast_convert_type3A_1070 : vector<16xf32>
          %add3A_1077 = arith.addf %add3A_1075, %add3A_1076 : vector<16xf32>
          %mul3A_1078 = arith.constant 80 : i32
          %mul3A_1079 = arith.muli %add3A_28, %mul3A_1078 : i32
          %add3A_1080 = arith.addi %mul3A_1079, %add3A_986 : i32
          %broadcast_in_dim3A_1081 = arith.constant true
          %broadcast_in_dim3A_1082 = vector.broadcast %broadcast_in_dim3A_1081 : i1 to vector<16xi1>
          %masked_cumsum3A_1083 = tpu.scan <sum>, %add3A_1077 masked %broadcast_in_dim3A_1082 : vector<16xf32>, vector<16xi1> -> vector<16xf32>
          %swap3A_1084 = arith.index_cast %add3A_1080 : i32 to index
          %swap3A_1085 = tpu.vector_load %arg17[%swap3A_1084] masked %eq3A_4 {strides = array<i32>} : memref<10016xf32, #tpu.memory_space<vmem>>, vector<16xf32>, vector<16xi1>
          tpu.vector_store %arg17[%swap3A_1084], %masked_cumsum3A_1083 masked %eq3A_4 {strides = array<i32>} : memref<10016xf32, #tpu.memory_space<vmem>>, vector<16xf32>, vector<16xi1>
          %add3A_1086 = arith.constant 10 : i32
          %add3A_1087 = arith.addi %mul3A_82, %add3A_1086 : i32
          %get3A_1088 = arith.index_cast %add3A_1087 : i32 to index
          %get3A_1089 = arith.constant 0 : index
          %get3A_1090 = tpu.vector_load %arg14[%get3A_1088, %get3A_1089] {strides = array<i32>} : memref<80x64xi32, #tpu.memory_space<vmem>>, vector<16xi32>,
          %bitcast3A_1091 = vector.bitcast %get3A_1090 : vector<16xi32> to vector<32xbf16>
          %get3A_1092 = arith.index_cast %add3A_1087 : i32 to index
          %get3A_1093 = arith.constant 0 : index
          %get3A_1094 = tpu.vector_load %arg15[%get3A_1092, %get3A_1093] {strides = array<i32>} : memref<80x64xi32, #tpu.memory_space<vmem>>, vector<16xi32>,
          %bitcast3A_1095 = vector.bitcast %get3A_1094 : vector<16xi32> to vector<32xbf16>
          %get3A_1096 = arith.index_cast %add3A_1087 : i32 to index
          %get3A_1097 = arith.constant 0 : index
          %get3A_1098 = tpu.vector_load %arg16[%get3A_1096, %get3A_1097] {strides = array<i32>} : memref<80x64xi32, #tpu.memory_space<vmem>>, vector<16xi32>,
          %bitcast3A_1099 = vector.bitcast %get3A_1098 : vector<16xi32> to vector<32xbf16>
          %mul3A_1100 = arith.mulf %bitcast3A_1091, %bitcast3A_1095 : vector<32xbf16>
          %mul3A_1101 = arith.mulf %mul3A_1100, %bitcast3A_1099 : vector<32xbf16>
          %bitcast3A_1102 = vector.bitcast %mul3A_1101 : vector<32xbf16> to vector<16xi32>
          %and3A_1103 = arith.andi %bitcast3A_1102, %broadcast_in_dim3A_5 : vector<16xi32>
          %bitcast_convert_type3A_1104 = tpu.bitcast %and3A_1103 : vector<16xi32> -> vector<16xf32>
          %shift_left3A_1105 = arith.constant 16 : i32
          %shift_left3A_1106 = vector.broadcast %shift_left3A_1105 : i32 to vector<16xi32>
          %shift_left3A_1107 = arith.shli %bitcast3A_1102, %shift_left3A_1106 : vector<16xi32>
          %bitcast_convert_type3A_1108 = tpu.bitcast %shift_left3A_1107 : vector<16xi32> -> vector<16xf32>
          %get3A_1109 = arith.index_cast %add3A_1087 : i32 to index
          %get3A_1110 = arith.constant 16 : index
          %get3A_1111 = tpu.vector_load %arg14[%get3A_1109, %get3A_1110] {strides = array<i32>} : memref<80x64xi32, #tpu.memory_space<vmem>>, vector<16xi32>,
          %bitcast3A_1112 = vector.bitcast %get3A_1111 : vector<16xi32> to vector<32xbf16>
          %get3A_1113 = arith.index_cast %add3A_1087 : i32 to index
          %get3A_1114 = arith.constant 16 : index
          %get3A_1115 = tpu.vector_load %arg15[%get3A_1113, %get3A_1114] {strides = array<i32>} : memref<80x64xi32, #tpu.memory_space<vmem>>, vector<16xi32>,
          %bitcast3A_1116 = vector.bitcast %get3A_1115 : vector<16xi32> to vector<32xbf16>
          %get3A_1117 = arith.index_cast %add3A_1087 : i32 to index
          %get3A_1118 = arith.constant 16 : index
          %get3A_1119 = tpu.vector_load %arg16[%get3A_1117, %get3A_1118] {strides = array<i32>} : memref<80x64xi32, #tpu.memory_space<vmem>>, vector<16xi32>,
          %bitcast3A_1120 = vector.bitcast %get3A_1119 : vector<16xi32> to vector<32xbf16>
          %mul3A_1121 = arith.mulf %bitcast3A_1112, %bitcast3A_1116 : vector<32xbf16>
          %mul3A_1122 = arith.mulf %mul3A_1121, %bitcast3A_1120 : vector<32xbf16>
          %bitcast3A_1123 = vector.bitcast %mul3A_1122 : vector<32xbf16> to vector<16xi32>
          %and3A_1124 = arith.andi %bitcast3A_1123, %broadcast_in_dim3A_5 : vector<16xi32>
          %bitcast_convert_type3A_1125 = tpu.bitcast %and3A_1124 : vector<16xi32> -> vector<16xf32>
          %shift_left3A_1126 = arith.constant 16 : i32
          %shift_left3A_1127 = vector.broadcast %shift_left3A_1126 : i32 to vector<16xi32>
          %shift_left3A_1128 = arith.shli %bitcast3A_1123, %shift_left3A_1127 : vector<16xi32>
          %bitcast_convert_type3A_1129 = tpu.bitcast %shift_left3A_1128 : vector<16xi32> -> vector<16xf32>
          %add3A_1130 = arith.addf %bitcast_convert_type3A_1108, %bitcast_convert_type3A_1129 : vector<16xf32>
          %add3A_1131 = arith.addf %bitcast_convert_type3A_1104, %bitcast_convert_type3A_1125 : vector<16xf32>
          %get3A_1132 = arith.index_cast %add3A_1087 : i32 to index
          %get3A_1133 = arith.constant 32 : index
          %get3A_1134 = tpu.vector_load %arg14[%get3A_1132, %get3A_1133] {strides = array<i32>} : memref<80x64xi32, #tpu.memory_space<vmem>>, vector<16xi32>,
          %bitcast3A_1135 = vector.bitcast %get3A_1134 : vector<16xi32> to vector<32xbf16>
          %get3A_1136 = arith.index_cast %add3A_1087 : i32 to index
          %get3A_1137 = arith.constant 32 : index
          %get3A_1138 = tpu.vector_load %arg15[%get3A_1136, %get3A_1137] {strides = array<i32>} : memref<80x64xi32, #tpu.memory_space<vmem>>, vector<16xi32>,
          %bitcast3A_1139 = vector.bitcast %get3A_1138 : vector<16xi32> to vector<32xbf16>
          %get3A_1140 = arith.index_cast %add3A_1087 : i32 to index
          %get3A_1141 = arith.constant 32 : index
          %get3A_1142 = tpu.vector_load %arg16[%get3A_1140, %get3A_1141] {strides = array<i32>} : memref<80x64xi32, #tpu.memory_space<vmem>>, vector<16xi32>,
          %bitcast3A_1143 = vector.bitcast %get3A_1142 : vector<16xi32> to vector<32xbf16>
          %mul3A_1144 = arith.mulf %bitcast3A_1135, %bitcast3A_1139 : vector<32xbf16>
          %mul3A_1145 = arith.mulf %mul3A_1144, %bitcast3A_1143 : vector<32xbf16>
          %bitcast3A_1146 = vector.bitcast %mul3A_1145 : vector<32xbf16> to vector<16xi32>
          %and3A_1147 = arith.andi %bitcast3A_1146, %broadcast_in_dim3A_5 : vector<16xi32>
          %bitcast_convert_type3A_1148 = tpu.bitcast %and3A_1147 : vector<16xi32> -> vector<16xf32>
          %shift_left3A_1149 = arith.constant 16 : i32
          %shift_left3A_1150 = vector.broadcast %shift_left3A_1149 : i32 to vector<16xi32>
          %shift_left3A_1151 = arith.shli %bitcast3A_1146, %shift_left3A_1150 : vector<16xi32>
          %bitcast_convert_type3A_1152 = tpu.bitcast %shift_left3A_1151 : vector<16xi32> -> vector<16xf32>
          %add3A_1153 = arith.addf %add3A_1130, %bitcast_convert_type3A_1152 : vector<16xf32>
          %add3A_1154 = arith.addf %add3A_1131, %bitcast_convert_type3A_1148 : vector<16xf32>
          %get3A_1155 = arith.index_cast %add3A_1087 : i32 to index
          %get3A_1156 = arith.constant 48 : index
          %get3A_1157 = tpu.vector_load %arg14[%get3A_1155, %get3A_1156] {strides = array<i32>} : memref<80x64xi32, #tpu.memory_space<vmem>>, vector<16xi32>,
          %bitcast3A_1158 = vector.bitcast %get3A_1157 : vector<16xi32> to vector<32xbf16>
          %get3A_1159 = arith.index_cast %add3A_1087 : i32 to index
          %get3A_1160 = arith.constant 48 : index
          %get3A_1161 = tpu.vector_load %arg15[%get3A_1159, %get3A_1160] {strides = array<i32>} : memref<80x64xi32, #tpu.memory_space<vmem>>, vector<16xi32>,
          %bitcast3A_1162 = vector.bitcast %get3A_1161 : vector<16xi32> to vector<32xbf16>
          %get3A_1163 = arith.index_cast %add3A_1087 : i32 to index
          %get3A_1164 = arith.constant 48 : index
          %get3A_1165 = tpu.vector_load %arg16[%get3A_1163, %get3A_1164] {strides = array<i32>} : memref<80x64xi32, #tpu.memory_space<vmem>>, vector<16xi32>,
          %bitcast3A_1166 = vector.bitcast %get3A_1165 : vector<16xi32> to vector<32xbf16>
          %mul3A_1167 = arith.mulf %bitcast3A_1158, %bitcast3A_1162 : vector<32xbf16>
          %mul3A_1168 = arith.mulf %mul3A_1167, %bitcast3A_1166 : vector<32xbf16>
          %bitcast3A_1169 = vector.bitcast %mul3A_1168 : vector<32xbf16> to vector<16xi32>
          %and3A_1170 = arith.andi %bitcast3A_1169, %broadcast_in_dim3A_5 : vector<16xi32>
          %bitcast_convert_type3A_1171 = tpu.bitcast %and3A_1170 : vector<16xi32> -> vector<16xf32>
          %shift_left3A_1172 = arith.constant 16 : i32
          %shift_left3A_1173 = vector.broadcast %shift_left3A_1172 : i32 to vector<16xi32>
          %shift_left3A_1174 = arith.shli %bitcast3A_1169, %shift_left3A_1173 : vector<16xi32>
          %bitcast_convert_type3A_1175 = tpu.bitcast %shift_left3A_1174 : vector<16xi32> -> vector<16xf32>
          %add3A_1176 = arith.addf %add3A_1153, %bitcast_convert_type3A_1175 : vector<16xf32>
          %add3A_1177 = arith.addf %add3A_1154, %bitcast_convert_type3A_1171 : vector<16xf32>
          %add3A_1178 = arith.addf %add3A_1176, %add3A_1177 : vector<16xf32>
          %mul3A_1179 = arith.constant 80 : i32
          %mul3A_1180 = arith.muli %add3A_28, %mul3A_1179 : i32
          %add3A_1181 = arith.addi %mul3A_1180, %add3A_1087 : i32
          %broadcast_in_dim3A_1182 = arith.constant true
          %broadcast_in_dim3A_1183 = vector.broadcast %broadcast_in_dim3A_1182 : i1 to vector<16xi1>
          %masked_cumsum3A_1184 = tpu.scan <sum>, %add3A_1178 masked %broadcast_in_dim3A_1183 : vector<16xf32>, vector<16xi1> -> vector<16xf32>
          %swap3A_1185 = arith.index_cast %add3A_1181 : i32 to index
          %swap3A_1186 = tpu.vector_load %arg17[%swap3A_1185] masked %eq3A_4 {strides = array<i32>} : memref<10016xf32, #tpu.memory_space<vmem>>, vector<16xf32>, vector<16xi1>
          tpu.vector_store %arg17[%swap3A_1185], %masked_cumsum3A_1184 masked %eq3A_4 {strides = array<i32>} : memref<10016xf32, #tpu.memory_space<vmem>>, vector<16xf32>, vector<16xi1>
          %add3A_1187 = arith.constant 11 : i32
          %add3A_1188 = arith.addi %mul3A_82, %add3A_1187 : i32
          %get3A_1189 = arith.index_cast %add3A_1188 : i32 to index
          %get3A_1190 = arith.constant 0 : index
          %get3A_1191 = tpu.vector_load %arg14[%get3A_1189, %get3A_1190] {strides = array<i32>} : memref<80x64xi32, #tpu.memory_space<vmem>>, vector<16xi32>,
          %bitcast3A_1192 = vector.bitcast %get3A_1191 : vector<16xi32> to vector<32xbf16>
          %get3A_1193 = arith.index_cast %add3A_1188 : i32 to index
          %get3A_1194 = arith.constant 0 : index
          %get3A_1195 = tpu.vector_load %arg15[%get3A_1193, %get3A_1194] {strides = array<i32>} : memref<80x64xi32, #tpu.memory_space<vmem>>, vector<16xi32>,
          %bitcast3A_1196 = vector.bitcast %get3A_1195 : vector<16xi32> to vector<32xbf16>
          %get3A_1197 = arith.index_cast %add3A_1188 : i32 to index
          %get3A_1198 = arith.constant 0 : index
          %get3A_1199 = tpu.vector_load %arg16[%get3A_1197, %get3A_1198] {strides = array<i32>} : memref<80x64xi32, #tpu.memory_space<vmem>>, vector<16xi32>,
          %bitcast3A_1200 = vector.bitcast %get3A_1199 : vector<16xi32> to vector<32xbf16>
          %mul3A_1201 = arith.mulf %bitcast3A_1192, %bitcast3A_1196 : vector<32xbf16>
          %mul3A_1202 = arith.mulf %mul3A_1201, %bitcast3A_1200 : vector<32xbf16>
          %bitcast3A_1203 = vector.bitcast %mul3A_1202 : vector<32xbf16> to vector<16xi32>
          %and3A_1204 = arith.andi %bitcast3A_1203, %broadcast_in_dim3A_5 : vector<16xi32>
          %bitcast_convert_type3A_1205 = tpu.bitcast %and3A_1204 : vector<16xi32> -> vector<16xf32>
          %shift_left3A_1206 = arith.constant 16 : i32
          %shift_left3A_1207 = vector.broadcast %shift_left3A_1206 : i32 to vector<16xi32>
          %shift_left3A_1208 = arith.shli %bitcast3A_1203, %shift_left3A_1207 : vector<16xi32>
          %bitcast_convert_type3A_1209 = tpu.bitcast %shift_left3A_1208 : vector<16xi32> -> vector<16xf32>
          %get3A_1210 = arith.index_cast %add3A_1188 : i32 to index
          %get3A_1211 = arith.constant 16 : index
          %get3A_1212 = tpu.vector_load %arg14[%get3A_1210, %get3A_1211] {strides = array<i32>} : memref<80x64xi32, #tpu.memory_space<vmem>>, vector<16xi32>,
          %bitcast3A_1213 = vector.bitcast %get3A_1212 : vector<16xi32> to vector<32xbf16>
          %get3A_1214 = arith.index_cast %add3A_1188 : i32 to index
          %get3A_1215 = arith.constant 16 : index
          %get3A_1216 = tpu.vector_load %arg15[%get3A_1214, %get3A_1215] {strides = array<i32>} : memref<80x64xi32, #tpu.memory_space<vmem>>, vector<16xi32>,
          %bitcast3A_1217 = vector.bitcast %get3A_1216 : vector<16xi32> to vector<32xbf16>
          %get3A_1218 = arith.index_cast %add3A_1188 : i32 to index
          %get3A_1219 = arith.constant 16 : index
          %get3A_1220 = tpu.vector_load %arg16[%get3A_1218, %get3A_1219] {strides = array<i32>} : memref<80x64xi32, #tpu.memory_space<vmem>>, vector<16xi32>,
          %bitcast3A_1221 = vector.bitcast %get3A_1220 : vector<16xi32> to vector<32xbf16>
          %mul3A_1222 = arith.mulf %bitcast3A_1213, %bitcast3A_1217 : vector<32xbf16>
          %mul3A_1223 = arith.mulf %mul3A_1222, %bitcast3A_1221 : vector<32xbf16>
          %bitcast3A_1224 = vector.bitcast %mul3A_1223 : vector<32xbf16> to vector<16xi32>
          %and3A_1225 = arith.andi %bitcast3A_1224, %broadcast_in_dim3A_5 : vector<16xi32>
          %bitcast_convert_type3A_1226 = tpu.bitcast %and3A_1225 : vector<16xi32> -> vector<16xf32>
          %shift_left3A_1227 = arith.constant 16 : i32
          %shift_left3A_1228 = vector.broadcast %shift_left3A_1227 : i32 to vector<16xi32>
          %shift_left3A_1229 = arith.shli %bitcast3A_1224, %shift_left3A_1228 : vector<16xi32>
          %bitcast_convert_type3A_1230 = tpu.bitcast %shift_left3A_1229 : vector<16xi32> -> vector<16xf32>
          %add3A_1231 = arith.addf %bitcast_convert_type3A_1209, %bitcast_convert_type3A_1230 : vector<16xf32>
          %add3A_1232 = arith.addf %bitcast_convert_type3A_1205, %bitcast_convert_type3A_1226 : vector<16xf32>
          %get3A_1233 = arith.index_cast %add3A_1188 : i32 to index
          %get3A_1234 = arith.constant 32 : index
          %get3A_1235 = tpu.vector_load %arg14[%get3A_1233, %get3A_1234] {strides = array<i32>} : memref<80x64xi32, #tpu.memory_space<vmem>>, vector<16xi32>,
          %bitcast3A_1236 = vector.bitcast %get3A_1235 : vector<16xi32> to vector<32xbf16>
          %get3A_1237 = arith.index_cast %add3A_1188 : i32 to index
          %get3A_1238 = arith.constant 32 : index
          %get3A_1239 = tpu.vector_load %arg15[%get3A_1237, %get3A_1238] {strides = array<i32>} : memref<80x64xi32, #tpu.memory_space<vmem>>, vector<16xi32>,
          %bitcast3A_1240 = vector.bitcast %get3A_1239 : vector<16xi32> to vector<32xbf16>
          %get3A_1241 = arith.index_cast %add3A_1188 : i32 to index
          %get3A_1242 = arith.constant 32 : index
          %get3A_1243 = tpu.vector_load %arg16[%get3A_1241, %get3A_1242] {strides = array<i32>} : memref<80x64xi32, #tpu.memory_space<vmem>>, vector<16xi32>,
          %bitcast3A_1244 = vector.bitcast %get3A_1243 : vector<16xi32> to vector<32xbf16>
          %mul3A_1245 = arith.mulf %bitcast3A_1236, %bitcast3A_1240 : vector<32xbf16>
          %mul3A_1246 = arith.mulf %mul3A_1245, %bitcast3A_1244 : vector<32xbf16>
          %bitcast3A_1247 = vector.bitcast %mul3A_1246 : vector<32xbf16> to vector<16xi32>
          %and3A_1248 = arith.andi %bitcast3A_1247, %broadcast_in_dim3A_5 : vector<16xi32>
          %bitcast_convert_type3A_1249 = tpu.bitcast %and3A_1248 : vector<16xi32> -> vector<16xf32>
          %shift_left3A_1250 = arith.constant 16 : i32
          %shift_left3A_1251 = vector.broadcast %shift_left3A_1250 : i32 to vector<16xi32>
          %shift_left3A_1252 = arith.shli %bitcast3A_1247, %shift_left3A_1251 : vector<16xi32>
          %bitcast_convert_type3A_1253 = tpu.bitcast %shift_left3A_1252 : vector<16xi32> -> vector<16xf32>
          %add3A_1254 = arith.addf %add3A_1231, %bitcast_convert_type3A_1253 : vector<16xf32>
          %add3A_1255 = arith.addf %add3A_1232, %bitcast_convert_type3A_1249 : vector<16xf32>
          %get3A_1256 = arith.index_cast %add3A_1188 : i32 to index
          %get3A_1257 = arith.constant 48 : index
          %get3A_1258 = tpu.vector_load %arg14[%get3A_1256, %get3A_1257] {strides = array<i32>} : memref<80x64xi32, #tpu.memory_space<vmem>>, vector<16xi32>,
          %bitcast3A_1259 = vector.bitcast %get3A_1258 : vector<16xi32> to vector<32xbf16>
          %get3A_1260 = arith.index_cast %add3A_1188 : i32 to index
          %get3A_1261 = arith.constant 48 : index
          %get3A_1262 = tpu.vector_load %arg15[%get3A_1260, %get3A_1261] {strides = array<i32>} : memref<80x64xi32, #tpu.memory_space<vmem>>, vector<16xi32>,
          %bitcast3A_1263 = vector.bitcast %get3A_1262 : vector<16xi32> to vector<32xbf16>
          %get3A_1264 = arith.index_cast %add3A_1188 : i32 to index
          %get3A_1265 = arith.constant 48 : index
          %get3A_1266 = tpu.vector_load %arg16[%get3A_1264, %get3A_1265] {strides = array<i32>} : memref<80x64xi32, #tpu.memory_space<vmem>>, vector<16xi32>,
          %bitcast3A_1267 = vector.bitcast %get3A_1266 : vector<16xi32> to vector<32xbf16>
          %mul3A_1268 = arith.mulf %bitcast3A_1259, %bitcast3A_1263 : vector<32xbf16>
          %mul3A_1269 = arith.mulf %mul3A_1268, %bitcast3A_1267 : vector<32xbf16>
          %bitcast3A_1270 = vector.bitcast %mul3A_1269 : vector<32xbf16> to vector<16xi32>
          %and3A_1271 = arith.andi %bitcast3A_1270, %broadcast_in_dim3A_5 : vector<16xi32>
          %bitcast_convert_type3A_1272 = tpu.bitcast %and3A_1271 : vector<16xi32> -> vector<16xf32>
          %shift_left3A_1273 = arith.constant 16 : i32
          %shift_left3A_1274 = vector.broadcast %shift_left3A_1273 : i32 to vector<16xi32>
          %shift_left3A_1275 = arith.shli %bitcast3A_1270, %shift_left3A_1274 : vector<16xi32>
          %bitcast_convert_type3A_1276 = tpu.bitcast %shift_left3A_1275 : vector<16xi32> -> vector<16xf32>
          %add3A_1277 = arith.addf %add3A_1254, %bitcast_convert_type3A_1276 : vector<16xf32>
          %add3A_1278 = arith.addf %add3A_1255, %bitcast_convert_type3A_1272 : vector<16xf32>
          %add3A_1279 = arith.addf %add3A_1277, %add3A_1278 : vector<16xf32>
          %mul3A_1280 = arith.constant 80 : i32
          %mul3A_1281 = arith.muli %add3A_28, %mul3A_1280 : i32
          %add3A_1282 = arith.addi %mul3A_1281, %add3A_1188 : i32
          %broadcast_in_dim3A_1283 = arith.constant true
          %broadcast_in_dim3A_1284 = vector.broadcast %broadcast_in_dim3A_1283 : i1 to vector<16xi1>
          %masked_cumsum3A_1285 = tpu.scan <sum>, %add3A_1279 masked %broadcast_in_dim3A_1284 : vector<16xf32>, vector<16xi1> -> vector<16xf32>
          %swap3A_1286 = arith.index_cast %add3A_1282 : i32 to index
          %swap3A_1287 = tpu.vector_load %arg17[%swap3A_1286] masked %eq3A_4 {strides = array<i32>} : memref<10016xf32, #tpu.memory_space<vmem>>, vector<16xf32>, vector<16xi1>
          tpu.vector_store %arg17[%swap3A_1286], %masked_cumsum3A_1285 masked %eq3A_4 {strides = array<i32>} : memref<10016xf32, #tpu.memory_space<vmem>>, vector<16xf32>, vector<16xi1>
          %add3A_1288 = arith.constant 12 : i32
          %add3A_1289 = arith.addi %mul3A_82, %add3A_1288 : i32
          %get3A_1290 = arith.index_cast %add3A_1289 : i32 to index
          %get3A_1291 = arith.constant 0 : index
          %get3A_1292 = tpu.vector_load %arg14[%get3A_1290, %get3A_1291] {strides = array<i32>} : memref<80x64xi32, #tpu.memory_space<vmem>>, vector<16xi32>,
          %bitcast3A_1293 = vector.bitcast %get3A_1292 : vector<16xi32> to vector<32xbf16>
          %get3A_1294 = arith.index_cast %add3A_1289 : i32 to index
          %get3A_1295 = arith.constant 0 : index
          %get3A_1296 = tpu.vector_load %arg15[%get3A_1294, %get3A_1295] {strides = array<i32>} : memref<80x64xi32, #tpu.memory_space<vmem>>, vector<16xi32>,
          %bitcast3A_1297 = vector.bitcast %get3A_1296 : vector<16xi32> to vector<32xbf16>
          %get3A_1298 = arith.index_cast %add3A_1289 : i32 to index
          %get3A_1299 = arith.constant 0 : index
          %get3A_1300 = tpu.vector_load %arg16[%get3A_1298, %get3A_1299] {strides = array<i32>} : memref<80x64xi32, #tpu.memory_space<vmem>>, vector<16xi32>,
          %bitcast3A_1301 = vector.bitcast %get3A_1300 : vector<16xi32> to vector<32xbf16>
          %mul3A_1302 = arith.mulf %bitcast3A_1293, %bitcast3A_1297 : vector<32xbf16>
          %mul3A_1303 = arith.mulf %mul3A_1302, %bitcast3A_1301 : vector<32xbf16>
          %bitcast3A_1304 = vector.bitcast %mul3A_1303 : vector<32xbf16> to vector<16xi32>
          %and3A_1305 = arith.andi %bitcast3A_1304, %broadcast_in_dim3A_5 : vector<16xi32>
          %bitcast_convert_type3A_1306 = tpu.bitcast %and3A_1305 : vector<16xi32> -> vector<16xf32>
          %shift_left3A_1307 = arith.constant 16 : i32
          %shift_left3A_1308 = vector.broadcast %shift_left3A_1307 : i32 to vector<16xi32>
          %shift_left3A_1309 = arith.shli %bitcast3A_1304, %shift_left3A_1308 : vector<16xi32>
          %bitcast_convert_type3A_1310 = tpu.bitcast %shift_left3A_1309 : vector<16xi32> -> vector<16xf32>
          %get3A_1311 = arith.index_cast %add3A_1289 : i32 to index
          %get3A_1312 = arith.constant 16 : index
          %get3A_1313 = tpu.vector_load %arg14[%get3A_1311, %get3A_1312] {strides = array<i32>} : memref<80x64xi32, #tpu.memory_space<vmem>>, vector<16xi32>,
          %bitcast3A_1314 = vector.bitcast %get3A_1313 : vector<16xi32> to vector<32xbf16>
          %get3A_1315 = arith.index_cast %add3A_1289 : i32 to index
          %get3A_1316 = arith.constant 16 : index
          %get3A_1317 = tpu.vector_load %arg15[%get3A_1315, %get3A_1316] {strides = array<i32>} : memref<80x64xi32, #tpu.memory_space<vmem>>, vector<16xi32>,
          %bitcast3A_1318 = vector.bitcast %get3A_1317 : vector<16xi32> to vector<32xbf16>
          %get3A_1319 = arith.index_cast %add3A_1289 : i32 to index
          %get3A_1320 = arith.constant 16 : index
          %get3A_1321 = tpu.vector_load %arg16[%get3A_1319, %get3A_1320] {strides = array<i32>} : memref<80x64xi32, #tpu.memory_space<vmem>>, vector<16xi32>,
          %bitcast3A_1322 = vector.bitcast %get3A_1321 : vector<16xi32> to vector<32xbf16>
          %mul3A_1323 = arith.mulf %bitcast3A_1314, %bitcast3A_1318 : vector<32xbf16>
          %mul3A_1324 = arith.mulf %mul3A_1323, %bitcast3A_1322 : vector<32xbf16>
          %bitcast3A_1325 = vector.bitcast %mul3A_1324 : vector<32xbf16> to vector<16xi32>
          %and3A_1326 = arith.andi %bitcast3A_1325, %broadcast_in_dim3A_5 : vector<16xi32>
          %bitcast_convert_type3A_1327 = tpu.bitcast %and3A_1326 : vector<16xi32> -> vector<16xf32>
          %shift_left3A_1328 = arith.constant 16 : i32
          %shift_left3A_1329 = vector.broadcast %shift_left3A_1328 : i32 to vector<16xi32>
          %shift_left3A_1330 = arith.shli %bitcast3A_1325, %shift_left3A_1329 : vector<16xi32>
          %bitcast_convert_type3A_1331 = tpu.bitcast %shift_left3A_1330 : vector<16xi32> -> vector<16xf32>
          %add3A_1332 = arith.addf %bitcast_convert_type3A_1310, %bitcast_convert_type3A_1331 : vector<16xf32>
          %add3A_1333 = arith.addf %bitcast_convert_type3A_1306, %bitcast_convert_type3A_1327 : vector<16xf32>
          %get3A_1334 = arith.index_cast %add3A_1289 : i32 to index
          %get3A_1335 = arith.constant 32 : index
          %get3A_1336 = tpu.vector_load %arg14[%get3A_1334, %get3A_1335] {strides = array<i32>} : memref<80x64xi32, #tpu.memory_space<vmem>>, vector<16xi32>,
          %bitcast3A_1337 = vector.bitcast %get3A_1336 : vector<16xi32> to vector<32xbf16>
          %get3A_1338 = arith.index_cast %add3A_1289 : i32 to index
          %get3A_1339 = arith.constant 32 : index
          %get3A_1340 = tpu.vector_load %arg15[%get3A_1338, %get3A_1339] {strides = array<i32>} : memref<80x64xi32, #tpu.memory_space<vmem>>, vector<16xi32>,
          %bitcast3A_1341 = vector.bitcast %get3A_1340 : vector<16xi32> to vector<32xbf16>
          %get3A_1342 = arith.index_cast %add3A_1289 : i32 to index
          %get3A_1343 = arith.constant 32 : index
          %get3A_1344 = tpu.vector_load %arg16[%get3A_1342, %get3A_1343] {strides = array<i32>} : memref<80x64xi32, #tpu.memory_space<vmem>>, vector<16xi32>,
          %bitcast3A_1345 = vector.bitcast %get3A_1344 : vector<16xi32> to vector<32xbf16>
          %mul3A_1346 = arith.mulf %bitcast3A_1337, %bitcast3A_1341 : vector<32xbf16>
          %mul3A_1347 = arith.mulf %mul3A_1346, %bitcast3A_1345 : vector<32xbf16>
          %bitcast3A_1348 = vector.bitcast %mul3A_1347 : vector<32xbf16> to vector<16xi32>
          %and3A_1349 = arith.andi %bitcast3A_1348, %broadcast_in_dim3A_5 : vector<16xi32>
          %bitcast_convert_type3A_1350 = tpu.bitcast %and3A_1349 : vector<16xi32> -> vector<16xf32>
          %shift_left3A_1351 = arith.constant 16 : i32
          %shift_left3A_1352 = vector.broadcast %shift_left3A_1351 : i32 to vector<16xi32>
          %shift_left3A_1353 = arith.shli %bitcast3A_1348, %shift_left3A_1352 : vector<16xi32>
          %bitcast_convert_type3A_1354 = tpu.bitcast %shift_left3A_1353 : vector<16xi32> -> vector<16xf32>
          %add3A_1355 = arith.addf %add3A_1332, %bitcast_convert_type3A_1354 : vector<16xf32>
          %add3A_1356 = arith.addf %add3A_1333, %bitcast_convert_type3A_1350 : vector<16xf32>
          %get3A_1357 = arith.index_cast %add3A_1289 : i32 to index
          %get3A_1358 = arith.constant 48 : index
          %get3A_1359 = tpu.vector_load %arg14[%get3A_1357, %get3A_1358] {strides = array<i32>} : memref<80x64xi32, #tpu.memory_space<vmem>>, vector<16xi32>,
          %bitcast3A_1360 = vector.bitcast %get3A_1359 : vector<16xi32> to vector<32xbf16>
          %get3A_1361 = arith.index_cast %add3A_1289 : i32 to index
          %get3A_1362 = arith.constant 48 : index
          %get3A_1363 = tpu.vector_load %arg15[%get3A_1361, %get3A_1362] {strides = array<i32>} : memref<80x64xi32, #tpu.memory_space<vmem>>, vector<16xi32>,
          %bitcast3A_1364 = vector.bitcast %get3A_1363 : vector<16xi32> to vector<32xbf16>
          %get3A_1365 = arith.index_cast %add3A_1289 : i32 to index
          %get3A_1366 = arith.constant 48 : index
          %get3A_1367 = tpu.vector_load %arg16[%get3A_1365, %get3A_1366] {strides = array<i32>} : memref<80x64xi32, #tpu.memory_space<vmem>>, vector<16xi32>,
          %bitcast3A_1368 = vector.bitcast %get3A_1367 : vector<16xi32> to vector<32xbf16>
          %mul3A_1369 = arith.mulf %bitcast3A_1360, %bitcast3A_1364 : vector<32xbf16>
          %mul3A_1370 = arith.mulf %mul3A_1369, %bitcast3A_1368 : vector<32xbf16>
          %bitcast3A_1371 = vector.bitcast %mul3A_1370 : vector<32xbf16> to vector<16xi32>
          %and3A_1372 = arith.andi %bitcast3A_1371, %broadcast_in_dim3A_5 : vector<16xi32>
          %bitcast_convert_type3A_1373 = tpu.bitcast %and3A_1372 : vector<16xi32> -> vector<16xf32>
          %shift_left3A_1374 = arith.constant 16 : i32
          %shift_left3A_1375 = vector.broadcast %shift_left3A_1374 : i32 to vector<16xi32>
          %shift_left3A_1376 = arith.shli %bitcast3A_1371, %shift_left3A_1375 : vector<16xi32>
          %bitcast_convert_type3A_1377 = tpu.bitcast %shift_left3A_1376 : vector<16xi32> -> vector<16xf32>
          %add3A_1378 = arith.addf %add3A_1355, %bitcast_convert_type3A_1377 : vector<16xf32>
          %add3A_1379 = arith.addf %add3A_1356, %bitcast_convert_type3A_1373 : vector<16xf32>
          %add3A_1380 = arith.addf %add3A_1378, %add3A_1379 : vector<16xf32>
          %mul3A_1381 = arith.constant 80 : i32
          %mul3A_1382 = arith.muli %add3A_28, %mul3A_1381 : i32
          %add3A_1383 = arith.addi %mul3A_1382, %add3A_1289 : i32
          %broadcast_in_dim3A_1384 = arith.constant true
          %broadcast_in_dim3A_1385 = vector.broadcast %broadcast_in_dim3A_1384 : i1 to vector<16xi1>
          %masked_cumsum3A_1386 = tpu.scan <sum>, %add3A_1380 masked %broadcast_in_dim3A_1385 : vector<16xf32>, vector<16xi1> -> vector<16xf32>
          %swap3A_1387 = arith.index_cast %add3A_1383 : i32 to index
          %swap3A_1388 = tpu.vector_load %arg17[%swap3A_1387] masked %eq3A_4 {strides = array<i32>} : memref<10016xf32, #tpu.memory_space<vmem>>, vector<16xf32>, vector<16xi1>
          tpu.vector_store %arg17[%swap3A_1387], %masked_cumsum3A_1386 masked %eq3A_4 {strides = array<i32>} : memref<10016xf32, #tpu.memory_space<vmem>>, vector<16xf32>, vector<16xi1>
          %add3A_1389 = arith.constant 13 : i32
          %add3A_1390 = arith.addi %mul3A_82, %add3A_1389 : i32
          %get3A_1391 = arith.index_cast %add3A_1390 : i32 to index
          %get3A_1392 = arith.constant 0 : index
          %get3A_1393 = tpu.vector_load %arg14[%get3A_1391, %get3A_1392] {strides = array<i32>} : memref<80x64xi32, #tpu.memory_space<vmem>>, vector<16xi32>,
          %bitcast3A_1394 = vector.bitcast %get3A_1393 : vector<16xi32> to vector<32xbf16>
          %get3A_1395 = arith.index_cast %add3A_1390 : i32 to index
          %get3A_1396 = arith.constant 0 : index
          %get3A_1397 = tpu.vector_load %arg15[%get3A_1395, %get3A_1396] {strides = array<i32>} : memref<80x64xi32, #tpu.memory_space<vmem>>, vector<16xi32>,
          %bitcast3A_1398 = vector.bitcast %get3A_1397 : vector<16xi32> to vector<32xbf16>
          %get3A_1399 = arith.index_cast %add3A_1390 : i32 to index
          %get3A_1400 = arith.constant 0 : index
          %get3A_1401 = tpu.vector_load %arg16[%get3A_1399, %get3A_1400] {strides = array<i32>} : memref<80x64xi32, #tpu.memory_space<vmem>>, vector<16xi32>,
          %bitcast3A_1402 = vector.bitcast %get3A_1401 : vector<16xi32> to vector<32xbf16>
          %mul3A_1403 = arith.mulf %bitcast3A_1394, %bitcast3A_1398 : vector<32xbf16>
          %mul3A_1404 = arith.mulf %mul3A_1403, %bitcast3A_1402 : vector<32xbf16>
          %bitcast3A_1405 = vector.bitcast %mul3A_1404 : vector<32xbf16> to vector<16xi32>
          %and3A_1406 = arith.andi %bitcast3A_1405, %broadcast_in_dim3A_5 : vector<16xi32>
          %bitcast_convert_type3A_1407 = tpu.bitcast %and3A_1406 : vector<16xi32> -> vector<16xf32>
          %shift_left3A_1408 = arith.constant 16 : i32
          %shift_left3A_1409 = vector.broadcast %shift_left3A_1408 : i32 to vector<16xi32>
          %shift_left3A_1410 = arith.shli %bitcast3A_1405, %shift_left3A_1409 : vector<16xi32>
          %bitcast_convert_type3A_1411 = tpu.bitcast %shift_left3A_1410 : vector<16xi32> -> vector<16xf32>
          %get3A_1412 = arith.index_cast %add3A_1390 : i32 to index
          %get3A_1413 = arith.constant 16 : index
          %get3A_1414 = tpu.vector_load %arg14[%get3A_1412, %get3A_1413] {strides = array<i32>} : memref<80x64xi32, #tpu.memory_space<vmem>>, vector<16xi32>,
          %bitcast3A_1415 = vector.bitcast %get3A_1414 : vector<16xi32> to vector<32xbf16>
          %get3A_1416 = arith.index_cast %add3A_1390 : i32 to index
          %get3A_1417 = arith.constant 16 : index
          %get3A_1418 = tpu.vector_load %arg15[%get3A_1416, %get3A_1417] {strides = array<i32>} : memref<80x64xi32, #tpu.memory_space<vmem>>, vector<16xi32>,
          %bitcast3A_1419 = vector.bitcast %get3A_1418 : vector<16xi32> to vector<32xbf16>
          %get3A_1420 = arith.index_cast %add3A_1390 : i32 to index
          %get3A_1421 = arith.constant 16 : index
          %get3A_1422 = tpu.vector_load %arg16[%get3A_1420, %get3A_1421] {strides = array<i32>} : memref<80x64xi32, #tpu.memory_space<vmem>>, vector<16xi32>,
          %bitcast3A_1423 = vector.bitcast %get3A_1422 : vector<16xi32> to vector<32xbf16>
          %mul3A_1424 = arith.mulf %bitcast3A_1415, %bitcast3A_1419 : vector<32xbf16>
          %mul3A_1425 = arith.mulf %mul3A_1424, %bitcast3A_1423 : vector<32xbf16>
          %bitcast3A_1426 = vector.bitcast %mul3A_1425 : vector<32xbf16> to vector<16xi32>
          %and3A_1427 = arith.andi %bitcast3A_1426, %broadcast_in_dim3A_5 : vector<16xi32>
          %bitcast_convert_type3A_1428 = tpu.bitcast %and3A_1427 : vector<16xi32> -> vector<16xf32>
          %shift_left3A_1429 = arith.constant 16 : i32
          %shift_left3A_1430 = vector.broadcast %shift_left3A_1429 : i32 to vector<16xi32>
          %shift_left3A_1431 = arith.shli %bitcast3A_1426, %shift_left3A_1430 : vector<16xi32>
          %bitcast_convert_type3A_1432 = tpu.bitcast %shift_left3A_1431 : vector<16xi32> -> vector<16xf32>
          %add3A_1433 = arith.addf %bitcast_convert_type3A_1411, %bitcast_convert_type3A_1432 : vector<16xf32>
          %add3A_1434 = arith.addf %bitcast_convert_type3A_1407, %bitcast_convert_type3A_1428 : vector<16xf32>
          %get3A_1435 = arith.index_cast %add3A_1390 : i32 to index
          %get3A_1436 = arith.constant 32 : index
          %get3A_1437 = tpu.vector_load %arg14[%get3A_1435, %get3A_1436] {strides = array<i32>} : memref<80x64xi32, #tpu.memory_space<vmem>>, vector<16xi32>,
          %bitcast3A_1438 = vector.bitcast %get3A_1437 : vector<16xi32> to vector<32xbf16>
          %get3A_1439 = arith.index_cast %add3A_1390 : i32 to index
          %get3A_1440 = arith.constant 32 : index
          %get3A_1441 = tpu.vector_load %arg15[%get3A_1439, %get3A_1440] {strides = array<i32>} : memref<80x64xi32, #tpu.memory_space<vmem>>, vector<16xi32>,
          %bitcast3A_1442 = vector.bitcast %get3A_1441 : vector<16xi32> to vector<32xbf16>
          %get3A_1443 = arith.index_cast %add3A_1390 : i32 to index
          %get3A_1444 = arith.constant 32 : index
          %get3A_1445 = tpu.vector_load %arg16[%get3A_1443, %get3A_1444] {strides = array<i32>} : memref<80x64xi32, #tpu.memory_space<vmem>>, vector<16xi32>,
          %bitcast3A_1446 = vector.bitcast %get3A_1445 : vector<16xi32> to vector<32xbf16>
          %mul3A_1447 = arith.mulf %bitcast3A_1438, %bitcast3A_1442 : vector<32xbf16>
          %mul3A_1448 = arith.mulf %mul3A_1447, %bitcast3A_1446 : vector<32xbf16>
          %bitcast3A_1449 = vector.bitcast %mul3A_1448 : vector<32xbf16> to vector<16xi32>
          %and3A_1450 = arith.andi %bitcast3A_1449, %broadcast_in_dim3A_5 : vector<16xi32>
          %bitcast_convert_type3A_1451 = tpu.bitcast %and3A_1450 : vector<16xi32> -> vector<16xf32>
          %shift_left3A_1452 = arith.constant 16 : i32
          %shift_left3A_1453 = vector.broadcast %shift_left3A_1452 : i32 to vector<16xi32>
          %shift_left3A_1454 = arith.shli %bitcast3A_1449, %shift_left3A_1453 : vector<16xi32>
          %bitcast_convert_type3A_1455 = tpu.bitcast %shift_left3A_1454 : vector<16xi32> -> vector<16xf32>
          %add3A_1456 = arith.addf %add3A_1433, %bitcast_convert_type3A_1455 : vector<16xf32>
          %add3A_1457 = arith.addf %add3A_1434, %bitcast_convert_type3A_1451 : vector<16xf32>
          %get3A_1458 = arith.index_cast %add3A_1390 : i32 to index
          %get3A_1459 = arith.constant 48 : index
          %get3A_1460 = tpu.vector_load %arg14[%get3A_1458, %get3A_1459] {strides = array<i32>} : memref<80x64xi32, #tpu.memory_space<vmem>>, vector<16xi32>,
          %bitcast3A_1461 = vector.bitcast %get3A_1460 : vector<16xi32> to vector<32xbf16>
          %get3A_1462 = arith.index_cast %add3A_1390 : i32 to index
          %get3A_1463 = arith.constant 48 : index
          %get3A_1464 = tpu.vector_load %arg15[%get3A_1462, %get3A_1463] {strides = array<i32>} : memref<80x64xi32, #tpu.memory_space<vmem>>, vector<16xi32>,
          %bitcast3A_1465 = vector.bitcast %get3A_1464 : vector<16xi32> to vector<32xbf16>
          %get3A_1466 = arith.index_cast %add3A_1390 : i32 to index
          %get3A_1467 = arith.constant 48 : index
          %get3A_1468 = tpu.vector_load %arg16[%get3A_1466, %get3A_1467] {strides = array<i32>} : memref<80x64xi32, #tpu.memory_space<vmem>>, vector<16xi32>,
          %bitcast3A_1469 = vector.bitcast %get3A_1468 : vector<16xi32> to vector<32xbf16>
          %mul3A_1470 = arith.mulf %bitcast3A_1461, %bitcast3A_1465 : vector<32xbf16>
          %mul3A_1471 = arith.mulf %mul3A_1470, %bitcast3A_1469 : vector<32xbf16>
          %bitcast3A_1472 = vector.bitcast %mul3A_1471 : vector<32xbf16> to vector<16xi32>
          %and3A_1473 = arith.andi %bitcast3A_1472, %broadcast_in_dim3A_5 : vector<16xi32>
          %bitcast_convert_type3A_1474 = tpu.bitcast %and3A_1473 : vector<16xi32> -> vector<16xf32>
          %shift_left3A_1475 = arith.constant 16 : i32
          %shift_left3A_1476 = vector.broadcast %shift_left3A_1475 : i32 to vector<16xi32>
          %shift_left3A_1477 = arith.shli %bitcast3A_1472, %shift_left3A_1476 : vector<16xi32>
          %bitcast_convert_type3A_1478 = tpu.bitcast %shift_left3A_1477 : vector<16xi32> -> vector<16xf32>
          %add3A_1479 = arith.addf %add3A_1456, %bitcast_convert_type3A_1478 : vector<16xf32>
          %add3A_1480 = arith.addf %add3A_1457, %bitcast_convert_type3A_1474 : vector<16xf32>
          %add3A_1481 = arith.addf %add3A_1479, %add3A_1480 : vector<16xf32>
          %mul3A_1482 = arith.constant 80 : i32
          %mul3A_1483 = arith.muli %add3A_28, %mul3A_1482 : i32
          %add3A_1484 = arith.addi %mul3A_1483, %add3A_1390 : i32
          %broadcast_in_dim3A_1485 = arith.constant true
          %broadcast_in_dim3A_1486 = vector.broadcast %broadcast_in_dim3A_1485 : i1 to vector<16xi1>
          %masked_cumsum3A_1487 = tpu.scan <sum>, %add3A_1481 masked %broadcast_in_dim3A_1486 : vector<16xf32>, vector<16xi1> -> vector<16xf32>
          %swap3A_1488 = arith.index_cast %add3A_1484 : i32 to index
          %swap3A_1489 = tpu.vector_load %arg17[%swap3A_1488] masked %eq3A_4 {strides = array<i32>} : memref<10016xf32, #tpu.memory_space<vmem>>, vector<16xf32>, vector<16xi1>
          tpu.vector_store %arg17[%swap3A_1488], %masked_cumsum3A_1487 masked %eq3A_4 {strides = array<i32>} : memref<10016xf32, #tpu.memory_space<vmem>>, vector<16xf32>, vector<16xi1>
          %add3A_1490 = arith.constant 14 : i32
          %add3A_1491 = arith.addi %mul3A_82, %add3A_1490 : i32
          %get3A_1492 = arith.index_cast %add3A_1491 : i32 to index
          %get3A_1493 = arith.constant 0 : index
          %get3A_1494 = tpu.vector_load %arg14[%get3A_1492, %get3A_1493] {strides = array<i32>} : memref<80x64xi32, #tpu.memory_space<vmem>>, vector<16xi32>,
          %bitcast3A_1495 = vector.bitcast %get3A_1494 : vector<16xi32> to vector<32xbf16>
          %get3A_1496 = arith.index_cast %add3A_1491 : i32 to index
          %get3A_1497 = arith.constant 0 : index
          %get3A_1498 = tpu.vector_load %arg15[%get3A_1496, %get3A_1497] {strides = array<i32>} : memref<80x64xi32, #tpu.memory_space<vmem>>, vector<16xi32>,
          %bitcast3A_1499 = vector.bitcast %get3A_1498 : vector<16xi32> to vector<32xbf16>
          %get3A_1500 = arith.index_cast %add3A_1491 : i32 to index
          %get3A_1501 = arith.constant 0 : index
          %get3A_1502 = tpu.vector_load %arg16[%get3A_1500, %get3A_1501] {strides = array<i32>} : memref<80x64xi32, #tpu.memory_space<vmem>>, vector<16xi32>,
          %bitcast3A_1503 = vector.bitcast %get3A_1502 : vector<16xi32> to vector<32xbf16>
          %mul3A_1504 = arith.mulf %bitcast3A_1495, %bitcast3A_1499 : vector<32xbf16>
          %mul3A_1505 = arith.mulf %mul3A_1504, %bitcast3A_1503 : vector<32xbf16>
          %bitcast3A_1506 = vector.bitcast %mul3A_1505 : vector<32xbf16> to vector<16xi32>
          %and3A_1507 = arith.andi %bitcast3A_1506, %broadcast_in_dim3A_5 : vector<16xi32>
          %bitcast_convert_type3A_1508 = tpu.bitcast %and3A_1507 : vector<16xi32> -> vector<16xf32>
          %shift_left3A_1509 = arith.constant 16 : i32
          %shift_left3A_1510 = vector.broadcast %shift_left3A_1509 : i32 to vector<16xi32>
          %shift_left3A_1511 = arith.shli %bitcast3A_1506, %shift_left3A_1510 : vector<16xi32>
          %bitcast_convert_type3A_1512 = tpu.bitcast %shift_left3A_1511 : vector<16xi32> -> vector<16xf32>
          %get3A_1513 = arith.index_cast %add3A_1491 : i32 to index
          %get3A_1514 = arith.constant 16 : index
          %get3A_1515 = tpu.vector_load %arg14[%get3A_1513, %get3A_1514] {strides = array<i32>} : memref<80x64xi32, #tpu.memory_space<vmem>>, vector<16xi32>,
          %bitcast3A_1516 = vector.bitcast %get3A_1515 : vector<16xi32> to vector<32xbf16>
          %get3A_1517 = arith.index_cast %add3A_1491 : i32 to index
          %get3A_1518 = arith.constant 16 : index
          %get3A_1519 = tpu.vector_load %arg15[%get3A_1517, %get3A_1518] {strides = array<i32>} : memref<80x64xi32, #tpu.memory_space<vmem>>, vector<16xi32>,
          %bitcast3A_1520 = vector.bitcast %get3A_1519 : vector<16xi32> to vector<32xbf16>
          %get3A_1521 = arith.index_cast %add3A_1491 : i32 to index
          %get3A_1522 = arith.constant 16 : index
          %get3A_1523 = tpu.vector_load %arg16[%get3A_1521, %get3A_1522] {strides = array<i32>} : memref<80x64xi32, #tpu.memory_space<vmem>>, vector<16xi32>,
          %bitcast3A_1524 = vector.bitcast %get3A_1523 : vector<16xi32> to vector<32xbf16>
          %mul3A_1525 = arith.mulf %bitcast3A_1516, %bitcast3A_1520 : vector<32xbf16>
          %mul3A_1526 = arith.mulf %mul3A_1525, %bitcast3A_1524 : vector<32xbf16>
          %bitcast3A_1527 = vector.bitcast %mul3A_1526 : vector<32xbf16> to vector<16xi32>
          %and3A_1528 = arith.andi %bitcast3A_1527, %broadcast_in_dim3A_5 : vector<16xi32>
          %bitcast_convert_type3A_1529 = tpu.bitcast %and3A_1528 : vector<16xi32> -> vector<16xf32>
          %shift_left3A_1530 = arith.constant 16 : i32
          %shift_left3A_1531 = vector.broadcast %shift_left3A_1530 : i32 to vector<16xi32>
          %shift_left3A_1532 = arith.shli %bitcast3A_1527, %shift_left3A_1531 : vector<16xi32>
          %bitcast_convert_type3A_1533 = tpu.bitcast %shift_left3A_1532 : vector<16xi32> -> vector<16xf32>
          %add3A_1534 = arith.addf %bitcast_convert_type3A_1512, %bitcast_convert_type3A_1533 : vector<16xf32>
          %add3A_1535 = arith.addf %bitcast_convert_type3A_1508, %bitcast_convert_type3A_1529 : vector<16xf32>
          %get3A_1536 = arith.index_cast %add3A_1491 : i32 to index
          %get3A_1537 = arith.constant 32 : index
          %get3A_1538 = tpu.vector_load %arg14[%get3A_1536, %get3A_1537] {strides = array<i32>} : memref<80x64xi32, #tpu.memory_space<vmem>>, vector<16xi32>,
          %bitcast3A_1539 = vector.bitcast %get3A_1538 : vector<16xi32> to vector<32xbf16>
          %get3A_1540 = arith.index_cast %add3A_1491 : i32 to index
          %get3A_1541 = arith.constant 32 : index
          %get3A_1542 = tpu.vector_load %arg15[%get3A_1540, %get3A_1541] {strides = array<i32>} : memref<80x64xi32, #tpu.memory_space<vmem>>, vector<16xi32>,
          %bitcast3A_1543 = vector.bitcast %get3A_1542 : vector<16xi32> to vector<32xbf16>
          %get3A_1544 = arith.index_cast %add3A_1491 : i32 to index
          %get3A_1545 = arith.constant 32 : index
          %get3A_1546 = tpu.vector_load %arg16[%get3A_1544, %get3A_1545] {strides = array<i32>} : memref<80x64xi32, #tpu.memory_space<vmem>>, vector<16xi32>,
          %bitcast3A_1547 = vector.bitcast %get3A_1546 : vector<16xi32> to vector<32xbf16>
          %mul3A_1548 = arith.mulf %bitcast3A_1539, %bitcast3A_1543 : vector<32xbf16>
          %mul3A_1549 = arith.mulf %mul3A_1548, %bitcast3A_1547 : vector<32xbf16>
          %bitcast3A_1550 = vector.bitcast %mul3A_1549 : vector<32xbf16> to vector<16xi32>
          %and3A_1551 = arith.andi %bitcast3A_1550, %broadcast_in_dim3A_5 : vector<16xi32>
          %bitcast_convert_type3A_1552 = tpu.bitcast %and3A_1551 : vector<16xi32> -> vector<16xf32>
          %shift_left3A_1553 = arith.constant 16 : i32
          %shift_left3A_1554 = vector.broadcast %shift_left3A_1553 : i32 to vector<16xi32>
          %shift_left3A_1555 = arith.shli %bitcast3A_1550, %shift_left3A_1554 : vector<16xi32>
          %bitcast_convert_type3A_1556 = tpu.bitcast %shift_left3A_1555 : vector<16xi32> -> vector<16xf32>
          %add3A_1557 = arith.addf %add3A_1534, %bitcast_convert_type3A_1556 : vector<16xf32>
          %add3A_1558 = arith.addf %add3A_1535, %bitcast_convert_type3A_1552 : vector<16xf32>
          %get3A_1559 = arith.index_cast %add3A_1491 : i32 to index
          %get3A_1560 = arith.constant 48 : index
          %get3A_1561 = tpu.vector_load %arg14[%get3A_1559, %get3A_1560] {strides = array<i32>} : memref<80x64xi32, #tpu.memory_space<vmem>>, vector<16xi32>,
          %bitcast3A_1562 = vector.bitcast %get3A_1561 : vector<16xi32> to vector<32xbf16>
          %get3A_1563 = arith.index_cast %add3A_1491 : i32 to index
          %get3A_1564 = arith.constant 48 : index
          %get3A_1565 = tpu.vector_load %arg15[%get3A_1563, %get3A_1564] {strides = array<i32>} : memref<80x64xi32, #tpu.memory_space<vmem>>, vector<16xi32>,
          %bitcast3A_1566 = vector.bitcast %get3A_1565 : vector<16xi32> to vector<32xbf16>
          %get3A_1567 = arith.index_cast %add3A_1491 : i32 to index
          %get3A_1568 = arith.constant 48 : index
          %get3A_1569 = tpu.vector_load %arg16[%get3A_1567, %get3A_1568] {strides = array<i32>} : memref<80x64xi32, #tpu.memory_space<vmem>>, vector<16xi32>,
          %bitcast3A_1570 = vector.bitcast %get3A_1569 : vector<16xi32> to vector<32xbf16>
          %mul3A_1571 = arith.mulf %bitcast3A_1562, %bitcast3A_1566 : vector<32xbf16>
          %mul3A_1572 = arith.mulf %mul3A_1571, %bitcast3A_1570 : vector<32xbf16>
          %bitcast3A_1573 = vector.bitcast %mul3A_1572 : vector<32xbf16> to vector<16xi32>
          %and3A_1574 = arith.andi %bitcast3A_1573, %broadcast_in_dim3A_5 : vector<16xi32>
          %bitcast_convert_type3A_1575 = tpu.bitcast %and3A_1574 : vector<16xi32> -> vector<16xf32>
          %shift_left3A_1576 = arith.constant 16 : i32
          %shift_left3A_1577 = vector.broadcast %shift_left3A_1576 : i32 to vector<16xi32>
          %shift_left3A_1578 = arith.shli %bitcast3A_1573, %shift_left3A_1577 : vector<16xi32>
          %bitcast_convert_type3A_1579 = tpu.bitcast %shift_left3A_1578 : vector<16xi32> -> vector<16xf32>
          %add3A_1580 = arith.addf %add3A_1557, %bitcast_convert_type3A_1579 : vector<16xf32>
          %add3A_1581 = arith.addf %add3A_1558, %bitcast_convert_type3A_1575 : vector<16xf32>
          %add3A_1582 = arith.addf %add3A_1580, %add3A_1581 : vector<16xf32>
          %mul3A_1583 = arith.constant 80 : i32
          %mul3A_1584 = arith.muli %add3A_28, %mul3A_1583 : i32
          %add3A_1585 = arith.addi %mul3A_1584, %add3A_1491 : i32
          %broadcast_in_dim3A_1586 = arith.constant true
          %broadcast_in_dim3A_1587 = vector.broadcast %broadcast_in_dim3A_1586 : i1 to vector<16xi1>
          %masked_cumsum3A_1588 = tpu.scan <sum>, %add3A_1582 masked %broadcast_in_dim3A_1587 : vector<16xf32>, vector<16xi1> -> vector<16xf32>
          %swap3A_1589 = arith.index_cast %add3A_1585 : i32 to index
          %swap3A_1590 = tpu.vector_load %arg17[%swap3A_1589] masked %eq3A_4 {strides = array<i32>} : memref<10016xf32, #tpu.memory_space<vmem>>, vector<16xf32>, vector<16xi1>
          tpu.vector_store %arg17[%swap3A_1589], %masked_cumsum3A_1588 masked %eq3A_4 {strides = array<i32>} : memref<10016xf32, #tpu.memory_space<vmem>>, vector<16xf32>, vector<16xi1>
          %add3A_1591 = arith.constant 15 : i32
          %add3A_1592 = arith.addi %mul3A_82, %add3A_1591 : i32
          %get3A_1593 = arith.index_cast %add3A_1592 : i32 to index
          %get3A_1594 = arith.constant 0 : index
          %get3A_1595 = tpu.vector_load %arg14[%get3A_1593, %get3A_1594] {strides = array<i32>} : memref<80x64xi32, #tpu.memory_space<vmem>>, vector<16xi32>,
          %bitcast3A_1596 = vector.bitcast %get3A_1595 : vector<16xi32> to vector<32xbf16>
          %get3A_1597 = arith.index_cast %add3A_1592 : i32 to index
          %get3A_1598 = arith.constant 0 : index
          %get3A_1599 = tpu.vector_load %arg15[%get3A_1597, %get3A_1598] {strides = array<i32>} : memref<80x64xi32, #tpu.memory_space<vmem>>, vector<16xi32>,
          %bitcast3A_1600 = vector.bitcast %get3A_1599 : vector<16xi32> to vector<32xbf16>
          %get3A_1601 = arith.index_cast %add3A_1592 : i32 to index
          %get3A_1602 = arith.constant 0 : index
          %get3A_1603 = tpu.vector_load %arg16[%get3A_1601, %get3A_1602] {strides = array<i32>} : memref<80x64xi32, #tpu.memory_space<vmem>>, vector<16xi32>,
          %bitcast3A_1604 = vector.bitcast %get3A_1603 : vector<16xi32> to vector<32xbf16>
          %mul3A_1605 = arith.mulf %bitcast3A_1596, %bitcast3A_1600 : vector<32xbf16>
          %mul3A_1606 = arith.mulf %mul3A_1605, %bitcast3A_1604 : vector<32xbf16>
          %bitcast3A_1607 = vector.bitcast %mul3A_1606 : vector<32xbf16> to vector<16xi32>
          %and3A_1608 = arith.andi %bitcast3A_1607, %broadcast_in_dim3A_5 : vector<16xi32>
          %bitcast_convert_type3A_1609 = tpu.bitcast %and3A_1608 : vector<16xi32> -> vector<16xf32>
          %shift_left3A_1610 = arith.constant 16 : i32
          %shift_left3A_1611 = vector.broadcast %shift_left3A_1610 : i32 to vector<16xi32>
          %shift_left3A_1612 = arith.shli %bitcast3A_1607, %shift_left3A_1611 : vector<16xi32>
          %bitcast_convert_type3A_1613 = tpu.bitcast %shift_left3A_1612 : vector<16xi32> -> vector<16xf32>
          %get3A_1614 = arith.index_cast %add3A_1592 : i32 to index
          %get3A_1615 = arith.constant 16 : index
          %get3A_1616 = tpu.vector_load %arg14[%get3A_1614, %get3A_1615] {strides = array<i32>} : memref<80x64xi32, #tpu.memory_space<vmem>>, vector<16xi32>,
          %bitcast3A_1617 = vector.bitcast %get3A_1616 : vector<16xi32> to vector<32xbf16>
          %get3A_1618 = arith.index_cast %add3A_1592 : i32 to index
          %get3A_1619 = arith.constant 16 : index
          %get3A_1620 = tpu.vector_load %arg15[%get3A_1618, %get3A_1619] {strides = array<i32>} : memref<80x64xi32, #tpu.memory_space<vmem>>, vector<16xi32>,
          %bitcast3A_1621 = vector.bitcast %get3A_1620 : vector<16xi32> to vector<32xbf16>
          %get3A_1622 = arith.index_cast %add3A_1592 : i32 to index
          %get3A_1623 = arith.constant 16 : index
          %get3A_1624 = tpu.vector_load %arg16[%get3A_1622, %get3A_1623] {strides = array<i32>} : memref<80x64xi32, #tpu.memory_space<vmem>>, vector<16xi32>,
          %bitcast3A_1625 = vector.bitcast %get3A_1624 : vector<16xi32> to vector<32xbf16>
          %mul3A_1626 = arith.mulf %bitcast3A_1617, %bitcast3A_1621 : vector<32xbf16>
          %mul3A_1627 = arith.mulf %mul3A_1626, %bitcast3A_1625 : vector<32xbf16>
          %bitcast3A_1628 = vector.bitcast %mul3A_1627 : vector<32xbf16> to vector<16xi32>
          %and3A_1629 = arith.andi %bitcast3A_1628, %broadcast_in_dim3A_5 : vector<16xi32>
          %bitcast_convert_type3A_1630 = tpu.bitcast %and3A_1629 : vector<16xi32> -> vector<16xf32>
          %shift_left3A_1631 = arith.constant 16 : i32
          %shift_left3A_1632 = vector.broadcast %shift_left3A_1631 : i32 to vector<16xi32>
          %shift_left3A_1633 = arith.shli %bitcast3A_1628, %shift_left3A_1632 : vector<16xi32>
          %bitcast_convert_type3A_1634 = tpu.bitcast %shift_left3A_1633 : vector<16xi32> -> vector<16xf32>
          %add3A_1635 = arith.addf %bitcast_convert_type3A_1613, %bitcast_convert_type3A_1634 : vector<16xf32>
          %add3A_1636 = arith.addf %bitcast_convert_type3A_1609, %bitcast_convert_type3A_1630 : vector<16xf32>
          %get3A_1637 = arith.index_cast %add3A_1592 : i32 to index
          %get3A_1638 = arith.constant 32 : index
          %get3A_1639 = tpu.vector_load %arg14[%get3A_1637, %get3A_1638] {strides = array<i32>} : memref<80x64xi32, #tpu.memory_space<vmem>>, vector<16xi32>,
          %bitcast3A_1640 = vector.bitcast %get3A_1639 : vector<16xi32> to vector<32xbf16>
          %get3A_1641 = arith.index_cast %add3A_1592 : i32 to index
          %get3A_1642 = arith.constant 32 : index
          %get3A_1643 = tpu.vector_load %arg15[%get3A_1641, %get3A_1642] {strides = array<i32>} : memref<80x64xi32, #tpu.memory_space<vmem>>, vector<16xi32>,
          %bitcast3A_1644 = vector.bitcast %get3A_1643 : vector<16xi32> to vector<32xbf16>
          %get3A_1645 = arith.index_cast %add3A_1592 : i32 to index
          %get3A_1646 = arith.constant 32 : index
          %get3A_1647 = tpu.vector_load %arg16[%get3A_1645, %get3A_1646] {strides = array<i32>} : memref<80x64xi32, #tpu.memory_space<vmem>>, vector<16xi32>,
          %bitcast3A_1648 = vector.bitcast %get3A_1647 : vector<16xi32> to vector<32xbf16>
          %mul3A_1649 = arith.mulf %bitcast3A_1640, %bitcast3A_1644 : vector<32xbf16>
          %mul3A_1650 = arith.mulf %mul3A_1649, %bitcast3A_1648 : vector<32xbf16>
          %bitcast3A_1651 = vector.bitcast %mul3A_1650 : vector<32xbf16> to vector<16xi32>
          %and3A_1652 = arith.andi %bitcast3A_1651, %broadcast_in_dim3A_5 : vector<16xi32>
          %bitcast_convert_type3A_1653 = tpu.bitcast %and3A_1652 : vector<16xi32> -> vector<16xf32>
          %shift_left3A_1654 = arith.constant 16 : i32
          %shift_left3A_1655 = vector.broadcast %shift_left3A_1654 : i32 to vector<16xi32>
          %shift_left3A_1656 = arith.shli %bitcast3A_1651, %shift_left3A_1655 : vector<16xi32>
          %bitcast_convert_type3A_1657 = tpu.bitcast %shift_left3A_1656 : vector<16xi32> -> vector<16xf32>
          %add3A_1658 = arith.addf %add3A_1635, %bitcast_convert_type3A_1657 : vector<16xf32>
          %add3A_1659 = arith.addf %add3A_1636, %bitcast_convert_type3A_1653 : vector<16xf32>
          %get3A_1660 = arith.index_cast %add3A_1592 : i32 to index
          %get3A_1661 = arith.constant 48 : index
          %get3A_1662 = tpu.vector_load %arg14[%get3A_1660, %get3A_1661] {strides = array<i32>} : memref<80x64xi32, #tpu.memory_space<vmem>>, vector<16xi32>,
          %bitcast3A_1663 = vector.bitcast %get3A_1662 : vector<16xi32> to vector<32xbf16>
          %get3A_1664 = arith.index_cast %add3A_1592 : i32 to index
          %get3A_1665 = arith.constant 48 : index
          %get3A_1666 = tpu.vector_load %arg15[%get3A_1664, %get3A_1665] {strides = array<i32>} : memref<80x64xi32, #tpu.memory_space<vmem>>, vector<16xi32>,
          %bitcast3A_1667 = vector.bitcast %get3A_1666 : vector<16xi32> to vector<32xbf16>
          %get3A_1668 = arith.index_cast %add3A_1592 : i32 to index
          %get3A_1669 = arith.constant 48 : index
          %get3A_1670 = tpu.vector_load %arg16[%get3A_1668, %get3A_1669] {strides = array<i32>} : memref<80x64xi32, #tpu.memory_space<vmem>>, vector<16xi32>,
          %bitcast3A_1671 = vector.bitcast %get3A_1670 : vector<16xi32> to vector<32xbf16>
          %mul3A_1672 = arith.mulf %bitcast3A_1663, %bitcast3A_1667 : vector<32xbf16>
          %mul3A_1673 = arith.mulf %mul3A_1672, %bitcast3A_1671 : vector<32xbf16>
          %bitcast3A_1674 = vector.bitcast %mul3A_1673 : vector<32xbf16> to vector<16xi32>
          %and3A_1675 = arith.andi %bitcast3A_1674, %broadcast_in_dim3A_5 : vector<16xi32>
          %bitcast_convert_type3A_1676 = tpu.bitcast %and3A_1675 : vector<16xi32> -> vector<16xf32>
          %shift_left3A_1677 = arith.constant 16 : i32
          %shift_left3A_1678 = vector.broadcast %shift_left3A_1677 : i32 to vector<16xi32>
          %shift_left3A_1679 = arith.shli %bitcast3A_1674, %shift_left3A_1678 : vector<16xi32>
          %bitcast_convert_type3A_1680 = tpu.bitcast %shift_left3A_1679 : vector<16xi32> -> vector<16xf32>
          %add3A_1681 = arith.addf %add3A_1658, %bitcast_convert_type3A_1680 : vector<16xf32>
          %add3A_1682 = arith.addf %add3A_1659, %bitcast_convert_type3A_1676 : vector<16xf32>
          %add3A_1683 = arith.addf %add3A_1681, %add3A_1682 : vector<16xf32>
          %mul3A_1684 = arith.constant 80 : i32
          %mul3A_1685 = arith.muli %add3A_28, %mul3A_1684 : i32
          %add3A_1686 = arith.addi %mul3A_1685, %add3A_1592 : i32
          %broadcast_in_dim3A_1687 = arith.constant true
          %broadcast_in_dim3A_1688 = vector.broadcast %broadcast_in_dim3A_1687 : i1 to vector<16xi1>
          %masked_cumsum3A_1689 = tpu.scan <sum>, %add3A_1683 masked %broadcast_in_dim3A_1688 : vector<16xf32>, vector<16xi1> -> vector<16xf32>
          %swap3A_1690 = arith.index_cast %add3A_1686 : i32 to index
          %swap3A_1691 = tpu.vector_load %arg17[%swap3A_1690] masked %eq3A_4 {strides = array<i32>} : memref<10016xf32, #tpu.memory_space<vmem>>, vector<16xf32>, vector<16xi1>
          tpu.vector_store %arg17[%swap3A_1690], %masked_cumsum3A_1689 masked %eq3A_4 {strides = array<i32>} : memref<10016xf32, #tpu.memory_space<vmem>>, vector<16xf32>, vector<16xi1>
        }
        %scan3A_79 = arith.constant 5 : i32
      } else {
      }
    }
    %scan3A_23 = arith.constant 63 : i32
    "tpu.region"() ({
      %run_scoped3A = tpu.sem_alloc : memref<!tpu.dma_semaphore, #tpu.memory_space<semaphore_mem>>
      %dma_start3A_24 = arith.constant 0 : i32
      %dma_start3A_25 = tpu.memref_slice %arg17[%dma_start3A_24] : memref<10016xf32, #tpu.memory_space<vmem>> -> memref<10000xf32, #tpu.memory_space<vmem>>
      %dma_start3A_26 = tpu.memref_slice %arg7[%mul3A_2] : memref<320000xf32, #tpu.memory_space<hbm>> -> memref<10000xf32, #tpu.memory_space<hbm>>
      %dma_start3A_27 = tpu.memref_slice %arg7[%mul3A_2] : memref<320000xf32, #tpu.memory_space<hbm>> -> memref<10000xf32, #tpu.memory_space<hbm>>
      %dma_start3A_28 = arith.constant 0 : i32
      %dma_start3A_29 = tpu.memref_slice %arg17[%dma_start3A_28] : memref<10016xf32, #tpu.memory_space<vmem>> -> memref<10000xf32, #tpu.memory_space<vmem>>
      tpu.enqueue_dma source(%dma_start3A_29 : memref<10000xf32, #tpu.memory_space<vmem>>) target(%dma_start3A_27 : memref<10000xf32, #tpu.memory_space<hbm>>) target_semaphore(%run_scoped3A : memref<!tpu.dma_semaphore, #tpu.memory_space<semaphore_mem>>)
      %dma_wait3A = arith.constant 0 : i32
      %dma_wait3A_30 = tpu.memref_slice %arg17[%dma_wait3A] : memref<10016xf32, #tpu.memory_space<vmem>> -> memref<10000xf32, #tpu.memory_space<vmem>>
      %dma_wait3A_31 = tpu.memref_slice %arg7[%mul3A_2] : memref<320000xf32, #tpu.memory_space<hbm>> -> memref<10000xf32, #tpu.memory_space<hbm>>
      %dma_wait3A_32 = tpu.memref_slice %arg7[%mul3A_2] : memref<320000xf32, #tpu.memory_space<hbm>> -> memref<10000xf32, #tpu.memory_space<hbm>>
      %dma_wait3A_33 = arith.constant 0 : i32
      %dma_wait3A_34 = tpu.memref_slice %arg17[%dma_wait3A_33] : memref<10016xf32, #tpu.memory_space<vmem>> -> memref<10000xf32, #tpu.memory_space<vmem>>
      tpu.wait_dma2 semaphore(%run_scoped3A : memref<!tpu.dma_semaphore, #tpu.memory_space<semaphore_mem>>) src(%dma_wait3A_34 : memref<10000xf32, #tpu.memory_space<vmem>>) dst(%dma_wait3A_32 : memref<10000xf32, #tpu.memory_space<hbm>>)
      tpu.yield
    }) : () -> ()
    return
  }
}

</mosaic_0001>

<sc_bundles>
// kernel: kernel.3.cloned.1.call-start
scs
__scs_entry_jumppad:
0x0: {  	(pc) =	sbr.rel $0x88, $3  }
0x1: {  	(tag) =	ssettag $0x0;
	lr =	simm.s32 $0x1  }
0x2: {  	[smem:$0x3F9D] =	sst lr;
	_ =	strace $0xD0000000  }
0x3: {  	_ = 	snop  }
0x4: {  	_ = 	snop  }
0x5: {  	_ = 	snop  }
0x6: {  	_ = 	snop  }
0x7: {  	_ = 	snop  }
__scs_overlays_trampoline_lowered:
0x8: {  	[smem:$0x3FAC] =	sst s0  }
0x9: {  	[smem:$0x3FAD] =	sst s1  }
0xa: {  	[smem:$0x3FAE] =	sst s2  }
0xb: {  	[smem:$0x3FAF] =	sst s3  }
0xc: {  	[smem:$0x3FB0] =	sst s4  }
0xd: {  	[smem:$0x3FB1] =	sst s5  }
0xe: {  	[smem:$0x3FB2] =	sst s6  }
0xf: {  	[smem:$0x3FB3] =	sst s7  }
0x10: {  	[smem:$0x3FB4] =	sst s8  }
0x11: {  	[smem:$0x3FB5] =	sst s9;
	s0 =	simm.s32 @!p0 $0x0  }
0x12: {  	s1 =	sld [smem:$0x3F9B];
	s0 =	simm.s32 @p0 $0x1  }
0x13: {  	[smem:$0x3FB6] =	sst s0;
	s0 =	simm.s32 @!p1 $0x0  }
0x14: {  	s2 =	sld [smem:$0x3F9A];
	s0 =	simm.s32 @p1 $0x1  }
0x15: {  	[smem:$0x3FB7] =	sst s0;
	s0 =	simm.s32 @!p2 $0x0  }
0x16: {  	s3 =	sld [smem:$0x3FDB];
	s0 =	simm.s32 @p2 $0x1  }
0x17: {  	s4 =	simm.s32 $0x1BF5;
	[smem:$0x3FB9] =	sst s0  }
0x18: {  	s0 =	sld [smem:$0x3F9C];
	_ =	swait.ge [sflag:s4], $0x0  }
0x19: {  	s7 =	sld [smem:$0x3F9D]  }
0x1a: {  	s8 =	sadd.s32 $0xFFFFE003, lr  }
0x1b: {  	s9 =	sadd.s32 $0xFFFFFEF7, lr;
	s5 =	simm.s32 $0xFFFFFFFF;
	p2 =	slt.u32 s8, $0xFFFFF086  }
0x1c: {  	p1 =	slt.u32 s9, $0xF7A;
	s5 =	simm.s32 @!p2 $0x0  }
0x1d: {  	s5 =	simm.s32 @p1 $0x1;
	p0 =	seq.s32 s7, s2  }
0x1e: {  	s7 =	smul.u32 @!p0 $0xF7A, s2;
	p2 =	seq.s32 @!p0 s5, $0x0  }
0x1f: {  	s9 =	smul.u32 $0xF7A, s1;
	s8 =	simm.s32 @!p0 $0x1BF5;
	p2 =	por !p2, p0  }
0x20: {  	[sflag:s8] =	ssyncset.s32 @!p0 $0xFFFFF086;
	s6 =	sadd.s32 @!p0 s3, s7;
	s7 =	simm.s32 @!p0 $0x108  }
0x21: {  	s3 =	sadd.s32 s3, s9;
	s6 =	sadd.s32 @!p0 $0x88, s6;
	s7 =	simm.s32 @p2 $0x1082  }
0x22: {  	[simem:s7], [sflag:s8] =	dma.local @!p0 [hbm:s6], $0xF7A  }
0x23: {  	s9 =	sor.u32 $0xD0000000, s2;
	s6 =	simm.s32 $0x108;
	_ =	swait.ge @!p0 [sflag:s8], $0x0  }
0x24: {  	s3 =	sadd.s32 $0x88, s3;
	s6 =	simm.s32 @!p1 $0x1082;
	[sflag:s4] =	ssyncset.s32 $0xFFFFF086  }
0x25: {  	[simem:s6], [sflag:s4] =	dma.local [hbm:s3], $0xF7A  }
0x26: {  	[smem:$0x3F9D] =	sst s1;
	(tag) =	ssettag s2;
	_ =	strace s9  }
0x27: {  	s1 =	sld [smem:$0x3FAD]  }
0x28: {  	s2 =	sld [smem:$0x3FAE]  }
0x29: {  	s4 =	sld [smem:$0x3FB0]  }
0x2a: {  	p0 =	seq.s32 s5, $0x0;
	s5 =	sld [smem:$0x3FB1]  }
0x2b: {  	s6 =	sld [smem:$0x3FB2]  }
0x2c: {  	s7 =	sld [smem:$0x3FB3]  }
0x2d: {  	s3 =	simm.s32 $0x108;
	s8 =	sld [smem:$0x3FB4]  }
0x2e: {  	s3 =	simm.s32 @!p0 $0x1082;
	s9 =	sld [smem:$0x3FB5]  }
0x2f: {  	lr =	sadd.s32 s0, s3;
	s0 =	sld [smem:$0x3FAC]  }
0x30: {  	s3 =	sld [smem:$0x3FAF]  }
0x31: {  	[smem:$0x3FB8] =	sst s10  }
0x32: {  	s10 =	sld [smem:$0x3FB6];
	_ =	sdelay $0x3  }
0x33: {  	p0 =	seq.s32 s10, $0x1;
	s10 =	sld [smem:$0x3FB8];
	_ =	sdelay $0x3  }
0x34: {  	[smem:$0x3FB8] =	sst s10  }
0x35: {  	s10 =	sld [smem:$0x3FB7];
	_ =	sdelay $0x3  }
0x36: {  	p1 =	seq.s32 s10, $0x1;
	s10 =	sld [smem:$0x3FB8];
	_ =	sdelay $0x3  }
0x37: {  	[smem:$0x3FB8] =	sst s10  }
0x38: {  	s10 =	sld [smem:$0x3FB9]  }
0x39: {  	_ = 	snop;
	(pc) =	sbr.ind lr, $3  }
0x3a: {  	_ = 	snop  }
0x3b: {  	_ = 	snop  }
0x3c: {  	p2 =	seq.s32 s10, $0x1;
	s10 =	sld [smem:$0x3FB8]  }
0x3d: {  	_ =	shalt  }
0x3e: {  	_ =	shalt  }
0x3f: {  	_ =	shalt  }
0x40: {  	_ =	shalt  }
0x41: {  	_ =	shalt  }
0x42: {  	_ =	shalt  }
0x43: {  	_ =	shalt  }
0x44: {  	_ =	shalt  }
0x45: {  	_ =	shalt  }
0x46: {  	_ =	shalt  }
0x47: {  	_ =	shalt  }
0x48: {  	_ =	shalt  }
0x49: {  	_ =	shalt  }
0x4a: {  	_ =	shalt  }
0x4b: {  	_ =	shalt  }
0x4c: {  	_ =	shalt  }
0x4d: {  	_ =	shalt  }
0x4e: {  	_ =	shalt  }
0x4f: {  	_ =	shalt  }
0x50: {  	_ =	shalt  }
0x51: {  	_ =	shalt  }
0x52: {  	_ =	shalt  }
0x53: {  	_ =	shalt  }
0x54: {  	_ =	shalt  }
0x55: {  	_ =	shalt  }
0x56: {  	_ =	shalt  }
0x57: {  	_ =	shalt  }
0x58: {  	_ =	shalt  }
0x59: {  	_ =	shalt  }
0x5a: {  	_ =	shalt  }
0x5b: {  	_ =	shalt  }
0x5c: {  	_ =	shalt  }
0x5d: {  	_ =	shalt  }
0x5e: {  	_ =	shalt  }
0x5f: {  	_ =	shalt  }
0x60: {  	_ =	shalt  }
0x61: {  	_ =	shalt  }
0x62: {  	_ =	shalt  }
0x63: {  	_ =	shalt  }
0x64: {  	_ =	shalt  }
0x65: {  	_ =	shalt  }
0x66: {  	_ =	shalt  }
0x67: {  	_ =	shalt  }
0x68: {  	_ =	shalt  }
0x69: {  	_ =	shalt  }
0x6a: {  	_ =	shalt  }
0x6b: {  	_ =	shalt  }
0x6c: {  	_ =	shalt  }
0x6d: {  	_ =	shalt  }
0x6e: {  	_ =	shalt  }
0x6f: {  	_ =	shalt  }
0x70: {  	_ =	shalt  }
0x71: {  	_ =	shalt  }
0x72: {  	_ =	shalt  }
0x73: {  	_ =	shalt  }
0x74: {  	_ =	shalt  }
0x75: {  	_ =	shalt  }
0x76: {  	_ =	shalt  }
0x77: {  	_ =	shalt  }
0x78: {  	_ =	shalt  }
0x79: {  	_ =	shalt  }
0x7a: {  	_ =	shalt  }
0x7b: {  	_ =	shalt  }
0x7c: {  	_ =	shalt  }
0x7d: {  	_ =	shalt  }
0x7e: {  	_ =	shalt  }
0x7f: {  	_ =	shalt  }
0x80: {  	_ =	shalt  }
0x81: {  	_ =	shalt  }
0x82: {  	_ =	shalt  }
0x83: {  	_ =	shalt  }
0x84: {  	_ =	shalt  }
0x85: {  	_ =	shalt  }
0x86: {  	_ =	shalt  }
0x87: {  	_ =	shalt  }
.Lfunc_end0:
.L_simem_size_0:
called_computation_lowered:
.L_overlay_start_0:
0x88: {  	s2 =	sld [smem:$0x3FD9]  }
0x89: {  	s3 =	sld [smem:$0x3FFE];
	_ =	sdelay $0x1  }
0x8a: {  	s1 =	srdreg.scid  }
0x8b: {  	s0 =	sand.u32 $0x1, s1  }
0x8c: {  	s17 =	sshll.u32 s0, $0xA;
	s2 =	sadd.s32 s3, s2  }
0x8d: {  	s2 =	sadd.s32 s2, s17  }
0x8e: {  	[smem:$0x3FC4] =	sst s2  }
0x8f: {  	_ = 	snop  }
0x90: {  	s2 =	sld [smem:$0x3FC7]  }
0x91: {  	s18 =	sld [smem:$0x3FD0];
	(tm) =	ssettm $0x1  }
0x92: {  	s4 =	sld [smem:$0x3FFB];
	_ =	sdelay $0x3  }
0x93: {  	_ =	strace s4  }
0x94: {  	s4 =	sld [smem:$0x3FFC];
	_ =	sdelay $0x3  }
0x95: {  	_ =	strace s4  }
0x96: {  	s4 =	sld [smem:$0x3FFD];
	_ =	sdelay $0x3  }
0x97: {  	_ =	strace s4  }
0x98: {  	_ =	strace $0x8FFFFFFF  }
0x99: {  	s19 =	sld [smem:$0x3FDB];
	_ =	sdelay $0x1  }
0x9a: {  	s5 =	simm.s32 $_scs_section_size  }
0x9b: {  	s6 =	simm.s32 $_size__tile_overlayer_lowered;
	s7 =	simm.s32 $_tile_overlayer_lowered  }
0x9c: {  	s22 =	simm.s32 $0x1BFF;
	s21 =	sshll.u32 s7, $0x1;
	s4 =	sadd.s32 s5, s19  }
0x9d: {  	s8 =	simm.s32 $0x0;
	s20 =	sshll.u32 s6, $0x1;
	s6 =	sadd.s32 s21, s4  }
0x9e: {  	[timem:s8], [sflag:s22] =	dma.local [hbm:s6], s20  }
0x9f: {  	_ =	swait.ge [sflag:s22], s20  }
0xa0: {  	s5 =	ssub.s32 $0x0, s20;
	[sflag:s22] =	ssyncset.done $0x0  }
0xa1: {  	[sflag:s22] =	ssyncadd.s32 s5;
	_ =	sdelay $0x1  }
0xa2: {  	s23 =	simm.s32 $0x1B8B  }
0xa3: {  	_ =	swait.ge [sflag:s23], $0x1  }
0xa4: {  	[sflag:s23] =	ssyncset.done $0x0  }
0xa5: {  	s25 =	simm.s32 $0x1B8E;
	s24 =	sld [smem:$0x3FFE];
	[sflag:s23] =	ssyncadd.s32 $0xFFFFFFFF  }
0xa6: {  	s26 =	simm.s32 $execute0_lowered;
	[smem:$0x3FD2] =	sst s25  }
0xa7: {  	s6 =	sshll.u32 s26, $0x1;
	_ =	strace $0x80000046;
	[dreg:$0x1] =	wrdreg $0xFFFFFFFF  }
0xa8: {  	s28 =	simm.s32 $_size_execute0_lowered;
	s4 =	sadd.s32 s4, s6;
	[dreg:$0x0] =	wrdreg $0x0  }
0xa9: {  	s6 =	sshll.u32 s28, $0x1;
	[dreg:$0x2] =	wrdreg s4  }
0xaa: {  	[dreg:$0x3] =	wrdreg s6  }
0xab: {  	[dreg:$0x4] =	wrdreg $0xC0  }
0xac: {  	_ =	task [dreg:s8], $0x5FFFF  }
0xad: {  	[dreg:$0x1] =	wrdreg $0xFFFFFFFF  }
0xae: {  	[dreg:$0x0] =	wrdreg $0x60  }
0xaf: {  	[dreg:$0x2] =	wrdreg s24  }
0xb0: {  	[dreg:$0x3] =	wrdreg s2  }
0xb1: {  	[dreg:$0x4] =	wrdreg s18  }
0xb2: {  	[dreg:$0x5] =	wrdreg $0x9  }
0xb3: {  	_ =	task.clear_ibuf [dreg:s8], $0x6FFFF;
	_ =	strace $0x90000046  }
0xb4: {  	s29 =	simm.s32 $0x9;
	_ =	strace $0x80000048  }
0xb5: {  	_ =	swait.ge [sflag:s29], $0x1  }
0xb6: {  	[sflag:s29] =	ssyncadd.s32 $0xFFFFFFFF  }
0xb7: {  	_ =	strace $0x90000048  }
0xb8: {  	_ =	sfence  }
0xb9: {  	s30 =	sld [smem:$0x0];
	_ =	sdelay $0x2  }
0xba: {  	s31 =	sshll.u32 s1, $0xD;
	s1 =	sshrl.u32 s1, $0x2  }
0xbb: {  	s3 =	sand.u32 $0x4000, s31;
	s1 =	sadd.s32 s1, s30  }
0xbc: {  	s0 =	sor.u32 s3, s0;
	s1 =	sshll.u32 s1, $0x11  }
0xbd: {  	s0 =	sor.u32 s1, s0  }
0xbe: {  	s0 =	sadd.s32 $0x8F2B, s0  }
0xbf: {  	[sflag:s0] =	ssyncadd.remote.s32 $0x1  }
0xc0: {  	_ =	sfence.sel $0xFFFF  }
0xc1: {  	[dreg:$0x0] =	wrdreg $0xFFFFFFFF;
	(pc) =	sbr.abs _section_cstart, $3  }
0xc2: {  	[dreg:$0x1] =	wrdreg $0xFFFFFFFF  }
0xc3: {  	_ =	task.clear_ibuf [dreg:s8], $0x2FFFF;
	_ =	strace $0x9FFFFFFF  }
0xc4: {  	(tm) =	ssettm $0x7FFFFFFF  }
0xc5: {  	_ =	shalt  }
tec
execute0_lowered:
.L_overlay_start_1:
0x0: {  	(tag) =	ssettag $0x1  }
0x1: {  	s1 =	rddreg [dreg:$0x0]  }
0x2: {  	s7 =	rddreg [dreg:$0x1];
	s2 =	srdreg.scid  }
0x3: {  	s0 =	stileid.u32;
	s8 =	rddreg [dreg:$0x2];
	s3 =	simm.s32 $0x0  }
0x4: {  	s11 =	simm.s32 $0x2710;
	s12 =	simm.s32 $0x4E20;
	s13 =	simm.s32 $0x50  }
0x5: {  	s14 =	simm.s32 $0x7530;
	s15 =	simm.s32 $0x8930;
	s16 =	simm.s32 $0x9D30  }
0x6: {  	s17 =	simm.s32 $0x1;
	s18 =	simm.s32 $0x2;
	s19 =	simm.s32 $0x3  }
0x7: {  	s20 =	simm.s32 $0x4;
	s4 =	sand.u32 $0x1, s2;
	s5 =	sshll.u32 s0, $0x1  }
0x8: {  	s21 =	simm.s32 $0x5;
	s22 =	simm.s32 $0x6;
	s5 =	sor.u32 s4, s5  }
0x9: {  	s23 =	simm.s32 $0xED30;
	s24 =	simm.s32 $0x0;
	s9 =	smul.u32 $0x4E2, s5  }
.Ltmp0:
0xa: {  	[smem:$0x7FF] =	sst s3;
	s31 =	ssub.s32 $0x2, s4;
	(pc) =	sbr.rel .LBB2_1-.Ltmp0, $4  }
0xb: {  	s2 =	rddreg [dreg:$0x3];
	_ =	strace $0x80000047;
	s10 =	sshrl.u32 s31, $0x1  }
0xc: {  	s4 =	sadd.s32 $0x27600, s1;
	s10 =	ssub.s32 s31, s10;
	s6 =	sadd.s32 s9, s1  }
0xd: {  	s7 =	sadd.s32 s7, s9;
	s8 =	sadd.s32 s8, s9;
	s9 =	smax.u32 s10, $0x1  }
0xe: {  	vm0 =	vcmask $0x3F3C;
	s10 =	simm.s32 $0x7;
	s5 =	sadd.s32 $0x1D800, s6;
	s6 =	sadd.s32 $0x13A00, s6  }
.LBB2_8:
0xf: {  	s24 =	sadd.s32 $0x1, s24  }
0x10: {  	p0 =	sne.s32 s24, s9  }
.Ltmp1:
0x11: {  	_ = 	snop;
	(pc) =	sbr.rel @!p0 .LBB2_9-.Ltmp1, $4  }
0x12: {  	[hbm4b:s8+s3] =	stream.linear.scatter [tilespmem:s23], [sflag:$0x7], $0x2710, $0x38;
	[tilespmem:$0x11450] =	vst v63  }
0x13: {  	_ =	swait.ge [sflag:s10], $0x2710  }
0x14: {  	[sflag:s10] =	ssyncset.done $0x0  }
0x15: {  	[sflag:s10] =	ssyncadd.s32 $0xFFFFD8F0  }
.LBB2_1:
0x16: {  	[tilespmem:s3], [sflag:$0x7] =	stream.linear.gather [hbm4b:s5+s3], $0x2710, $0x38;
	[tilespmem:$0x11450] =	vst v63  }
0x17: {  	_ =	swait.ge [sflag:s10], $0x2710  }
0x18: {  	[sflag:s10] =	ssyncset.done $0x0  }
0x19: {  	[sflag:s10] =	ssyncadd.s32 $0xFFFFD8F0  }
0x1a: {  	[tilespmem:s11], [sflag:$0x7] =	stream.linear.gather [hbm4b:s6+s3], $0x2710, $0x38;
	[tilespmem:$0x11450] =	vst v63  }
0x1b: {  	_ =	swait.ge [sflag:s10], $0x2710  }
0x1c: {  	[sflag:s10] =	ssyncset.done $0x0  }
0x1d: {  	[sflag:s10] =	ssyncadd.s32 $0xFFFFD8F0  }
0x1e: {  	[tilespmem:s12], [sflag:$0x7] =	stream.linear.gather [hbm4b:s7+s3], $0x2710, $0x38;
	[tilespmem:$0x11450] =	vst v63  }
0x1f: {  	_ =	swait.ge [sflag:s10], $0x2710  }
0x20: {  	[sflag:s10] =	ssyncset.done $0x0  }
0x21: {  	[sflag:s10] =	ssyncadd.s32 $0xFFFFD8F0  }
0x22: {  	[tilespmem:s14], [sflag:$0x1] =	stream.indirect.gather [hbm4b:s1+s13], $0x40, s3, s13, $0xb8;
	[tilespmem:$0x11450] =	vst v63  }
.Ltmp2:
0x23: {  	_ = 	snop;
	(pc) =	sbr.rel .LBB2_2-.Ltmp2, $4  }
0x24: {  	_ = 	snop  }
0x25: {  	[tilespmem:s15], [sflag:$0x2] =	stream.indirect.gather [hbm4b:s1+s13], $0x40, s11, s13, $0xb8;
	[tilespmem:$0x11450] =	vst v63  }
0x26: {  	s25 =	simm.s32 $0x0  }
0x27: {  	[tilespmem:s16], [sflag:$0x3] =	stream.indirect.gather [hbm4b:s4+s13], $0x40, s12, s13, $0xb8;
	[tilespmem:$0x11450] =	vst v63  }
.LBB2_7:
0x28: {  	s25 =	sadd.s32 $0x1, s25  }
0x29: {  	p0 =	sne.s32 s25, $0x3F  }
.Ltmp3:
0x2a: {  	_ = 	snop;
	(pc) =	sbr.rel @!p0 .LBB2_8-.Ltmp3, $1  }
0x2b: {  	_ =	sdelay $0x3  }
.LBB2_2:
0x2c: {  	s26 =	sshllo.u32 s25, $0x1  }
0x2d: {  	p0 =	sgt.u32 s26, $0x7C  }
0x2e: {  	s28 =	smul.u32 @!p0 $0x50, s26  }
0x2f: {  	s29 =	simm.s32 @!p0 $0x50;
	s30 =	simm.s32 @!p0 $0xB130  }
0x30: {  	[tilespmem:s30], [sflag:$0x4] =	stream.indirect.gather @!p0 [hbm4b:s1+s29], $0x40, s28, s29, $0xb8;
	[tilespmem:$0x11450] =	vst v63  }
0x31: {  	s31 =	simm.s32 @!p0 $0xC530;
	s30 =	sadd.s32 @!p0 $0x2710, s28  }
0x32: {  	[tilespmem:s31], [sflag:$0x5] =	stream.indirect.gather @!p0 [hbm4b:s1+s29], $0x40, s30, s29, $0xb8;
	[tilespmem:$0x11450] =	vst v63  }
0x33: {  	s28 =	sadd.s32 @!p0 $0x4E20, s28;
	s30 =	simm.s32 @!p0 $0xD930  }
0x34: {  	[tilespmem:s30], [sflag:$0x6] =	stream.indirect.gather @!p0 [hbm4b:s4+s29], $0x40, s28, s29, $0xb8;
	[tilespmem:$0x11450] =	vst v63  }
0x35: {  	_ =	swait.ge [sflag:s17], $0x1400  }
0x36: {  	[sflag:s17] =	ssyncset.done $0x0  }
0x37: {  	[sflag:s17] =	ssyncadd.s32 $0xFFFFEC00  }
0x38: {  	_ =	swait.ge [sflag:s18], $0x1400  }
0x39: {  	s28 =	smul.u32 $0x280, s25;
	[sflag:s18] =	ssyncset.done $0x0  }
0x3a: {  	[sflag:s18] =	ssyncadd.s32 $0xFFFFEC00  }
0x3b: {  	s28 =	sshra.s32 s28, $0x2;
	_ =	swait.ge [sflag:s19], $0x1400  }
0x3c: {  	s31 =	sadd.s32 $0xED30, s28;
	[sflag:s19] =	ssyncset.done $0x0  }
0x3d: {  	s28 =	simm.s32 $0x0;
	v0 =	vmov s31;
	[sflag:s19] =	ssyncadd.s32 $0xFFFFEC00  }
.LBB2_3:
0x3e: {  	s29 =	sshll.u32 s28, $0xA  }
0x3f: {  	v1 =	vld [tilespmem:s29+$0x7530]  }
0x40: {  	v2 =	vld [tilespmem:s29+$0x8930]  }
0x41: {  	v3 =	vld [tilespmem:s29+$0x9D30]  }
0x42: {  	v4 =	vld [tilespmem:s29+$0x7540]  }
0x43: {  	v5 =	vld [tilespmem:s29+$0x8940]  }
0x44: {  	v6 =	vld [tilespmem:s29+$0x9D40]  }
0x45: {  	v7 =	vld [tilespmem:s29+$0x7550]  }
0x46: {  	v8 =	vld [tilespmem:s29+$0x8950]  }
0x47: {  	v9 =	vld [tilespmem:s29+$0x9D50]  }
0x48: {  	v10 =	vld [tilespmem:s29+$0x7560]  }
0x49: {  	v36 =	vld [tilespmem:s29+$0x8960]  }
0x4a: {  	v1 =	vmul.bf16 v2, v1  }
0x4b: {  	v2 =	vmul.bf16 v5, v4  }
0x4c: {  	v37 =	vmul.bf16 v8, v7;
	v1 =	vmul.bf16 v3, v1;
	v3 =	vld [tilespmem:s29+$0x9D60]  }
0x4d: {  	v2 =	vmul.bf16 v6, v2  }
0x4e: {  	v4 =	vmul.bf16 v36, v10;
	v5 =	vmul.bf16 v9, v37;
	v38 =	vand.u32 $0xFFFF0000, v1  }
0x4f: {  	v1 =	vshll.u32 v1, $0x10;
	v39 =	vand.u32 $0xFFFF0000, v2;
	v2 =	vshll.u32 v2, $0x10  }
0x50: {  	v1 =	vadd.f32 v2, v1;
	v2 =	vadd.f32 v39, v38  }
0x51: {  	v40 =	vand.u32 $0xFFFF0000, v5;
	v5 =	vshll.u32 v5, $0x10;
	v3 =	vmul.bf16 v3, v4  }
0x52: {  	v1 =	vadd.f32 v5, v1;
	v2 =	vadd.f32 v40, v2  }
0x53: {  	v4 =	vand.u32 $0xFFFF0000, v3;
	v3 =	vshll.u32 v3, $0x10  }
0x54: {  	v1 =	vadd.f32 v3, v1;
	v2 =	vadd.f32 v4, v2;
	_ =	sdelay $0x1  }
0x55: {  	v1 =	vadd.f32 v2, v1;
	_ =	sdelay $0x1  }
0x56: {  	(xrf2) =	vadd.scan.msk.f32 $0xffff, v1;
	_ =	sdelay $0x8  }
0x57: {  	s29 =	sshll.u32 s28, $0x4  }
0x58: {  	s30 =	sor.u32 $0x1, s29;
	v1, _, _ =	vpop (xrf2)  }
0x59: {  	s31 =	sshll.u32 s30, $0x6;
	[tilespmem:v0+s29+$0x0 ss:$0x1] =	vst.idx.msk vm0, v1  }
0x5a: {  	v1 =	vld [tilespmem:s31+$0x7530]  }
0x5b: {  	v2 =	vld [tilespmem:s31+$0x8930]  }
0x5c: {  	v3 =	vld [tilespmem:s31+$0x9D30]  }
0x5d: {  	v41 =	vld [tilespmem:s31+$0x7540]  }
0x5e: {  	v42 =	vld [tilespmem:s31+$0x8940]  }
0x5f: {  	v43 =	vld [tilespmem:s31+$0x9D40]  }
0x60: {  	v44 =	vld [tilespmem:s31+$0x7550]  }
0x61: {  	v45 =	vld [tilespmem:s31+$0x8950]  }
0x62: {  	v46 =	vld [tilespmem:s31+$0x9D50]  }
0x63: {  	v47 =	vld [tilespmem:s31+$0x7560]  }
0x64: {  	v48 =	vld [tilespmem:s31+$0x8960]  }
0x65: {  	v1 =	vmul.bf16 v2, v1  }
0x66: {  	v2 =	vmul.bf16 v42, v41  }
0x67: {  	v49 =	vmul.bf16 v45, v44;
	v1 =	vmul.bf16 v3, v1;
	v3 =	vld [tilespmem:s31+$0x9D60]  }
0x68: {  	v2 =	vmul.bf16 v43, v2  }
0x69: {  	v4 =	vmul.bf16 v48, v47;
	v5 =	vmul.bf16 v46, v49;
	v50 =	vand.u32 $0xFFFF0000, v1  }
0x6a: {  	v1 =	vshll.u32 v1, $0x10;
	v51 =	vand.u32 $0xFFFF0000, v2;
	v2 =	vshll.u32 v2, $0x10  }
0x6b: {  	v1 =	vadd.f32 v2, v1;
	v2 =	vadd.f32 v51, v50  }
0x6c: {  	v52 =	vand.u32 $0xFFFF0000, v5;
	v5 =	vshll.u32 v5, $0x10;
	v3 =	vmul.bf16 v3, v4  }
0x6d: {  	v1 =	vadd.f32 v5, v1;
	v2 =	vadd.f32 v52, v2  }
0x6e: {  	v4 =	vand.u32 $0xFFFF0000, v3;
	v3 =	vshll.u32 v3, $0x10  }
0x6f: {  	v1 =	vadd.f32 v3, v1;
	v2 =	vadd.f32 v4, v2;
	_ =	sdelay $0x1  }
0x70: {  	v1 =	vadd.f32 v2, v1;
	_ =	sdelay $0x1  }
0x71: {  	(xrf2) =	vadd.scan.msk.f32 $0xffff, v1;
	_ =	sdelay $0x9  }
0x72: {  	s31 =	sor.u32 $0x2, s29;
	v1, _, _ =	vpop (xrf2)  }
0x73: {  	[tilespmem:v0+s30+$0x0 ss:$0x1] =	vst.idx.msk vm0, v1;
	s30 =	sshll.u32 s31, $0x6  }
0x74: {  	v1 =	vld [tilespmem:s30+$0x7530]  }
0x75: {  	v2 =	vld [tilespmem:s30+$0x8930]  }
0x76: {  	v3 =	vld [tilespmem:s30+$0x9D30]  }
0x77: {  	v53 =	vld [tilespmem:s30+$0x7540]  }
0x78: {  	v54 =	vld [tilespmem:s30+$0x8940]  }
0x79: {  	v55 =	vld [tilespmem:s30+$0x9D40]  }
0x7a: {  	v56 =	vld [tilespmem:s30+$0x7550]  }
0x7b: {  	v57 =	vld [tilespmem:s30+$0x8950]  }
0x7c: {  	v58 =	vld [tilespmem:s30+$0x9D50]  }
0x7d: {  	v59 =	vld [tilespmem:s30+$0x7560]  }
0x7e: {  	v60 =	vld [tilespmem:s30+$0x8960]  }
0x7f: {  	v1 =	vmul.bf16 v2, v1  }
0x80: {  	v2 =	vmul.bf16 v54, v53  }
0x81: {  	v61 =	vmul.bf16 v57, v56;
	v1 =	vmul.bf16 v3, v1;
	v3 =	vld [tilespmem:s30+$0x9D60]  }
0x82: {  	v2 =	vmul.bf16 v55, v2  }
0x83: {  	v4 =	vmul.bf16 v60, v59;
	v5 =	vmul.bf16 v58, v61;
	v62 =	vand.u32 $0xFFFF0000, v1  }
0x84: {  	v1 =	vshll.u32 v1, $0x10;
	v63 =	vand.u32 $0xFFFF0000, v2;
	v2 =	vshll.u32 v2, $0x10  }
0x85: {  	v1 =	vadd.f32 v2, v1;
	v2 =	vadd.f32 v63, v62  }
0x86: {  	v11 =	vand.u32 $0xFFFF0000, v5;
	v5 =	vshll.u32 v5, $0x10;
	v3 =	vmul.bf16 v3, v4  }
0x87: {  	v1 =	vadd.f32 v5, v1;
	v2 =	vadd.f32 v11, v2  }
0x88: {  	v4 =	vand.u32 $0xFFFF0000, v3;
	v3 =	vshll.u32 v3, $0x10  }
0x89: {  	v1 =	vadd.f32 v3, v1;
	v2 =	vadd.f32 v4, v2;
	_ =	sdelay $0x1  }
0x8a: {  	v1 =	vadd.f32 v2, v1;
	_ =	sdelay $0x1  }
0x8b: {  	(xrf2) =	vadd.scan.msk.f32 $0xffff, v1;
	_ =	sdelay $0x9  }
0x8c: {  	s30 =	sor.u32 $0x3, s29;
	v1, _, _ =	vpop (xrf2)  }
0x8d: {  	[tilespmem:v0+s31+$0x0 ss:$0x1] =	vst.idx.msk vm0, v1;
	s31 =	sshll.u32 s30, $0x6  }
0x8e: {  	v1 =	vld [tilespmem:s31+$0x7530]  }
0x8f: {  	v2 =	vld [tilespmem:s31+$0x8930]  }
0x90: {  	v3 =	vld [tilespmem:s31+$0x9D30]  }
0x91: {  	v12 =	vld [tilespmem:s31+$0x7540]  }
0x92: {  	v13 =	vld [tilespmem:s31+$0x8940]  }
0x93: {  	v14 =	vld [tilespmem:s31+$0x9D40]  }
0x94: {  	v15 =	vld [tilespmem:s31+$0x7550]  }
0x95: {  	v16 =	vld [tilespmem:s31+$0x8950]  }
0x96: {  	v17 =	vld [tilespmem:s31+$0x9D50]  }
0x97: {  	v18 =	vld [tilespmem:s31+$0x7560]  }
0x98: {  	v19 =	vld [tilespmem:s31+$0x8960]  }
0x99: {  	v1 =	vmul.bf16 v2, v1  }
0x9a: {  	v2 =	vmul.bf16 v13, v12  }
0x9b: {  	v20 =	vmul.bf16 v16, v15;
	v1 =	vmul.bf16 v3, v1;
	v3 =	vld [tilespmem:s31+$0x9D60]  }
0x9c: {  	v2 =	vmul.bf16 v14, v2  }
0x9d: {  	v4 =	vmul.bf16 v19, v18;
	v5 =	vmul.bf16 v17, v20;
	v21 =	vand.u32 $0xFFFF0000, v1  }
0x9e: {  	v1 =	vshll.u32 v1, $0x10;
	v22 =	vand.u32 $0xFFFF0000, v2;
	v2 =	vshll.u32 v2, $0x10  }
0x9f: {  	v1 =	vadd.f32 v2, v1;
	v2 =	vadd.f32 v22, v21  }
0xa0: {  	v23 =	vand.u32 $0xFFFF0000, v5;
	v5 =	vshll.u32 v5, $0x10;
	v3 =	vmul.bf16 v3, v4  }
0xa1: {  	v1 =	vadd.f32 v5, v1;
	v2 =	vadd.f32 v23, v2  }
0xa2: {  	v4 =	vand.u32 $0xFFFF0000, v3;
	v3 =	vshll.u32 v3, $0x10  }
0xa3: {  	v1 =	vadd.f32 v3, v1;
	v2 =	vadd.f32 v4, v2;
	_ =	sdelay $0x1  }
0xa4: {  	v1 =	vadd.f32 v2, v1;
	_ =	sdelay $0x1  }
0xa5: {  	(xrf2) =	vadd.scan.msk.f32 $0xffff, v1;
	_ =	sdelay $0x9  }
0xa6: {  	s31 =	sor.u32 $0x4, s29;
	v1, _, _ =	vpop (xrf2)  }
0xa7: {  	[tilespmem:v0+s30+$0x0 ss:$0x1] =	vst.idx.msk vm0, v1;
	s30 =	sshll.u32 s31, $0x6  }
0xa8: {  	v1 =	vld [tilespmem:s30+$0x7530]  }
0xa9: {  	v2 =	vld [tilespmem:s30+$0x8930]  }
0xaa: {  	v3 =	vld [tilespmem:s30+$0x9D30]  }
0xab: {  	v24 =	vld [tilespmem:s30+$0x7540]  }
0xac: {  	v25 =	vld [tilespmem:s30+$0x8940]  }
0xad: {  	v26 =	vld [tilespmem:s30+$0x9D40]  }
0xae: {  	v27 =	vld [tilespmem:s30+$0x7550]  }
0xaf: {  	v28 =	vld [tilespmem:s30+$0x8950]  }
0xb0: {  	v29 =	vld [tilespmem:s30+$0x9D50]  }
0xb1: {  	v30 =	vld [tilespmem:s30+$0x7560]  }
0xb2: {  	v31 =	vld [tilespmem:s30+$0x8960]  }
0xb3: {  	v1 =	vmul.bf16 v2, v1  }
0xb4: {  	v2 =	vmul.bf16 v25, v24  }
0xb5: {  	v32 =	vmul.bf16 v28, v27;
	v1 =	vmul.bf16 v3, v1;
	v3 =	vld [tilespmem:s30+$0x9D60]  }
0xb6: {  	v2 =	vmul.bf16 v26, v2  }
0xb7: {  	v4 =	vmul.bf16 v31, v30;
	v5 =	vmul.bf16 v29, v32;
	v33 =	vand.u32 $0xFFFF0000, v1  }
0xb8: {  	v1 =	vshll.u32 v1, $0x10;
	v34 =	vand.u32 $0xFFFF0000, v2;
	v2 =	vshll.u32 v2, $0x10  }
0xb9: {  	v1 =	vadd.f32 v2, v1;
	v2 =	vadd.f32 v34, v33  }
0xba: {  	v35 =	vand.u32 $0xFFFF0000, v5;
	v5 =	vshll.u32 v5, $0x10;
	v3 =	vmul.bf16 v3, v4  }
0xbb: {  	v1 =	vadd.f32 v5, v1;
	v2 =	vadd.f32 v35, v2  }
0xbc: {  	v4 =	vand.u32 $0xFFFF0000, v3;
	v3 =	vshll.u32 v3, $0x10  }
0xbd: {  	v1 =	vadd.f32 v3, v1;
	v2 =	vadd.f32 v4, v2;
	_ =	sdelay $0x1  }
0xbe: {  	v1 =	vadd.f32 v2, v1;
	_ =	sdelay $0x1  }
0xbf: {  	(xrf2) =	vadd.scan.msk.f32 $0xffff, v1;
	_ =	sdelay $0x9  }
0xc0: {  	s30 =	sor.u32 $0x5, s29;
	v1, _, _ =	vpop (xrf2)  }
0xc1: {  	[tilespmem:v0+s31+$0x0 ss:$0x1] =	vst.idx.msk vm0, v1;
	s31 =	sshll.u32 s30, $0x6  }
0xc2: {  	v1 =	vld [tilespmem:s31+$0x7530]  }
0xc3: {  	v2 =	vld [tilespmem:s31+$0x8930]  }
0xc4: {  	v3 =	vld [tilespmem:s31+$0x9D30]  }
0xc5: {  	v36 =	vld [tilespmem:s31+$0x7540]  }
0xc6: {  	v37 =	vld [tilespmem:s31+$0x8940]  }
0xc7: {  	v38 =	vld [tilespmem:s31+$0x9D40]  }
0xc8: {  	v39 =	vld [tilespmem:s31+$0x7550]  }
0xc9: {  	v40 =	vld [tilespmem:s31+$0x8950]  }
0xca: {  	v41 =	vld [tilespmem:s31+$0x9D50]  }
0xcb: {  	v42 =	vld [tilespmem:s31+$0x7560]  }
0xcc: {  	v43 =	vld [tilespmem:s31+$0x8960]  }
0xcd: {  	v1 =	vmul.bf16 v2, v1  }
0xce: {  	v2 =	vmul.bf16 v37, v36  }
0xcf: {  	v44 =	vmul.bf16 v40, v39;
	v1 =	vmul.bf16 v3, v1;
	v3 =	vld [tilespmem:s31+$0x9D60]  }
0xd0: {  	v2 =	vmul.bf16 v38, v2  }
0xd1: {  	v4 =	vmul.bf16 v43, v42;
	v5 =	vmul.bf16 v41, v44;
	v45 =	vand.u32 $0xFFFF0000, v1  }
0xd2: {  	v1 =	vshll.u32 v1, $0x10;
	v46 =	vand.u32 $0xFFFF0000, v2;
	v2 =	vshll.u32 v2, $0x10  }
0xd3: {  	v1 =	vadd.f32 v2, v1;
	v2 =	vadd.f32 v46, v45  }
0xd4: {  	v47 =	vand.u32 $0xFFFF0000, v5;
	v5 =	vshll.u32 v5, $0x10;
	v3 =	vmul.bf16 v3, v4  }
0xd5: {  	v1 =	vadd.f32 v5, v1;
	v2 =	vadd.f32 v47, v2  }
0xd6: {  	v4 =	vand.u32 $0xFFFF0000, v3;
	v3 =	vshll.u32 v3, $0x10  }
0xd7: {  	v1 =	vadd.f32 v3, v1;
	v2 =	vadd.f32 v4, v2;
	_ =	sdelay $0x1  }
0xd8: {  	v1 =	vadd.f32 v2, v1;
	_ =	sdelay $0x1  }
0xd9: {  	(xrf2) =	vadd.scan.msk.f32 $0xffff, v1;
	_ =	sdelay $0x9  }
0xda: {  	s31 =	sor.u32 $0x6, s29;
	v1, _, _ =	vpop (xrf2)  }
0xdb: {  	[tilespmem:v0+s30+$0x0 ss:$0x1] =	vst.idx.msk vm0, v1;
	s30 =	sshll.u32 s31, $0x6  }
0xdc: {  	v1 =	vld [tilespmem:s30+$0x7530]  }
0xdd: {  	v2 =	vld [tilespmem:s30+$0x8930]  }
0xde: {  	v3 =	vld [tilespmem:s30+$0x9D30]  }
0xdf: {  	v48 =	vld [tilespmem:s30+$0x7540]  }
0xe0: {  	v49 =	vld [tilespmem:s30+$0x8940]  }
0xe1: {  	v50 =	vld [tilespmem:s30+$0x9D40]  }
0xe2: {  	v51 =	vld [tilespmem:s30+$0x7550]  }
0xe3: {  	v52 =	vld [tilespmem:s30+$0x8950]  }
0xe4: {  	v53 =	vld [tilespmem:s30+$0x9D50]  }
0xe5: {  	v54 =	vld [tilespmem:s30+$0x7560]  }
0xe6: {  	v55 =	vld [tilespmem:s30+$0x8960]  }
0xe7: {  	v1 =	vmul.bf16 v2, v1  }
0xe8: {  	v2 =	vmul.bf16 v49, v48  }
0xe9: {  	v56 =	vmul.bf16 v52, v51;
	v1 =	vmul.bf16 v3, v1;
	v3 =	vld [tilespmem:s30+$0x9D60]  }
0xea: {  	v2 =	vmul.bf16 v50, v2  }
0xeb: {  	v4 =	vmul.bf16 v55, v54;
	v5 =	vmul.bf16 v53, v56;
	v57 =	vand.u32 $0xFFFF0000, v1  }
0xec: {  	v1 =	vshll.u32 v1, $0x10;
	v58 =	vand.u32 $0xFFFF0000, v2;
	v2 =	vshll.u32 v2, $0x10  }
0xed: {  	v1 =	vadd.f32 v2, v1;
	v2 =	vadd.f32 v58, v57  }
0xee: {  	v59 =	vand.u32 $0xFFFF0000, v5;
	v5 =	vshll.u32 v5, $0x10;
	v3 =	vmul.bf16 v3, v4  }
0xef: {  	v1 =	vadd.f32 v5, v1;
	v2 =	vadd.f32 v59, v2  }
0xf0: {  	v4 =	vand.u32 $0xFFFF0000, v3;
	v3 =	vshll.u32 v3, $0x10  }
0xf1: {  	v1 =	vadd.f32 v3, v1;
	v2 =	vadd.f32 v4, v2;
	_ =	sdelay $0x1  }
0xf2: {  	v1 =	vadd.f32 v2, v1;
	_ =	sdelay $0x1  }
0xf3: {  	(xrf2) =	vadd.scan.msk.f32 $0xffff, v1;
	_ =	sdelay $0x9  }
0xf4: {  	s30 =	sor.u32 $0x7, s29;
	v1, _, _ =	vpop (xrf2)  }
0xf5: {  	[tilespmem:v0+s31+$0x0 ss:$0x1] =	vst.idx.msk vm0, v1;
	s31 =	sshll.u32 s30, $0x6  }
0xf6: {  	v1 =	vld [tilespmem:s31+$0x7530]  }
0xf7: {  	v2 =	vld [tilespmem:s31+$0x8930]  }
0xf8: {  	v3 =	vld [tilespmem:s31+$0x9D30]  }
0xf9: {  	v60 =	vld [tilespmem:s31+$0x7540]  }
0xfa: {  	v61 =	vld [tilespmem:s31+$0x8940]  }
0xfb: {  	v62 =	vld [tilespmem:s31+$0x9D40]  }
0xfc: {  	v63 =	vld [tilespmem:s31+$0x7550]  }
0xfd: {  	v12 =	vld [tilespmem:s31+$0x8950]  }
0xfe: {  	v13 =	vld [tilespmem:s31+$0x9D50]  }
0xff: {  	v14 =	vld [tilespmem:s31+$0x7560]  }
0x100: {  	v15 =	vld [tilespmem:s31+$0x8960]  }
0x101: {  	v1 =	vmul.bf16 v2, v1  }
0x102: {  	v2 =	vmul.bf16 v61, v60  }
0x103: {  	v16 =	vmul.bf16 v12, v63;
	v1 =	vmul.bf16 v3, v1;
	v3 =	vld [tilespmem:s31+$0x9D60]  }
0x104: {  	v2 =	vmul.bf16 v62, v2  }
0x105: {  	v4 =	vmul.bf16 v15, v14;
	v5 =	vmul.bf16 v13, v16;
	v17 =	vand.u32 $0xFFFF0000, v1  }
0x106: {  	v1 =	vshll.u32 v1, $0x10;
	v18 =	vand.u32 $0xFFFF0000, v2;
	v2 =	vshll.u32 v2, $0x10  }
0x107: {  	v1 =	vadd.f32 v2, v1;
	v2 =	vadd.f32 v18, v17  }
0x108: {  	v19 =	vand.u32 $0xFFFF0000, v5;
	v5 =	vshll.u32 v5, $0x10;
	v3 =	vmul.bf16 v3, v4  }
0x109: {  	v1 =	vadd.f32 v5, v1;
	v2 =	vadd.f32 v19, v2  }
0x10a: {  	v4 =	vand.u32 $0xFFFF0000, v3;
	v3 =	vshll.u32 v3, $0x10  }
0x10b: {  	v1 =	vadd.f32 v3, v1;
	v2 =	vadd.f32 v4, v2;
	_ =	sdelay $0x1  }
0x10c: {  	v1 =	vadd.f32 v2, v1;
	_ =	sdelay $0x1  }
0x10d: {  	(xrf2) =	vadd.scan.msk.f32 $0xffff, v1;
	_ =	sdelay $0x9  }
0x10e: {  	s31 =	sor.u32 $0x8, s29;
	v1, _, _ =	vpop (xrf2)  }
0x10f: {  	[tilespmem:v0+s30+$0x0 ss:$0x1] =	vst.idx.msk vm0, v1;
	s30 =	sshll.u32 s31, $0x6  }
0x110: {  	v1 =	vld [tilespmem:s30+$0x7530]  }
0x111: {  	v2 =	vld [tilespmem:s30+$0x8930]  }
0x112: {  	v3 =	vld [tilespmem:s30+$0x9D30]  }
0x113: {  	v20 =	vld [tilespmem:s30+$0x7540]  }
0x114: {  	v21 =	vld [tilespmem:s30+$0x8940]  }
0x115: {  	v22 =	vld [tilespmem:s30+$0x9D40]  }
0x116: {  	v23 =	vld [tilespmem:s30+$0x7550]  }
0x117: {  	v24 =	vld [tilespmem:s30+$0x8950]  }
0x118: {  	v25 =	vld [tilespmem:s30+$0x9D50]  }
0x119: {  	v26 =	vld [tilespmem:s30+$0x7560]  }
0x11a: {  	v27 =	vld [tilespmem:s30+$0x8960]  }
0x11b: {  	v1 =	vmul.bf16 v2, v1  }
0x11c: {  	v2 =	vmul.bf16 v21, v20  }
0x11d: {  	v28 =	vmul.bf16 v24, v23;
	v1 =	vmul.bf16 v3, v1;
	v3 =	vld [tilespmem:s30+$0x9D60]  }
0x11e: {  	v2 =	vmul.bf16 v22, v2  }
0x11f: {  	v4 =	vmul.bf16 v27, v26;
	v5 =	vmul.bf16 v25, v28;
	v29 =	vand.u32 $0xFFFF0000, v1  }
0x120: {  	v1 =	vshll.u32 v1, $0x10;
	v30 =	vand.u32 $0xFFFF0000, v2;
	v2 =	vshll.u32 v2, $0x10  }
0x121: {  	v1 =	vadd.f32 v2, v1;
	v2 =	vadd.f32 v30, v29  }
0x122: {  	v31 =	vand.u32 $0xFFFF0000, v5;
	v5 =	vshll.u32 v5, $0x10;
	v3 =	vmul.bf16 v3, v4  }
0x123: {  	v1 =	vadd.f32 v5, v1;
	v2 =	vadd.f32 v31, v2  }
0x124: {  	v4 =	vand.u32 $0xFFFF0000, v3;
	v3 =	vshll.u32 v3, $0x10  }
0x125: {  	v1 =	vadd.f32 v3, v1;
	v2 =	vadd.f32 v4, v2;
	_ =	sdelay $0x1  }
0x126: {  	v1 =	vadd.f32 v2, v1;
	_ =	sdelay $0x1  }
0x127: {  	(xrf2) =	vadd.scan.msk.f32 $0xffff, v1;
	_ =	sdelay $0x9  }
0x128: {  	s30 =	sor.u32 $0x9, s29;
	v1, _, _ =	vpop (xrf2)  }
0x129: {  	[tilespmem:v0+s31+$0x0 ss:$0x1] =	vst.idx.msk vm0, v1;
	s31 =	sshll.u32 s30, $0x6  }
0x12a: {  	v1 =	vld [tilespmem:s31+$0x7530]  }
0x12b: {  	v2 =	vld [tilespmem:s31+$0x8930]  }
0x12c: {  	v3 =	vld [tilespmem:s31+$0x9D30]  }
0x12d: {  	v32 =	vld [tilespmem:s31+$0x7540]  }
0x12e: {  	v33 =	vld [tilespmem:s31+$0x8940]  }
0x12f: {  	v34 =	vld [tilespmem:s31+$0x9D40]  }
0x130: {  	v35 =	vld [tilespmem:s31+$0x7550]  }
0x131: {  	v36 =	vld [tilespmem:s31+$0x8950]  }
0x132: {  	v37 =	vld [tilespmem:s31+$0x9D50]  }
0x133: {  	v38 =	vld [tilespmem:s31+$0x7560]  }
0x134: {  	v39 =	vld [tilespmem:s31+$0x8960]  }
0x135: {  	v1 =	vmul.bf16 v2, v1  }
0x136: {  	v2 =	vmul.bf16 v33, v32  }
0x137: {  	v40 =	vmul.bf16 v36, v35;
	v1 =	vmul.bf16 v3, v1;
	v3 =	vld [tilespmem:s31+$0x9D60]  }
0x138: {  	v2 =	vmul.bf16 v34, v2  }
0x139: {  	v4 =	vmul.bf16 v39, v38;
	v5 =	vmul.bf16 v37, v40;
	v41 =	vand.u32 $0xFFFF0000, v1  }
0x13a: {  	v1 =	vshll.u32 v1, $0x10;
	v42 =	vand.u32 $0xFFFF0000, v2;
	v2 =	vshll.u32 v2, $0x10  }
0x13b: {  	v1 =	vadd.f32 v2, v1;
	v2 =	vadd.f32 v42, v41  }
0x13c: {  	v43 =	vand.u32 $0xFFFF0000, v5;
	v5 =	vshll.u32 v5, $0x10;
	v3 =	vmul.bf16 v3, v4  }
0x13d: {  	v1 =	vadd.f32 v5, v1;
	v2 =	vadd.f32 v43, v2  }
0x13e: {  	v4 =	vand.u32 $0xFFFF0000, v3;
	v3 =	vshll.u32 v3, $0x10  }
0x13f: {  	v1 =	vadd.f32 v3, v1;
	v2 =	vadd.f32 v4, v2;
	_ =	sdelay $0x1  }
0x140: {  	v1 =	vadd.f32 v2, v1;
	_ =	sdelay $0x1  }
0x141: {  	(xrf2) =	vadd.scan.msk.f32 $0xffff, v1;
	_ =	sdelay $0x9  }
0x142: {  	s31 =	sor.u32 $0xA, s29;
	v1, _, _ =	vpop (xrf2)  }
0x143: {  	[tilespmem:v0+s30+$0x0 ss:$0x1] =	vst.idx.msk vm0, v1;
	s30 =	sshll.u32 s31, $0x6  }
0x144: {  	v1 =	vld [tilespmem:s30+$0x7530]  }
0x145: {  	v2 =	vld [tilespmem:s30+$0x8930]  }
0x146: {  	v3 =	vld [tilespmem:s30+$0x9D30]  }
0x147: {  	v44 =	vld [tilespmem:s30+$0x7540]  }
0x148: {  	v45 =	vld [tilespmem:s30+$0x8940]  }
0x149: {  	v46 =	vld [tilespmem:s30+$0x9D40]  }
0x14a: {  	v47 =	vld [tilespmem:s30+$0x7550]  }
0x14b: {  	v48 =	vld [tilespmem:s30+$0x8950]  }
0x14c: {  	v49 =	vld [tilespmem:s30+$0x9D50]  }
0x14d: {  	v50 =	vld [tilespmem:s30+$0x7560]  }
0x14e: {  	v51 =	vld [tilespmem:s30+$0x8960]  }
0x14f: {  	v1 =	vmul.bf16 v2, v1  }
0x150: {  	v2 =	vmul.bf16 v45, v44  }
0x151: {  	v52 =	vmul.bf16 v48, v47;
	v1 =	vmul.bf16 v3, v1;
	v3 =	vld [tilespmem:s30+$0x9D60]  }
0x152: {  	v2 =	vmul.bf16 v46, v2  }
0x153: {  	v4 =	vmul.bf16 v51, v50;
	v5 =	vmul.bf16 v49, v52;
	v53 =	vand.u32 $0xFFFF0000, v1  }
0x154: {  	v1 =	vshll.u32 v1, $0x10;
	v54 =	vand.u32 $0xFFFF0000, v2;
	v2 =	vshll.u32 v2, $0x10  }
0x155: {  	v1 =	vadd.f32 v2, v1;
	v2 =	vadd.f32 v54, v53  }
0x156: {  	v55 =	vand.u32 $0xFFFF0000, v5;
	v5 =	vshll.u32 v5, $0x10;
	v3 =	vmul.bf16 v3, v4  }
0x157: {  	v1 =	vadd.f32 v5, v1;
	v2 =	vadd.f32 v55, v2  }
0x158: {  	v4 =	vand.u32 $0xFFFF0000, v3;
	v3 =	vshll.u32 v3, $0x10  }
0x159: {  	v1 =	vadd.f32 v3, v1;
	v2 =	vadd.f32 v4, v2;
	_ =	sdelay $0x1  }
0x15a: {  	v1 =	vadd.f32 v2, v1;
	_ =	sdelay $0x1  }
0x15b: {  	(xrf2) =	vadd.scan.msk.f32 $0xffff, v1;
	_ =	sdelay $0x9  }
0x15c: {  	s30 =	sor.u32 $0xB, s29;
	v1, _, _ =	vpop (xrf2)  }
0x15d: {  	[tilespmem:v0+s31+$0x0 ss:$0x1] =	vst.idx.msk vm0, v1;
	s31 =	sshll.u32 s30, $0x6  }
0x15e: {  	v1 =	vld [tilespmem:s31+$0x7530]  }
0x15f: {  	v2 =	vld [tilespmem:s31+$0x8930]  }
0x160: {  	v3 =	vld [tilespmem:s31+$0x9D30]  }
0x161: {  	v56 =	vld [tilespmem:s31+$0x7540]  }
0x162: {  	v57 =	vld [tilespmem:s31+$0x8940]  }
0x163: {  	v58 =	vld [tilespmem:s31+$0x9D40]  }
0x164: {  	v59 =	vld [tilespmem:s31+$0x7550]  }
0x165: {  	v60 =	vld [tilespmem:s31+$0x8950]  }
0x166: {  	v61 =	vld [tilespmem:s31+$0x9D50]  }
0x167: {  	v62 =	vld [tilespmem:s31+$0x7560]  }
0x168: {  	v63 =	vld [tilespmem:s31+$0x8960]  }
0x169: {  	v1 =	vmul.bf16 v2, v1  }
0x16a: {  	v2 =	vmul.bf16 v57, v56  }
0x16b: {  	v11 =	vmul.bf16 v60, v59;
	v1 =	vmul.bf16 v3, v1;
	v3 =	vld [tilespmem:s31+$0x9D60]  }
0x16c: {  	v2 =	vmul.bf16 v58, v2  }
0x16d: {  	v4 =	vmul.bf16 v63, v62;
	v5 =	vmul.bf16 v61, v11;
	v12 =	vand.u32 $0xFFFF0000, v1  }
0x16e: {  	v1 =	vshll.u32 v1, $0x10;
	v13 =	vand.u32 $0xFFFF0000, v2;
	v2 =	vshll.u32 v2, $0x10  }
0x16f: {  	v1 =	vadd.f32 v2, v1;
	v2 =	vadd.f32 v13, v12  }
0x170: {  	v14 =	vand.u32 $0xFFFF0000, v5;
	v5 =	vshll.u32 v5, $0x10;
	v3 =	vmul.bf16 v3, v4  }
0x171: {  	v1 =	vadd.f32 v5, v1;
	v2 =	vadd.f32 v14, v2  }
0x172: {  	v4 =	vand.u32 $0xFFFF0000, v3;
	v3 =	vshll.u32 v3, $0x10  }
0x173: {  	v1 =	vadd.f32 v3, v1;
	v2 =	vadd.f32 v4, v2;
	_ =	sdelay $0x1  }
0x174: {  	v1 =	vadd.f32 v2, v1;
	_ =	sdelay $0x1  }
0x175: {  	(xrf2) =	vadd.scan.msk.f32 $0xffff, v1;
	_ =	sdelay $0x9  }
0x176: {  	s31 =	sor.u32 $0xC, s29;
	v1, _, _ =	vpop (xrf2)  }
0x177: {  	[tilespmem:v0+s30+$0x0 ss:$0x1] =	vst.idx.msk vm0, v1;
	s30 =	sshll.u32 s31, $0x6  }
0x178: {  	v1 =	vld [tilespmem:s30+$0x7530]  }
0x179: {  	v2 =	vld [tilespmem:s30+$0x8930]  }
0x17a: {  	v3 =	vld [tilespmem:s30+$0x9D30]  }
0x17b: {  	v15 =	vld [tilespmem:s30+$0x7540]  }
0x17c: {  	v16 =	vld [tilespmem:s30+$0x8940]  }
0x17d: {  	v17 =	vld [tilespmem:s30+$0x9D40]  }
0x17e: {  	v18 =	vld [tilespmem:s30+$0x7550]  }
0x17f: {  	v19 =	vld [tilespmem:s30+$0x8950]  }
0x180: {  	v20 =	vld [tilespmem:s30+$0x9D50]  }
0x181: {  	v21 =	vld [tilespmem:s30+$0x7560]  }
0x182: {  	v22 =	vld [tilespmem:s30+$0x8960]  }
0x183: {  	v1 =	vmul.bf16 v2, v1  }
0x184: {  	v2 =	vmul.bf16 v16, v15  }
0x185: {  	v23 =	vmul.bf16 v19, v18;
	v1 =	vmul.bf16 v3, v1;
	v3 =	vld [tilespmem:s30+$0x9D60]  }
0x186: {  	v2 =	vmul.bf16 v17, v2  }
0x187: {  	v4 =	vmul.bf16 v22, v21;
	v5 =	vmul.bf16 v20, v23;
	v24 =	vand.u32 $0xFFFF0000, v1  }
0x188: {  	v1 =	vshll.u32 v1, $0x10;
	v25 =	vand.u32 $0xFFFF0000, v2;
	v2 =	vshll.u32 v2, $0x10  }
0x189: {  	v1 =	vadd.f32 v2, v1;
	v2 =	vadd.f32 v25, v24  }
0x18a: {  	v26 =	vand.u32 $0xFFFF0000, v5;
	v5 =	vshll.u32 v5, $0x10;
	v3 =	vmul.bf16 v3, v4  }
0x18b: {  	v1 =	vadd.f32 v5, v1;
	v2 =	vadd.f32 v26, v2  }
0x18c: {  	v4 =	vand.u32 $0xFFFF0000, v3;
	v3 =	vshll.u32 v3, $0x10  }
0x18d: {  	v1 =	vadd.f32 v3, v1;
	v2 =	vadd.f32 v4, v2;
	_ =	sdelay $0x1  }
0x18e: {  	v1 =	vadd.f32 v2, v1;
	_ =	sdelay $0x1  }
0x18f: {  	(xrf2) =	vadd.scan.msk.f32 $0xffff, v1;
	_ =	sdelay $0x9  }
0x190: {  	s30 =	sor.u32 $0xD, s29;
	v1, _, _ =	vpop (xrf2)  }
0x191: {  	[tilespmem:v0+s31+$0x0 ss:$0x1] =	vst.idx.msk vm0, v1;
	s31 =	sshll.u32 s30, $0x6  }
0x192: {  	v1 =	vld [tilespmem:s31+$0x7530]  }
0x193: {  	v2 =	vld [tilespmem:s31+$0x8930]  }
0x194: {  	v3 =	vld [tilespmem:s31+$0x9D30]  }
0x195: {  	v27 =	vld [tilespmem:s31+$0x7540]  }
0x196: {  	v28 =	vld [tilespmem:s31+$0x8940]  }
0x197: {  	v29 =	vld [tilespmem:s31+$0x9D40]  }
0x198: {  	v30 =	vld [tilespmem:s31+$0x7550]  }
0x199: {  	v31 =	vld [tilespmem:s31+$0x8950]  }
0x19a: {  	v32 =	vld [tilespmem:s31+$0x9D50]  }
0x19b: {  	v33 =	vld [tilespmem:s31+$0x7560]  }
0x19c: {  	v34 =	vld [tilespmem:s31+$0x8960]  }
0x19d: {  	v1 =	vmul.bf16 v2, v1  }
0x19e: {  	v2 =	vmul.bf16 v28, v27  }
0x19f: {  	v35 =	vmul.bf16 v31, v30;
	v1 =	vmul.bf16 v3, v1;
	v3 =	vld [tilespmem:s31+$0x9D60]  }
0x1a0: {  	v2 =	vmul.bf16 v29, v2  }
0x1a1: {  	v4 =	vmul.bf16 v34, v33;
	v5 =	vmul.bf16 v32, v35;
	v36 =	vand.u32 $0xFFFF0000, v1  }
0x1a2: {  	v1 =	vshll.u32 v1, $0x10;
	v37 =	vand.u32 $0xFFFF0000, v2;
	v2 =	vshll.u32 v2, $0x10  }
0x1a3: {  	v1 =	vadd.f32 v2, v1;
	v2 =	vadd.f32 v37, v36  }
0x1a4: {  	v38 =	vand.u32 $0xFFFF0000, v5;
	v5 =	vshll.u32 v5, $0x10;
	v3 =	vmul.bf16 v3, v4  }
0x1a5: {  	v1 =	vadd.f32 v5, v1;
	v2 =	vadd.f32 v38, v2  }
0x1a6: {  	v4 =	vand.u32 $0xFFFF0000, v3;
	v3 =	vshll.u32 v3, $0x10  }
0x1a7: {  	v1 =	vadd.f32 v3, v1;
	v2 =	vadd.f32 v4, v2;
	_ =	sdelay $0x1  }
0x1a8: {  	v1 =	vadd.f32 v2, v1;
	_ =	sdelay $0x1  }
0x1a9: {  	(xrf2) =	vadd.scan.msk.f32 $0xffff, v1;
	_ =	sdelay $0x9  }
0x1aa: {  	s29 =	sor.u32 $0xE, s29;
	v1, _, _ =	vpop (xrf2)  }
0x1ab: {  	s31 =	sshll.u32 s29, $0x6;
	[tilespmem:v0+s30+$0x0 ss:$0x1] =	vst.idx.msk vm0, v1  }
0x1ac: {  	v1 =	vld [tilespmem:s31+$0x7530]  }
0x1ad: {  	v2 =	vld [tilespmem:s31+$0x8930]  }
0x1ae: {  	v3 =	vld [tilespmem:s31+$0x9D30]  }
0x1af: {  	v39 =	vld [tilespmem:s31+$0x7540]  }
0x1b0: {  	v40 =	vld [tilespmem:s31+$0x8940]  }
0x1b1: {  	v41 =	vld [tilespmem:s31+$0x9D40]  }
0x1b2: {  	v42 =	vld [tilespmem:s31+$0x7550]  }
0x1b3: {  	v43 =	vld [tilespmem:s31+$0x8950]  }
0x1b4: {  	v44 =	vld [tilespmem:s31+$0x9D50]  }
0x1b5: {  	v45 =	vld [tilespmem:s31+$0x7560]  }
0x1b6: {  	v46 =	vld [tilespmem:s31+$0x8960]  }
0x1b7: {  	v1 =	vmul.bf16 v2, v1  }
0x1b8: {  	v2 =	vmul.bf16 v40, v39  }
0x1b9: {  	v47 =	vmul.bf16 v43, v42;
	v1 =	vmul.bf16 v3, v1;
	v3 =	vld [tilespmem:s31+$0x9D60]  }
0x1ba: {  	v2 =	vmul.bf16 v41, v2  }
0x1bb: {  	v4 =	vmul.bf16 v46, v45;
	v5 =	vmul.bf16 v44, v47;
	v48 =	vand.u32 $0xFFFF0000, v1  }
0x1bc: {  	v1 =	vshll.u32 v1, $0x10;
	v49 =	vand.u32 $0xFFFF0000, v2;
	v2 =	vshll.u32 v2, $0x10  }
0x1bd: {  	v1 =	vadd.f32 v2, v1;
	v2 =	vadd.f32 v49, v48  }
0x1be: {  	v50 =	vand.u32 $0xFFFF0000, v5;
	v5 =	vshll.u32 v5, $0x10;
	v3 =	vmul.bf16 v3, v4  }
0x1bf: {  	v1 =	vadd.f32 v5, v1;
	v2 =	vadd.f32 v50, v2  }
0x1c0: {  	v4 =	vand.u32 $0xFFFF0000, v3;
	v3 =	vshll.u32 v3, $0x10  }
0x1c1: {  	v1 =	vadd.f32 v3, v1;
	v2 =	vadd.f32 v4, v2;
	_ =	sdelay $0x1  }
0x1c2: {  	v1 =	vadd.f32 v2, v1;
	_ =	sdelay $0x1  }
0x1c3: {  	(xrf2) =	vadd.scan.msk.f32 $0xffff, v1;
	_ =	sdelay $0x9  }
0x1c4: {  	s30 =	sshllo.u32 s28, $0x4;
	v1, _, _ =	vpop (xrf2)  }
0x1c5: {  	s31 =	sshll.u32 s30, $0x6;
	[tilespmem:v0+s29+$0x0 ss:$0x1] =	vst.idx.msk vm0, v1  }
0x1c6: {  	v1 =	vld [tilespmem:s31+$0x7530]  }
0x1c7: {  	v2 =	vld [tilespmem:s31+$0x8930]  }
0x1c8: {  	v3 =	vld [tilespmem:s31+$0x9D30]  }
0x1c9: {  	v51 =	vld [tilespmem:s31+$0x7540]  }
0x1ca: {  	v52 =	vld [tilespmem:s31+$0x8940]  }
0x1cb: {  	v53 =	vld [tilespmem:s31+$0x9D40]  }
0x1cc: {  	v54 =	vld [tilespmem:s31+$0x7550]  }
0x1cd: {  	v55 =	vld [tilespmem:s31+$0x8950]  }
0x1ce: {  	v56 =	vld [tilespmem:s31+$0x9D50]  }
0x1cf: {  	v57 =	vld [tilespmem:s31+$0x7560]  }
0x1d0: {  	v1 =	vmul.bf16 v2, v1;
	v2 =	vld [tilespmem:s31+$0x8960]  }
0x1d1: {  	v4 =	vmul.bf16 v52, v51  }
0x1d2: {  	v58 =	vld [tilespmem:s31+$0x9D60];
	v1 =	vmul.bf16 v3, v1;
	v3 =	vmul.bf16 v55, v54  }
0x1d3: {  	v4 =	vmul.bf16 v53, v4  }
0x1d4: {  	v3 =	vmul.bf16 v56, v3;
	v59 =	vand.u32 $0xFFFF0000, v1;
	v1 =	vshll.u32 v1, $0x10  }
0x1d5: {  	v60 =	vand.u32 $0xFFFF0000, v4;
	v4 =	vshll.u32 v4, $0x10;
	v2 =	vmul.bf16 v2, v57  }
0x1d6: {  	v1 =	vadd.f32 v4, v1;
	v61 =	vadd.f32 v60, v59  }
0x1d7: {  	v62 =	vand.u32 $0xFFFF0000, v3;
	v3 =	vshll.u32 v3, $0x10;
	v2 =	vmul.bf16 v58, v2  }
0x1d8: {  	v1 =	vadd.f32 v3, v1;
	v3 =	vadd.f32 v62, v61  }
0x1d9: {  	v63 =	vand.u32 $0xFFFF0000, v2;
	v2 =	vshll.u32 v2, $0x10  }
0x1da: {  	v1 =	vadd.f32 v2, v1;
	v2 =	vadd.f32 v63, v3;
	_ =	sdelay $0x1  }
0x1db: {  	v1 =	vadd.f32 v2, v1;
	_ =	sdelay $0x1  }
0x1dc: {  	(xrf2) =	vadd.scan.msk.f32 $0xffff, v1;
	_ =	sdelay $0x5  }
0x1dd: {  	p1 =	sne.s32 s28, $0x4  }
.Ltmp4:
0x1de: {  	_ = 	snop;
	(pc) =	sbr.rel @p1 .LBB2_3-.Ltmp4, $3  }
0x1df: {  	_ =	sdelay $0x1  }
0x1e0: {  	v1, _, _ =	vpop (xrf2)  }
0x1e1: {  	s28 =	sadd.s32 $0x1, s28;
	[tilespmem:v0+s30+$0x0 ss:$0x1] =	vst.idx.msk vm0, v1  }
0x1e2: {  	p1 =	seq.s32 s25, $0x3E  }
0x1e3: {  	s28 =	smul.u32 @!p1 $0xA0, s25;
	_ =	sdelay $0x1  }
0x1e4: {  	s30 =	simm.s32 @!p1 $0x50;
	s31 =	simm.s32 @!p1 $0x7530;
	s29 =	sadd.s32 @!p1 $0xA0, s28  }
0x1e5: {  	[tilespmem:s31], [sflag:$0x1] =	stream.indirect.gather @!p1 [hbm4b:s1+s30], $0x40, s29, s30, $0xb8;
	[tilespmem:$0x11450] =	vst v63  }
.Ltmp5:
0x1e6: {  	_ = 	snop;
	(pc) =	sbr.rel @p0 .LBB2_7-.Ltmp5, $4  }
0x1e7: {  	s29 =	sadd.s32 @!p1 $0x27B0, s28;
	s31 =	simm.s32 @!p1 $0x8930  }
0x1e8: {  	[tilespmem:s31], [sflag:$0x2] =	stream.indirect.gather @!p1 [hbm4b:s1+s30], $0x40, s29, s30, $0xb8;
	[tilespmem:$0x11450] =	vst v63  }
0x1e9: {  	s28 =	sadd.s32 @!p1 $0x4EC0, s28;
	s29 =	simm.s32 @!p1 $0x9D30  }
0x1ea: {  	[tilespmem:s29], [sflag:$0x3] =	stream.indirect.gather @!p1 [hbm4b:s4+s30], $0x40, s28, s30, $0xb8;
	[tilespmem:$0x11450] =	vst v63  }
0x1eb: {  	_ =	swait.ge [sflag:s20], $0x1400  }
0x1ec: {  	[sflag:s20] =	ssyncset.done $0x0  }
0x1ed: {  	[sflag:s20] =	ssyncadd.s32 $0xFFFFEC00  }
0x1ee: {  	_ =	swait.ge [sflag:s21], $0x1400  }
0x1ef: {  	s26 =	smul.u32 $0x140, s26;
	[sflag:s21] =	ssyncset.done $0x0  }
0x1f0: {  	[sflag:s21] =	ssyncadd.s32 $0xFFFFEC00  }
0x1f1: {  	s26 =	sshra.s32 s26, $0x2;
	_ =	swait.ge [sflag:s22], $0x1400  }
0x1f2: {  	s28 =	sadd.s32 $0xED30, s26;
	[sflag:s22] =	ssyncset.done $0x0  }
0x1f3: {  	s26 =	simm.s32 $0x0;
	v0 =	vmov s28;
	[sflag:s22] =	ssyncadd.s32 $0xFFFFEC00  }
.LBB2_6:
0x1f4: {  	s28 =	sshll.u32 s26, $0xA  }
0x1f5: {  	v1 =	vld [tilespmem:s28+$0xB130]  }
0x1f6: {  	v2 =	vld [tilespmem:s28+$0xC530]  }
0x1f7: {  	v3 =	vld [tilespmem:s28+$0xD930]  }
0x1f8: {  	v4 =	vld [tilespmem:s28+$0xB140]  }
0x1f9: {  	v5 =	vld [tilespmem:s28+$0xC540]  }
0x1fa: {  	v6 =	vld [tilespmem:s28+$0xD940]  }
0x1fb: {  	v7 =	vld [tilespmem:s28+$0xB150]  }
0x1fc: {  	v8 =	vld [tilespmem:s28+$0xC550]  }
0x1fd: {  	v9 =	vld [tilespmem:s28+$0xD950]  }
0x1fe: {  	v10 =	vld [tilespmem:s28+$0xB160]  }
0x1ff: {  	v36 =	vld [tilespmem:s28+$0xC560]  }
0x200: {  	v1 =	vmul.bf16 v2, v1  }
0x201: {  	v2 =	vmul.bf16 v5, v4  }
0x202: {  	v37 =	vmul.bf16 v8, v7;
	v1 =	vmul.bf16 v3, v1;
	v3 =	vld [tilespmem:s28+$0xD960]  }
0x203: {  	v2 =	vmul.bf16 v6, v2  }
0x204: {  	v4 =	vmul.bf16 v36, v10;
	v5 =	vmul.bf16 v9, v37;
	v38 =	vand.u32 $0xFFFF0000, v1  }
0x205: {  	v1 =	vshll.u32 v1, $0x10;
	v39 =	vand.u32 $0xFFFF0000, v2;
	v2 =	vshll.u32 v2, $0x10  }
0x206: {  	v1 =	vadd.f32 v2, v1;
	v2 =	vadd.f32 v39, v38  }
0x207: {  	v40 =	vand.u32 $0xFFFF0000, v5;
	v5 =	vshll.u32 v5, $0x10;
	v3 =	vmul.bf16 v3, v4  }
0x208: {  	v1 =	vadd.f32 v5, v1;
	v2 =	vadd.f32 v40, v2  }
0x209: {  	v4 =	vand.u32 $0xFFFF0000, v3;
	v3 =	vshll.u32 v3, $0x10  }
0x20a: {  	v1 =	vadd.f32 v3, v1;
	v2 =	vadd.f32 v4, v2;
	_ =	sdelay $0x1  }
0x20b: {  	v1 =	vadd.f32 v2, v1;
	_ =	sdelay $0x1  }
0x20c: {  	(xrf2) =	vadd.scan.msk.f32 $0xffff, v1;
	_ =	sdelay $0x8  }
0x20d: {  	s28 =	sshll.u32 s26, $0x4  }
0x20e: {  	s29 =	sor.u32 $0x1, s28;
	v1, _, _ =	vpop (xrf2)  }
0x20f: {  	s30 =	sshll.u32 s29, $0x6;
	[tilespmem:v0+s28+$0x0 ss:$0x1] =	vst.idx.msk vm0, v1  }
0x210: {  	v1 =	vld [tilespmem:s30+$0xB130]  }
0x211: {  	v2 =	vld [tilespmem:s30+$0xC530]  }
0x212: {  	v3 =	vld [tilespmem:s30+$0xD930]  }
0x213: {  	v41 =	vld [tilespmem:s30+$0xB140]  }
0x214: {  	v42 =	vld [tilespmem:s30+$0xC540]  }
0x215: {  	v43 =	vld [tilespmem:s30+$0xD940]  }
0x216: {  	v44 =	vld [tilespmem:s30+$0xB150]  }
0x217: {  	v45 =	vld [tilespmem:s30+$0xC550]  }
0x218: {  	v46 =	vld [tilespmem:s30+$0xD950]  }
0x219: {  	v47 =	vld [tilespmem:s30+$0xB160]  }
0x21a: {  	v48 =	vld [tilespmem:s30+$0xC560]  }
0x21b: {  	v1 =	vmul.bf16 v2, v1  }
0x21c: {  	v2 =	vmul.bf16 v42, v41  }
0x21d: {  	v49 =	vmul.bf16 v45, v44;
	v1 =	vmul.bf16 v3, v1;
	v3 =	vld [tilespmem:s30+$0xD960]  }
0x21e: {  	v2 =	vmul.bf16 v43, v2  }
0x21f: {  	v4 =	vmul.bf16 v48, v47;
	v5 =	vmul.bf16 v46, v49;
	v50 =	vand.u32 $0xFFFF0000, v1  }
0x220: {  	v1 =	vshll.u32 v1, $0x10;
	v51 =	vand.u32 $0xFFFF0000, v2;
	v2 =	vshll.u32 v2, $0x10  }
0x221: {  	v1 =	vadd.f32 v2, v1;
	v2 =	vadd.f32 v51, v50  }
0x222: {  	v52 =	vand.u32 $0xFFFF0000, v5;
	v5 =	vshll.u32 v5, $0x10;
	v3 =	vmul.bf16 v3, v4  }
0x223: {  	v1 =	vadd.f32 v5, v1;
	v2 =	vadd.f32 v52, v2  }
0x224: {  	v4 =	vand.u32 $0xFFFF0000, v3;
	v3 =	vshll.u32 v3, $0x10  }
0x225: {  	v1 =	vadd.f32 v3, v1;
	v2 =	vadd.f32 v4, v2;
	_ =	sdelay $0x1  }
0x226: {  	v1 =	vadd.f32 v2, v1;
	_ =	sdelay $0x1  }
0x227: {  	(xrf2) =	vadd.scan.msk.f32 $0xffff, v1;
	_ =	sdelay $0x9  }
0x228: {  	s30 =	sor.u32 $0x2, s28;
	v1, _, _ =	vpop (xrf2)  }
0x229: {  	s31 =	sshll.u32 s30, $0x6;
	[tilespmem:v0+s29+$0x0 ss:$0x1] =	vst.idx.msk vm0, v1  }
0x22a: {  	v1 =	vld [tilespmem:s31+$0xB130]  }
0x22b: {  	v2 =	vld [tilespmem:s31+$0xC530]  }
0x22c: {  	v3 =	vld [tilespmem:s31+$0xD930]  }
0x22d: {  	v53 =	vld [tilespmem:s31+$0xB140]  }
0x22e: {  	v54 =	vld [tilespmem:s31+$0xC540]  }
0x22f: {  	v55 =	vld [tilespmem:s31+$0xD940]  }
0x230: {  	v56 =	vld [tilespmem:s31+$0xB150]  }
0x231: {  	v57 =	vld [tilespmem:s31+$0xC550]  }
0x232: {  	v58 =	vld [tilespmem:s31+$0xD950]  }
0x233: {  	v59 =	vld [tilespmem:s31+$0xB160]  }
0x234: {  	v60 =	vld [tilespmem:s31+$0xC560]  }
0x235: {  	v1 =	vmul.bf16 v2, v1  }
0x236: {  	v2 =	vmul.bf16 v54, v53  }
0x237: {  	v61 =	vmul.bf16 v57, v56;
	v1 =	vmul.bf16 v3, v1;
	v3 =	vld [tilespmem:s31+$0xD960]  }
0x238: {  	v2 =	vmul.bf16 v55, v2  }
0x239: {  	v4 =	vmul.bf16 v60, v59;
	v5 =	vmul.bf16 v58, v61;
	v62 =	vand.u32 $0xFFFF0000, v1  }
0x23a: {  	v1 =	vshll.u32 v1, $0x10;
	v63 =	vand.u32 $0xFFFF0000, v2;
	v2 =	vshll.u32 v2, $0x10  }
0x23b: {  	v1 =	vadd.f32 v2, v1;
	v2 =	vadd.f32 v63, v62  }
0x23c: {  	v11 =	vand.u32 $0xFFFF0000, v5;
	v5 =	vshll.u32 v5, $0x10;
	v3 =	vmul.bf16 v3, v4  }
0x23d: {  	v1 =	vadd.f32 v5, v1;
	v2 =	vadd.f32 v11, v2  }
0x23e: {  	v4 =	vand.u32 $0xFFFF0000, v3;
	v3 =	vshll.u32 v3, $0x10  }
0x23f: {  	v1 =	vadd.f32 v3, v1;
	v2 =	vadd.f32 v4, v2;
	_ =	sdelay $0x1  }
0x240: {  	v1 =	vadd.f32 v2, v1;
	_ =	sdelay $0x1  }
0x241: {  	(xrf2) =	vadd.scan.msk.f32 $0xffff, v1;
	_ =	sdelay $0x9  }
0x242: {  	s29 =	sor.u32 $0x3, s28;
	v1, _, _ =	vpop (xrf2)  }
0x243: {  	s31 =	sshll.u32 s29, $0x6;
	[tilespmem:v0+s30+$0x0 ss:$0x1] =	vst.idx.msk vm0, v1  }
0x244: {  	v1 =	vld [tilespmem:s31+$0xB130]  }
0x245: {  	v2 =	vld [tilespmem:s31+$0xC530]  }
0x246: {  	v3 =	vld [tilespmem:s31+$0xD930]  }
0x247: {  	v12 =	vld [tilespmem:s31+$0xB140]  }
0x248: {  	v13 =	vld [tilespmem:s31+$0xC540]  }
0x249: {  	v14 =	vld [tilespmem:s31+$0xD940]  }
0x24a: {  	v15 =	vld [tilespmem:s31+$0xB150]  }
0x24b: {  	v16 =	vld [tilespmem:s31+$0xC550]  }
0x24c: {  	v17 =	vld [tilespmem:s31+$0xD950]  }
0x24d: {  	v18 =	vld [tilespmem:s31+$0xB160]  }
0x24e: {  	v19 =	vld [tilespmem:s31+$0xC560]  }
0x24f: {  	v1 =	vmul.bf16 v2, v1  }
0x250: {  	v2 =	vmul.bf16 v13, v12  }
0x251: {  	v20 =	vmul.bf16 v16, v15;
	v1 =	vmul.bf16 v3, v1;
	v3 =	vld [tilespmem:s31+$0xD960]  }
0x252: {  	v2 =	vmul.bf16 v14, v2  }
0x253: {  	v4 =	vmul.bf16 v19, v18;
	v5 =	vmul.bf16 v17, v20;
	v21 =	vand.u32 $0xFFFF0000, v1  }
0x254: {  	v1 =	vshll.u32 v1, $0x10;
	v22 =	vand.u32 $0xFFFF0000, v2;
	v2 =	vshll.u32 v2, $0x10  }
0x255: {  	v1 =	vadd.f32 v2, v1;
	v2 =	vadd.f32 v22, v21  }
0x256: {  	v23 =	vand.u32 $0xFFFF0000, v5;
	v5 =	vshll.u32 v5, $0x10;
	v3 =	vmul.bf16 v3, v4  }
0x257: {  	v1 =	vadd.f32 v5, v1;
	v2 =	vadd.f32 v23, v2  }
0x258: {  	v4 =	vand.u32 $0xFFFF0000, v3;
	v3 =	vshll.u32 v3, $0x10  }
0x259: {  	v1 =	vadd.f32 v3, v1;
	v2 =	vadd.f32 v4, v2;
	_ =	sdelay $0x1  }
0x25a: {  	v1 =	vadd.f32 v2, v1;
	_ =	sdelay $0x1  }
0x25b: {  	(xrf2) =	vadd.scan.msk.f32 $0xffff, v1;
	_ =	sdelay $0x9  }
0x25c: {  	s30 =	sor.u32 $0x4, s28;
	v1, _, _ =	vpop (xrf2)  }
0x25d: {  	s31 =	sshll.u32 s30, $0x6;
	[tilespmem:v0+s29+$0x0 ss:$0x1] =	vst.idx.msk vm0, v1  }
0x25e: {  	v1 =	vld [tilespmem:s31+$0xB130]  }
0x25f: {  	v2 =	vld [tilespmem:s31+$0xC530]  }
0x260: {  	v3 =	vld [tilespmem:s31+$0xD930]  }
0x261: {  	v24 =	vld [tilespmem:s31+$0xB140]  }
0x262: {  	v25 =	vld [tilespmem:s31+$0xC540]  }
0x263: {  	v26 =	vld [tilespmem:s31+$0xD940]  }
0x264: {  	v27 =	vld [tilespmem:s31+$0xB150]  }
0x265: {  	v28 =	vld [tilespmem:s31+$0xC550]  }
0x266: {  	v29 =	vld [tilespmem:s31+$0xD950]  }
0x267: {  	v30 =	vld [tilespmem:s31+$0xB160]  }
0x268: {  	v31 =	vld [tilespmem:s31+$0xC560]  }
0x269: {  	v1 =	vmul.bf16 v2, v1  }
0x26a: {  	v2 =	vmul.bf16 v25, v24  }
0x26b: {  	v32 =	vmul.bf16 v28, v27;
	v1 =	vmul.bf16 v3, v1;
	v3 =	vld [tilespmem:s31+$0xD960]  }
0x26c: {  	v2 =	vmul.bf16 v26, v2  }
0x26d: {  	v4 =	vmul.bf16 v31, v30;
	v5 =	vmul.bf16 v29, v32;
	v33 =	vand.u32 $0xFFFF0000, v1  }
0x26e: {  	v1 =	vshll.u32 v1, $0x10;
	v34 =	vand.u32 $0xFFFF0000, v2;
	v2 =	vshll.u32 v2, $0x10  }
0x26f: {  	v1 =	vadd.f32 v2, v1;
	v2 =	vadd.f32 v34, v33  }
0x270: {  	v35 =	vand.u32 $0xFFFF0000, v5;
	v5 =	vshll.u32 v5, $0x10;
	v3 =	vmul.bf16 v3, v4  }
0x271: {  	v1 =	vadd.f32 v5, v1;
	v2 =	vadd.f32 v35, v2  }
0x272: {  	v4 =	vand.u32 $0xFFFF0000, v3;
	v3 =	vshll.u32 v3, $0x10  }
0x273: {  	v1 =	vadd.f32 v3, v1;
	v2 =	vadd.f32 v4, v2;
	_ =	sdelay $0x1  }
0x274: {  	v1 =	vadd.f32 v2, v1;
	_ =	sdelay $0x1  }
0x275: {  	(xrf2) =	vadd.scan.msk.f32 $0xffff, v1;
	_ =	sdelay $0x9  }
0x276: {  	s29 =	sor.u32 $0x5, s28;
	v1, _, _ =	vpop (xrf2)  }
0x277: {  	s31 =	sshll.u32 s29, $0x6;
	[tilespmem:v0+s30+$0x0 ss:$0x1] =	vst.idx.msk vm0, v1  }
0x278: {  	v1 =	vld [tilespmem:s31+$0xB130]  }
0x279: {  	v2 =	vld [tilespmem:s31+$0xC530]  }
0x27a: {  	v3 =	vld [tilespmem:s31+$0xD930]  }
0x27b: {  	v36 =	vld [tilespmem:s31+$0xB140]  }
0x27c: {  	v37 =	vld [tilespmem:s31+$0xC540]  }
0x27d: {  	v38 =	vld [tilespmem:s31+$0xD940]  }
0x27e: {  	v39 =	vld [tilespmem:s31+$0xB150]  }
0x27f: {  	v40 =	vld [tilespmem:s31+$0xC550]  }
0x280: {  	v41 =	vld [tilespmem:s31+$0xD950]  }
0x281: {  	v42 =	vld [tilespmem:s31+$0xB160]  }
0x282: {  	v43 =	vld [tilespmem:s31+$0xC560]  }
0x283: {  	v1 =	vmul.bf16 v2, v1  }
0x284: {  	v2 =	vmul.bf16 v37, v36  }
0x285: {  	v44 =	vmul.bf16 v40, v39;
	v1 =	vmul.bf16 v3, v1;
	v3 =	vld [tilespmem:s31+$0xD960]  }
0x286: {  	v2 =	vmul.bf16 v38, v2  }
0x287: {  	v4 =	vmul.bf16 v43, v42;
	v5 =	vmul.bf16 v41, v44;
	v45 =	vand.u32 $0xFFFF0000, v1  }
0x288: {  	v1 =	vshll.u32 v1, $0x10;
	v46 =	vand.u32 $0xFFFF0000, v2;
	v2 =	vshll.u32 v2, $0x10  }
0x289: {  	v1 =	vadd.f32 v2, v1;
	v2 =	vadd.f32 v46, v45  }
0x28a: {  	v47 =	vand.u32 $0xFFFF0000, v5;
	v5 =	vshll.u32 v5, $0x10;
	v3 =	vmul.bf16 v3, v4  }
0x28b: {  	v1 =	vadd.f32 v5, v1;
	v2 =	vadd.f32 v47, v2  }
0x28c: {  	v4 =	vand.u32 $0xFFFF0000, v3;
	v3 =	vshll.u32 v3, $0x10  }
0x28d: {  	v1 =	vadd.f32 v3, v1;
	v2 =	vadd.f32 v4, v2;
	_ =	sdelay $0x1  }
0x28e: {  	v1 =	vadd.f32 v2, v1;
	_ =	sdelay $0x1  }
0x28f: {  	(xrf2) =	vadd.scan.msk.f32 $0xffff, v1;
	_ =	sdelay $0x9  }
0x290: {  	s30 =	sor.u32 $0x6, s28;
	v1, _, _ =	vpop (xrf2)  }
0x291: {  	s31 =	sshll.u32 s30, $0x6;
	[tilespmem:v0+s29+$0x0 ss:$0x1] =	vst.idx.msk vm0, v1  }
0x292: {  	v1 =	vld [tilespmem:s31+$0xB130]  }
0x293: {  	v2 =	vld [tilespmem:s31+$0xC530]  }
0x294: {  	v3 =	vld [tilespmem:s31+$0xD930]  }
0x295: {  	v48 =	vld [tilespmem:s31+$0xB140]  }
0x296: {  	v49 =	vld [tilespmem:s31+$0xC540]  }
0x297: {  	v50 =	vld [tilespmem:s31+$0xD940]  }
0x298: {  	v51 =	vld [tilespmem:s31+$0xB150]  }
0x299: {  	v52 =	vld [tilespmem:s31+$0xC550]  }
0x29a: {  	v53 =	vld [tilespmem:s31+$0xD950]  }
0x29b: {  	v54 =	vld [tilespmem:s31+$0xB160]  }
0x29c: {  	v55 =	vld [tilespmem:s31+$0xC560]  }
0x29d: {  	v1 =	vmul.bf16 v2, v1  }
0x29e: {  	v2 =	vmul.bf16 v49, v48  }
0x29f: {  	v56 =	vmul.bf16 v52, v51;
	v1 =	vmul.bf16 v3, v1;
	v3 =	vld [tilespmem:s31+$0xD960]  }
0x2a0: {  	v2 =	vmul.bf16 v50, v2  }
0x2a1: {  	v4 =	vmul.bf16 v55, v54;
	v5 =	vmul.bf16 v53, v56;
	v57 =	vand.u32 $0xFFFF0000, v1  }
0x2a2: {  	v1 =	vshll.u32 v1, $0x10;
	v58 =	vand.u32 $0xFFFF0000, v2;
	v2 =	vshll.u32 v2, $0x10  }
0x2a3: {  	v1 =	vadd.f32 v2, v1;
	v2 =	vadd.f32 v58, v57  }
0x2a4: {  	v59 =	vand.u32 $0xFFFF0000, v5;
	v5 =	vshll.u32 v5, $0x10;
	v3 =	vmul.bf16 v3, v4  }
0x2a5: {  	v1 =	vadd.f32 v5, v1;
	v2 =	vadd.f32 v59, v2  }
0x2a6: {  	v4 =	vand.u32 $0xFFFF0000, v3;
	v3 =	vshll.u32 v3, $0x10  }
0x2a7: {  	v1 =	vadd.f32 v3, v1;
	v2 =	vadd.f32 v4, v2;
	_ =	sdelay $0x1  }
0x2a8: {  	v1 =	vadd.f32 v2, v1;
	_ =	sdelay $0x1  }
0x2a9: {  	(xrf2) =	vadd.scan.msk.f32 $0xffff, v1;
	_ =	sdelay $0x9  }
0x2aa: {  	s29 =	sor.u32 $0x7, s28;
	v1, _, _ =	vpop (xrf2)  }
0x2ab: {  	s31 =	sshll.u32 s29, $0x6;
	[tilespmem:v0+s30+$0x0 ss:$0x1] =	vst.idx.msk vm0, v1  }
0x2ac: {  	v1 =	vld [tilespmem:s31+$0xB130]  }
0x2ad: {  	v2 =	vld [tilespmem:s31+$0xC530]  }
0x2ae: {  	v3 =	vld [tilespmem:s31+$0xD930]  }
0x2af: {  	v60 =	vld [tilespmem:s31+$0xB140]  }
0x2b0: {  	v61 =	vld [tilespmem:s31+$0xC540]  }
0x2b1: {  	v62 =	vld [tilespmem:s31+$0xD940]  }
0x2b2: {  	v63 =	vld [tilespmem:s31+$0xB150]  }
0x2b3: {  	v12 =	vld [tilespmem:s31+$0xC550]  }
0x2b4: {  	v13 =	vld [tilespmem:s31+$0xD950]  }
0x2b5: {  	v14 =	vld [tilespmem:s31+$0xB160]  }
0x2b6: {  	v15 =	vld [tilespmem:s31+$0xC560]  }
0x2b7: {  	v1 =	vmul.bf16 v2, v1  }
0x2b8: {  	v2 =	vmul.bf16 v61, v60  }
0x2b9: {  	v16 =	vmul.bf16 v12, v63;
	v1 =	vmul.bf16 v3, v1;
	v3 =	vld [tilespmem:s31+$0xD960]  }
0x2ba: {  	v2 =	vmul.bf16 v62, v2  }
0x2bb: {  	v4 =	vmul.bf16 v15, v14;
	v5 =	vmul.bf16 v13, v16;
	v17 =	vand.u32 $0xFFFF0000, v1  }
0x2bc: {  	v1 =	vshll.u32 v1, $0x10;
	v18 =	vand.u32 $0xFFFF0000, v2;
	v2 =	vshll.u32 v2, $0x10  }
0x2bd: {  	v1 =	vadd.f32 v2, v1;
	v2 =	vadd.f32 v18, v17  }
0x2be: {  	v19 =	vand.u32 $0xFFFF0000, v5;
	v5 =	vshll.u32 v5, $0x10;
	v3 =	vmul.bf16 v3, v4  }
0x2bf: {  	v1 =	vadd.f32 v5, v1;
	v2 =	vadd.f32 v19, v2  }
0x2c0: {  	v4 =	vand.u32 $0xFFFF0000, v3;
	v3 =	vshll.u32 v3, $0x10  }
0x2c1: {  	v1 =	vadd.f32 v3, v1;
	v2 =	vadd.f32 v4, v2;
	_ =	sdelay $0x1  }
0x2c2: {  	v1 =	vadd.f32 v2, v1;
	_ =	sdelay $0x1  }
0x2c3: {  	(xrf2) =	vadd.scan.msk.f32 $0xffff, v1;
	_ =	sdelay $0x9  }
0x2c4: {  	s30 =	sor.u32 $0x8, s28;
	v1, _, _ =	vpop (xrf2)  }
0x2c5: {  	s31 =	sshll.u32 s30, $0x6;
	[tilespmem:v0+s29+$0x0 ss:$0x1] =	vst.idx.msk vm0, v1  }
0x2c6: {  	v1 =	vld [tilespmem:s31+$0xB130]  }
0x2c7: {  	v2 =	vld [tilespmem:s31+$0xC530]  }
0x2c8: {  	v3 =	vld [tilespmem:s31+$0xD930]  }
0x2c9: {  	v20 =	vld [tilespmem:s31+$0xB140]  }
0x2ca: {  	v21 =	vld [tilespmem:s31+$0xC540]  }
0x2cb: {  	v22 =	vld [tilespmem:s31+$0xD940]  }
0x2cc: {  	v23 =	vld [tilespmem:s31+$0xB150]  }
0x2cd: {  	v24 =	vld [tilespmem:s31+$0xC550]  }
0x2ce: {  	v25 =	vld [tilespmem:s31+$0xD950]  }
0x2cf: {  	v26 =	vld [tilespmem:s31+$0xB160]  }
0x2d0: {  	v27 =	vld [tilespmem:s31+$0xC560]  }
0x2d1: {  	v1 =	vmul.bf16 v2, v1  }
0x2d2: {  	v2 =	vmul.bf16 v21, v20  }
0x2d3: {  	v28 =	vmul.bf16 v24, v23;
	v1 =	vmul.bf16 v3, v1;
	v3 =	vld [tilespmem:s31+$0xD960]  }
0x2d4: {  	v2 =	vmul.bf16 v22, v2  }
0x2d5: {  	v4 =	vmul.bf16 v27, v26;
	v5 =	vmul.bf16 v25, v28;
	v29 =	vand.u32 $0xFFFF0000, v1  }
0x2d6: {  	v1 =	vshll.u32 v1, $0x10;
	v30 =	vand.u32 $0xFFFF0000, v2;
	v2 =	vshll.u32 v2, $0x10  }
0x2d7: {  	v1 =	vadd.f32 v2, v1;
	v2 =	vadd.f32 v30, v29  }
0x2d8: {  	v31 =	vand.u32 $0xFFFF0000, v5;
	v5 =	vshll.u32 v5, $0x10;
	v3 =	vmul.bf16 v3, v4  }
0x2d9: {  	v1 =	vadd.f32 v5, v1;
	v2 =	vadd.f32 v31, v2  }
0x2da: {  	v4 =	vand.u32 $0xFFFF0000, v3;
	v3 =	vshll.u32 v3, $0x10  }
0x2db: {  	v1 =	vadd.f32 v3, v1;
	v2 =	vadd.f32 v4, v2;
	_ =	sdelay $0x1  }
0x2dc: {  	v1 =	vadd.f32 v2, v1;
	_ =	sdelay $0x1  }
0x2dd: {  	(xrf2) =	vadd.scan.msk.f32 $0xffff, v1;
	_ =	sdelay $0x9  }
0x2de: {  	s29 =	sor.u32 $0x9, s28;
	v1, _, _ =	vpop (xrf2)  }
0x2df: {  	s31 =	sshll.u32 s29, $0x6;
	[tilespmem:v0+s30+$0x0 ss:$0x1] =	vst.idx.msk vm0, v1  }
0x2e0: {  	v1 =	vld [tilespmem:s31+$0xB130]  }
0x2e1: {  	v2 =	vld [tilespmem:s31+$0xC530]  }
0x2e2: {  	v3 =	vld [tilespmem:s31+$0xD930]  }
0x2e3: {  	v32 =	vld [tilespmem:s31+$0xB140]  }
0x2e4: {  	v33 =	vld [tilespmem:s31+$0xC540]  }
0x2e5: {  	v34 =	vld [tilespmem:s31+$0xD940]  }
0x2e6: {  	v35 =	vld [tilespmem:s31+$0xB150]  }
0x2e7: {  	v36 =	vld [tilespmem:s31+$0xC550]  }
0x2e8: {  	v37 =	vld [tilespmem:s31+$0xD950]  }
0x2e9: {  	v38 =	vld [tilespmem:s31+$0xB160]  }
0x2ea: {  	v39 =	vld [tilespmem:s31+$0xC560]  }
0x2eb: {  	v1 =	vmul.bf16 v2, v1  }
0x2ec: {  	v2 =	vmul.bf16 v33, v32  }
0x2ed: {  	v40 =	vmul.bf16 v36, v35;
	v1 =	vmul.bf16 v3, v1;
	v3 =	vld [tilespmem:s31+$0xD960]  }
0x2ee: {  	v2 =	vmul.bf16 v34, v2  }
0x2ef: {  	v4 =	vmul.bf16 v39, v38;
	v5 =	vmul.bf16 v37, v40;
	v41 =	vand.u32 $0xFFFF0000, v1  }
0x2f0: {  	v1 =	vshll.u32 v1, $0x10;
	v42 =	vand.u32 $0xFFFF0000, v2;
	v2 =	vshll.u32 v2, $0x10  }
0x2f1: {  	v1 =	vadd.f32 v2, v1;
	v2 =	vadd.f32 v42, v41  }
0x2f2: {  	v43 =	vand.u32 $0xFFFF0000, v5;
	v5 =	vshll.u32 v5, $0x10;
	v3 =	vmul.bf16 v3, v4  }
0x2f3: {  	v1 =	vadd.f32 v5, v1;
	v2 =	vadd.f32 v43, v2  }
0x2f4: {  	v4 =	vand.u32 $0xFFFF0000, v3;
	v3 =	vshll.u32 v3, $0x10  }
0x2f5: {  	v1 =	vadd.f32 v3, v1;
	v2 =	vadd.f32 v4, v2;
	_ =	sdelay $0x1  }
0x2f6: {  	v1 =	vadd.f32 v2, v1;
	_ =	sdelay $0x1  }
0x2f7: {  	(xrf2) =	vadd.scan.msk.f32 $0xffff, v1;
	_ =	sdelay $0x9  }
0x2f8: {  	s30 =	sor.u32 $0xA, s28;
	v1, _, _ =	vpop (xrf2)  }
0x2f9: {  	s31 =	sshll.u32 s30, $0x6;
	[tilespmem:v0+s29+$0x0 ss:$0x1] =	vst.idx.msk vm0, v1  }
0x2fa: {  	v1 =	vld [tilespmem:s31+$0xB130]  }
0x2fb: {  	v2 =	vld [tilespmem:s31+$0xC530]  }
0x2fc: {  	v3 =	vld [tilespmem:s31+$0xD930]  }
0x2fd: {  	v44 =	vld [tilespmem:s31+$0xB140]  }
0x2fe: {  	v45 =	vld [tilespmem:s31+$0xC540]  }
0x2ff: {  	v46 =	vld [tilespmem:s31+$0xD940]  }
0x300: {  	v47 =	vld [tilespmem:s31+$0xB150]  }
0x301: {  	v48 =	vld [tilespmem:s31+$0xC550]  }
0x302: {  	v49 =	vld [tilespmem:s31+$0xD950]  }
0x303: {  	v50 =	vld [tilespmem:s31+$0xB160]  }
0x304: {  	v51 =	vld [tilespmem:s31+$0xC560]  }
0x305: {  	v1 =	vmul.bf16 v2, v1  }
0x306: {  	v2 =	vmul.bf16 v45, v44  }
0x307: {  	v52 =	vmul.bf16 v48, v47;
	v1 =	vmul.bf16 v3, v1;
	v3 =	vld [tilespmem:s31+$0xD960]  }
0x308: {  	v2 =	vmul.bf16 v46, v2  }
0x309: {  	v4 =	vmul.bf16 v51, v50;
	v5 =	vmul.bf16 v49, v52;
	v53 =	vand.u32 $0xFFFF0000, v1  }
0x30a: {  	v1 =	vshll.u32 v1, $0x10;
	v54 =	vand.u32 $0xFFFF0000, v2;
	v2 =	vshll.u32 v2, $0x10  }
0x30b: {  	v1 =	vadd.f32 v2, v1;
	v2 =	vadd.f32 v54, v53  }
0x30c: {  	v55 =	vand.u32 $0xFFFF0000, v5;
	v5 =	vshll.u32 v5, $0x10;
	v3 =	vmul.bf16 v3, v4  }
0x30d: {  	v1 =	vadd.f32 v5, v1;
	v2 =	vadd.f32 v55, v2  }
0x30e: {  	v4 =	vand.u32 $0xFFFF0000, v3;
	v3 =	vshll.u32 v3, $0x10  }
0x30f: {  	v1 =	vadd.f32 v3, v1;
	v2 =	vadd.f32 v4, v2;
	_ =	sdelay $0x1  }
0x310: {  	v1 =	vadd.f32 v2, v1;
	_ =	sdelay $0x1  }
0x311: {  	(xrf2) =	vadd.scan.msk.f32 $0xffff, v1;
	_ =	sdelay $0x9  }
0x312: {  	s29 =	sor.u32 $0xB, s28;
	v1, _, _ =	vpop (xrf2)  }
0x313: {  	s31 =	sshll.u32 s29, $0x6;
	[tilespmem:v0+s30+$0x0 ss:$0x1] =	vst.idx.msk vm0, v1  }
0x314: {  	v1 =	vld [tilespmem:s31+$0xB130]  }
0x315: {  	v2 =	vld [tilespmem:s31+$0xC530]  }
0x316: {  	v3 =	vld [tilespmem:s31+$0xD930]  }
0x317: {  	v56 =	vld [tilespmem:s31+$0xB140]  }
0x318: {  	v57 =	vld [tilespmem:s31+$0xC540]  }
0x319: {  	v58 =	vld [tilespmem:s31+$0xD940]  }
0x31a: {  	v59 =	vld [tilespmem:s31+$0xB150]  }
0x31b: {  	v60 =	vld [tilespmem:s31+$0xC550]  }
0x31c: {  	v61 =	vld [tilespmem:s31+$0xD950]  }
0x31d: {  	v62 =	vld [tilespmem:s31+$0xB160]  }
0x31e: {  	v63 =	vld [tilespmem:s31+$0xC560]  }
0x31f: {  	v1 =	vmul.bf16 v2, v1  }
0x320: {  	v2 =	vmul.bf16 v57, v56  }
0x321: {  	v11 =	vmul.bf16 v60, v59;
	v1 =	vmul.bf16 v3, v1;
	v3 =	vld [tilespmem:s31+$0xD960]  }
0x322: {  	v2 =	vmul.bf16 v58, v2  }
0x323: {  	v4 =	vmul.bf16 v63, v62;
	v5 =	vmul.bf16 v61, v11;
	v12 =	vand.u32 $0xFFFF0000, v1  }
0x324: {  	v1 =	vshll.u32 v1, $0x10;
	v13 =	vand.u32 $0xFFFF0000, v2;
	v2 =	vshll.u32 v2, $0x10  }
0x325: {  	v1 =	vadd.f32 v2, v1;
	v2 =	vadd.f32 v13, v12  }
0x326: {  	v14 =	vand.u32 $0xFFFF0000, v5;
	v5 =	vshll.u32 v5, $0x10;
	v3 =	vmul.bf16 v3, v4  }
0x327: {  	v1 =	vadd.f32 v5, v1;
	v2 =	vadd.f32 v14, v2  }
0x328: {  	v4 =	vand.u32 $0xFFFF0000, v3;
	v3 =	vshll.u32 v3, $0x10  }
0x329: {  	v1 =	vadd.f32 v3, v1;
	v2 =	vadd.f32 v4, v2;
	_ =	sdelay $0x1  }
0x32a: {  	v1 =	vadd.f32 v2, v1;
	_ =	sdelay $0x1  }
0x32b: {  	(xrf2) =	vadd.scan.msk.f32 $0xffff, v1;
	_ =	sdelay $0x9  }
0x32c: {  	s30 =	sor.u32 $0xC, s28;
	v1, _, _ =	vpop (xrf2)  }
0x32d: {  	s31 =	sshll.u32 s30, $0x6;
	[tilespmem:v0+s29+$0x0 ss:$0x1] =	vst.idx.msk vm0, v1  }
0x32e: {  	v1 =	vld [tilespmem:s31+$0xB130]  }
0x32f: {  	v2 =	vld [tilespmem:s31+$0xC530]  }
0x330: {  	v3 =	vld [tilespmem:s31+$0xD930]  }
0x331: {  	v15 =	vld [tilespmem:s31+$0xB140]  }
0x332: {  	v16 =	vld [tilespmem:s31+$0xC540]  }
0x333: {  	v17 =	vld [tilespmem:s31+$0xD940]  }
0x334: {  	v18 =	vld [tilespmem:s31+$0xB150]  }
0x335: {  	v19 =	vld [tilespmem:s31+$0xC550]  }
0x336: {  	v20 =	vld [tilespmem:s31+$0xD950]  }
0x337: {  	v21 =	vld [tilespmem:s31+$0xB160]  }
0x338: {  	v22 =	vld [tilespmem:s31+$0xC560]  }
0x339: {  	v1 =	vmul.bf16 v2, v1  }
0x33a: {  	v2 =	vmul.bf16 v16, v15  }
0x33b: {  	v23 =	vmul.bf16 v19, v18;
	v1 =	vmul.bf16 v3, v1;
	v3 =	vld [tilespmem:s31+$0xD960]  }
0x33c: {  	v2 =	vmul.bf16 v17, v2  }
0x33d: {  	v4 =	vmul.bf16 v22, v21;
	v5 =	vmul.bf16 v20, v23;
	v24 =	vand.u32 $0xFFFF0000, v1  }
0x33e: {  	v1 =	vshll.u32 v1, $0x10;
	v25 =	vand.u32 $0xFFFF0000, v2;
	v2 =	vshll.u32 v2, $0x10  }
0x33f: {  	v1 =	vadd.f32 v2, v1;
	v2 =	vadd.f32 v25, v24  }
0x340: {  	v26 =	vand.u32 $0xFFFF0000, v5;
	v5 =	vshll.u32 v5, $0x10;
	v3 =	vmul.bf16 v3, v4  }
0x341: {  	v1 =	vadd.f32 v5, v1;
	v2 =	vadd.f32 v26, v2  }
0x342: {  	v4 =	vand.u32 $0xFFFF0000, v3;
	v3 =	vshll.u32 v3, $0x10  }
0x343: {  	v1 =	vadd.f32 v3, v1;
	v2 =	vadd.f32 v4, v2;
	_ =	sdelay $0x1  }
0x344: {  	v1 =	vadd.f32 v2, v1;
	_ =	sdelay $0x1  }
0x345: {  	(xrf2) =	vadd.scan.msk.f32 $0xffff, v1;
	_ =	sdelay $0x9  }
0x346: {  	s29 =	sor.u32 $0xD, s28;
	v1, _, _ =	vpop (xrf2)  }
0x347: {  	s31 =	sshll.u32 s29, $0x6;
	[tilespmem:v0+s30+$0x0 ss:$0x1] =	vst.idx.msk vm0, v1  }
0x348: {  	v1 =	vld [tilespmem:s31+$0xB130]  }
0x349: {  	v2 =	vld [tilespmem:s31+$0xC530]  }
0x34a: {  	v3 =	vld [tilespmem:s31+$0xD930]  }
0x34b: {  	v27 =	vld [tilespmem:s31+$0xB140]  }
0x34c: {  	v28 =	vld [tilespmem:s31+$0xC540]  }
0x34d: {  	v29 =	vld [tilespmem:s31+$0xD940]  }
0x34e: {  	v30 =	vld [tilespmem:s31+$0xB150]  }
0x34f: {  	v31 =	vld [tilespmem:s31+$0xC550]  }
0x350: {  	v32 =	vld [tilespmem:s31+$0xD950]  }
0x351: {  	v33 =	vld [tilespmem:s31+$0xB160]  }
0x352: {  	v34 =	vld [tilespmem:s31+$0xC560]  }
0x353: {  	v1 =	vmul.bf16 v2, v1  }
0x354: {  	v2 =	vmul.bf16 v28, v27  }
0x355: {  	v35 =	vmul.bf16 v31, v30;
	v1 =	vmul.bf16 v3, v1;
	v3 =	vld [tilespmem:s31+$0xD960]  }
0x356: {  	v2 =	vmul.bf16 v29, v2  }
0x357: {  	v4 =	vmul.bf16 v34, v33;
	v5 =	vmul.bf16 v32, v35;
	v36 =	vand.u32 $0xFFFF0000, v1  }
0x358: {  	v1 =	vshll.u32 v1, $0x10;
	v37 =	vand.u32 $0xFFFF0000, v2;
	v2 =	vshll.u32 v2, $0x10  }
0x359: {  	v1 =	vadd.f32 v2, v1;
	v2 =	vadd.f32 v37, v36  }
0x35a: {  	v38 =	vand.u32 $0xFFFF0000, v5;
	v5 =	vshll.u32 v5, $0x10;
	v3 =	vmul.bf16 v3, v4  }
0x35b: {  	v1 =	vadd.f32 v5, v1;
	v2 =	vadd.f32 v38, v2  }
0x35c: {  	v4 =	vand.u32 $0xFFFF0000, v3;
	v3 =	vshll.u32 v3, $0x10  }
0x35d: {  	v1 =	vadd.f32 v3, v1;
	v2 =	vadd.f32 v4, v2;
	_ =	sdelay $0x1  }
0x35e: {  	v1 =	vadd.f32 v2, v1;
	_ =	sdelay $0x1  }
0x35f: {  	(xrf2) =	vadd.scan.msk.f32 $0xffff, v1;
	_ =	sdelay $0x9  }
0x360: {  	s28 =	sor.u32 $0xE, s28;
	v1, _, _ =	vpop (xrf2)  }
0x361: {  	s31 =	sshll.u32 s28, $0x6;
	[tilespmem:v0+s29+$0x0 ss:$0x1] =	vst.idx.msk vm0, v1  }
0x362: {  	v1 =	vld [tilespmem:s31+$0xB130]  }
0x363: {  	v2 =	vld [tilespmem:s31+$0xC530]  }
0x364: {  	v3 =	vld [tilespmem:s31+$0xD930]  }
0x365: {  	v39 =	vld [tilespmem:s31+$0xB140]  }
0x366: {  	v40 =	vld [tilespmem:s31+$0xC540]  }
0x367: {  	v41 =	vld [tilespmem:s31+$0xD940]  }
0x368: {  	v42 =	vld [tilespmem:s31+$0xB150]  }
0x369: {  	v43 =	vld [tilespmem:s31+$0xC550]  }
0x36a: {  	v44 =	vld [tilespmem:s31+$0xD950]  }
0x36b: {  	v45 =	vld [tilespmem:s31+$0xB160]  }
0x36c: {  	v46 =	vld [tilespmem:s31+$0xC560]  }
0x36d: {  	v1 =	vmul.bf16 v2, v1  }
0x36e: {  	v2 =	vmul.bf16 v40, v39  }
0x36f: {  	v47 =	vmul.bf16 v43, v42;
	v1 =	vmul.bf16 v3, v1;
	v3 =	vld [tilespmem:s31+$0xD960]  }
0x370: {  	v2 =	vmul.bf16 v41, v2  }
0x371: {  	v4 =	vmul.bf16 v46, v45;
	v5 =	vmul.bf16 v44, v47;
	v48 =	vand.u32 $0xFFFF0000, v1  }
0x372: {  	v1 =	vshll.u32 v1, $0x10;
	v49 =	vand.u32 $0xFFFF0000, v2;
	v2 =	vshll.u32 v2, $0x10  }
0x373: {  	v1 =	vadd.f32 v2, v1;
	v2 =	vadd.f32 v49, v48  }
0x374: {  	v50 =	vand.u32 $0xFFFF0000, v5;
	v5 =	vshll.u32 v5, $0x10;
	v3 =	vmul.bf16 v3, v4  }
0x375: {  	v1 =	vadd.f32 v5, v1;
	v2 =	vadd.f32 v50, v2  }
0x376: {  	v4 =	vand.u32 $0xFFFF0000, v3;
	v3 =	vshll.u32 v3, $0x10  }
0x377: {  	v1 =	vadd.f32 v3, v1;
	v2 =	vadd.f32 v4, v2;
	_ =	sdelay $0x1  }
0x378: {  	v1 =	vadd.f32 v2, v1;
	_ =	sdelay $0x1  }
0x379: {  	(xrf2) =	vadd.scan.msk.f32 $0xffff, v1;
	_ =	sdelay $0x9  }
0x37a: {  	s30 =	sshllo.u32 s26, $0x4;
	v1, _, _ =	vpop (xrf2)  }
0x37b: {  	s31 =	sshll.u32 s30, $0x6;
	[tilespmem:v0+s28+$0x0 ss:$0x1] =	vst.idx.msk vm0, v1  }
0x37c: {  	v1 =	vld [tilespmem:s31+$0xB130]  }
0x37d: {  	v2 =	vld [tilespmem:s31+$0xC530]  }
0x37e: {  	v3 =	vld [tilespmem:s31+$0xD930]  }
0x37f: {  	v51 =	vld [tilespmem:s31+$0xB140]  }
0x380: {  	v52 =	vld [tilespmem:s31+$0xC540]  }
0x381: {  	v53 =	vld [tilespmem:s31+$0xD940]  }
0x382: {  	v54 =	vld [tilespmem:s31+$0xB150]  }
0x383: {  	v55 =	vld [tilespmem:s31+$0xC550]  }
0x384: {  	v56 =	vld [tilespmem:s31+$0xD950]  }
0x385: {  	v57 =	vld [tilespmem:s31+$0xB160]  }
0x386: {  	v1 =	vmul.bf16 v2, v1;
	v2 =	vld [tilespmem:s31+$0xC560]  }
0x387: {  	v4 =	vmul.bf16 v52, v51  }
0x388: {  	v58 =	vld [tilespmem:s31+$0xD960];
	v1 =	vmul.bf16 v3, v1;
	v3 =	vmul.bf16 v55, v54  }
0x389: {  	v4 =	vmul.bf16 v53, v4  }
0x38a: {  	v3 =	vmul.bf16 v56, v3;
	v59 =	vand.u32 $0xFFFF0000, v1;
	v1 =	vshll.u32 v1, $0x10  }
0x38b: {  	v60 =	vand.u32 $0xFFFF0000, v4;
	v4 =	vshll.u32 v4, $0x10;
	v2 =	vmul.bf16 v2, v57  }
0x38c: {  	v1 =	vadd.f32 v4, v1;
	v61 =	vadd.f32 v60, v59  }
0x38d: {  	v62 =	vand.u32 $0xFFFF0000, v3;
	v3 =	vshll.u32 v3, $0x10;
	v2 =	vmul.bf16 v58, v2  }
0x38e: {  	v1 =	vadd.f32 v3, v1;
	v3 =	vadd.f32 v62, v61  }
0x38f: {  	v63 =	vand.u32 $0xFFFF0000, v2;
	v2 =	vshll.u32 v2, $0x10  }
0x390: {  	v1 =	vadd.f32 v2, v1;
	v2 =	vadd.f32 v63, v3;
	_ =	sdelay $0x1  }
0x391: {  	v1 =	vadd.f32 v2, v1;
	_ =	sdelay $0x1  }
0x392: {  	(xrf2) =	vadd.scan.msk.f32 $0xffff, v1;
	_ =	sdelay $0x5  }
0x393: {  	p0 =	sne.s32 s26, $0x4  }
.Ltmp6:
0x394: {  	_ = 	snop;
	(pc) =	sbr.rel @p0 .LBB2_6-.Ltmp6, $3  }
0x395: {  	_ =	sdelay $0x1  }
0x396: {  	v1, _, _ =	vpop (xrf2)  }
0x397: {  	s26 =	sadd.s32 $0x1, s26;
	[tilespmem:v0+s30+$0x0 ss:$0x1] =	vst.idx.msk vm0, v1  }
.Ltmp7:
0x398: {  	_ = 	snop;
	(pc) =	sbr.rel .LBB2_7-.Ltmp7, $1  }
0x399: {  	_ =	sdelay $0x3  }
.LBB2_9:
0x39a: {  	_ =	sfence.sel $0x180000  }
0x39b: {  	[bflag:$0x0] =	sbarrier.arrive $0xFFFF  }
0x39c: {  	p0 =	sne.s32 s0, $0x0;
	_ =	strace $0x90000047  }
0x39d: {  	s0 =	sadd.s32 @!p0 $0x100000, s2;
	[bflag:$0x2] =	sbarrier.arrive $0xFFFF  }
0x39e: {  	[sflag:s0] =	ssyncadd.tile.s32 @!p0 $0x1;
	_ =	shalt  }
.Lfunc_end2:
_tile_overlayer_lowered:
.L_overlay_start_2:
0x39f: {  	(tag) =	ssettag $0x2  }
0x3a0: {  	s0 =	rddreg [dreg:$0x0];
	s2 =	stileid.u32  }
0x3a1: {  	s1 =	rddreg [dreg:$0x1];
	p0 =	sne.s32 s2, $0x0  }
0x3a2: {  	s3 =	rddreg [dreg:$0x2];
	[bflag:$0x3] =	sbarrier.arrive $0xFFFF;
	s2 =	simm.s32 @!p0 $0x1C07  }
0x3a3: {  	[timem:s3], [sflag:s2] =	dma.local @!p0 [hbm:s0], s1  }
0x3a4: {  	s0 =	simm.s32 @!p0 $0x7  }
0x3a5: {  	_ =	swait.ge @!p0 [sflag:s0], s1  }
0x3a6: {  	s1 =	ssub.s32 @!p0 $0x0, s1;
	[sflag:s0] =	ssyncset.done @!p0 $0x0  }
0x3a7: {  	[sflag:s0] =	ssyncadd.s32 @!p0 s1  }
0x3a8: {  	[bflag:$0x3] =	sbarrier.arrive $0xFFFF  }
0x3a9: {  	_ =	shalt  }

</sc_bundles>
